<compile_context>
chip_gen: v7x
topology: tpu7x:2x2x1
jax: 0.10.2.dev20260603
libtpu: 0.0.44.dev20260713+nightly
codegen_flags: <defaults>
</compile_context>

<pallas_src>
import functools

import jax
import jax.numpy as jnp
from jax import lax
from jax.experimental import pallas as pl
from jax.experimental.pallas import tpu as pltpu
from jax.experimental.pallas import tpu_sc as plsc

_K = 5
_BQ = 256


def _simtopk_kernel(q_ref, k_ref, idx_ref):
    q = q_ref[...]
    k = k_ref[...]
    qn = q / jnp.maximum(jnp.sqrt(jnp.sum(q * q, axis=1, keepdims=True)), 1e-12)
    kn = k / jnp.maximum(jnp.sqrt(jnp.sum(k * k, axis=1, keepdims=True)), 1e-12)
    sim = jnp.dot(qn, kn.T, preferred_element_type=jnp.float32)
    cols = jax.lax.broadcasted_iota(jnp.int32, sim.shape, 1)
    picks = []
    for _ in range(_K):
        a = jnp.argmax(sim, axis=1).astype(jnp.int32)
        picks.append(a)
        sim = jnp.where(cols == a[:, None], -jnp.inf, sim)
    idx_ref[...] = jnp.stack(picks, axis=1)


try:
    _SC_INFO = plsc.get_sparse_core_info()
    _NC, _NS = _SC_INFO.num_cores, _SC_INFO.num_subcores
except Exception:
    _NC, _NS = 2, 16
_NW = _NC * _NS
_NBUF = 5
_QG = 16
_CPW = 2


def _sc_gather(table_hbm, idx_hbm, out_hbm, idx_v, rid_v,
               buf0, buf1, buf2, buf3, buf4,
               gsem0, gsem1, gsem2, gsem3, gsem4,
               wsem0, wsem1, wsem2, wsem3, wsem4):
    n_prompts = table_hbm.shape[0] // _K
    bufs = (buf0, buf1, buf2, buf3, buf4)
    gsems = (gsem0, gsem1, gsem2, gsem3, gsem4)
    wsems = (wsem0, wsem1, wsem2, wsem3, wsem4)
    b = idx_hbm.shape[0]
    b_per_w = b // _NW
    q_per_w = b_per_w // _K
    n_groups = q_per_w // _QG
    wid = lax.axis_index("s") * _NC + lax.axis_index("c")
    base = wid * b_per_w
    qb = wid * q_per_w
    pltpu.sync_copy(idx_hbm.at[pl.ds(base, b_per_w)], idx_v)
    iota = lax.iota(jnp.int32, 16)

    def expand(g16):
        q16 = 16 * g16 + iota
        g_vec = lax.shift_right_logical(q16, _QG.bit_length() - 1)
        qq = lax.bitwise_and(q16, _QG - 1)
        for j in range(_K):
            sel = plsc.load_gather(idx_v, [_K * q16 + j])
            for i in range(_K):
                pos = (g_vec * (_K * _K) + (_K * j + i)) * _QG + qq
                plsc.store_scatter(rid_v, [pos], n_prompts * i + sel)

    rows = _CPW * _QG
    n_chunks = n_groups * _K * _K // _CPW
    ghandles = [None] * n_chunks
    whandles = [[] for _ in range(n_chunks)]
    expand(0)
    for c in range(min(_NBUF, n_chunks)):
        ghandles[c] = pltpu.async_copy(
            table_hbm.at[rid_v.at[pl.ds(c * rows, rows)]],
            bufs[c % _NBUF], gsems[c % _NBUF])
    for g16 in range(1, q_per_w // 16):
        expand(g16)
    for c in range(n_chunks):
        p = c % _NBUF
        ghandles[c].wait()
        for m in range(_CPW):
            g, co = divmod(c * _CPW + m, _K * _K)
            j, i = divmod(co, _K)
            whandles[c].append(pltpu.async_copy(
                bufs[p].at[pl.ds(m * _QG, _QG)],
                out_hbm.at[j, i, pl.ds(qb + g * _QG, _QG)], wsems[p]))
        nxt = c + _NBUF
        if nxt < n_chunks:
            for h in whandles[nxt - _NBUF]:
                h.wait()
            whandles[nxt - _NBUF] = []
            ghandles[nxt] = pltpu.async_copy(
                table_hbm.at[rid_v.at[pl.ds(nxt * rows, rows)]],
                bufs[nxt % _NBUF], gsems[nxt % _NBUF])
    for c in range(n_chunks):
        for h in whandles[c]:
            h.wait()


def kernel(query, top_k, prompts, prompt_keys):
    del top_k
    nq, d = query.shape
    n, k, _ = prompts.shape

    indices = pl.pallas_call(
        _simtopk_kernel,
        grid=(nq // _BQ,),
        in_specs=[
            pl.BlockSpec((_BQ, d), lambda i: (i, 0)),
            pl.BlockSpec((n, d), lambda i: (0, 0)),
        ],
        out_specs=pl.BlockSpec((_BQ, _K), lambda i: (i, 0)),
        out_shape=jax.ShapeDtypeStruct((nq, _K), jnp.int32),
    )(query, prompt_keys)

    b = nq * _K
    gather = functools.partial(
        pl.kernel,
        out_type=jax.ShapeDtypeStruct((_K, k, nq, d), jnp.float32),
        mesh=plsc.VectorSubcoreMesh(core_axis_name="c", subcore_axis_name="s"),
        compiler_params=pltpu.CompilerParams(
            needs_layout_passes=False, use_tc_tiling_on_sc=True),
        scratch_types=(
            [
                pltpu.VMEM((b // _NW,), jnp.int32),
                pltpu.VMEM((b // _NW * _K,), jnp.int32),
            ]
            + [pltpu.VMEM((_CPW * _QG, d), jnp.float32)] * _NBUF
            + [pltpu.SemaphoreType.DMA] * (2 * _NBUF)
        ),
    )(_sc_gather)
    table = jnp.transpose(prompts, (1, 0, 2)).reshape(k * n, d)
    gathered = gather(table, indices.reshape(b))

    return jnp.transpose(gathered, (2, 0, 1, 3)), indices

# --- scband reference (transcript-rebuilt; emitter-appended) ---
"""Pipeline reference for scband-prompt-pool-51110110822783 (READ-ONLY COPY).

The authoritative reference and input builder live on the scoring server;
editing this copy changes nothing except your own understanding.
"""

import jax, jax.numpy as jnp
import numpy as np


def _l2_normalize(x, eps=1e-12):
    n = jnp.sqrt(jnp.sum(x * x, axis=-1, keepdims=True))
    return x / jnp.maximum(n, eps)


def setup_inputs(seed: int = 0) -> dict:
    key = jax.random.key(seed)
    k1, k2, k3 = jax.random.split(key, 3)
    query = jax.random.normal(k1, (1024, 768), dtype=jnp.float32)
    prompts = jax.random.normal(k2, (1024, 5, 768), dtype=jnp.float32) * 0.02
    prompt_keys = jax.random.normal(k3, (1024, 768), dtype=jnp.float32) * 0.02
    return {"query": query, "top_k": 5, "prompts": prompts, "prompt_keys": prompt_keys}


def reference(query, top_k, prompts, prompt_keys):
    query_norm = _l2_normalize(query)
    keys_norm = _l2_normalize(prompt_keys)
    similarity = jnp.matmul(query_norm, keys_norm.T)
    k_static = prompts.shape[1]
    _, indices = jax.lax.top_k(similarity, k_static)
    top_k_arr = jnp.asarray(top_k, dtype=indices.dtype)
    indices = indices + (top_k_arr - top_k_arr)
    selected_prompts = jnp.take(prompts, indices, axis=0)
    return (selected_prompts, indices)

if __name__ == "__main__":
    import jax
    _d = setup_inputs()
    print(jax.jit(kernel)(*tuple(_d.values())))

</pallas_src>

<mosaic_0001>
#map = affine_map<(d0, d1) -> (0, 0)>
#map1 = affine_map<(d0, d1) -> (0)>
#map2 = affine_map<(d0, d1) -> (0, 0, 0, 0)>
module attributes {stable_mosaic.version = 14 : i64} {
  func.func @_sc_gather(%arg0: i32, %arg1: i32, %arg2: memref<5120x768xf32, #tpu.memory_space<hbm>>, %arg3: memref<5120xi32, #tpu.memory_space<hbm>>, %arg4: memref<5x5x1024x768xf32, #tpu.memory_space<hbm>>, %arg5: memref<160xi32, #tpu.memory_space<vmem>>, %arg6: memref<800xi32, #tpu.memory_space<vmem>>, %arg7: memref<32x768xf32, #tpu.memory_space<vmem>>, %arg8: memref<32x768xf32, #tpu.memory_space<vmem>>, %arg9: memref<32x768xf32, #tpu.memory_space<vmem>>, %arg10: memref<32x768xf32, #tpu.memory_space<vmem>>, %arg11: memref<32x768xf32, #tpu.memory_space<vmem>>, %arg12: memref<!tpu.dma_semaphore, #tpu.memory_space<semaphore_mem>>, %arg13: memref<!tpu.dma_semaphore, #tpu.memory_space<semaphore_mem>>, %arg14: memref<!tpu.dma_semaphore, #tpu.memory_space<semaphore_mem>>, %arg15: memref<!tpu.dma_semaphore, #tpu.memory_space<semaphore_mem>>, %arg16: memref<!tpu.dma_semaphore, #tpu.memory_space<semaphore_mem>>, %arg17: memref<!tpu.dma_semaphore, #tpu.memory_space<semaphore_mem>>, %arg18: memref<!tpu.dma_semaphore, #tpu.memory_space<semaphore_mem>>, %arg19: memref<!tpu.dma_semaphore, #tpu.memory_space<semaphore_mem>>, %arg20: memref<!tpu.dma_semaphore, #tpu.memory_space<semaphore_mem>>, %arg21: memref<!tpu.dma_semaphore, #tpu.memory_space<semaphore_mem>>) attributes {dimension_semantics = [#tpu.dimension_semantics<core_parallel>, #tpu.dimension_semantics<subcore_parallel>], iteration_bounds = array<i64: 2, 16>, scalar_prefetch = 0 : i64, scratch_operands = 17 : i64, tpu.core_type = #tpu.core_type<sc_vector_subcore>, window_params = [{transform_indices = #map}, {transform_indices = #map1}, {transform_indices = #map2}]} {
    %mul3A = arith.constant 2 : i32
    %mul3A_0 = arith.muli %arg1, %mul3A : i32
    %add3A = arith.addi %mul3A_0, %arg0 : i32
    %mul3A_1 = arith.constant 160 : i32
    %mul3A_2 = arith.muli %add3A, %mul3A_1 : i32
    %mul3A_3 = arith.constant 32 : i32
    %mul3A_4 = arith.muli %add3A, %mul3A_3 : i32
    "tpu.region"() ({
      %run_scoped3A = tpu.sem_alloc : memref<!tpu.dma_semaphore, #tpu.memory_space<semaphore_mem>>
      %dma_start3A_2488 = tpu.memref_slice %arg3[%mul3A_2] : memref<5120xi32, #tpu.memory_space<hbm>> -> memref<160xi32, #tpu.memory_space<hbm>>
      %dma_start3A_2489 = tpu.memref_slice %arg3[%mul3A_2] : memref<5120xi32, #tpu.memory_space<hbm>> -> memref<160xi32, #tpu.memory_space<hbm>>
      tpu.enqueue_dma source(%dma_start3A_2489 : memref<160xi32, #tpu.memory_space<hbm>>) target(%arg5 : memref<160xi32, #tpu.memory_space<vmem>>) target_semaphore(%run_scoped3A : memref<!tpu.dma_semaphore, #tpu.memory_space<semaphore_mem>>)
      %dma_wait3A_2490 = tpu.memref_slice %arg3[%mul3A_2] : memref<5120xi32, #tpu.memory_space<hbm>> -> memref<160xi32, #tpu.memory_space<hbm>>
      %dma_wait3A_2491 = tpu.memref_slice %arg3[%mul3A_2] : memref<5120xi32, #tpu.memory_space<hbm>> -> memref<160xi32, #tpu.memory_space<hbm>>
      tpu.wait_dma2 semaphore(%run_scoped3A : memref<!tpu.dma_semaphore, #tpu.memory_space<semaphore_mem>>) src(%dma_wait3A_2491 : memref<160xi32, #tpu.memory_space<hbm>>) dst(%arg5 : memref<160xi32, #tpu.memory_space<vmem>>)
      tpu.yield
    }) : () -> ()
    %iota3A = tpu.iota {dimensions = array<i32: 0>} : vector<16xi32>
    %add3A_5 = arith.constant 0 : i32
    %add3A_6 = vector.broadcast %add3A_5 : i32 to vector<16xi32>
    %add3A_7 = arith.addi %add3A_6, %iota3A : vector<16xi32>
    %shift_right_logical3A = arith.constant 4 : i32
    %shift_right_logical3A_8 = vector.broadcast %shift_right_logical3A : i32 to vector<16xi32>
    %shift_right_logical3A_9 = arith.shrui %add3A_7, %shift_right_logical3A_8 : vector<16xi32>
    %and3A = arith.constant 15 : i32
    %and3A_10 = vector.broadcast %and3A : i32 to vector<16xi32>
    %and3A_11 = arith.andi %add3A_7, %and3A_10 : vector<16xi32>
    %mul3A_12 = arith.constant 5 : i32
    %mul3A_13 = vector.broadcast %mul3A_12 : i32 to vector<16xi32>
    %mul3A_14 = arith.muli %mul3A_13, %add3A_7 : vector<16xi32>
    %add3A_15 = arith.constant 0 : i32
    %add3A_16 = vector.broadcast %add3A_15 : i32 to vector<16xi32>
    %add3A_17 = arith.addi %mul3A_14, %add3A_16 : vector<16xi32>
    %gather3A = tpu.vector_load_idx %arg5[%add3A_17] : memref<160xi32, #tpu.memory_space<vmem>>[vector<16xi32>], vector<16xi32>,
    %mul3A_18 = arith.constant 25 : i32
    %mul3A_19 = vector.broadcast %mul3A_18 : i32 to vector<16xi32>
    %mul3A_20 = arith.muli %shift_right_logical3A_9, %mul3A_19 : vector<16xi32>
    %add3A_21 = arith.constant 0 : i32
    %add3A_22 = vector.broadcast %add3A_21 : i32 to vector<16xi32>
    %add3A_23 = arith.addi %mul3A_20, %add3A_22 : vector<16xi32>
    %mul3A_24 = arith.constant 16 : i32
    %mul3A_25 = vector.broadcast %mul3A_24 : i32 to vector<16xi32>
    %mul3A_26 = arith.muli %add3A_23, %mul3A_25 : vector<16xi32>
    %add3A_27 = arith.addi %mul3A_26, %and3A_11 : vector<16xi32>
    %add3A_28 = arith.constant 0 : i32
    %add3A_29 = vector.broadcast %add3A_28 : i32 to vector<16xi32>
    %add3A_30 = arith.addi %add3A_29, %gather3A : vector<16xi32>
    tpu.vector_store_idx %arg6[%add3A_27], %add3A_30 : memref<800xi32, #tpu.memory_space<vmem>>[vector<16xi32>], vector<16xi32>,
    %mul3A_31 = arith.constant 25 : i32
    %mul3A_32 = vector.broadcast %mul3A_31 : i32 to vector<16xi32>
    %mul3A_33 = arith.muli %shift_right_logical3A_9, %mul3A_32 : vector<16xi32>
    %add3A_34 = arith.constant 1 : i32
    %add3A_35 = vector.broadcast %add3A_34 : i32 to vector<16xi32>
    %add3A_36 = arith.addi %mul3A_33, %add3A_35 : vector<16xi32>
    %mul3A_37 = arith.constant 16 : i32
    %mul3A_38 = vector.broadcast %mul3A_37 : i32 to vector<16xi32>
    %mul3A_39 = arith.muli %add3A_36, %mul3A_38 : vector<16xi32>
    %add3A_40 = arith.addi %mul3A_39, %and3A_11 : vector<16xi32>
    %add3A_41 = arith.constant 1024 : i32
    %add3A_42 = vector.broadcast %add3A_41 : i32 to vector<16xi32>
    %add3A_43 = arith.addi %add3A_42, %gather3A : vector<16xi32>
    tpu.vector_store_idx %arg6[%add3A_40], %add3A_43 : memref<800xi32, #tpu.memory_space<vmem>>[vector<16xi32>], vector<16xi32>,
    %mul3A_44 = arith.constant 25 : i32
    %mul3A_45 = vector.broadcast %mul3A_44 : i32 to vector<16xi32>
    %mul3A_46 = arith.muli %shift_right_logical3A_9, %mul3A_45 : vector<16xi32>
    %add3A_47 = arith.constant 2 : i32
    %add3A_48 = vector.broadcast %add3A_47 : i32 to vector<16xi32>
    %add3A_49 = arith.addi %mul3A_46, %add3A_48 : vector<16xi32>
    %mul3A_50 = arith.constant 16 : i32
    %mul3A_51 = vector.broadcast %mul3A_50 : i32 to vector<16xi32>
    %mul3A_52 = arith.muli %add3A_49, %mul3A_51 : vector<16xi32>
    %add3A_53 = arith.addi %mul3A_52, %and3A_11 : vector<16xi32>
    %add3A_54 = arith.constant 2048 : i32
    %add3A_55 = vector.broadcast %add3A_54 : i32 to vector<16xi32>
    %add3A_56 = arith.addi %add3A_55, %gather3A : vector<16xi32>
    tpu.vector_store_idx %arg6[%add3A_53], %add3A_56 : memref<800xi32, #tpu.memory_space<vmem>>[vector<16xi32>], vector<16xi32>,
    %mul3A_57 = arith.constant 25 : i32
    %mul3A_58 = vector.broadcast %mul3A_57 : i32 to vector<16xi32>
    %mul3A_59 = arith.muli %shift_right_logical3A_9, %mul3A_58 : vector<16xi32>
    %add3A_60 = arith.constant 3 : i32
    %add3A_61 = vector.broadcast %add3A_60 : i32 to vector<16xi32>
    %add3A_62 = arith.addi %mul3A_59, %add3A_61 : vector<16xi32>
    %mul3A_63 = arith.constant 16 : i32
    %mul3A_64 = vector.broadcast %mul3A_63 : i32 to vector<16xi32>
    %mul3A_65 = arith.muli %add3A_62, %mul3A_64 : vector<16xi32>
    %add3A_66 = arith.addi %mul3A_65, %and3A_11 : vector<16xi32>
    %add3A_67 = arith.constant 3072 : i32
    %add3A_68 = vector.broadcast %add3A_67 : i32 to vector<16xi32>
    %add3A_69 = arith.addi %add3A_68, %gather3A : vector<16xi32>
    tpu.vector_store_idx %arg6[%add3A_66], %add3A_69 : memref<800xi32, #tpu.memory_space<vmem>>[vector<16xi32>], vector<16xi32>,
    %mul3A_70 = arith.constant 25 : i32
    %mul3A_71 = vector.broadcast %mul3A_70 : i32 to vector<16xi32>
    %mul3A_72 = arith.muli %shift_right_logical3A_9, %mul3A_71 : vector<16xi32>
    %add3A_73 = arith.constant 4 : i32
    %add3A_74 = vector.broadcast %add3A_73 : i32 to vector<16xi32>
    %add3A_75 = arith.addi %mul3A_72, %add3A_74 : vector<16xi32>
    %mul3A_76 = arith.constant 16 : i32
    %mul3A_77 = vector.broadcast %mul3A_76 : i32 to vector<16xi32>
    %mul3A_78 = arith.muli %add3A_75, %mul3A_77 : vector<16xi32>
    %add3A_79 = arith.addi %mul3A_78, %and3A_11 : vector<16xi32>
    %add3A_80 = arith.constant 4096 : i32
    %add3A_81 = vector.broadcast %add3A_80 : i32 to vector<16xi32>
    %add3A_82 = arith.addi %add3A_81, %gather3A : vector<16xi32>
    tpu.vector_store_idx %arg6[%add3A_79], %add3A_82 : memref<800xi32, #tpu.memory_space<vmem>>[vector<16xi32>], vector<16xi32>,
    %mul3A_83 = arith.constant 5 : i32
    %mul3A_84 = vector.broadcast %mul3A_83 : i32 to vector<16xi32>
    %mul3A_85 = arith.muli %mul3A_84, %add3A_7 : vector<16xi32>
    %add3A_86 = arith.constant 1 : i32
    %add3A_87 = vector.broadcast %add3A_86 : i32 to vector<16xi32>
    %add3A_88 = arith.addi %mul3A_85, %add3A_87 : vector<16xi32>
    %gather3A_89 = tpu.vector_load_idx %arg5[%add3A_88] : memref<160xi32, #tpu.memory_space<vmem>>[vector<16xi32>], vector<16xi32>,
    %mul3A_90 = arith.constant 25 : i32
    %mul3A_91 = vector.broadcast %mul3A_90 : i32 to vector<16xi32>
    %mul3A_92 = arith.muli %shift_right_logical3A_9, %mul3A_91 : vector<16xi32>
    %add3A_93 = arith.constant 5 : i32
    %add3A_94 = vector.broadcast %add3A_93 : i32 to vector<16xi32>
    %add3A_95 = arith.addi %mul3A_92, %add3A_94 : vector<16xi32>
    %mul3A_96 = arith.constant 16 : i32
    %mul3A_97 = vector.broadcast %mul3A_96 : i32 to vector<16xi32>
    %mul3A_98 = arith.muli %add3A_95, %mul3A_97 : vector<16xi32>
    %add3A_99 = arith.addi %mul3A_98, %and3A_11 : vector<16xi32>
    %add3A_100 = arith.constant 0 : i32
    %add3A_101 = vector.broadcast %add3A_100 : i32 to vector<16xi32>
    %add3A_102 = arith.addi %add3A_101, %gather3A_89 : vector<16xi32>
    tpu.vector_store_idx %arg6[%add3A_99], %add3A_102 : memref<800xi32, #tpu.memory_space<vmem>>[vector<16xi32>], vector<16xi32>,
    %mul3A_103 = arith.constant 25 : i32
    %mul3A_104 = vector.broadcast %mul3A_103 : i32 to vector<16xi32>
    %mul3A_105 = arith.muli %shift_right_logical3A_9, %mul3A_104 : vector<16xi32>
    %add3A_106 = arith.constant 6 : i32
    %add3A_107 = vector.broadcast %add3A_106 : i32 to vector<16xi32>
    %add3A_108 = arith.addi %mul3A_105, %add3A_107 : vector<16xi32>
    %mul3A_109 = arith.constant 16 : i32
    %mul3A_110 = vector.broadcast %mul3A_109 : i32 to vector<16xi32>
    %mul3A_111 = arith.muli %add3A_108, %mul3A_110 : vector<16xi32>
    %add3A_112 = arith.addi %mul3A_111, %and3A_11 : vector<16xi32>
    %add3A_113 = arith.constant 1024 : i32
    %add3A_114 = vector.broadcast %add3A_113 : i32 to vector<16xi32>
    %add3A_115 = arith.addi %add3A_114, %gather3A_89 : vector<16xi32>
    tpu.vector_store_idx %arg6[%add3A_112], %add3A_115 : memref<800xi32, #tpu.memory_space<vmem>>[vector<16xi32>], vector<16xi32>,
    %mul3A_116 = arith.constant 25 : i32
    %mul3A_117 = vector.broadcast %mul3A_116 : i32 to vector<16xi32>
    %mul3A_118 = arith.muli %shift_right_logical3A_9, %mul3A_117 : vector<16xi32>
    %add3A_119 = arith.constant 7 : i32
    %add3A_120 = vector.broadcast %add3A_119 : i32 to vector<16xi32>
    %add3A_121 = arith.addi %mul3A_118, %add3A_120 : vector<16xi32>
    %mul3A_122 = arith.constant 16 : i32
    %mul3A_123 = vector.broadcast %mul3A_122 : i32 to vector<16xi32>
    %mul3A_124 = arith.muli %add3A_121, %mul3A_123 : vector<16xi32>
    %add3A_125 = arith.addi %mul3A_124, %and3A_11 : vector<16xi32>
    %add3A_126 = arith.constant 2048 : i32
    %add3A_127 = vector.broadcast %add3A_126 : i32 to vector<16xi32>
    %add3A_128 = arith.addi %add3A_127, %gather3A_89 : vector<16xi32>
    tpu.vector_store_idx %arg6[%add3A_125], %add3A_128 : memref<800xi32, #tpu.memory_space<vmem>>[vector<16xi32>], vector<16xi32>,
    %mul3A_129 = arith.constant 25 : i32
    %mul3A_130 = vector.broadcast %mul3A_129 : i32 to vector<16xi32>
    %mul3A_131 = arith.muli %shift_right_logical3A_9, %mul3A_130 : vector<16xi32>
    %add3A_132 = arith.constant 8 : i32
    %add3A_133 = vector.broadcast %add3A_132 : i32 to vector<16xi32>
    %add3A_134 = arith.addi %mul3A_131, %add3A_133 : vector<16xi32>
    %mul3A_135 = arith.constant 16 : i32
    %mul3A_136 = vector.broadcast %mul3A_135 : i32 to vector<16xi32>
    %mul3A_137 = arith.muli %add3A_134, %mul3A_136 : vector<16xi32>
    %add3A_138 = arith.addi %mul3A_137, %and3A_11 : vector<16xi32>
    %add3A_139 = arith.constant 3072 : i32
    %add3A_140 = vector.broadcast %add3A_139 : i32 to vector<16xi32>
    %add3A_141 = arith.addi %add3A_140, %gather3A_89 : vector<16xi32>
    tpu.vector_store_idx %arg6[%add3A_138], %add3A_141 : memref<800xi32, #tpu.memory_space<vmem>>[vector<16xi32>], vector<16xi32>,
    %mul3A_142 = arith.constant 25 : i32
    %mul3A_143 = vector.broadcast %mul3A_142 : i32 to vector<16xi32>
    %mul3A_144 = arith.muli %shift_right_logical3A_9, %mul3A_143 : vector<16xi32>
    %add3A_145 = arith.constant 9 : i32
    %add3A_146 = vector.broadcast %add3A_145 : i32 to vector<16xi32>
    %add3A_147 = arith.addi %mul3A_144, %add3A_146 : vector<16xi32>
    %mul3A_148 = arith.constant 16 : i32
    %mul3A_149 = vector.broadcast %mul3A_148 : i32 to vector<16xi32>
    %mul3A_150 = arith.muli %add3A_147, %mul3A_149 : vector<16xi32>
    %add3A_151 = arith.addi %mul3A_150, %and3A_11 : vector<16xi32>
    %add3A_152 = arith.constant 4096 : i32
    %add3A_153 = vector.broadcast %add3A_152 : i32 to vector<16xi32>
    %add3A_154 = arith.addi %add3A_153, %gather3A_89 : vector<16xi32>
    tpu.vector_store_idx %arg6[%add3A_151], %add3A_154 : memref<800xi32, #tpu.memory_space<vmem>>[vector<16xi32>], vector<16xi32>,
    %mul3A_155 = arith.constant 5 : i32
    %mul3A_156 = vector.broadcast %mul3A_155 : i32 to vector<16xi32>
    %mul3A_157 = arith.muli %mul3A_156, %add3A_7 : vector<16xi32>
    %add3A_158 = arith.constant 2 : i32
    %add3A_159 = vector.broadcast %add3A_158 : i32 to vector<16xi32>
    %add3A_160 = arith.addi %mul3A_157, %add3A_159 : vector<16xi32>
    %gather3A_161 = tpu.vector_load_idx %arg5[%add3A_160] : memref<160xi32, #tpu.memory_space<vmem>>[vector<16xi32>], vector<16xi32>,
    %mul3A_162 = arith.constant 25 : i32
    %mul3A_163 = vector.broadcast %mul3A_162 : i32 to vector<16xi32>
    %mul3A_164 = arith.muli %shift_right_logical3A_9, %mul3A_163 : vector<16xi32>
    %add3A_165 = arith.constant 10 : i32
    %add3A_166 = vector.broadcast %add3A_165 : i32 to vector<16xi32>
    %add3A_167 = arith.addi %mul3A_164, %add3A_166 : vector<16xi32>
    %mul3A_168 = arith.constant 16 : i32
    %mul3A_169 = vector.broadcast %mul3A_168 : i32 to vector<16xi32>
    %mul3A_170 = arith.muli %add3A_167, %mul3A_169 : vector<16xi32>
    %add3A_171 = arith.addi %mul3A_170, %and3A_11 : vector<16xi32>
    %add3A_172 = arith.constant 0 : i32
    %add3A_173 = vector.broadcast %add3A_172 : i32 to vector<16xi32>
    %add3A_174 = arith.addi %add3A_173, %gather3A_161 : vector<16xi32>
    tpu.vector_store_idx %arg6[%add3A_171], %add3A_174 : memref<800xi32, #tpu.memory_space<vmem>>[vector<16xi32>], vector<16xi32>,
    %mul3A_175 = arith.constant 25 : i32
    %mul3A_176 = vector.broadcast %mul3A_175 : i32 to vector<16xi32>
    %mul3A_177 = arith.muli %shift_right_logical3A_9, %mul3A_176 : vector<16xi32>
    %add3A_178 = arith.constant 11 : i32
    %add3A_179 = vector.broadcast %add3A_178 : i32 to vector<16xi32>
    %add3A_180 = arith.addi %mul3A_177, %add3A_179 : vector<16xi32>
    %mul3A_181 = arith.constant 16 : i32
    %mul3A_182 = vector.broadcast %mul3A_181 : i32 to vector<16xi32>
    %mul3A_183 = arith.muli %add3A_180, %mul3A_182 : vector<16xi32>
    %add3A_184 = arith.addi %mul3A_183, %and3A_11 : vector<16xi32>
    %add3A_185 = arith.constant 1024 : i32
    %add3A_186 = vector.broadcast %add3A_185 : i32 to vector<16xi32>
    %add3A_187 = arith.addi %add3A_186, %gather3A_161 : vector<16xi32>
    tpu.vector_store_idx %arg6[%add3A_184], %add3A_187 : memref<800xi32, #tpu.memory_space<vmem>>[vector<16xi32>], vector<16xi32>,
    %mul3A_188 = arith.constant 25 : i32
    %mul3A_189 = vector.broadcast %mul3A_188 : i32 to vector<16xi32>
    %mul3A_190 = arith.muli %shift_right_logical3A_9, %mul3A_189 : vector<16xi32>
    %add3A_191 = arith.constant 12 : i32
    %add3A_192 = vector.broadcast %add3A_191 : i32 to vector<16xi32>
    %add3A_193 = arith.addi %mul3A_190, %add3A_192 : vector<16xi32>
    %mul3A_194 = arith.constant 16 : i32
    %mul3A_195 = vector.broadcast %mul3A_194 : i32 to vector<16xi32>
    %mul3A_196 = arith.muli %add3A_193, %mul3A_195 : vector<16xi32>
    %add3A_197 = arith.addi %mul3A_196, %and3A_11 : vector<16xi32>
    %add3A_198 = arith.constant 2048 : i32
    %add3A_199 = vector.broadcast %add3A_198 : i32 to vector<16xi32>
    %add3A_200 = arith.addi %add3A_199, %gather3A_161 : vector<16xi32>
    tpu.vector_store_idx %arg6[%add3A_197], %add3A_200 : memref<800xi32, #tpu.memory_space<vmem>>[vector<16xi32>], vector<16xi32>,
    %mul3A_201 = arith.constant 25 : i32
    %mul3A_202 = vector.broadcast %mul3A_201 : i32 to vector<16xi32>
    %mul3A_203 = arith.muli %shift_right_logical3A_9, %mul3A_202 : vector<16xi32>
    %add3A_204 = arith.constant 13 : i32
    %add3A_205 = vector.broadcast %add3A_204 : i32 to vector<16xi32>
    %add3A_206 = arith.addi %mul3A_203, %add3A_205 : vector<16xi32>
    %mul3A_207 = arith.constant 16 : i32
    %mul3A_208 = vector.broadcast %mul3A_207 : i32 to vector<16xi32>
    %mul3A_209 = arith.muli %add3A_206, %mul3A_208 : vector<16xi32>
    %add3A_210 = arith.addi %mul3A_209, %and3A_11 : vector<16xi32>
    %add3A_211 = arith.constant 3072 : i32
    %add3A_212 = vector.broadcast %add3A_211 : i32 to vector<16xi32>
    %add3A_213 = arith.addi %add3A_212, %gather3A_161 : vector<16xi32>
    tpu.vector_store_idx %arg6[%add3A_210], %add3A_213 : memref<800xi32, #tpu.memory_space<vmem>>[vector<16xi32>], vector<16xi32>,
    %mul3A_214 = arith.constant 25 : i32
    %mul3A_215 = vector.broadcast %mul3A_214 : i32 to vector<16xi32>
    %mul3A_216 = arith.muli %shift_right_logical3A_9, %mul3A_215 : vector<16xi32>
    %add3A_217 = arith.constant 14 : i32
    %add3A_218 = vector.broadcast %add3A_217 : i32 to vector<16xi32>
    %add3A_219 = arith.addi %mul3A_216, %add3A_218 : vector<16xi32>
    %mul3A_220 = arith.constant 16 : i32
    %mul3A_221 = vector.broadcast %mul3A_220 : i32 to vector<16xi32>
    %mul3A_222 = arith.muli %add3A_219, %mul3A_221 : vector<16xi32>
    %add3A_223 = arith.addi %mul3A_222, %and3A_11 : vector<16xi32>
    %add3A_224 = arith.constant 4096 : i32
    %add3A_225 = vector.broadcast %add3A_224 : i32 to vector<16xi32>
    %add3A_226 = arith.addi %add3A_225, %gather3A_161 : vector<16xi32>
    tpu.vector_store_idx %arg6[%add3A_223], %add3A_226 : memref<800xi32, #tpu.memory_space<vmem>>[vector<16xi32>], vector<16xi32>,
    %mul3A_227 = arith.constant 5 : i32
    %mul3A_228 = vector.broadcast %mul3A_227 : i32 to vector<16xi32>
    %mul3A_229 = arith.muli %mul3A_228, %add3A_7 : vector<16xi32>
    %add3A_230 = arith.constant 3 : i32
    %add3A_231 = vector.broadcast %add3A_230 : i32 to vector<16xi32>
    %add3A_232 = arith.addi %mul3A_229, %add3A_231 : vector<16xi32>
    %gather3A_233 = tpu.vector_load_idx %arg5[%add3A_232] : memref<160xi32, #tpu.memory_space<vmem>>[vector<16xi32>], vector<16xi32>,
    %mul3A_234 = arith.constant 25 : i32
    %mul3A_235 = vector.broadcast %mul3A_234 : i32 to vector<16xi32>
    %mul3A_236 = arith.muli %shift_right_logical3A_9, %mul3A_235 : vector<16xi32>
    %add3A_237 = arith.constant 15 : i32
    %add3A_238 = vector.broadcast %add3A_237 : i32 to vector<16xi32>
    %add3A_239 = arith.addi %mul3A_236, %add3A_238 : vector<16xi32>
    %mul3A_240 = arith.constant 16 : i32
    %mul3A_241 = vector.broadcast %mul3A_240 : i32 to vector<16xi32>
    %mul3A_242 = arith.muli %add3A_239, %mul3A_241 : vector<16xi32>
    %add3A_243 = arith.addi %mul3A_242, %and3A_11 : vector<16xi32>
    %add3A_244 = arith.constant 0 : i32
    %add3A_245 = vector.broadcast %add3A_244 : i32 to vector<16xi32>
    %add3A_246 = arith.addi %add3A_245, %gather3A_233 : vector<16xi32>
    tpu.vector_store_idx %arg6[%add3A_243], %add3A_246 : memref<800xi32, #tpu.memory_space<vmem>>[vector<16xi32>], vector<16xi32>,
    %mul3A_247 = arith.constant 25 : i32
    %mul3A_248 = vector.broadcast %mul3A_247 : i32 to vector<16xi32>
    %mul3A_249 = arith.muli %shift_right_logical3A_9, %mul3A_248 : vector<16xi32>
    %add3A_250 = arith.constant 16 : i32
    %add3A_251 = vector.broadcast %add3A_250 : i32 to vector<16xi32>
    %add3A_252 = arith.addi %mul3A_249, %add3A_251 : vector<16xi32>
    %mul3A_253 = arith.constant 16 : i32
    %mul3A_254 = vector.broadcast %mul3A_253 : i32 to vector<16xi32>
    %mul3A_255 = arith.muli %add3A_252, %mul3A_254 : vector<16xi32>
    %add3A_256 = arith.addi %mul3A_255, %and3A_11 : vector<16xi32>
    %add3A_257 = arith.constant 1024 : i32
    %add3A_258 = vector.broadcast %add3A_257 : i32 to vector<16xi32>
    %add3A_259 = arith.addi %add3A_258, %gather3A_233 : vector<16xi32>
    tpu.vector_store_idx %arg6[%add3A_256], %add3A_259 : memref<800xi32, #tpu.memory_space<vmem>>[vector<16xi32>], vector<16xi32>,
    %mul3A_260 = arith.constant 25 : i32
    %mul3A_261 = vector.broadcast %mul3A_260 : i32 to vector<16xi32>
    %mul3A_262 = arith.muli %shift_right_logical3A_9, %mul3A_261 : vector<16xi32>
    %add3A_263 = arith.constant 17 : i32
    %add3A_264 = vector.broadcast %add3A_263 : i32 to vector<16xi32>
    %add3A_265 = arith.addi %mul3A_262, %add3A_264 : vector<16xi32>
    %mul3A_266 = arith.constant 16 : i32
    %mul3A_267 = vector.broadcast %mul3A_266 : i32 to vector<16xi32>
    %mul3A_268 = arith.muli %add3A_265, %mul3A_267 : vector<16xi32>
    %add3A_269 = arith.addi %mul3A_268, %and3A_11 : vector<16xi32>
    %add3A_270 = arith.constant 2048 : i32
    %add3A_271 = vector.broadcast %add3A_270 : i32 to vector<16xi32>
    %add3A_272 = arith.addi %add3A_271, %gather3A_233 : vector<16xi32>
    tpu.vector_store_idx %arg6[%add3A_269], %add3A_272 : memref<800xi32, #tpu.memory_space<vmem>>[vector<16xi32>], vector<16xi32>,
    %mul3A_273 = arith.constant 25 : i32
    %mul3A_274 = vector.broadcast %mul3A_273 : i32 to vector<16xi32>
    %mul3A_275 = arith.muli %shift_right_logical3A_9, %mul3A_274 : vector<16xi32>
    %add3A_276 = arith.constant 18 : i32
    %add3A_277 = vector.broadcast %add3A_276 : i32 to vector<16xi32>
    %add3A_278 = arith.addi %mul3A_275, %add3A_277 : vector<16xi32>
    %mul3A_279 = arith.constant 16 : i32
    %mul3A_280 = vector.broadcast %mul3A_279 : i32 to vector<16xi32>
    %mul3A_281 = arith.muli %add3A_278, %mul3A_280 : vector<16xi32>
    %add3A_282 = arith.addi %mul3A_281, %and3A_11 : vector<16xi32>
    %add3A_283 = arith.constant 3072 : i32
    %add3A_284 = vector.broadcast %add3A_283 : i32 to vector<16xi32>
    %add3A_285 = arith.addi %add3A_284, %gather3A_233 : vector<16xi32>
    tpu.vector_store_idx %arg6[%add3A_282], %add3A_285 : memref<800xi32, #tpu.memory_space<vmem>>[vector<16xi32>], vector<16xi32>,
    %mul3A_286 = arith.constant 25 : i32
    %mul3A_287 = vector.broadcast %mul3A_286 : i32 to vector<16xi32>
    %mul3A_288 = arith.muli %shift_right_logical3A_9, %mul3A_287 : vector<16xi32>
    %add3A_289 = arith.constant 19 : i32
    %add3A_290 = vector.broadcast %add3A_289 : i32 to vector<16xi32>
    %add3A_291 = arith.addi %mul3A_288, %add3A_290 : vector<16xi32>
    %mul3A_292 = arith.constant 16 : i32
    %mul3A_293 = vector.broadcast %mul3A_292 : i32 to vector<16xi32>
    %mul3A_294 = arith.muli %add3A_291, %mul3A_293 : vector<16xi32>
    %add3A_295 = arith.addi %mul3A_294, %and3A_11 : vector<16xi32>
    %add3A_296 = arith.constant 4096 : i32
    %add3A_297 = vector.broadcast %add3A_296 : i32 to vector<16xi32>
    %add3A_298 = arith.addi %add3A_297, %gather3A_233 : vector<16xi32>
    tpu.vector_store_idx %arg6[%add3A_295], %add3A_298 : memref<800xi32, #tpu.memory_space<vmem>>[vector<16xi32>], vector<16xi32>,
    %mul3A_299 = arith.constant 5 : i32
    %mul3A_300 = vector.broadcast %mul3A_299 : i32 to vector<16xi32>
    %mul3A_301 = arith.muli %mul3A_300, %add3A_7 : vector<16xi32>
    %add3A_302 = arith.constant 4 : i32
    %add3A_303 = vector.broadcast %add3A_302 : i32 to vector<16xi32>
    %add3A_304 = arith.addi %mul3A_301, %add3A_303 : vector<16xi32>
    %gather3A_305 = tpu.vector_load_idx %arg5[%add3A_304] : memref<160xi32, #tpu.memory_space<vmem>>[vector<16xi32>], vector<16xi32>,
    %mul3A_306 = arith.constant 25 : i32
    %mul3A_307 = vector.broadcast %mul3A_306 : i32 to vector<16xi32>
    %mul3A_308 = arith.muli %shift_right_logical3A_9, %mul3A_307 : vector<16xi32>
    %add3A_309 = arith.constant 20 : i32
    %add3A_310 = vector.broadcast %add3A_309 : i32 to vector<16xi32>
    %add3A_311 = arith.addi %mul3A_308, %add3A_310 : vector<16xi32>
    %mul3A_312 = arith.constant 16 : i32
    %mul3A_313 = vector.broadcast %mul3A_312 : i32 to vector<16xi32>
    %mul3A_314 = arith.muli %add3A_311, %mul3A_313 : vector<16xi32>
    %add3A_315 = arith.addi %mul3A_314, %and3A_11 : vector<16xi32>
    %add3A_316 = arith.constant 0 : i32
    %add3A_317 = vector.broadcast %add3A_316 : i32 to vector<16xi32>
    %add3A_318 = arith.addi %add3A_317, %gather3A_305 : vector<16xi32>
    tpu.vector_store_idx %arg6[%add3A_315], %add3A_318 : memref<800xi32, #tpu.memory_space<vmem>>[vector<16xi32>], vector<16xi32>,
    %mul3A_319 = arith.constant 25 : i32
    %mul3A_320 = vector.broadcast %mul3A_319 : i32 to vector<16xi32>
    %mul3A_321 = arith.muli %shift_right_logical3A_9, %mul3A_320 : vector<16xi32>
    %add3A_322 = arith.constant 21 : i32
    %add3A_323 = vector.broadcast %add3A_322 : i32 to vector<16xi32>
    %add3A_324 = arith.addi %mul3A_321, %add3A_323 : vector<16xi32>
    %mul3A_325 = arith.constant 16 : i32
    %mul3A_326 = vector.broadcast %mul3A_325 : i32 to vector<16xi32>
    %mul3A_327 = arith.muli %add3A_324, %mul3A_326 : vector<16xi32>
    %add3A_328 = arith.addi %mul3A_327, %and3A_11 : vector<16xi32>
    %add3A_329 = arith.constant 1024 : i32
    %add3A_330 = vector.broadcast %add3A_329 : i32 to vector<16xi32>
    %add3A_331 = arith.addi %add3A_330, %gather3A_305 : vector<16xi32>
    tpu.vector_store_idx %arg6[%add3A_328], %add3A_331 : memref<800xi32, #tpu.memory_space<vmem>>[vector<16xi32>], vector<16xi32>,
    %mul3A_332 = arith.constant 25 : i32
    %mul3A_333 = vector.broadcast %mul3A_332 : i32 to vector<16xi32>
    %mul3A_334 = arith.muli %shift_right_logical3A_9, %mul3A_333 : vector<16xi32>
    %add3A_335 = arith.constant 22 : i32
    %add3A_336 = vector.broadcast %add3A_335 : i32 to vector<16xi32>
    %add3A_337 = arith.addi %mul3A_334, %add3A_336 : vector<16xi32>
    %mul3A_338 = arith.constant 16 : i32
    %mul3A_339 = vector.broadcast %mul3A_338 : i32 to vector<16xi32>
    %mul3A_340 = arith.muli %add3A_337, %mul3A_339 : vector<16xi32>
    %add3A_341 = arith.addi %mul3A_340, %and3A_11 : vector<16xi32>
    %add3A_342 = arith.constant 2048 : i32
    %add3A_343 = vector.broadcast %add3A_342 : i32 to vector<16xi32>
    %add3A_344 = arith.addi %add3A_343, %gather3A_305 : vector<16xi32>
    tpu.vector_store_idx %arg6[%add3A_341], %add3A_344 : memref<800xi32, #tpu.memory_space<vmem>>[vector<16xi32>], vector<16xi32>,
    %mul3A_345 = arith.constant 25 : i32
    %mul3A_346 = vector.broadcast %mul3A_345 : i32 to vector<16xi32>
    %mul3A_347 = arith.muli %shift_right_logical3A_9, %mul3A_346 : vector<16xi32>
    %add3A_348 = arith.constant 23 : i32
    %add3A_349 = vector.broadcast %add3A_348 : i32 to vector<16xi32>
    %add3A_350 = arith.addi %mul3A_347, %add3A_349 : vector<16xi32>
    %mul3A_351 = arith.constant 16 : i32
    %mul3A_352 = vector.broadcast %mul3A_351 : i32 to vector<16xi32>
    %mul3A_353 = arith.muli %add3A_350, %mul3A_352 : vector<16xi32>
    %add3A_354 = arith.addi %mul3A_353, %and3A_11 : vector<16xi32>
    %add3A_355 = arith.constant 3072 : i32
    %add3A_356 = vector.broadcast %add3A_355 : i32 to vector<16xi32>
    %add3A_357 = arith.addi %add3A_356, %gather3A_305 : vector<16xi32>
    tpu.vector_store_idx %arg6[%add3A_354], %add3A_357 : memref<800xi32, #tpu.memory_space<vmem>>[vector<16xi32>], vector<16xi32>,
    %mul3A_358 = arith.constant 25 : i32
    %mul3A_359 = vector.broadcast %mul3A_358 : i32 to vector<16xi32>
    %mul3A_360 = arith.muli %shift_right_logical3A_9, %mul3A_359 : vector<16xi32>
    %add3A_361 = arith.constant 24 : i32
    %add3A_362 = vector.broadcast %add3A_361 : i32 to vector<16xi32>
    %add3A_363 = arith.addi %mul3A_360, %add3A_362 : vector<16xi32>
    %mul3A_364 = arith.constant 16 : i32
    %mul3A_365 = vector.broadcast %mul3A_364 : i32 to vector<16xi32>
    %mul3A_366 = arith.muli %add3A_363, %mul3A_365 : vector<16xi32>
    %add3A_367 = arith.addi %mul3A_366, %and3A_11 : vector<16xi32>
    %add3A_368 = arith.constant 4096 : i32
    %add3A_369 = vector.broadcast %add3A_368 : i32 to vector<16xi32>
    %add3A_370 = arith.addi %add3A_369, %gather3A_305 : vector<16xi32>
    tpu.vector_store_idx %arg6[%add3A_367], %add3A_370 : memref<800xi32, #tpu.memory_space<vmem>>[vector<16xi32>], vector<16xi32>,
    %dma_start3A = arith.constant 0 : i32
    %dma_start3A_371 = tpu.memref_slice %arg6[%dma_start3A] : memref<800xi32, #tpu.memory_space<vmem>> -> memref<32xi32, #tpu.memory_space<vmem>>
    %dma_start3A_372 = arith.constant 0 : i32
    %dma_start3A_373 = arith.constant 0 : i32
    %dma_start3A_374 = tpu.memref_slice %arg2[%dma_start3A_372, %dma_start3A_373] : memref<5120x768xf32, #tpu.memory_space<hbm>> -> memref<5120x768xf32, #tpu.memory_space<hbm>>
    tpu.enqueue_indirect_dma source(%dma_start3A_374 : memref<5120x768xf32, #tpu.memory_space<hbm>>) target(%arg7 : memref<32x768xf32, #tpu.memory_space<vmem>>) offsets(%dma_start3A_371 : memref<32xi32, #tpu.memory_space<vmem>>) semaphore(%arg12 : memref<!tpu.dma_semaphore, #tpu.memory_space<semaphore_mem>>)
    %dma_start3A_375 = arith.constant 32 : i32
    %dma_start3A_376 = tpu.memref_slice %arg6[%dma_start3A_375] : memref<800xi32, #tpu.memory_space<vmem>> -> memref<32xi32, #tpu.memory_space<vmem>>
    %dma_start3A_377 = arith.constant 0 : i32
    %dma_start3A_378 = arith.constant 0 : i32
    %dma_start3A_379 = tpu.memref_slice %arg2[%dma_start3A_377, %dma_start3A_378] : memref<5120x768xf32, #tpu.memory_space<hbm>> -> memref<5120x768xf32, #tpu.memory_space<hbm>>
    tpu.enqueue_indirect_dma source(%dma_start3A_379 : memref<5120x768xf32, #tpu.memory_space<hbm>>) target(%arg8 : memref<32x768xf32, #tpu.memory_space<vmem>>) offsets(%dma_start3A_376 : memref<32xi32, #tpu.memory_space<vmem>>) semaphore(%arg13 : memref<!tpu.dma_semaphore, #tpu.memory_space<semaphore_mem>>)
    %dma_start3A_380 = arith.constant 64 : i32
    %dma_start3A_381 = tpu.memref_slice %arg6[%dma_start3A_380] : memref<800xi32, #tpu.memory_space<vmem>> -> memref<32xi32, #tpu.memory_space<vmem>>
    %dma_start3A_382 = arith.constant 0 : i32
    %dma_start3A_383 = arith.constant 0 : i32
    %dma_start3A_384 = tpu.memref_slice %arg2[%dma_start3A_382, %dma_start3A_383] : memref<5120x768xf32, #tpu.memory_space<hbm>> -> memref<5120x768xf32, #tpu.memory_space<hbm>>
    tpu.enqueue_indirect_dma source(%dma_start3A_384 : memref<5120x768xf32, #tpu.memory_space<hbm>>) target(%arg9 : memref<32x768xf32, #tpu.memory_space<vmem>>) offsets(%dma_start3A_381 : memref<32xi32, #tpu.memory_space<vmem>>) semaphore(%arg14 : memref<!tpu.dma_semaphore, #tpu.memory_space<semaphore_mem>>)
    %dma_start3A_385 = arith.constant 96 : i32
    %dma_start3A_386 = tpu.memref_slice %arg6[%dma_start3A_385] : memref<800xi32, #tpu.memory_space<vmem>> -> memref<32xi32, #tpu.memory_space<vmem>>
    %dma_start3A_387 = arith.constant 0 : i32
    %dma_start3A_388 = arith.constant 0 : i32
    %dma_start3A_389 = tpu.memref_slice %arg2[%dma_start3A_387, %dma_start3A_388] : memref<5120x768xf32, #tpu.memory_space<hbm>> -> memref<5120x768xf32, #tpu.memory_space<hbm>>
    tpu.enqueue_indirect_dma source(%dma_start3A_389 : memref<5120x768xf32, #tpu.memory_space<hbm>>) target(%arg10 : memref<32x768xf32, #tpu.memory_space<vmem>>) offsets(%dma_start3A_386 : memref<32xi32, #tpu.memory_space<vmem>>) semaphore(%arg15 : memref<!tpu.dma_semaphore, #tpu.memory_space<semaphore_mem>>)
    %dma_start3A_390 = arith.constant 128 : i32
    %dma_start3A_391 = tpu.memref_slice %arg6[%dma_start3A_390] : memref<800xi32, #tpu.memory_space<vmem>> -> memref<32xi32, #tpu.memory_space<vmem>>
    %dma_start3A_392 = arith.constant 0 : i32
    %dma_start3A_393 = arith.constant 0 : i32
    %dma_start3A_394 = tpu.memref_slice %arg2[%dma_start3A_392, %dma_start3A_393] : memref<5120x768xf32, #tpu.memory_space<hbm>> -> memref<5120x768xf32, #tpu.memory_space<hbm>>
    tpu.enqueue_indirect_dma source(%dma_start3A_394 : memref<5120x768xf32, #tpu.memory_space<hbm>>) target(%arg11 : memref<32x768xf32, #tpu.memory_space<vmem>>) offsets(%dma_start3A_391 : memref<32xi32, #tpu.memory_space<vmem>>) semaphore(%arg16 : memref<!tpu.dma_semaphore, #tpu.memory_space<semaphore_mem>>)
    %add3A_395 = arith.constant 16 : i32
    %add3A_396 = vector.broadcast %add3A_395 : i32 to vector<16xi32>
    %add3A_397 = arith.addi %add3A_396, %iota3A : vector<16xi32>
    %shift_right_logical3A_398 = arith.constant 4 : i32
    %shift_right_logical3A_399 = vector.broadcast %shift_right_logical3A_398 : i32 to vector<16xi32>
    %shift_right_logical3A_400 = arith.shrui %add3A_397, %shift_right_logical3A_399 : vector<16xi32>
    %and3A_401 = arith.constant 15 : i32
    %and3A_402 = vector.broadcast %and3A_401 : i32 to vector<16xi32>
    %and3A_403 = arith.andi %add3A_397, %and3A_402 : vector<16xi32>
    %mul3A_404 = arith.constant 5 : i32
    %mul3A_405 = vector.broadcast %mul3A_404 : i32 to vector<16xi32>
    %mul3A_406 = arith.muli %mul3A_405, %add3A_397 : vector<16xi32>
    %add3A_407 = arith.constant 0 : i32
    %add3A_408 = vector.broadcast %add3A_407 : i32 to vector<16xi32>
    %add3A_409 = arith.addi %mul3A_406, %add3A_408 : vector<16xi32>
    %gather3A_410 = tpu.vector_load_idx %arg5[%add3A_409] : memref<160xi32, #tpu.memory_space<vmem>>[vector<16xi32>], vector<16xi32>,
    %mul3A_411 = arith.constant 25 : i32
    %mul3A_412 = vector.broadcast %mul3A_411 : i32 to vector<16xi32>
    %mul3A_413 = arith.muli %shift_right_logical3A_400, %mul3A_412 : vector<16xi32>
    %add3A_414 = arith.constant 0 : i32
    %add3A_415 = vector.broadcast %add3A_414 : i32 to vector<16xi32>
    %add3A_416 = arith.addi %mul3A_413, %add3A_415 : vector<16xi32>
    %mul3A_417 = arith.constant 16 : i32
    %mul3A_418 = vector.broadcast %mul3A_417 : i32 to vector<16xi32>
    %mul3A_419 = arith.muli %add3A_416, %mul3A_418 : vector<16xi32>
    %add3A_420 = arith.addi %mul3A_419, %and3A_403 : vector<16xi32>
    %add3A_421 = arith.constant 0 : i32
    %add3A_422 = vector.broadcast %add3A_421 : i32 to vector<16xi32>
    %add3A_423 = arith.addi %add3A_422, %gather3A_410 : vector<16xi32>
    tpu.vector_store_idx %arg6[%add3A_420], %add3A_423 : memref<800xi32, #tpu.memory_space<vmem>>[vector<16xi32>], vector<16xi32>,
    %mul3A_424 = arith.constant 25 : i32
    %mul3A_425 = vector.broadcast %mul3A_424 : i32 to vector<16xi32>
    %mul3A_426 = arith.muli %shift_right_logical3A_400, %mul3A_425 : vector<16xi32>
    %add3A_427 = arith.constant 1 : i32
    %add3A_428 = vector.broadcast %add3A_427 : i32 to vector<16xi32>
    %add3A_429 = arith.addi %mul3A_426, %add3A_428 : vector<16xi32>
    %mul3A_430 = arith.constant 16 : i32
    %mul3A_431 = vector.broadcast %mul3A_430 : i32 to vector<16xi32>
    %mul3A_432 = arith.muli %add3A_429, %mul3A_431 : vector<16xi32>
    %add3A_433 = arith.addi %mul3A_432, %and3A_403 : vector<16xi32>
    %add3A_434 = arith.constant 1024 : i32
    %add3A_435 = vector.broadcast %add3A_434 : i32 to vector<16xi32>
    %add3A_436 = arith.addi %add3A_435, %gather3A_410 : vector<16xi32>
    tpu.vector_store_idx %arg6[%add3A_433], %add3A_436 : memref<800xi32, #tpu.memory_space<vmem>>[vector<16xi32>], vector<16xi32>,
    %mul3A_437 = arith.constant 25 : i32
    %mul3A_438 = vector.broadcast %mul3A_437 : i32 to vector<16xi32>
    %mul3A_439 = arith.muli %shift_right_logical3A_400, %mul3A_438 : vector<16xi32>
    %add3A_440 = arith.constant 2 : i32
    %add3A_441 = vector.broadcast %add3A_440 : i32 to vector<16xi32>
    %add3A_442 = arith.addi %mul3A_439, %add3A_441 : vector<16xi32>
    %mul3A_443 = arith.constant 16 : i32
    %mul3A_444 = vector.broadcast %mul3A_443 : i32 to vector<16xi32>
    %mul3A_445 = arith.muli %add3A_442, %mul3A_444 : vector<16xi32>
    %add3A_446 = arith.addi %mul3A_445, %and3A_403 : vector<16xi32>
    %add3A_447 = arith.constant 2048 : i32
    %add3A_448 = vector.broadcast %add3A_447 : i32 to vector<16xi32>
    %add3A_449 = arith.addi %add3A_448, %gather3A_410 : vector<16xi32>
    tpu.vector_store_idx %arg6[%add3A_446], %add3A_449 : memref<800xi32, #tpu.memory_space<vmem>>[vector<16xi32>], vector<16xi32>,
    %mul3A_450 = arith.constant 25 : i32
    %mul3A_451 = vector.broadcast %mul3A_450 : i32 to vector<16xi32>
    %mul3A_452 = arith.muli %shift_right_logical3A_400, %mul3A_451 : vector<16xi32>
    %add3A_453 = arith.constant 3 : i32
    %add3A_454 = vector.broadcast %add3A_453 : i32 to vector<16xi32>
    %add3A_455 = arith.addi %mul3A_452, %add3A_454 : vector<16xi32>
    %mul3A_456 = arith.constant 16 : i32
    %mul3A_457 = vector.broadcast %mul3A_456 : i32 to vector<16xi32>
    %mul3A_458 = arith.muli %add3A_455, %mul3A_457 : vector<16xi32>
    %add3A_459 = arith.addi %mul3A_458, %and3A_403 : vector<16xi32>
    %add3A_460 = arith.constant 3072 : i32
    %add3A_461 = vector.broadcast %add3A_460 : i32 to vector<16xi32>
    %add3A_462 = arith.addi %add3A_461, %gather3A_410 : vector<16xi32>
    tpu.vector_store_idx %arg6[%add3A_459], %add3A_462 : memref<800xi32, #tpu.memory_space<vmem>>[vector<16xi32>], vector<16xi32>,
    %mul3A_463 = arith.constant 25 : i32
    %mul3A_464 = vector.broadcast %mul3A_463 : i32 to vector<16xi32>
    %mul3A_465 = arith.muli %shift_right_logical3A_400, %mul3A_464 : vector<16xi32>
    %add3A_466 = arith.constant 4 : i32
    %add3A_467 = vector.broadcast %add3A_466 : i32 to vector<16xi32>
    %add3A_468 = arith.addi %mul3A_465, %add3A_467 : vector<16xi32>
    %mul3A_469 = arith.constant 16 : i32
    %mul3A_470 = vector.broadcast %mul3A_469 : i32 to vector<16xi32>
    %mul3A_471 = arith.muli %add3A_468, %mul3A_470 : vector<16xi32>
    %add3A_472 = arith.addi %mul3A_471, %and3A_403 : vector<16xi32>
    %add3A_473 = arith.constant 4096 : i32
    %add3A_474 = vector.broadcast %add3A_473 : i32 to vector<16xi32>
    %add3A_475 = arith.addi %add3A_474, %gather3A_410 : vector<16xi32>
    tpu.vector_store_idx %arg6[%add3A_472], %add3A_475 : memref<800xi32, #tpu.memory_space<vmem>>[vector<16xi32>], vector<16xi32>,
    %mul3A_476 = arith.constant 5 : i32
    %mul3A_477 = vector.broadcast %mul3A_476 : i32 to vector<16xi32>
    %mul3A_478 = arith.muli %mul3A_477, %add3A_397 : vector<16xi32>
    %add3A_479 = arith.constant 1 : i32
    %add3A_480 = vector.broadcast %add3A_479 : i32 to vector<16xi32>
    %add3A_481 = arith.addi %mul3A_478, %add3A_480 : vector<16xi32>
    %gather3A_482 = tpu.vector_load_idx %arg5[%add3A_481] : memref<160xi32, #tpu.memory_space<vmem>>[vector<16xi32>], vector<16xi32>,
    %mul3A_483 = arith.constant 25 : i32
    %mul3A_484 = vector.broadcast %mul3A_483 : i32 to vector<16xi32>
    %mul3A_485 = arith.muli %shift_right_logical3A_400, %mul3A_484 : vector<16xi32>
    %add3A_486 = arith.constant 5 : i32
    %add3A_487 = vector.broadcast %add3A_486 : i32 to vector<16xi32>
    %add3A_488 = arith.addi %mul3A_485, %add3A_487 : vector<16xi32>
    %mul3A_489 = arith.constant 16 : i32
    %mul3A_490 = vector.broadcast %mul3A_489 : i32 to vector<16xi32>
    %mul3A_491 = arith.muli %add3A_488, %mul3A_490 : vector<16xi32>
    %add3A_492 = arith.addi %mul3A_491, %and3A_403 : vector<16xi32>
    %add3A_493 = arith.constant 0 : i32
    %add3A_494 = vector.broadcast %add3A_493 : i32 to vector<16xi32>
    %add3A_495 = arith.addi %add3A_494, %gather3A_482 : vector<16xi32>
    tpu.vector_store_idx %arg6[%add3A_492], %add3A_495 : memref<800xi32, #tpu.memory_space<vmem>>[vector<16xi32>], vector<16xi32>,
    %mul3A_496 = arith.constant 25 : i32
    %mul3A_497 = vector.broadcast %mul3A_496 : i32 to vector<16xi32>
    %mul3A_498 = arith.muli %shift_right_logical3A_400, %mul3A_497 : vector<16xi32>
    %add3A_499 = arith.constant 6 : i32
    %add3A_500 = vector.broadcast %add3A_499 : i32 to vector<16xi32>
    %add3A_501 = arith.addi %mul3A_498, %add3A_500 : vector<16xi32>
    %mul3A_502 = arith.constant 16 : i32
    %mul3A_503 = vector.broadcast %mul3A_502 : i32 to vector<16xi32>
    %mul3A_504 = arith.muli %add3A_501, %mul3A_503 : vector<16xi32>
    %add3A_505 = arith.addi %mul3A_504, %and3A_403 : vector<16xi32>
    %add3A_506 = arith.constant 1024 : i32
    %add3A_507 = vector.broadcast %add3A_506 : i32 to vector<16xi32>
    %add3A_508 = arith.addi %add3A_507, %gather3A_482 : vector<16xi32>
    tpu.vector_store_idx %arg6[%add3A_505], %add3A_508 : memref<800xi32, #tpu.memory_space<vmem>>[vector<16xi32>], vector<16xi32>,
    %mul3A_509 = arith.constant 25 : i32
    %mul3A_510 = vector.broadcast %mul3A_509 : i32 to vector<16xi32>
    %mul3A_511 = arith.muli %shift_right_logical3A_400, %mul3A_510 : vector<16xi32>
    %add3A_512 = arith.constant 7 : i32
    %add3A_513 = vector.broadcast %add3A_512 : i32 to vector<16xi32>
    %add3A_514 = arith.addi %mul3A_511, %add3A_513 : vector<16xi32>
    %mul3A_515 = arith.constant 16 : i32
    %mul3A_516 = vector.broadcast %mul3A_515 : i32 to vector<16xi32>
    %mul3A_517 = arith.muli %add3A_514, %mul3A_516 : vector<16xi32>
    %add3A_518 = arith.addi %mul3A_517, %and3A_403 : vector<16xi32>
    %add3A_519 = arith.constant 2048 : i32
    %add3A_520 = vector.broadcast %add3A_519 : i32 to vector<16xi32>
    %add3A_521 = arith.addi %add3A_520, %gather3A_482 : vector<16xi32>
    tpu.vector_store_idx %arg6[%add3A_518], %add3A_521 : memref<800xi32, #tpu.memory_space<vmem>>[vector<16xi32>], vector<16xi32>,
    %mul3A_522 = arith.constant 25 : i32
    %mul3A_523 = vector.broadcast %mul3A_522 : i32 to vector<16xi32>
    %mul3A_524 = arith.muli %shift_right_logical3A_400, %mul3A_523 : vector<16xi32>
    %add3A_525 = arith.constant 8 : i32
    %add3A_526 = vector.broadcast %add3A_525 : i32 to vector<16xi32>
    %add3A_527 = arith.addi %mul3A_524, %add3A_526 : vector<16xi32>
    %mul3A_528 = arith.constant 16 : i32
    %mul3A_529 = vector.broadcast %mul3A_528 : i32 to vector<16xi32>
    %mul3A_530 = arith.muli %add3A_527, %mul3A_529 : vector<16xi32>
    %add3A_531 = arith.addi %mul3A_530, %and3A_403 : vector<16xi32>
    %add3A_532 = arith.constant 3072 : i32
    %add3A_533 = vector.broadcast %add3A_532 : i32 to vector<16xi32>
    %add3A_534 = arith.addi %add3A_533, %gather3A_482 : vector<16xi32>
    tpu.vector_store_idx %arg6[%add3A_531], %add3A_534 : memref<800xi32, #tpu.memory_space<vmem>>[vector<16xi32>], vector<16xi32>,
    %mul3A_535 = arith.constant 25 : i32
    %mul3A_536 = vector.broadcast %mul3A_535 : i32 to vector<16xi32>
    %mul3A_537 = arith.muli %shift_right_logical3A_400, %mul3A_536 : vector<16xi32>
    %add3A_538 = arith.constant 9 : i32
    %add3A_539 = vector.broadcast %add3A_538 : i32 to vector<16xi32>
    %add3A_540 = arith.addi %mul3A_537, %add3A_539 : vector<16xi32>
    %mul3A_541 = arith.constant 16 : i32
    %mul3A_542 = vector.broadcast %mul3A_541 : i32 to vector<16xi32>
    %mul3A_543 = arith.muli %add3A_540, %mul3A_542 : vector<16xi32>
    %add3A_544 = arith.addi %mul3A_543, %and3A_403 : vector<16xi32>
    %add3A_545 = arith.constant 4096 : i32
    %add3A_546 = vector.broadcast %add3A_545 : i32 to vector<16xi32>
    %add3A_547 = arith.addi %add3A_546, %gather3A_482 : vector<16xi32>
    tpu.vector_store_idx %arg6[%add3A_544], %add3A_547 : memref<800xi32, #tpu.memory_space<vmem>>[vector<16xi32>], vector<16xi32>,
    %mul3A_548 = arith.constant 5 : i32
    %mul3A_549 = vector.broadcast %mul3A_548 : i32 to vector<16xi32>
    %mul3A_550 = arith.muli %mul3A_549, %add3A_397 : vector<16xi32>
    %add3A_551 = arith.constant 2 : i32
    %add3A_552 = vector.broadcast %add3A_551 : i32 to vector<16xi32>
    %add3A_553 = arith.addi %mul3A_550, %add3A_552 : vector<16xi32>
    %gather3A_554 = tpu.vector_load_idx %arg5[%add3A_553] : memref<160xi32, #tpu.memory_space<vmem>>[vector<16xi32>], vector<16xi32>,
    %mul3A_555 = arith.constant 25 : i32
    %mul3A_556 = vector.broadcast %mul3A_555 : i32 to vector<16xi32>
    %mul3A_557 = arith.muli %shift_right_logical3A_400, %mul3A_556 : vector<16xi32>
    %add3A_558 = arith.constant 10 : i32
    %add3A_559 = vector.broadcast %add3A_558 : i32 to vector<16xi32>
    %add3A_560 = arith.addi %mul3A_557, %add3A_559 : vector<16xi32>
    %mul3A_561 = arith.constant 16 : i32
    %mul3A_562 = vector.broadcast %mul3A_561 : i32 to vector<16xi32>
    %mul3A_563 = arith.muli %add3A_560, %mul3A_562 : vector<16xi32>
    %add3A_564 = arith.addi %mul3A_563, %and3A_403 : vector<16xi32>
    %add3A_565 = arith.constant 0 : i32
    %add3A_566 = vector.broadcast %add3A_565 : i32 to vector<16xi32>
    %add3A_567 = arith.addi %add3A_566, %gather3A_554 : vector<16xi32>
    tpu.vector_store_idx %arg6[%add3A_564], %add3A_567 : memref<800xi32, #tpu.memory_space<vmem>>[vector<16xi32>], vector<16xi32>,
    %mul3A_568 = arith.constant 25 : i32
    %mul3A_569 = vector.broadcast %mul3A_568 : i32 to vector<16xi32>
    %mul3A_570 = arith.muli %shift_right_logical3A_400, %mul3A_569 : vector<16xi32>
    %add3A_571 = arith.constant 11 : i32
    %add3A_572 = vector.broadcast %add3A_571 : i32 to vector<16xi32>
    %add3A_573 = arith.addi %mul3A_570, %add3A_572 : vector<16xi32>
    %mul3A_574 = arith.constant 16 : i32
    %mul3A_575 = vector.broadcast %mul3A_574 : i32 to vector<16xi32>
    %mul3A_576 = arith.muli %add3A_573, %mul3A_575 : vector<16xi32>
    %add3A_577 = arith.addi %mul3A_576, %and3A_403 : vector<16xi32>
    %add3A_578 = arith.constant 1024 : i32
    %add3A_579 = vector.broadcast %add3A_578 : i32 to vector<16xi32>
    %add3A_580 = arith.addi %add3A_579, %gather3A_554 : vector<16xi32>
    tpu.vector_store_idx %arg6[%add3A_577], %add3A_580 : memref<800xi32, #tpu.memory_space<vmem>>[vector<16xi32>], vector<16xi32>,
    %mul3A_581 = arith.constant 25 : i32
    %mul3A_582 = vector.broadcast %mul3A_581 : i32 to vector<16xi32>
    %mul3A_583 = arith.muli %shift_right_logical3A_400, %mul3A_582 : vector<16xi32>
    %add3A_584 = arith.constant 12 : i32
    %add3A_585 = vector.broadcast %add3A_584 : i32 to vector<16xi32>
    %add3A_586 = arith.addi %mul3A_583, %add3A_585 : vector<16xi32>
    %mul3A_587 = arith.constant 16 : i32
    %mul3A_588 = vector.broadcast %mul3A_587 : i32 to vector<16xi32>
    %mul3A_589 = arith.muli %add3A_586, %mul3A_588 : vector<16xi32>
    %add3A_590 = arith.addi %mul3A_589, %and3A_403 : vector<16xi32>
    %add3A_591 = arith.constant 2048 : i32
    %add3A_592 = vector.broadcast %add3A_591 : i32 to vector<16xi32>
    %add3A_593 = arith.addi %add3A_592, %gather3A_554 : vector<16xi32>
    tpu.vector_store_idx %arg6[%add3A_590], %add3A_593 : memref<800xi32, #tpu.memory_space<vmem>>[vector<16xi32>], vector<16xi32>,
    %mul3A_594 = arith.constant 25 : i32
    %mul3A_595 = vector.broadcast %mul3A_594 : i32 to vector<16xi32>
    %mul3A_596 = arith.muli %shift_right_logical3A_400, %mul3A_595 : vector<16xi32>
    %add3A_597 = arith.constant 13 : i32
    %add3A_598 = vector.broadcast %add3A_597 : i32 to vector<16xi32>
    %add3A_599 = arith.addi %mul3A_596, %add3A_598 : vector<16xi32>
    %mul3A_600 = arith.constant 16 : i32
    %mul3A_601 = vector.broadcast %mul3A_600 : i32 to vector<16xi32>
    %mul3A_602 = arith.muli %add3A_599, %mul3A_601 : vector<16xi32>
    %add3A_603 = arith.addi %mul3A_602, %and3A_403 : vector<16xi32>
    %add3A_604 = arith.constant 3072 : i32
    %add3A_605 = vector.broadcast %add3A_604 : i32 to vector<16xi32>
    %add3A_606 = arith.addi %add3A_605, %gather3A_554 : vector<16xi32>
    tpu.vector_store_idx %arg6[%add3A_603], %add3A_606 : memref<800xi32, #tpu.memory_space<vmem>>[vector<16xi32>], vector<16xi32>,
    %mul3A_607 = arith.constant 25 : i32
    %mul3A_608 = vector.broadcast %mul3A_607 : i32 to vector<16xi32>
    %mul3A_609 = arith.muli %shift_right_logical3A_400, %mul3A_608 : vector<16xi32>
    %add3A_610 = arith.constant 14 : i32
    %add3A_611 = vector.broadcast %add3A_610 : i32 to vector<16xi32>
    %add3A_612 = arith.addi %mul3A_609, %add3A_611 : vector<16xi32>
    %mul3A_613 = arith.constant 16 : i32
    %mul3A_614 = vector.broadcast %mul3A_613 : i32 to vector<16xi32>
    %mul3A_615 = arith.muli %add3A_612, %mul3A_614 : vector<16xi32>
    %add3A_616 = arith.addi %mul3A_615, %and3A_403 : vector<16xi32>
    %add3A_617 = arith.constant 4096 : i32
    %add3A_618 = vector.broadcast %add3A_617 : i32 to vector<16xi32>
    %add3A_619 = arith.addi %add3A_618, %gather3A_554 : vector<16xi32>
    tpu.vector_store_idx %arg6[%add3A_616], %add3A_619 : memref<800xi32, #tpu.memory_space<vmem>>[vector<16xi32>], vector<16xi32>,
    %mul3A_620 = arith.constant 5 : i32
    %mul3A_621 = vector.broadcast %mul3A_620 : i32 to vector<16xi32>
    %mul3A_622 = arith.muli %mul3A_621, %add3A_397 : vector<16xi32>
    %add3A_623 = arith.constant 3 : i32
    %add3A_624 = vector.broadcast %add3A_623 : i32 to vector<16xi32>
    %add3A_625 = arith.addi %mul3A_622, %add3A_624 : vector<16xi32>
    %gather3A_626 = tpu.vector_load_idx %arg5[%add3A_625] : memref<160xi32, #tpu.memory_space<vmem>>[vector<16xi32>], vector<16xi32>,
    %mul3A_627 = arith.constant 25 : i32
    %mul3A_628 = vector.broadcast %mul3A_627 : i32 to vector<16xi32>
    %mul3A_629 = arith.muli %shift_right_logical3A_400, %mul3A_628 : vector<16xi32>
    %add3A_630 = arith.constant 15 : i32
    %add3A_631 = vector.broadcast %add3A_630 : i32 to vector<16xi32>
    %add3A_632 = arith.addi %mul3A_629, %add3A_631 : vector<16xi32>
    %mul3A_633 = arith.constant 16 : i32
    %mul3A_634 = vector.broadcast %mul3A_633 : i32 to vector<16xi32>
    %mul3A_635 = arith.muli %add3A_632, %mul3A_634 : vector<16xi32>
    %add3A_636 = arith.addi %mul3A_635, %and3A_403 : vector<16xi32>
    %add3A_637 = arith.constant 0 : i32
    %add3A_638 = vector.broadcast %add3A_637 : i32 to vector<16xi32>
    %add3A_639 = arith.addi %add3A_638, %gather3A_626 : vector<16xi32>
    tpu.vector_store_idx %arg6[%add3A_636], %add3A_639 : memref<800xi32, #tpu.memory_space<vmem>>[vector<16xi32>], vector<16xi32>,
    %mul3A_640 = arith.constant 25 : i32
    %mul3A_641 = vector.broadcast %mul3A_640 : i32 to vector<16xi32>
    %mul3A_642 = arith.muli %shift_right_logical3A_400, %mul3A_641 : vector<16xi32>
    %add3A_643 = arith.constant 16 : i32
    %add3A_644 = vector.broadcast %add3A_643 : i32 to vector<16xi32>
    %add3A_645 = arith.addi %mul3A_642, %add3A_644 : vector<16xi32>
    %mul3A_646 = arith.constant 16 : i32
    %mul3A_647 = vector.broadcast %mul3A_646 : i32 to vector<16xi32>
    %mul3A_648 = arith.muli %add3A_645, %mul3A_647 : vector<16xi32>
    %add3A_649 = arith.addi %mul3A_648, %and3A_403 : vector<16xi32>
    %add3A_650 = arith.constant 1024 : i32
    %add3A_651 = vector.broadcast %add3A_650 : i32 to vector<16xi32>
    %add3A_652 = arith.addi %add3A_651, %gather3A_626 : vector<16xi32>
    tpu.vector_store_idx %arg6[%add3A_649], %add3A_652 : memref<800xi32, #tpu.memory_space<vmem>>[vector<16xi32>], vector<16xi32>,
    %mul3A_653 = arith.constant 25 : i32
    %mul3A_654 = vector.broadcast %mul3A_653 : i32 to vector<16xi32>
    %mul3A_655 = arith.muli %shift_right_logical3A_400, %mul3A_654 : vector<16xi32>
    %add3A_656 = arith.constant 17 : i32
    %add3A_657 = vector.broadcast %add3A_656 : i32 to vector<16xi32>
    %add3A_658 = arith.addi %mul3A_655, %add3A_657 : vector<16xi32>
    %mul3A_659 = arith.constant 16 : i32
    %mul3A_660 = vector.broadcast %mul3A_659 : i32 to vector<16xi32>
    %mul3A_661 = arith.muli %add3A_658, %mul3A_660 : vector<16xi32>
    %add3A_662 = arith.addi %mul3A_661, %and3A_403 : vector<16xi32>
    %add3A_663 = arith.constant 2048 : i32
    %add3A_664 = vector.broadcast %add3A_663 : i32 to vector<16xi32>
    %add3A_665 = arith.addi %add3A_664, %gather3A_626 : vector<16xi32>
    tpu.vector_store_idx %arg6[%add3A_662], %add3A_665 : memref<800xi32, #tpu.memory_space<vmem>>[vector<16xi32>], vector<16xi32>,
    %mul3A_666 = arith.constant 25 : i32
    %mul3A_667 = vector.broadcast %mul3A_666 : i32 to vector<16xi32>
    %mul3A_668 = arith.muli %shift_right_logical3A_400, %mul3A_667 : vector<16xi32>
    %add3A_669 = arith.constant 18 : i32
    %add3A_670 = vector.broadcast %add3A_669 : i32 to vector<16xi32>
    %add3A_671 = arith.addi %mul3A_668, %add3A_670 : vector<16xi32>
    %mul3A_672 = arith.constant 16 : i32
    %mul3A_673 = vector.broadcast %mul3A_672 : i32 to vector<16xi32>
    %mul3A_674 = arith.muli %add3A_671, %mul3A_673 : vector<16xi32>
    %add3A_675 = arith.addi %mul3A_674, %and3A_403 : vector<16xi32>
    %add3A_676 = arith.constant 3072 : i32
    %add3A_677 = vector.broadcast %add3A_676 : i32 to vector<16xi32>
    %add3A_678 = arith.addi %add3A_677, %gather3A_626 : vector<16xi32>
    tpu.vector_store_idx %arg6[%add3A_675], %add3A_678 : memref<800xi32, #tpu.memory_space<vmem>>[vector<16xi32>], vector<16xi32>,
    %mul3A_679 = arith.constant 25 : i32
    %mul3A_680 = vector.broadcast %mul3A_679 : i32 to vector<16xi32>
    %mul3A_681 = arith.muli %shift_right_logical3A_400, %mul3A_680 : vector<16xi32>
    %add3A_682 = arith.constant 19 : i32
    %add3A_683 = vector.broadcast %add3A_682 : i32 to vector<16xi32>
    %add3A_684 = arith.addi %mul3A_681, %add3A_683 : vector<16xi32>
    %mul3A_685 = arith.constant 16 : i32
    %mul3A_686 = vector.broadcast %mul3A_685 : i32 to vector<16xi32>
    %mul3A_687 = arith.muli %add3A_684, %mul3A_686 : vector<16xi32>
    %add3A_688 = arith.addi %mul3A_687, %and3A_403 : vector<16xi32>
    %add3A_689 = arith.constant 4096 : i32
    %add3A_690 = vector.broadcast %add3A_689 : i32 to vector<16xi32>
    %add3A_691 = arith.addi %add3A_690, %gather3A_626 : vector<16xi32>
    tpu.vector_store_idx %arg6[%add3A_688], %add3A_691 : memref<800xi32, #tpu.memory_space<vmem>>[vector<16xi32>], vector<16xi32>,
    %mul3A_692 = arith.constant 5 : i32
    %mul3A_693 = vector.broadcast %mul3A_692 : i32 to vector<16xi32>
    %mul3A_694 = arith.muli %mul3A_693, %add3A_397 : vector<16xi32>
    %add3A_695 = arith.constant 4 : i32
    %add3A_696 = vector.broadcast %add3A_695 : i32 to vector<16xi32>
    %add3A_697 = arith.addi %mul3A_694, %add3A_696 : vector<16xi32>
    %gather3A_698 = tpu.vector_load_idx %arg5[%add3A_697] : memref<160xi32, #tpu.memory_space<vmem>>[vector<16xi32>], vector<16xi32>,
    %mul3A_699 = arith.constant 25 : i32
    %mul3A_700 = vector.broadcast %mul3A_699 : i32 to vector<16xi32>
    %mul3A_701 = arith.muli %shift_right_logical3A_400, %mul3A_700 : vector<16xi32>
    %add3A_702 = arith.constant 20 : i32
    %add3A_703 = vector.broadcast %add3A_702 : i32 to vector<16xi32>
    %add3A_704 = arith.addi %mul3A_701, %add3A_703 : vector<16xi32>
    %mul3A_705 = arith.constant 16 : i32
    %mul3A_706 = vector.broadcast %mul3A_705 : i32 to vector<16xi32>
    %mul3A_707 = arith.muli %add3A_704, %mul3A_706 : vector<16xi32>
    %add3A_708 = arith.addi %mul3A_707, %and3A_403 : vector<16xi32>
    %add3A_709 = arith.constant 0 : i32
    %add3A_710 = vector.broadcast %add3A_709 : i32 to vector<16xi32>
    %add3A_711 = arith.addi %add3A_710, %gather3A_698 : vector<16xi32>
    tpu.vector_store_idx %arg6[%add3A_708], %add3A_711 : memref<800xi32, #tpu.memory_space<vmem>>[vector<16xi32>], vector<16xi32>,
    %mul3A_712 = arith.constant 25 : i32
    %mul3A_713 = vector.broadcast %mul3A_712 : i32 to vector<16xi32>
    %mul3A_714 = arith.muli %shift_right_logical3A_400, %mul3A_713 : vector<16xi32>
    %add3A_715 = arith.constant 21 : i32
    %add3A_716 = vector.broadcast %add3A_715 : i32 to vector<16xi32>
    %add3A_717 = arith.addi %mul3A_714, %add3A_716 : vector<16xi32>
    %mul3A_718 = arith.constant 16 : i32
    %mul3A_719 = vector.broadcast %mul3A_718 : i32 to vector<16xi32>
    %mul3A_720 = arith.muli %add3A_717, %mul3A_719 : vector<16xi32>
    %add3A_721 = arith.addi %mul3A_720, %and3A_403 : vector<16xi32>
    %add3A_722 = arith.constant 1024 : i32
    %add3A_723 = vector.broadcast %add3A_722 : i32 to vector<16xi32>
    %add3A_724 = arith.addi %add3A_723, %gather3A_698 : vector<16xi32>
    tpu.vector_store_idx %arg6[%add3A_721], %add3A_724 : memref<800xi32, #tpu.memory_space<vmem>>[vector<16xi32>], vector<16xi32>,
    %mul3A_725 = arith.constant 25 : i32
    %mul3A_726 = vector.broadcast %mul3A_725 : i32 to vector<16xi32>
    %mul3A_727 = arith.muli %shift_right_logical3A_400, %mul3A_726 : vector<16xi32>
    %add3A_728 = arith.constant 22 : i32
    %add3A_729 = vector.broadcast %add3A_728 : i32 to vector<16xi32>
    %add3A_730 = arith.addi %mul3A_727, %add3A_729 : vector<16xi32>
    %mul3A_731 = arith.constant 16 : i32
    %mul3A_732 = vector.broadcast %mul3A_731 : i32 to vector<16xi32>
    %mul3A_733 = arith.muli %add3A_730, %mul3A_732 : vector<16xi32>
    %add3A_734 = arith.addi %mul3A_733, %and3A_403 : vector<16xi32>
    %add3A_735 = arith.constant 2048 : i32
    %add3A_736 = vector.broadcast %add3A_735 : i32 to vector<16xi32>
    %add3A_737 = arith.addi %add3A_736, %gather3A_698 : vector<16xi32>
    tpu.vector_store_idx %arg6[%add3A_734], %add3A_737 : memref<800xi32, #tpu.memory_space<vmem>>[vector<16xi32>], vector<16xi32>,
    %mul3A_738 = arith.constant 25 : i32
    %mul3A_739 = vector.broadcast %mul3A_738 : i32 to vector<16xi32>
    %mul3A_740 = arith.muli %shift_right_logical3A_400, %mul3A_739 : vector<16xi32>
    %add3A_741 = arith.constant 23 : i32
    %add3A_742 = vector.broadcast %add3A_741 : i32 to vector<16xi32>
    %add3A_743 = arith.addi %mul3A_740, %add3A_742 : vector<16xi32>
    %mul3A_744 = arith.constant 16 : i32
    %mul3A_745 = vector.broadcast %mul3A_744 : i32 to vector<16xi32>
    %mul3A_746 = arith.muli %add3A_743, %mul3A_745 : vector<16xi32>
    %add3A_747 = arith.addi %mul3A_746, %and3A_403 : vector<16xi32>
    %add3A_748 = arith.constant 3072 : i32
    %add3A_749 = vector.broadcast %add3A_748 : i32 to vector<16xi32>
    %add3A_750 = arith.addi %add3A_749, %gather3A_698 : vector<16xi32>
    tpu.vector_store_idx %arg6[%add3A_747], %add3A_750 : memref<800xi32, #tpu.memory_space<vmem>>[vector<16xi32>], vector<16xi32>,
    %mul3A_751 = arith.constant 25 : i32
    %mul3A_752 = vector.broadcast %mul3A_751 : i32 to vector<16xi32>
    %mul3A_753 = arith.muli %shift_right_logical3A_400, %mul3A_752 : vector<16xi32>
    %add3A_754 = arith.constant 24 : i32
    %add3A_755 = vector.broadcast %add3A_754 : i32 to vector<16xi32>
    %add3A_756 = arith.addi %mul3A_753, %add3A_755 : vector<16xi32>
    %mul3A_757 = arith.constant 16 : i32
    %mul3A_758 = vector.broadcast %mul3A_757 : i32 to vector<16xi32>
    %mul3A_759 = arith.muli %add3A_756, %mul3A_758 : vector<16xi32>
    %add3A_760 = arith.addi %mul3A_759, %and3A_403 : vector<16xi32>
    %add3A_761 = arith.constant 4096 : i32
    %add3A_762 = vector.broadcast %add3A_761 : i32 to vector<16xi32>
    %add3A_763 = arith.addi %add3A_762, %gather3A_698 : vector<16xi32>
    tpu.vector_store_idx %arg6[%add3A_760], %add3A_763 : memref<800xi32, #tpu.memory_space<vmem>>[vector<16xi32>], vector<16xi32>,
    %dma_wait3A = arith.constant 0 : i32
    %dma_wait3A_764 = tpu.memref_slice %arg6[%dma_wait3A] : memref<800xi32, #tpu.memory_space<vmem>> -> memref<32xi32, #tpu.memory_space<vmem>>
    %dma_wait3A_765 = arith.constant 0 : i32
    %dma_wait3A_766 = arith.constant 0 : i32
    %dma_wait3A_767 = tpu.memref_slice %arg2[%dma_wait3A_765, %dma_wait3A_766] : memref<5120x768xf32, #tpu.memory_space<hbm>> -> memref<5120x768xf32, #tpu.memory_space<hbm>>
    tpu.wait_indirect_dma semaphore(%arg12 : memref<!tpu.dma_semaphore, #tpu.memory_space<semaphore_mem>>) src(%dma_wait3A_767 : memref<5120x768xf32, #tpu.memory_space<hbm>>) dst(%arg7 : memref<32x768xf32, #tpu.memory_space<vmem>>)
    %add3A_768 = arith.constant 0 : i32
    %add3A_769 = arith.addi %mul3A_4, %add3A_768 : i32
    %dma_start3A_770 = arith.constant 0 : i32
    %dma_start3A_771 = arith.constant 0 : i32
    %dma_start3A_772 = arith.constant 0 : i32
    %dma_start3A_773 = arith.constant 0 : i32
    %dma_start3A_774 = tpu.memref_slice %arg7[%dma_start3A_772, %dma_start3A_773] : memref<32x768xf32, #tpu.memory_space<vmem>> -> memref<16x768xf32, #tpu.memory_space<vmem>>
    %dma_start3A_775 = arith.constant 0 : i32
    %dma_start3A_776 = tpu.memref_slice %arg4[%dma_start3A_770, %dma_start3A_771, %add3A_769, %dma_start3A_775] : memref<5x5x1024x768xf32, #tpu.memory_space<hbm>> -> memref<1x1x16x768xf32, #tpu.memory_space<hbm>>
    %dma_start3A_777 = tpu.memref_squeeze %dma_start3A_776 : memref<1x1x16x768xf32, #tpu.memory_space<hbm>> -> memref<16x768xf32, #tpu.memory_space<hbm>>
    %dma_start3A_778 = arith.constant 0 : i32
    %dma_start3A_779 = tpu.memref_slice %arg4[%dma_start3A_770, %dma_start3A_771, %add3A_769, %dma_start3A_778] : memref<5x5x1024x768xf32, #tpu.memory_space<hbm>> -> memref<1x1x16x768xf32, #tpu.memory_space<hbm>>
    %dma_start3A_780 = tpu.memref_squeeze %dma_start3A_779 : memref<1x1x16x768xf32, #tpu.memory_space<hbm>> -> memref<16x768xf32, #tpu.memory_space<hbm>>
    %dma_start3A_781 = arith.constant 0 : i32
    %dma_start3A_782 = arith.constant 0 : i32
    %dma_start3A_783 = tpu.memref_slice %arg7[%dma_start3A_781, %dma_start3A_782] : memref<32x768xf32, #tpu.memory_space<vmem>> -> memref<16x768xf32, #tpu.memory_space<vmem>>
    tpu.enqueue_dma source(%dma_start3A_783 : memref<16x768xf32, #tpu.memory_space<vmem>>) target(%dma_start3A_780 : memref<16x768xf32, #tpu.memory_space<hbm>>) target_semaphore(%arg17 : memref<!tpu.dma_semaphore, #tpu.memory_space<semaphore_mem>>)
    %add3A_784 = arith.constant 0 : i32
    %add3A_785 = arith.addi %mul3A_4, %add3A_784 : i32
    %dma_start3A_786 = arith.constant 0 : i32
    %dma_start3A_787 = arith.constant 1 : i32
    %dma_start3A_788 = arith.constant 16 : i32
    %dma_start3A_789 = arith.constant 0 : i32
    %dma_start3A_790 = tpu.memref_slice %arg7[%dma_start3A_788, %dma_start3A_789] : memref<32x768xf32, #tpu.memory_space<vmem>> -> memref<16x768xf32, #tpu.memory_space<vmem>>
    %dma_start3A_791 = arith.constant 0 : i32
    %dma_start3A_792 = tpu.memref_slice %arg4[%dma_start3A_786, %dma_start3A_787, %add3A_785, %dma_start3A_791] : memref<5x5x1024x768xf32, #tpu.memory_space<hbm>> -> memref<1x1x16x768xf32, #tpu.memory_space<hbm>>
    %dma_start3A_793 = tpu.memref_squeeze %dma_start3A_792 : memref<1x1x16x768xf32, #tpu.memory_space<hbm>> -> memref<16x768xf32, #tpu.memory_space<hbm>>
    %dma_start3A_794 = arith.constant 0 : i32
    %dma_start3A_795 = tpu.memref_slice %arg4[%dma_start3A_786, %dma_start3A_787, %add3A_785, %dma_start3A_794] : memref<5x5x1024x768xf32, #tpu.memory_space<hbm>> -> memref<1x1x16x768xf32, #tpu.memory_space<hbm>>
    %dma_start3A_796 = tpu.memref_squeeze %dma_start3A_795 : memref<1x1x16x768xf32, #tpu.memory_space<hbm>> -> memref<16x768xf32, #tpu.memory_space<hbm>>
    %dma_start3A_797 = arith.constant 16 : i32
    %dma_start3A_798 = arith.constant 0 : i32
    %dma_start3A_799 = tpu.memref_slice %arg7[%dma_start3A_797, %dma_start3A_798] : memref<32x768xf32, #tpu.memory_space<vmem>> -> memref<16x768xf32, #tpu.memory_space<vmem>>
    tpu.enqueue_dma source(%dma_start3A_799 : memref<16x768xf32, #tpu.memory_space<vmem>>) target(%dma_start3A_796 : memref<16x768xf32, #tpu.memory_space<hbm>>) target_semaphore(%arg17 : memref<!tpu.dma_semaphore, #tpu.memory_space<semaphore_mem>>)
    %dma_wait3A_800 = arith.constant 0 : i32
    %dma_wait3A_801 = arith.constant 0 : i32
    %dma_wait3A_802 = arith.constant 0 : i32
    %dma_wait3A_803 = arith.constant 0 : i32
    %dma_wait3A_804 = tpu.memref_slice %arg7[%dma_wait3A_802, %dma_wait3A_803] : memref<32x768xf32, #tpu.memory_space<vmem>> -> memref<16x768xf32, #tpu.memory_space<vmem>>
    %dma_wait3A_805 = arith.constant 0 : i32
    %dma_wait3A_806 = tpu.memref_slice %arg4[%dma_wait3A_800, %dma_wait3A_801, %add3A_769, %dma_wait3A_805] : memref<5x5x1024x768xf32, #tpu.memory_space<hbm>> -> memref<1x1x16x768xf32, #tpu.memory_space<hbm>>
    %dma_wait3A_807 = tpu.memref_squeeze %dma_wait3A_806 : memref<1x1x16x768xf32, #tpu.memory_space<hbm>> -> memref<16x768xf32, #tpu.memory_space<hbm>>
    %dma_wait3A_808 = arith.constant 0 : i32
    %dma_wait3A_809 = tpu.memref_slice %arg4[%dma_wait3A_800, %dma_wait3A_801, %add3A_769, %dma_wait3A_808] : memref<5x5x1024x768xf32, #tpu.memory_space<hbm>> -> memref<1x1x16x768xf32, #tpu.memory_space<hbm>>
    %dma_wait3A_810 = tpu.memref_squeeze %dma_wait3A_809 : memref<1x1x16x768xf32, #tpu.memory_space<hbm>> -> memref<16x768xf32, #tpu.memory_space<hbm>>
    %dma_wait3A_811 = arith.constant 0 : i32
    %dma_wait3A_812 = arith.constant 0 : i32
    %dma_wait3A_813 = tpu.memref_slice %arg7[%dma_wait3A_811, %dma_wait3A_812] : memref<32x768xf32, #tpu.memory_space<vmem>> -> memref<16x768xf32, #tpu.memory_space<vmem>>
    tpu.wait_dma2 semaphore(%arg17 : memref<!tpu.dma_semaphore, #tpu.memory_space<semaphore_mem>>) src(%dma_wait3A_813 : memref<16x768xf32, #tpu.memory_space<vmem>>) dst(%dma_wait3A_810 : memref<16x768xf32, #tpu.memory_space<hbm>>)
    %dma_wait3A_814 = arith.constant 0 : i32
    %dma_wait3A_815 = arith.constant 1 : i32
    %dma_wait3A_816 = arith.constant 16 : i32
    %dma_wait3A_817 = arith.constant 0 : i32
    %dma_wait3A_818 = tpu.memref_slice %arg7[%dma_wait3A_816, %dma_wait3A_817] : memref<32x768xf32, #tpu.memory_space<vmem>> -> memref<16x768xf32, #tpu.memory_space<vmem>>
    %dma_wait3A_819 = arith.constant 0 : i32
    %dma_wait3A_820 = tpu.memref_slice %arg4[%dma_wait3A_814, %dma_wait3A_815, %add3A_785, %dma_wait3A_819] : memref<5x5x1024x768xf32, #tpu.memory_space<hbm>> -> memref<1x1x16x768xf32, #tpu.memory_space<hbm>>
    %dma_wait3A_821 = tpu.memref_squeeze %dma_wait3A_820 : memref<1x1x16x768xf32, #tpu.memory_space<hbm>> -> memref<16x768xf32, #tpu.memory_space<hbm>>
    %dma_wait3A_822 = arith.constant 0 : i32
    %dma_wait3A_823 = tpu.memref_slice %arg4[%dma_wait3A_814, %dma_wait3A_815, %add3A_785, %dma_wait3A_822] : memref<5x5x1024x768xf32, #tpu.memory_space<hbm>> -> memref<1x1x16x768xf32, #tpu.memory_space<hbm>>
    %dma_wait3A_824 = tpu.memref_squeeze %dma_wait3A_823 : memref<1x1x16x768xf32, #tpu.memory_space<hbm>> -> memref<16x768xf32, #tpu.memory_space<hbm>>
    %dma_wait3A_825 = arith.constant 16 : i32
    %dma_wait3A_826 = arith.constant 0 : i32
    %dma_wait3A_827 = tpu.memref_slice %arg7[%dma_wait3A_825, %dma_wait3A_826] : memref<32x768xf32, #tpu.memory_space<vmem>> -> memref<16x768xf32, #tpu.memory_space<vmem>>
    tpu.wait_dma2 semaphore(%arg17 : memref<!tpu.dma_semaphore, #tpu.memory_space<semaphore_mem>>) src(%dma_wait3A_827 : memref<16x768xf32, #tpu.memory_space<vmem>>) dst(%dma_wait3A_824 : memref<16x768xf32, #tpu.memory_space<hbm>>)
    %dma_start3A_828 = arith.constant 160 : i32
    %dma_start3A_829 = tpu.memref_slice %arg6[%dma_start3A_828] : memref<800xi32, #tpu.memory_space<vmem>> -> memref<32xi32, #tpu.memory_space<vmem>>
    %dma_start3A_830 = arith.constant 0 : i32
    %dma_start3A_831 = arith.constant 0 : i32
    %dma_start3A_832 = tpu.memref_slice %arg2[%dma_start3A_830, %dma_start3A_831] : memref<5120x768xf32, #tpu.memory_space<hbm>> -> memref<5120x768xf32, #tpu.memory_space<hbm>>
    tpu.enqueue_indirect_dma source(%dma_start3A_832 : memref<5120x768xf32, #tpu.memory_space<hbm>>) target(%arg7 : memref<32x768xf32, #tpu.memory_space<vmem>>) offsets(%dma_start3A_829 : memref<32xi32, #tpu.memory_space<vmem>>) semaphore(%arg12 : memref<!tpu.dma_semaphore, #tpu.memory_space<semaphore_mem>>)
    %dma_wait3A_833 = arith.constant 32 : i32
    %dma_wait3A_834 = tpu.memref_slice %arg6[%dma_wait3A_833] : memref<800xi32, #tpu.memory_space<vmem>> -> memref<32xi32, #tpu.memory_space<vmem>>
    %dma_wait3A_835 = arith.constant 0 : i32
    %dma_wait3A_836 = arith.constant 0 : i32
    %dma_wait3A_837 = tpu.memref_slice %arg2[%dma_wait3A_835, %dma_wait3A_836] : memref<5120x768xf32, #tpu.memory_space<hbm>> -> memref<5120x768xf32, #tpu.memory_space<hbm>>
    tpu.wait_indirect_dma semaphore(%arg13 : memref<!tpu.dma_semaphore, #tpu.memory_space<semaphore_mem>>) src(%dma_wait3A_837 : memref<5120x768xf32, #tpu.memory_space<hbm>>) dst(%arg8 : memref<32x768xf32, #tpu.memory_space<vmem>>)
    %add3A_838 = arith.constant 0 : i32
    %add3A_839 = arith.addi %mul3A_4, %add3A_838 : i32
    %dma_start3A_840 = arith.constant 0 : i32
    %dma_start3A_841 = arith.constant 2 : i32
    %dma_start3A_842 = arith.constant 0 : i32
    %dma_start3A_843 = arith.constant 0 : i32
    %dma_start3A_844 = tpu.memref_slice %arg8[%dma_start3A_842, %dma_start3A_843] : memref<32x768xf32, #tpu.memory_space<vmem>> -> memref<16x768xf32, #tpu.memory_space<vmem>>
    %dma_start3A_845 = arith.constant 0 : i32
    %dma_start3A_846 = tpu.memref_slice %arg4[%dma_start3A_840, %dma_start3A_841, %add3A_839, %dma_start3A_845] : memref<5x5x1024x768xf32, #tpu.memory_space<hbm>> -> memref<1x1x16x768xf32, #tpu.memory_space<hbm>>
    %dma_start3A_847 = tpu.memref_squeeze %dma_start3A_846 : memref<1x1x16x768xf32, #tpu.memory_space<hbm>> -> memref<16x768xf32, #tpu.memory_space<hbm>>
    %dma_start3A_848 = arith.constant 0 : i32
    %dma_start3A_849 = tpu.memref_slice %arg4[%dma_start3A_840, %dma_start3A_841, %add3A_839, %dma_start3A_848] : memref<5x5x1024x768xf32, #tpu.memory_space<hbm>> -> memref<1x1x16x768xf32, #tpu.memory_space<hbm>>
    %dma_start3A_850 = tpu.memref_squeeze %dma_start3A_849 : memref<1x1x16x768xf32, #tpu.memory_space<hbm>> -> memref<16x768xf32, #tpu.memory_space<hbm>>
    %dma_start3A_851 = arith.constant 0 : i32
    %dma_start3A_852 = arith.constant 0 : i32
    %dma_start3A_853 = tpu.memref_slice %arg8[%dma_start3A_851, %dma_start3A_852] : memref<32x768xf32, #tpu.memory_space<vmem>> -> memref<16x768xf32, #tpu.memory_space<vmem>>
    tpu.enqueue_dma source(%dma_start3A_853 : memref<16x768xf32, #tpu.memory_space<vmem>>) target(%dma_start3A_850 : memref<16x768xf32, #tpu.memory_space<hbm>>) target_semaphore(%arg18 : memref<!tpu.dma_semaphore, #tpu.memory_space<semaphore_mem>>)
    %add3A_854 = arith.constant 0 : i32
    %add3A_855 = arith.addi %mul3A_4, %add3A_854 : i32
    %dma_start3A_856 = arith.constant 0 : i32
    %dma_start3A_857 = arith.constant 3 : i32
    %dma_start3A_858 = arith.constant 16 : i32
    %dma_start3A_859 = arith.constant 0 : i32
    %dma_start3A_860 = tpu.memref_slice %arg8[%dma_start3A_858, %dma_start3A_859] : memref<32x768xf32, #tpu.memory_space<vmem>> -> memref<16x768xf32, #tpu.memory_space<vmem>>
    %dma_start3A_861 = arith.constant 0 : i32
    %dma_start3A_862 = tpu.memref_slice %arg4[%dma_start3A_856, %dma_start3A_857, %add3A_855, %dma_start3A_861] : memref<5x5x1024x768xf32, #tpu.memory_space<hbm>> -> memref<1x1x16x768xf32, #tpu.memory_space<hbm>>
    %dma_start3A_863 = tpu.memref_squeeze %dma_start3A_862 : memref<1x1x16x768xf32, #tpu.memory_space<hbm>> -> memref<16x768xf32, #tpu.memory_space<hbm>>
    %dma_start3A_864 = arith.constant 0 : i32
    %dma_start3A_865 = tpu.memref_slice %arg4[%dma_start3A_856, %dma_start3A_857, %add3A_855, %dma_start3A_864] : memref<5x5x1024x768xf32, #tpu.memory_space<hbm>> -> memref<1x1x16x768xf32, #tpu.memory_space<hbm>>
    %dma_start3A_866 = tpu.memref_squeeze %dma_start3A_865 : memref<1x1x16x768xf32, #tpu.memory_space<hbm>> -> memref<16x768xf32, #tpu.memory_space<hbm>>
    %dma_start3A_867 = arith.constant 16 : i32
    %dma_start3A_868 = arith.constant 0 : i32
    %dma_start3A_869 = tpu.memref_slice %arg8[%dma_start3A_867, %dma_start3A_868] : memref<32x768xf32, #tpu.memory_space<vmem>> -> memref<16x768xf32, #tpu.memory_space<vmem>>
    tpu.enqueue_dma source(%dma_start3A_869 : memref<16x768xf32, #tpu.memory_space<vmem>>) target(%dma_start3A_866 : memref<16x768xf32, #tpu.memory_space<hbm>>) target_semaphore(%arg18 : memref<!tpu.dma_semaphore, #tpu.memory_space<semaphore_mem>>)
    %dma_wait3A_870 = arith.constant 0 : i32
    %dma_wait3A_871 = arith.constant 2 : i32
    %dma_wait3A_872 = arith.constant 0 : i32
    %dma_wait3A_873 = arith.constant 0 : i32
    %dma_wait3A_874 = tpu.memref_slice %arg8[%dma_wait3A_872, %dma_wait3A_873] : memref<32x768xf32, #tpu.memory_space<vmem>> -> memref<16x768xf32, #tpu.memory_space<vmem>>
    %dma_wait3A_875 = arith.constant 0 : i32
    %dma_wait3A_876 = tpu.memref_slice %arg4[%dma_wait3A_870, %dma_wait3A_871, %add3A_839, %dma_wait3A_875] : memref<5x5x1024x768xf32, #tpu.memory_space<hbm>> -> memref<1x1x16x768xf32, #tpu.memory_space<hbm>>
    %dma_wait3A_877 = tpu.memref_squeeze %dma_wait3A_876 : memref<1x1x16x768xf32, #tpu.memory_space<hbm>> -> memref<16x768xf32, #tpu.memory_space<hbm>>
    %dma_wait3A_878 = arith.constant 0 : i32
    %dma_wait3A_879 = tpu.memref_slice %arg4[%dma_wait3A_870, %dma_wait3A_871, %add3A_839, %dma_wait3A_878] : memref<5x5x1024x768xf32, #tpu.memory_space<hbm>> -> memref<1x1x16x768xf32, #tpu.memory_space<hbm>>
    %dma_wait3A_880 = tpu.memref_squeeze %dma_wait3A_879 : memref<1x1x16x768xf32, #tpu.memory_space<hbm>> -> memref<16x768xf32, #tpu.memory_space<hbm>>
    %dma_wait3A_881 = arith.constant 0 : i32
    %dma_wait3A_882 = arith.constant 0 : i32
    %dma_wait3A_883 = tpu.memref_slice %arg8[%dma_wait3A_881, %dma_wait3A_882] : memref<32x768xf32, #tpu.memory_space<vmem>> -> memref<16x768xf32, #tpu.memory_space<vmem>>
    tpu.wait_dma2 semaphore(%arg18 : memref<!tpu.dma_semaphore, #tpu.memory_space<semaphore_mem>>) src(%dma_wait3A_883 : memref<16x768xf32, #tpu.memory_space<vmem>>) dst(%dma_wait3A_880 : memref<16x768xf32, #tpu.memory_space<hbm>>)
    %dma_wait3A_884 = arith.constant 0 : i32
    %dma_wait3A_885 = arith.constant 3 : i32
    %dma_wait3A_886 = arith.constant 16 : i32
    %dma_wait3A_887 = arith.constant 0 : i32
    %dma_wait3A_888 = tpu.memref_slice %arg8[%dma_wait3A_886, %dma_wait3A_887] : memref<32x768xf32, #tpu.memory_space<vmem>> -> memref<16x768xf32, #tpu.memory_space<vmem>>
    %dma_wait3A_889 = arith.constant 0 : i32
    %dma_wait3A_890 = tpu.memref_slice %arg4[%dma_wait3A_884, %dma_wait3A_885, %add3A_855, %dma_wait3A_889] : memref<5x5x1024x768xf32, #tpu.memory_space<hbm>> -> memref<1x1x16x768xf32, #tpu.memory_space<hbm>>
    %dma_wait3A_891 = tpu.memref_squeeze %dma_wait3A_890 : memref<1x1x16x768xf32, #tpu.memory_space<hbm>> -> memref<16x768xf32, #tpu.memory_space<hbm>>
    %dma_wait3A_892 = arith.constant 0 : i32
    %dma_wait3A_893 = tpu.memref_slice %arg4[%dma_wait3A_884, %dma_wait3A_885, %add3A_855, %dma_wait3A_892] : memref<5x5x1024x768xf32, #tpu.memory_space<hbm>> -> memref<1x1x16x768xf32, #tpu.memory_space<hbm>>
    %dma_wait3A_894 = tpu.memref_squeeze %dma_wait3A_893 : memref<1x1x16x768xf32, #tpu.memory_space<hbm>> -> memref<16x768xf32, #tpu.memory_space<hbm>>
    %dma_wait3A_895 = arith.constant 16 : i32
    %dma_wait3A_896 = arith.constant 0 : i32
    %dma_wait3A_897 = tpu.memref_slice %arg8[%dma_wait3A_895, %dma_wait3A_896] : memref<32x768xf32, #tpu.memory_space<vmem>> -> memref<16x768xf32, #tpu.memory_space<vmem>>
    tpu.wait_dma2 semaphore(%arg18 : memref<!tpu.dma_semaphore, #tpu.memory_space<semaphore_mem>>) src(%dma_wait3A_897 : memref<16x768xf32, #tpu.memory_space<vmem>>) dst(%dma_wait3A_894 : memref<16x768xf32, #tpu.memory_space<hbm>>)
    %dma_start3A_898 = arith.constant 192 : i32
    %dma_start3A_899 = tpu.memref_slice %arg6[%dma_start3A_898] : memref<800xi32, #tpu.memory_space<vmem>> -> memref<32xi32, #tpu.memory_space<vmem>>
    %dma_start3A_900 = arith.constant 0 : i32
    %dma_start3A_901 = arith.constant 0 : i32
    %dma_start3A_902 = tpu.memref_slice %arg2[%dma_start3A_900, %dma_start3A_901] : memref<5120x768xf32, #tpu.memory_space<hbm>> -> memref<5120x768xf32, #tpu.memory_space<hbm>>
    tpu.enqueue_indirect_dma source(%dma_start3A_902 : memref<5120x768xf32, #tpu.memory_space<hbm>>) target(%arg8 : memref<32x768xf32, #tpu.memory_space<vmem>>) offsets(%dma_start3A_899 : memref<32xi32, #tpu.memory_space<vmem>>) semaphore(%arg13 : memref<!tpu.dma_semaphore, #tpu.memory_space<semaphore_mem>>)
    %dma_wait3A_903 = arith.constant 64 : i32
    %dma_wait3A_904 = tpu.memref_slice %arg6[%dma_wait3A_903] : memref<800xi32, #tpu.memory_space<vmem>> -> memref<32xi32, #tpu.memory_space<vmem>>
    %dma_wait3A_905 = arith.constant 0 : i32
    %dma_wait3A_906 = arith.constant 0 : i32
    %dma_wait3A_907 = tpu.memref_slice %arg2[%dma_wait3A_905, %dma_wait3A_906] : memref<5120x768xf32, #tpu.memory_space<hbm>> -> memref<5120x768xf32, #tpu.memory_space<hbm>>
    tpu.wait_indirect_dma semaphore(%arg14 : memref<!tpu.dma_semaphore, #tpu.memory_space<semaphore_mem>>) src(%dma_wait3A_907 : memref<5120x768xf32, #tpu.memory_space<hbm>>) dst(%arg9 : memref<32x768xf32, #tpu.memory_space<vmem>>)
    %add3A_908 = arith.constant 0 : i32
    %add3A_909 = arith.addi %mul3A_4, %add3A_908 : i32
    %dma_start3A_910 = arith.constant 0 : i32
    %dma_start3A_911 = arith.constant 4 : i32
    %dma_start3A_912 = arith.constant 0 : i32
    %dma_start3A_913 = arith.constant 0 : i32
    %dma_start3A_914 = tpu.memref_slice %arg9[%dma_start3A_912, %dma_start3A_913] : memref<32x768xf32, #tpu.memory_space<vmem>> -> memref<16x768xf32, #tpu.memory_space<vmem>>
    %dma_start3A_915 = arith.constant 0 : i32
    %dma_start3A_916 = tpu.memref_slice %arg4[%dma_start3A_910, %dma_start3A_911, %add3A_909, %dma_start3A_915] : memref<5x5x1024x768xf32, #tpu.memory_space<hbm>> -> memref<1x1x16x768xf32, #tpu.memory_space<hbm>>
    %dma_start3A_917 = tpu.memref_squeeze %dma_start3A_916 : memref<1x1x16x768xf32, #tpu.memory_space<hbm>> -> memref<16x768xf32, #tpu.memory_space<hbm>>
    %dma_start3A_918 = arith.constant 0 : i32
    %dma_start3A_919 = tpu.memref_slice %arg4[%dma_start3A_910, %dma_start3A_911, %add3A_909, %dma_start3A_918] : memref<5x5x1024x768xf32, #tpu.memory_space<hbm>> -> memref<1x1x16x768xf32, #tpu.memory_space<hbm>>
    %dma_start3A_920 = tpu.memref_squeeze %dma_start3A_919 : memref<1x1x16x768xf32, #tpu.memory_space<hbm>> -> memref<16x768xf32, #tpu.memory_space<hbm>>
    %dma_start3A_921 = arith.constant 0 : i32
    %dma_start3A_922 = arith.constant 0 : i32
    %dma_start3A_923 = tpu.memref_slice %arg9[%dma_start3A_921, %dma_start3A_922] : memref<32x768xf32, #tpu.memory_space<vmem>> -> memref<16x768xf32, #tpu.memory_space<vmem>>
    tpu.enqueue_dma source(%dma_start3A_923 : memref<16x768xf32, #tpu.memory_space<vmem>>) target(%dma_start3A_920 : memref<16x768xf32, #tpu.memory_space<hbm>>) target_semaphore(%arg19 : memref<!tpu.dma_semaphore, #tpu.memory_space<semaphore_mem>>)
    %add3A_924 = arith.constant 0 : i32
    %add3A_925 = arith.addi %mul3A_4, %add3A_924 : i32
    %dma_start3A_926 = arith.constant 1 : i32
    %dma_start3A_927 = arith.constant 0 : i32
    %dma_start3A_928 = arith.constant 16 : i32
    %dma_start3A_929 = arith.constant 0 : i32
    %dma_start3A_930 = tpu.memref_slice %arg9[%dma_start3A_928, %dma_start3A_929] : memref<32x768xf32, #tpu.memory_space<vmem>> -> memref<16x768xf32, #tpu.memory_space<vmem>>
    %dma_start3A_931 = arith.constant 0 : i32
    %dma_start3A_932 = tpu.memref_slice %arg4[%dma_start3A_926, %dma_start3A_927, %add3A_925, %dma_start3A_931] : memref<5x5x1024x768xf32, #tpu.memory_space<hbm>> -> memref<1x1x16x768xf32, #tpu.memory_space<hbm>>
    %dma_start3A_933 = tpu.memref_squeeze %dma_start3A_932 : memref<1x1x16x768xf32, #tpu.memory_space<hbm>> -> memref<16x768xf32, #tpu.memory_space<hbm>>
    %dma_start3A_934 = arith.constant 0 : i32
    %dma_start3A_935 = tpu.memref_slice %arg4[%dma_start3A_926, %dma_start3A_927, %add3A_925, %dma_start3A_934] : memref<5x5x1024x768xf32, #tpu.memory_space<hbm>> -> memref<1x1x16x768xf32, #tpu.memory_space<hbm>>
    %dma_start3A_936 = tpu.memref_squeeze %dma_start3A_935 : memref<1x1x16x768xf32, #tpu.memory_space<hbm>> -> memref<16x768xf32, #tpu.memory_space<hbm>>
    %dma_start3A_937 = arith.constant 16 : i32
    %dma_start3A_938 = arith.constant 0 : i32
    %dma_start3A_939 = tpu.memref_slice %arg9[%dma_start3A_937, %dma_start3A_938] : memref<32x768xf32, #tpu.memory_space<vmem>> -> memref<16x768xf32, #tpu.memory_space<vmem>>
    tpu.enqueue_dma source(%dma_start3A_939 : memref<16x768xf32, #tpu.memory_space<vmem>>) target(%dma_start3A_936 : memref<16x768xf32, #tpu.memory_space<hbm>>) target_semaphore(%arg19 : memref<!tpu.dma_semaphore, #tpu.memory_space<semaphore_mem>>)
    %dma_wait3A_940 = arith.constant 0 : i32
    %dma_wait3A_941 = arith.constant 4 : i32
    %dma_wait3A_942 = arith.constant 0 : i32
    %dma_wait3A_943 = arith.constant 0 : i32
    %dma_wait3A_944 = tpu.memref_slice %arg9[%dma_wait3A_942, %dma_wait3A_943] : memref<32x768xf32, #tpu.memory_space<vmem>> -> memref<16x768xf32, #tpu.memory_space<vmem>>
    %dma_wait3A_945 = arith.constant 0 : i32
    %dma_wait3A_946 = tpu.memref_slice %arg4[%dma_wait3A_940, %dma_wait3A_941, %add3A_909, %dma_wait3A_945] : memref<5x5x1024x768xf32, #tpu.memory_space<hbm>> -> memref<1x1x16x768xf32, #tpu.memory_space<hbm>>
    %dma_wait3A_947 = tpu.memref_squeeze %dma_wait3A_946 : memref<1x1x16x768xf32, #tpu.memory_space<hbm>> -> memref<16x768xf32, #tpu.memory_space<hbm>>
    %dma_wait3A_948 = arith.constant 0 : i32
    %dma_wait3A_949 = tpu.memref_slice %arg4[%dma_wait3A_940, %dma_wait3A_941, %add3A_909, %dma_wait3A_948] : memref<5x5x1024x768xf32, #tpu.memory_space<hbm>> -> memref<1x1x16x768xf32, #tpu.memory_space<hbm>>
    %dma_wait3A_950 = tpu.memref_squeeze %dma_wait3A_949 : memref<1x1x16x768xf32, #tpu.memory_space<hbm>> -> memref<16x768xf32, #tpu.memory_space<hbm>>
    %dma_wait3A_951 = arith.constant 0 : i32
    %dma_wait3A_952 = arith.constant 0 : i32
    %dma_wait3A_953 = tpu.memref_slice %arg9[%dma_wait3A_951, %dma_wait3A_952] : memref<32x768xf32, #tpu.memory_space<vmem>> -> memref<16x768xf32, #tpu.memory_space<vmem>>
    tpu.wait_dma2 semaphore(%arg19 : memref<!tpu.dma_semaphore, #tpu.memory_space<semaphore_mem>>) src(%dma_wait3A_953 : memref<16x768xf32, #tpu.memory_space<vmem>>) dst(%dma_wait3A_950 : memref<16x768xf32, #tpu.memory_space<hbm>>)
    %dma_wait3A_954 = arith.constant 1 : i32
    %dma_wait3A_955 = arith.constant 0 : i32
    %dma_wait3A_956 = arith.constant 16 : i32
    %dma_wait3A_957 = arith.constant 0 : i32
    %dma_wait3A_958 = tpu.memref_slice %arg9[%dma_wait3A_956, %dma_wait3A_957] : memref<32x768xf32, #tpu.memory_space<vmem>> -> memref<16x768xf32, #tpu.memory_space<vmem>>
    %dma_wait3A_959 = arith.constant 0 : i32
    %dma_wait3A_960 = tpu.memref_slice %arg4[%dma_wait3A_954, %dma_wait3A_955, %add3A_925, %dma_wait3A_959] : memref<5x5x1024x768xf32, #tpu.memory_space<hbm>> -> memref<1x1x16x768xf32, #tpu.memory_space<hbm>>
    %dma_wait3A_961 = tpu.memref_squeeze %dma_wait3A_960 : memref<1x1x16x768xf32, #tpu.memory_space<hbm>> -> memref<16x768xf32, #tpu.memory_space<hbm>>
    %dma_wait3A_962 = arith.constant 0 : i32
    %dma_wait3A_963 = tpu.memref_slice %arg4[%dma_wait3A_954, %dma_wait3A_955, %add3A_925, %dma_wait3A_962] : memref<5x5x1024x768xf32, #tpu.memory_space<hbm>> -> memref<1x1x16x768xf32, #tpu.memory_space<hbm>>
    %dma_wait3A_964 = tpu.memref_squeeze %dma_wait3A_963 : memref<1x1x16x768xf32, #tpu.memory_space<hbm>> -> memref<16x768xf32, #tpu.memory_space<hbm>>
    %dma_wait3A_965 = arith.constant 16 : i32
    %dma_wait3A_966 = arith.constant 0 : i32
    %dma_wait3A_967 = tpu.memref_slice %arg9[%dma_wait3A_965, %dma_wait3A_966] : memref<32x768xf32, #tpu.memory_space<vmem>> -> memref<16x768xf32, #tpu.memory_space<vmem>>
    tpu.wait_dma2 semaphore(%arg19 : memref<!tpu.dma_semaphore, #tpu.memory_space<semaphore_mem>>) src(%dma_wait3A_967 : memref<16x768xf32, #tpu.memory_space<vmem>>) dst(%dma_wait3A_964 : memref<16x768xf32, #tpu.memory_space<hbm>>)
    %dma_start3A_968 = arith.constant 224 : i32
    %dma_start3A_969 = tpu.memref_slice %arg6[%dma_start3A_968] : memref<800xi32, #tpu.memory_space<vmem>> -> memref<32xi32, #tpu.memory_space<vmem>>
    %dma_start3A_970 = arith.constant 0 : i32
    %dma_start3A_971 = arith.constant 0 : i32
    %dma_start3A_972 = tpu.memref_slice %arg2[%dma_start3A_970, %dma_start3A_971] : memref<5120x768xf32, #tpu.memory_space<hbm>> -> memref<5120x768xf32, #tpu.memory_space<hbm>>
    tpu.enqueue_indirect_dma source(%dma_start3A_972 : memref<5120x768xf32, #tpu.memory_space<hbm>>) target(%arg9 : memref<32x768xf32, #tpu.memory_space<vmem>>) offsets(%dma_start3A_969 : memref<32xi32, #tpu.memory_space<vmem>>) semaphore(%arg14 : memref<!tpu.dma_semaphore, #tpu.memory_space<semaphore_mem>>)
    %dma_wait3A_973 = arith.constant 96 : i32
    %dma_wait3A_974 = tpu.memref_slice %arg6[%dma_wait3A_973] : memref<800xi32, #tpu.memory_space<vmem>> -> memref<32xi32, #tpu.memory_space<vmem>>
    %dma_wait3A_975 = arith.constant 0 : i32
    %dma_wait3A_976 = arith.constant 0 : i32
    %dma_wait3A_977 = tpu.memref_slice %arg2[%dma_wait3A_975, %dma_wait3A_976] : memref<5120x768xf32, #tpu.memory_space<hbm>> -> memref<5120x768xf32, #tpu.memory_space<hbm>>
    tpu.wait_indirect_dma semaphore(%arg15 : memref<!tpu.dma_semaphore, #tpu.memory_space<semaphore_mem>>) src(%dma_wait3A_977 : memref<5120x768xf32, #tpu.memory_space<hbm>>) dst(%arg10 : memref<32x768xf32, #tpu.memory_space<vmem>>)
    %add3A_978 = arith.constant 0 : i32
    %add3A_979 = arith.addi %mul3A_4, %add3A_978 : i32
    %dma_start3A_980 = arith.constant 1 : i32
    %dma_start3A_981 = arith.constant 1 : i32
    %dma_start3A_982 = arith.constant 0 : i32
    %dma_start3A_983 = arith.constant 0 : i32
    %dma_start3A_984 = tpu.memref_slice %arg10[%dma_start3A_982, %dma_start3A_983] : memref<32x768xf32, #tpu.memory_space<vmem>> -> memref<16x768xf32, #tpu.memory_space<vmem>>
    %dma_start3A_985 = arith.constant 0 : i32
    %dma_start3A_986 = tpu.memref_slice %arg4[%dma_start3A_980, %dma_start3A_981, %add3A_979, %dma_start3A_985] : memref<5x5x1024x768xf32, #tpu.memory_space<hbm>> -> memref<1x1x16x768xf32, #tpu.memory_space<hbm>>
    %dma_start3A_987 = tpu.memref_squeeze %dma_start3A_986 : memref<1x1x16x768xf32, #tpu.memory_space<hbm>> -> memref<16x768xf32, #tpu.memory_space<hbm>>
    %dma_start3A_988 = arith.constant 0 : i32
    %dma_start3A_989 = tpu.memref_slice %arg4[%dma_start3A_980, %dma_start3A_981, %add3A_979, %dma_start3A_988] : memref<5x5x1024x768xf32, #tpu.memory_space<hbm>> -> memref<1x1x16x768xf32, #tpu.memory_space<hbm>>
    %dma_start3A_990 = tpu.memref_squeeze %dma_start3A_989 : memref<1x1x16x768xf32, #tpu.memory_space<hbm>> -> memref<16x768xf32, #tpu.memory_space<hbm>>
    %dma_start3A_991 = arith.constant 0 : i32
    %dma_start3A_992 = arith.constant 0 : i32
    %dma_start3A_993 = tpu.memref_slice %arg10[%dma_start3A_991, %dma_start3A_992] : memref<32x768xf32, #tpu.memory_space<vmem>> -> memref<16x768xf32, #tpu.memory_space<vmem>>
    tpu.enqueue_dma source(%dma_start3A_993 : memref<16x768xf32, #tpu.memory_space<vmem>>) target(%dma_start3A_990 : memref<16x768xf32, #tpu.memory_space<hbm>>) target_semaphore(%arg20 : memref<!tpu.dma_semaphore, #tpu.memory_space<semaphore_mem>>)
    %add3A_994 = arith.constant 0 : i32
    %add3A_995 = arith.addi %mul3A_4, %add3A_994 : i32
    %dma_start3A_996 = arith.constant 1 : i32
    %dma_start3A_997 = arith.constant 2 : i32
    %dma_start3A_998 = arith.constant 16 : i32
    %dma_start3A_999 = arith.constant 0 : i32
    %dma_start3A_1000 = tpu.memref_slice %arg10[%dma_start3A_998, %dma_start3A_999] : memref<32x768xf32, #tpu.memory_space<vmem>> -> memref<16x768xf32, #tpu.memory_space<vmem>>
    %dma_start3A_1001 = arith.constant 0 : i32
    %dma_start3A_1002 = tpu.memref_slice %arg4[%dma_start3A_996, %dma_start3A_997, %add3A_995, %dma_start3A_1001] : memref<5x5x1024x768xf32, #tpu.memory_space<hbm>> -> memref<1x1x16x768xf32, #tpu.memory_space<hbm>>
    %dma_start3A_1003 = tpu.memref_squeeze %dma_start3A_1002 : memref<1x1x16x768xf32, #tpu.memory_space<hbm>> -> memref<16x768xf32, #tpu.memory_space<hbm>>
    %dma_start3A_1004 = arith.constant 0 : i32
    %dma_start3A_1005 = tpu.memref_slice %arg4[%dma_start3A_996, %dma_start3A_997, %add3A_995, %dma_start3A_1004] : memref<5x5x1024x768xf32, #tpu.memory_space<hbm>> -> memref<1x1x16x768xf32, #tpu.memory_space<hbm>>
    %dma_start3A_1006 = tpu.memref_squeeze %dma_start3A_1005 : memref<1x1x16x768xf32, #tpu.memory_space<hbm>> -> memref<16x768xf32, #tpu.memory_space<hbm>>
    %dma_start3A_1007 = arith.constant 16 : i32
    %dma_start3A_1008 = arith.constant 0 : i32
    %dma_start3A_1009 = tpu.memref_slice %arg10[%dma_start3A_1007, %dma_start3A_1008] : memref<32x768xf32, #tpu.memory_space<vmem>> -> memref<16x768xf32, #tpu.memory_space<vmem>>
    tpu.enqueue_dma source(%dma_start3A_1009 : memref<16x768xf32, #tpu.memory_space<vmem>>) target(%dma_start3A_1006 : memref<16x768xf32, #tpu.memory_space<hbm>>) target_semaphore(%arg20 : memref<!tpu.dma_semaphore, #tpu.memory_space<semaphore_mem>>)
    %dma_wait3A_1010 = arith.constant 1 : i32
    %dma_wait3A_1011 = arith.constant 1 : i32
    %dma_wait3A_1012 = arith.constant 0 : i32
    %dma_wait3A_1013 = arith.constant 0 : i32
    %dma_wait3A_1014 = tpu.memref_slice %arg10[%dma_wait3A_1012, %dma_wait3A_1013] : memref<32x768xf32, #tpu.memory_space<vmem>> -> memref<16x768xf32, #tpu.memory_space<vmem>>
    %dma_wait3A_1015 = arith.constant 0 : i32
    %dma_wait3A_1016 = tpu.memref_slice %arg4[%dma_wait3A_1010, %dma_wait3A_1011, %add3A_979, %dma_wait3A_1015] : memref<5x5x1024x768xf32, #tpu.memory_space<hbm>> -> memref<1x1x16x768xf32, #tpu.memory_space<hbm>>
    %dma_wait3A_1017 = tpu.memref_squeeze %dma_wait3A_1016 : memref<1x1x16x768xf32, #tpu.memory_space<hbm>> -> memref<16x768xf32, #tpu.memory_space<hbm>>
    %dma_wait3A_1018 = arith.constant 0 : i32
    %dma_wait3A_1019 = tpu.memref_slice %arg4[%dma_wait3A_1010, %dma_wait3A_1011, %add3A_979, %dma_wait3A_1018] : memref<5x5x1024x768xf32, #tpu.memory_space<hbm>> -> memref<1x1x16x768xf32, #tpu.memory_space<hbm>>
    %dma_wait3A_1020 = tpu.memref_squeeze %dma_wait3A_1019 : memref<1x1x16x768xf32, #tpu.memory_space<hbm>> -> memref<16x768xf32, #tpu.memory_space<hbm>>
    %dma_wait3A_1021 = arith.constant 0 : i32
    %dma_wait3A_1022 = arith.constant 0 : i32
    %dma_wait3A_1023 = tpu.memref_slice %arg10[%dma_wait3A_1021, %dma_wait3A_1022] : memref<32x768xf32, #tpu.memory_space<vmem>> -> memref<16x768xf32, #tpu.memory_space<vmem>>
    tpu.wait_dma2 semaphore(%arg20 : memref<!tpu.dma_semaphore, #tpu.memory_space<semaphore_mem>>) src(%dma_wait3A_1023 : memref<16x768xf32, #tpu.memory_space<vmem>>) dst(%dma_wait3A_1020 : memref<16x768xf32, #tpu.memory_space<hbm>>)
    %dma_wait3A_1024 = arith.constant 1 : i32
    %dma_wait3A_1025 = arith.constant 2 : i32
    %dma_wait3A_1026 = arith.constant 16 : i32
    %dma_wait3A_1027 = arith.constant 0 : i32
    %dma_wait3A_1028 = tpu.memref_slice %arg10[%dma_wait3A_1026, %dma_wait3A_1027] : memref<32x768xf32, #tpu.memory_space<vmem>> -> memref<16x768xf32, #tpu.memory_space<vmem>>
    %dma_wait3A_1029 = arith.constant 0 : i32
    %dma_wait3A_1030 = tpu.memref_slice %arg4[%dma_wait3A_1024, %dma_wait3A_1025, %add3A_995, %dma_wait3A_1029] : memref<5x5x1024x768xf32, #tpu.memory_space<hbm>> -> memref<1x1x16x768xf32, #tpu.memory_space<hbm>>
    %dma_wait3A_1031 = tpu.memref_squeeze %dma_wait3A_1030 : memref<1x1x16x768xf32, #tpu.memory_space<hbm>> -> memref<16x768xf32, #tpu.memory_space<hbm>>
    %dma_wait3A_1032 = arith.constant 0 : i32
    %dma_wait3A_1033 = tpu.memref_slice %arg4[%dma_wait3A_1024, %dma_wait3A_1025, %add3A_995, %dma_wait3A_1032] : memref<5x5x1024x768xf32, #tpu.memory_space<hbm>> -> memref<1x1x16x768xf32, #tpu.memory_space<hbm>>
    %dma_wait3A_1034 = tpu.memref_squeeze %dma_wait3A_1033 : memref<1x1x16x768xf32, #tpu.memory_space<hbm>> -> memref<16x768xf32, #tpu.memory_space<hbm>>
    %dma_wait3A_1035 = arith.constant 16 : i32
    %dma_wait3A_1036 = arith.constant 0 : i32
    %dma_wait3A_1037 = tpu.memref_slice %arg10[%dma_wait3A_1035, %dma_wait3A_1036] : memref<32x768xf32, #tpu.memory_space<vmem>> -> memref<16x768xf32, #tpu.memory_space<vmem>>
    tpu.wait_dma2 semaphore(%arg20 : memref<!tpu.dma_semaphore, #tpu.memory_space<semaphore_mem>>) src(%dma_wait3A_1037 : memref<16x768xf32, #tpu.memory_space<vmem>>) dst(%dma_wait3A_1034 : memref<16x768xf32, #tpu.memory_space<hbm>>)
    %dma_start3A_1038 = arith.constant 256 : i32
    %dma_start3A_1039 = tpu.memref_slice %arg6[%dma_start3A_1038] : memref<800xi32, #tpu.memory_space<vmem>> -> memref<32xi32, #tpu.memory_space<vmem>>
    %dma_start3A_1040 = arith.constant 0 : i32
    %dma_start3A_1041 = arith.constant 0 : i32
    %dma_start3A_1042 = tpu.memref_slice %arg2[%dma_start3A_1040, %dma_start3A_1041] : memref<5120x768xf32, #tpu.memory_space<hbm>> -> memref<5120x768xf32, #tpu.memory_space<hbm>>
    tpu.enqueue_indirect_dma source(%dma_start3A_1042 : memref<5120x768xf32, #tpu.memory_space<hbm>>) target(%arg10 : memref<32x768xf32, #tpu.memory_space<vmem>>) offsets(%dma_start3A_1039 : memref<32xi32, #tpu.memory_space<vmem>>) semaphore(%arg15 : memref<!tpu.dma_semaphore, #tpu.memory_space<semaphore_mem>>)
    %dma_wait3A_1043 = arith.constant 128 : i32
    %dma_wait3A_1044 = tpu.memref_slice %arg6[%dma_wait3A_1043] : memref<800xi32, #tpu.memory_space<vmem>> -> memref<32xi32, #tpu.memory_space<vmem>>
    %dma_wait3A_1045 = arith.constant 0 : i32
    %dma_wait3A_1046 = arith.constant 0 : i32
    %dma_wait3A_1047 = tpu.memref_slice %arg2[%dma_wait3A_1045, %dma_wait3A_1046] : memref<5120x768xf32, #tpu.memory_space<hbm>> -> memref<5120x768xf32, #tpu.memory_space<hbm>>
    tpu.wait_indirect_dma semaphore(%arg16 : memref<!tpu.dma_semaphore, #tpu.memory_space<semaphore_mem>>) src(%dma_wait3A_1047 : memref<5120x768xf32, #tpu.memory_space<hbm>>) dst(%arg11 : memref<32x768xf32, #tpu.memory_space<vmem>>)
    %add3A_1048 = arith.constant 0 : i32
    %add3A_1049 = arith.addi %mul3A_4, %add3A_1048 : i32
    %dma_start3A_1050 = arith.constant 1 : i32
    %dma_start3A_1051 = arith.constant 3 : i32
    %dma_start3A_1052 = arith.constant 0 : i32
    %dma_start3A_1053 = arith.constant 0 : i32
    %dma_start3A_1054 = tpu.memref_slice %arg11[%dma_start3A_1052, %dma_start3A_1053] : memref<32x768xf32, #tpu.memory_space<vmem>> -> memref<16x768xf32, #tpu.memory_space<vmem>>
    %dma_start3A_1055 = arith.constant 0 : i32
    %dma_start3A_1056 = tpu.memref_slice %arg4[%dma_start3A_1050, %dma_start3A_1051, %add3A_1049, %dma_start3A_1055] : memref<5x5x1024x768xf32, #tpu.memory_space<hbm>> -> memref<1x1x16x768xf32, #tpu.memory_space<hbm>>
    %dma_start3A_1057 = tpu.memref_squeeze %dma_start3A_1056 : memref<1x1x16x768xf32, #tpu.memory_space<hbm>> -> memref<16x768xf32, #tpu.memory_space<hbm>>
    %dma_start3A_1058 = arith.constant 0 : i32
    %dma_start3A_1059 = tpu.memref_slice %arg4[%dma_start3A_1050, %dma_start3A_1051, %add3A_1049, %dma_start3A_1058] : memref<5x5x1024x768xf32, #tpu.memory_space<hbm>> -> memref<1x1x16x768xf32, #tpu.memory_space<hbm>>
    %dma_start3A_1060 = tpu.memref_squeeze %dma_start3A_1059 : memref<1x1x16x768xf32, #tpu.memory_space<hbm>> -> memref<16x768xf32, #tpu.memory_space<hbm>>
    %dma_start3A_1061 = arith.constant 0 : i32
    %dma_start3A_1062 = arith.constant 0 : i32
    %dma_start3A_1063 = tpu.memref_slice %arg11[%dma_start3A_1061, %dma_start3A_1062] : memref<32x768xf32, #tpu.memory_space<vmem>> -> memref<16x768xf32, #tpu.memory_space<vmem>>
    tpu.enqueue_dma source(%dma_start3A_1063 : memref<16x768xf32, #tpu.memory_space<vmem>>) target(%dma_start3A_1060 : memref<16x768xf32, #tpu.memory_space<hbm>>) target_semaphore(%arg21 : memref<!tpu.dma_semaphore, #tpu.memory_space<semaphore_mem>>)
    %add3A_1064 = arith.constant 0 : i32
    %add3A_1065 = arith.addi %mul3A_4, %add3A_1064 : i32
    %dma_start3A_1066 = arith.constant 1 : i32
    %dma_start3A_1067 = arith.constant 4 : i32
    %dma_start3A_1068 = arith.constant 16 : i32
    %dma_start3A_1069 = arith.constant 0 : i32
    %dma_start3A_1070 = tpu.memref_slice %arg11[%dma_start3A_1068, %dma_start3A_1069] : memref<32x768xf32, #tpu.memory_space<vmem>> -> memref<16x768xf32, #tpu.memory_space<vmem>>
    %dma_start3A_1071 = arith.constant 0 : i32
    %dma_start3A_1072 = tpu.memref_slice %arg4[%dma_start3A_1066, %dma_start3A_1067, %add3A_1065, %dma_start3A_1071] : memref<5x5x1024x768xf32, #tpu.memory_space<hbm>> -> memref<1x1x16x768xf32, #tpu.memory_space<hbm>>
    %dma_start3A_1073 = tpu.memref_squeeze %dma_start3A_1072 : memref<1x1x16x768xf32, #tpu.memory_space<hbm>> -> memref<16x768xf32, #tpu.memory_space<hbm>>
    %dma_start3A_1074 = arith.constant 0 : i32
    %dma_start3A_1075 = tpu.memref_slice %arg4[%dma_start3A_1066, %dma_start3A_1067, %add3A_1065, %dma_start3A_1074] : memref<5x5x1024x768xf32, #tpu.memory_space<hbm>> -> memref<1x1x16x768xf32, #tpu.memory_space<hbm>>
    %dma_start3A_1076 = tpu.memref_squeeze %dma_start3A_1075 : memref<1x1x16x768xf32, #tpu.memory_space<hbm>> -> memref<16x768xf32, #tpu.memory_space<hbm>>
    %dma_start3A_1077 = arith.constant 16 : i32
    %dma_start3A_1078 = arith.constant 0 : i32
    %dma_start3A_1079 = tpu.memref_slice %arg11[%dma_start3A_1077, %dma_start3A_1078] : memref<32x768xf32, #tpu.memory_space<vmem>> -> memref<16x768xf32, #tpu.memory_space<vmem>>
    tpu.enqueue_dma source(%dma_start3A_1079 : memref<16x768xf32, #tpu.memory_space<vmem>>) target(%dma_start3A_1076 : memref<16x768xf32, #tpu.memory_space<hbm>>) target_semaphore(%arg21 : memref<!tpu.dma_semaphore, #tpu.memory_space<semaphore_mem>>)
    %dma_wait3A_1080 = arith.constant 1 : i32
    %dma_wait3A_1081 = arith.constant 3 : i32
    %dma_wait3A_1082 = arith.constant 0 : i32
    %dma_wait3A_1083 = arith.constant 0 : i32
    %dma_wait3A_1084 = tpu.memref_slice %arg11[%dma_wait3A_1082, %dma_wait3A_1083] : memref<32x768xf32, #tpu.memory_space<vmem>> -> memref<16x768xf32, #tpu.memory_space<vmem>>
    %dma_wait3A_1085 = arith.constant 0 : i32
    %dma_wait3A_1086 = tpu.memref_slice %arg4[%dma_wait3A_1080, %dma_wait3A_1081, %add3A_1049, %dma_wait3A_1085] : memref<5x5x1024x768xf32, #tpu.memory_space<hbm>> -> memref<1x1x16x768xf32, #tpu.memory_space<hbm>>
    %dma_wait3A_1087 = tpu.memref_squeeze %dma_wait3A_1086 : memref<1x1x16x768xf32, #tpu.memory_space<hbm>> -> memref<16x768xf32, #tpu.memory_space<hbm>>
    %dma_wait3A_1088 = arith.constant 0 : i32
    %dma_wait3A_1089 = tpu.memref_slice %arg4[%dma_wait3A_1080, %dma_wait3A_1081, %add3A_1049, %dma_wait3A_1088] : memref<5x5x1024x768xf32, #tpu.memory_space<hbm>> -> memref<1x1x16x768xf32, #tpu.memory_space<hbm>>
    %dma_wait3A_1090 = tpu.memref_squeeze %dma_wait3A_1089 : memref<1x1x16x768xf32, #tpu.memory_space<hbm>> -> memref<16x768xf32, #tpu.memory_space<hbm>>
    %dma_wait3A_1091 = arith.constant 0 : i32
    %dma_wait3A_1092 = arith.constant 0 : i32
    %dma_wait3A_1093 = tpu.memref_slice %arg11[%dma_wait3A_1091, %dma_wait3A_1092] : memref<32x768xf32, #tpu.memory_space<vmem>> -> memref<16x768xf32, #tpu.memory_space<vmem>>
    tpu.wait_dma2 semaphore(%arg21 : memref<!tpu.dma_semaphore, #tpu.memory_space<semaphore_mem>>) src(%dma_wait3A_1093 : memref<16x768xf32, #tpu.memory_space<vmem>>) dst(%dma_wait3A_1090 : memref<16x768xf32, #tpu.memory_space<hbm>>)
    %dma_wait3A_1094 = arith.constant 1 : i32
    %dma_wait3A_1095 = arith.constant 4 : i32
    %dma_wait3A_1096 = arith.constant 16 : i32
    %dma_wait3A_1097 = arith.constant 0 : i32
    %dma_wait3A_1098 = tpu.memref_slice %arg11[%dma_wait3A_1096, %dma_wait3A_1097] : memref<32x768xf32, #tpu.memory_space<vmem>> -> memref<16x768xf32, #tpu.memory_space<vmem>>
    %dma_wait3A_1099 = arith.constant 0 : i32
    %dma_wait3A_1100 = tpu.memref_slice %arg4[%dma_wait3A_1094, %dma_wait3A_1095, %add3A_1065, %dma_wait3A_1099] : memref<5x5x1024x768xf32, #tpu.memory_space<hbm>> -> memref<1x1x16x768xf32, #tpu.memory_space<hbm>>
    %dma_wait3A_1101 = tpu.memref_squeeze %dma_wait3A_1100 : memref<1x1x16x768xf32, #tpu.memory_space<hbm>> -> memref<16x768xf32, #tpu.memory_space<hbm>>
    %dma_wait3A_1102 = arith.constant 0 : i32
    %dma_wait3A_1103 = tpu.memref_slice %arg4[%dma_wait3A_1094, %dma_wait3A_1095, %add3A_1065, %dma_wait3A_1102] : memref<5x5x1024x768xf32, #tpu.memory_space<hbm>> -> memref<1x1x16x768xf32, #tpu.memory_space<hbm>>
    %dma_wait3A_1104 = tpu.memref_squeeze %dma_wait3A_1103 : memref<1x1x16x768xf32, #tpu.memory_space<hbm>> -> memref<16x768xf32, #tpu.memory_space<hbm>>
    %dma_wait3A_1105 = arith.constant 16 : i32
    %dma_wait3A_1106 = arith.constant 0 : i32
    %dma_wait3A_1107 = tpu.memref_slice %arg11[%dma_wait3A_1105, %dma_wait3A_1106] : memref<32x768xf32, #tpu.memory_space<vmem>> -> memref<16x768xf32, #tpu.memory_space<vmem>>
    tpu.wait_dma2 semaphore(%arg21 : memref<!tpu.dma_semaphore, #tpu.memory_space<semaphore_mem>>) src(%dma_wait3A_1107 : memref<16x768xf32, #tpu.memory_space<vmem>>) dst(%dma_wait3A_1104 : memref<16x768xf32, #tpu.memory_space<hbm>>)
    %dma_start3A_1108 = arith.constant 288 : i32
    %dma_start3A_1109 = tpu.memref_slice %arg6[%dma_start3A_1108] : memref<800xi32, #tpu.memory_space<vmem>> -> memref<32xi32, #tpu.memory_space<vmem>>
    %dma_start3A_1110 = arith.constant 0 : i32
    %dma_start3A_1111 = arith.constant 0 : i32
    %dma_start3A_1112 = tpu.memref_slice %arg2[%dma_start3A_1110, %dma_start3A_1111] : memref<5120x768xf32, #tpu.memory_space<hbm>> -> memref<5120x768xf32, #tpu.memory_space<hbm>>
    tpu.enqueue_indirect_dma source(%dma_start3A_1112 : memref<5120x768xf32, #tpu.memory_space<hbm>>) target(%arg11 : memref<32x768xf32, #tpu.memory_space<vmem>>) offsets(%dma_start3A_1109 : memref<32xi32, #tpu.memory_space<vmem>>) semaphore(%arg16 : memref<!tpu.dma_semaphore, #tpu.memory_space<semaphore_mem>>)
    %dma_wait3A_1113 = arith.constant 160 : i32
    %dma_wait3A_1114 = tpu.memref_slice %arg6[%dma_wait3A_1113] : memref<800xi32, #tpu.memory_space<vmem>> -> memref<32xi32, #tpu.memory_space<vmem>>
    %dma_wait3A_1115 = arith.constant 0 : i32
    %dma_wait3A_1116 = arith.constant 0 : i32
    %dma_wait3A_1117 = tpu.memref_slice %arg2[%dma_wait3A_1115, %dma_wait3A_1116] : memref<5120x768xf32, #tpu.memory_space<hbm>> -> memref<5120x768xf32, #tpu.memory_space<hbm>>
    tpu.wait_indirect_dma semaphore(%arg12 : memref<!tpu.dma_semaphore, #tpu.memory_space<semaphore_mem>>) src(%dma_wait3A_1117 : memref<5120x768xf32, #tpu.memory_space<hbm>>) dst(%arg7 : memref<32x768xf32, #tpu.memory_space<vmem>>)
    %add3A_1118 = arith.constant 0 : i32
    %add3A_1119 = arith.addi %mul3A_4, %add3A_1118 : i32
    %dma_start3A_1120 = arith.constant 2 : i32
    %dma_start3A_1121 = arith.constant 0 : i32
    %dma_start3A_1122 = arith.constant 0 : i32
    %dma_start3A_1123 = arith.constant 0 : i32
    %dma_start3A_1124 = tpu.memref_slice %arg7[%dma_start3A_1122, %dma_start3A_1123] : memref<32x768xf32, #tpu.memory_space<vmem>> -> memref<16x768xf32, #tpu.memory_space<vmem>>
    %dma_start3A_1125 = arith.constant 0 : i32
    %dma_start3A_1126 = tpu.memref_slice %arg4[%dma_start3A_1120, %dma_start3A_1121, %add3A_1119, %dma_start3A_1125] : memref<5x5x1024x768xf32, #tpu.memory_space<hbm>> -> memref<1x1x16x768xf32, #tpu.memory_space<hbm>>
    %dma_start3A_1127 = tpu.memref_squeeze %dma_start3A_1126 : memref<1x1x16x768xf32, #tpu.memory_space<hbm>> -> memref<16x768xf32, #tpu.memory_space<hbm>>
    %dma_start3A_1128 = arith.constant 0 : i32
    %dma_start3A_1129 = tpu.memref_slice %arg4[%dma_start3A_1120, %dma_start3A_1121, %add3A_1119, %dma_start3A_1128] : memref<5x5x1024x768xf32, #tpu.memory_space<hbm>> -> memref<1x1x16x768xf32, #tpu.memory_space<hbm>>
    %dma_start3A_1130 = tpu.memref_squeeze %dma_start3A_1129 : memref<1x1x16x768xf32, #tpu.memory_space<hbm>> -> memref<16x768xf32, #tpu.memory_space<hbm>>
    %dma_start3A_1131 = arith.constant 0 : i32
    %dma_start3A_1132 = arith.constant 0 : i32
    %dma_start3A_1133 = tpu.memref_slice %arg7[%dma_start3A_1131, %dma_start3A_1132] : memref<32x768xf32, #tpu.memory_space<vmem>> -> memref<16x768xf32, #tpu.memory_space<vmem>>
    tpu.enqueue_dma source(%dma_start3A_1133 : memref<16x768xf32, #tpu.memory_space<vmem>>) target(%dma_start3A_1130 : memref<16x768xf32, #tpu.memory_space<hbm>>) target_semaphore(%arg17 : memref<!tpu.dma_semaphore, #tpu.memory_space<semaphore_mem>>)
    %add3A_1134 = arith.constant 0 : i32
    %add3A_1135 = arith.addi %mul3A_4, %add3A_1134 : i32
    %dma_start3A_1136 = arith.constant 2 : i32
    %dma_start3A_1137 = arith.constant 1 : i32
    %dma_start3A_1138 = arith.constant 16 : i32
    %dma_start3A_1139 = arith.constant 0 : i32
    %dma_start3A_1140 = tpu.memref_slice %arg7[%dma_start3A_1138, %dma_start3A_1139] : memref<32x768xf32, #tpu.memory_space<vmem>> -> memref<16x768xf32, #tpu.memory_space<vmem>>
    %dma_start3A_1141 = arith.constant 0 : i32
    %dma_start3A_1142 = tpu.memref_slice %arg4[%dma_start3A_1136, %dma_start3A_1137, %add3A_1135, %dma_start3A_1141] : memref<5x5x1024x768xf32, #tpu.memory_space<hbm>> -> memref<1x1x16x768xf32, #tpu.memory_space<hbm>>
    %dma_start3A_1143 = tpu.memref_squeeze %dma_start3A_1142 : memref<1x1x16x768xf32, #tpu.memory_space<hbm>> -> memref<16x768xf32, #tpu.memory_space<hbm>>
    %dma_start3A_1144 = arith.constant 0 : i32
    %dma_start3A_1145 = tpu.memref_slice %arg4[%dma_start3A_1136, %dma_start3A_1137, %add3A_1135, %dma_start3A_1144] : memref<5x5x1024x768xf32, #tpu.memory_space<hbm>> -> memref<1x1x16x768xf32, #tpu.memory_space<hbm>>
    %dma_start3A_1146 = tpu.memref_squeeze %dma_start3A_1145 : memref<1x1x16x768xf32, #tpu.memory_space<hbm>> -> memref<16x768xf32, #tpu.memory_space<hbm>>
    %dma_start3A_1147 = arith.constant 16 : i32
    %dma_start3A_1148 = arith.constant 0 : i32
    %dma_start3A_1149 = tpu.memref_slice %arg7[%dma_start3A_1147, %dma_start3A_1148] : memref<32x768xf32, #tpu.memory_space<vmem>> -> memref<16x768xf32, #tpu.memory_space<vmem>>
    tpu.enqueue_dma source(%dma_start3A_1149 : memref<16x768xf32, #tpu.memory_space<vmem>>) target(%dma_start3A_1146 : memref<16x768xf32, #tpu.memory_space<hbm>>) target_semaphore(%arg17 : memref<!tpu.dma_semaphore, #tpu.memory_space<semaphore_mem>>)
    %dma_wait3A_1150 = arith.constant 2 : i32
    %dma_wait3A_1151 = arith.constant 0 : i32
    %dma_wait3A_1152 = arith.constant 0 : i32
    %dma_wait3A_1153 = arith.constant 0 : i32
    %dma_wait3A_1154 = tpu.memref_slice %arg7[%dma_wait3A_1152, %dma_wait3A_1153] : memref<32x768xf32, #tpu.memory_space<vmem>> -> memref<16x768xf32, #tpu.memory_space<vmem>>
    %dma_wait3A_1155 = arith.constant 0 : i32
    %dma_wait3A_1156 = tpu.memref_slice %arg4[%dma_wait3A_1150, %dma_wait3A_1151, %add3A_1119, %dma_wait3A_1155] : memref<5x5x1024x768xf32, #tpu.memory_space<hbm>> -> memref<1x1x16x768xf32, #tpu.memory_space<hbm>>
    %dma_wait3A_1157 = tpu.memref_squeeze %dma_wait3A_1156 : memref<1x1x16x768xf32, #tpu.memory_space<hbm>> -> memref<16x768xf32, #tpu.memory_space<hbm>>
    %dma_wait3A_1158 = arith.constant 0 : i32
    %dma_wait3A_1159 = tpu.memref_slice %arg4[%dma_wait3A_1150, %dma_wait3A_1151, %add3A_1119, %dma_wait3A_1158] : memref<5x5x1024x768xf32, #tpu.memory_space<hbm>> -> memref<1x1x16x768xf32, #tpu.memory_space<hbm>>
    %dma_wait3A_1160 = tpu.memref_squeeze %dma_wait3A_1159 : memref<1x1x16x768xf32, #tpu.memory_space<hbm>> -> memref<16x768xf32, #tpu.memory_space<hbm>>
    %dma_wait3A_1161 = arith.constant 0 : i32
    %dma_wait3A_1162 = arith.constant 0 : i32
    %dma_wait3A_1163 = tpu.memref_slice %arg7[%dma_wait3A_1161, %dma_wait3A_1162] : memref<32x768xf32, #tpu.memory_space<vmem>> -> memref<16x768xf32, #tpu.memory_space<vmem>>
    tpu.wait_dma2 semaphore(%arg17 : memref<!tpu.dma_semaphore, #tpu.memory_space<semaphore_mem>>) src(%dma_wait3A_1163 : memref<16x768xf32, #tpu.memory_space<vmem>>) dst(%dma_wait3A_1160 : memref<16x768xf32, #tpu.memory_space<hbm>>)
    %dma_wait3A_1164 = arith.constant 2 : i32
    %dma_wait3A_1165 = arith.constant 1 : i32
    %dma_wait3A_1166 = arith.constant 16 : i32
    %dma_wait3A_1167 = arith.constant 0 : i32
    %dma_wait3A_1168 = tpu.memref_slice %arg7[%dma_wait3A_1166, %dma_wait3A_1167] : memref<32x768xf32, #tpu.memory_space<vmem>> -> memref<16x768xf32, #tpu.memory_space<vmem>>
    %dma_wait3A_1169 = arith.constant 0 : i32
    %dma_wait3A_1170 = tpu.memref_slice %arg4[%dma_wait3A_1164, %dma_wait3A_1165, %add3A_1135, %dma_wait3A_1169] : memref<5x5x1024x768xf32, #tpu.memory_space<hbm>> -> memref<1x1x16x768xf32, #tpu.memory_space<hbm>>
    %dma_wait3A_1171 = tpu.memref_squeeze %dma_wait3A_1170 : memref<1x1x16x768xf32, #tpu.memory_space<hbm>> -> memref<16x768xf32, #tpu.memory_space<hbm>>
    %dma_wait3A_1172 = arith.constant 0 : i32
    %dma_wait3A_1173 = tpu.memref_slice %arg4[%dma_wait3A_1164, %dma_wait3A_1165, %add3A_1135, %dma_wait3A_1172] : memref<5x5x1024x768xf32, #tpu.memory_space<hbm>> -> memref<1x1x16x768xf32, #tpu.memory_space<hbm>>
    %dma_wait3A_1174 = tpu.memref_squeeze %dma_wait3A_1173 : memref<1x1x16x768xf32, #tpu.memory_space<hbm>> -> memref<16x768xf32, #tpu.memory_space<hbm>>
    %dma_wait3A_1175 = arith.constant 16 : i32
    %dma_wait3A_1176 = arith.constant 0 : i32
    %dma_wait3A_1177 = tpu.memref_slice %arg7[%dma_wait3A_1175, %dma_wait3A_1176] : memref<32x768xf32, #tpu.memory_space<vmem>> -> memref<16x768xf32, #tpu.memory_space<vmem>>
    tpu.wait_dma2 semaphore(%arg17 : memref<!tpu.dma_semaphore, #tpu.memory_space<semaphore_mem>>) src(%dma_wait3A_1177 : memref<16x768xf32, #tpu.memory_space<vmem>>) dst(%dma_wait3A_1174 : memref<16x768xf32, #tpu.memory_space<hbm>>)
    %dma_start3A_1178 = arith.constant 320 : i32
    %dma_start3A_1179 = tpu.memref_slice %arg6[%dma_start3A_1178] : memref<800xi32, #tpu.memory_space<vmem>> -> memref<32xi32, #tpu.memory_space<vmem>>
    %dma_start3A_1180 = arith.constant 0 : i32
    %dma_start3A_1181 = arith.constant 0 : i32
    %dma_start3A_1182 = tpu.memref_slice %arg2[%dma_start3A_1180, %dma_start3A_1181] : memref<5120x768xf32, #tpu.memory_space<hbm>> -> memref<5120x768xf32, #tpu.memory_space<hbm>>
    tpu.enqueue_indirect_dma source(%dma_start3A_1182 : memref<5120x768xf32, #tpu.memory_space<hbm>>) target(%arg7 : memref<32x768xf32, #tpu.memory_space<vmem>>) offsets(%dma_start3A_1179 : memref<32xi32, #tpu.memory_space<vmem>>) semaphore(%arg12 : memref<!tpu.dma_semaphore, #tpu.memory_space<semaphore_mem>>)
    %dma_wait3A_1183 = arith.constant 192 : i32
    %dma_wait3A_1184 = tpu.memref_slice %arg6[%dma_wait3A_1183] : memref<800xi32, #tpu.memory_space<vmem>> -> memref<32xi32, #tpu.memory_space<vmem>>
    %dma_wait3A_1185 = arith.constant 0 : i32
    %dma_wait3A_1186 = arith.constant 0 : i32
    %dma_wait3A_1187 = tpu.memref_slice %arg2[%dma_wait3A_1185, %dma_wait3A_1186] : memref<5120x768xf32, #tpu.memory_space<hbm>> -> memref<5120x768xf32, #tpu.memory_space<hbm>>
    tpu.wait_indirect_dma semaphore(%arg13 : memref<!tpu.dma_semaphore, #tpu.memory_space<semaphore_mem>>) src(%dma_wait3A_1187 : memref<5120x768xf32, #tpu.memory_space<hbm>>) dst(%arg8 : memref<32x768xf32, #tpu.memory_space<vmem>>)
    %add3A_1188 = arith.constant 0 : i32
    %add3A_1189 = arith.addi %mul3A_4, %add3A_1188 : i32
    %dma_start3A_1190 = arith.constant 2 : i32
    %dma_start3A_1191 = arith.constant 2 : i32
    %dma_start3A_1192 = arith.constant 0 : i32
    %dma_start3A_1193 = arith.constant 0 : i32
    %dma_start3A_1194 = tpu.memref_slice %arg8[%dma_start3A_1192, %dma_start3A_1193] : memref<32x768xf32, #tpu.memory_space<vmem>> -> memref<16x768xf32, #tpu.memory_space<vmem>>
    %dma_start3A_1195 = arith.constant 0 : i32
    %dma_start3A_1196 = tpu.memref_slice %arg4[%dma_start3A_1190, %dma_start3A_1191, %add3A_1189, %dma_start3A_1195] : memref<5x5x1024x768xf32, #tpu.memory_space<hbm>> -> memref<1x1x16x768xf32, #tpu.memory_space<hbm>>
    %dma_start3A_1197 = tpu.memref_squeeze %dma_start3A_1196 : memref<1x1x16x768xf32, #tpu.memory_space<hbm>> -> memref<16x768xf32, #tpu.memory_space<hbm>>
    %dma_start3A_1198 = arith.constant 0 : i32
    %dma_start3A_1199 = tpu.memref_slice %arg4[%dma_start3A_1190, %dma_start3A_1191, %add3A_1189, %dma_start3A_1198] : memref<5x5x1024x768xf32, #tpu.memory_space<hbm>> -> memref<1x1x16x768xf32, #tpu.memory_space<hbm>>
    %dma_start3A_1200 = tpu.memref_squeeze %dma_start3A_1199 : memref<1x1x16x768xf32, #tpu.memory_space<hbm>> -> memref<16x768xf32, #tpu.memory_space<hbm>>
    %dma_start3A_1201 = arith.constant 0 : i32
    %dma_start3A_1202 = arith.constant 0 : i32
    %dma_start3A_1203 = tpu.memref_slice %arg8[%dma_start3A_1201, %dma_start3A_1202] : memref<32x768xf32, #tpu.memory_space<vmem>> -> memref<16x768xf32, #tpu.memory_space<vmem>>
    tpu.enqueue_dma source(%dma_start3A_1203 : memref<16x768xf32, #tpu.memory_space<vmem>>) target(%dma_start3A_1200 : memref<16x768xf32, #tpu.memory_space<hbm>>) target_semaphore(%arg18 : memref<!tpu.dma_semaphore, #tpu.memory_space<semaphore_mem>>)
    %add3A_1204 = arith.constant 0 : i32
    %add3A_1205 = arith.addi %mul3A_4, %add3A_1204 : i32
    %dma_start3A_1206 = arith.constant 2 : i32
    %dma_start3A_1207 = arith.constant 3 : i32
    %dma_start3A_1208 = arith.constant 16 : i32
    %dma_start3A_1209 = arith.constant 0 : i32
    %dma_start3A_1210 = tpu.memref_slice %arg8[%dma_start3A_1208, %dma_start3A_1209] : memref<32x768xf32, #tpu.memory_space<vmem>> -> memref<16x768xf32, #tpu.memory_space<vmem>>
    %dma_start3A_1211 = arith.constant 0 : i32
    %dma_start3A_1212 = tpu.memref_slice %arg4[%dma_start3A_1206, %dma_start3A_1207, %add3A_1205, %dma_start3A_1211] : memref<5x5x1024x768xf32, #tpu.memory_space<hbm>> -> memref<1x1x16x768xf32, #tpu.memory_space<hbm>>
    %dma_start3A_1213 = tpu.memref_squeeze %dma_start3A_1212 : memref<1x1x16x768xf32, #tpu.memory_space<hbm>> -> memref<16x768xf32, #tpu.memory_space<hbm>>
    %dma_start3A_1214 = arith.constant 0 : i32
    %dma_start3A_1215 = tpu.memref_slice %arg4[%dma_start3A_1206, %dma_start3A_1207, %add3A_1205, %dma_start3A_1214] : memref<5x5x1024x768xf32, #tpu.memory_space<hbm>> -> memref<1x1x16x768xf32, #tpu.memory_space<hbm>>
    %dma_start3A_1216 = tpu.memref_squeeze %dma_start3A_1215 : memref<1x1x16x768xf32, #tpu.memory_space<hbm>> -> memref<16x768xf32, #tpu.memory_space<hbm>>
    %dma_start3A_1217 = arith.constant 16 : i32
    %dma_start3A_1218 = arith.constant 0 : i32
    %dma_start3A_1219 = tpu.memref_slice %arg8[%dma_start3A_1217, %dma_start3A_1218] : memref<32x768xf32, #tpu.memory_space<vmem>> -> memref<16x768xf32, #tpu.memory_space<vmem>>
    tpu.enqueue_dma source(%dma_start3A_1219 : memref<16x768xf32, #tpu.memory_space<vmem>>) target(%dma_start3A_1216 : memref<16x768xf32, #tpu.memory_space<hbm>>) target_semaphore(%arg18 : memref<!tpu.dma_semaphore, #tpu.memory_space<semaphore_mem>>)
    %dma_wait3A_1220 = arith.constant 2 : i32
    %dma_wait3A_1221 = arith.constant 2 : i32
    %dma_wait3A_1222 = arith.constant 0 : i32
    %dma_wait3A_1223 = arith.constant 0 : i32
    %dma_wait3A_1224 = tpu.memref_slice %arg8[%dma_wait3A_1222, %dma_wait3A_1223] : memref<32x768xf32, #tpu.memory_space<vmem>> -> memref<16x768xf32, #tpu.memory_space<vmem>>
    %dma_wait3A_1225 = arith.constant 0 : i32
    %dma_wait3A_1226 = tpu.memref_slice %arg4[%dma_wait3A_1220, %dma_wait3A_1221, %add3A_1189, %dma_wait3A_1225] : memref<5x5x1024x768xf32, #tpu.memory_space<hbm>> -> memref<1x1x16x768xf32, #tpu.memory_space<hbm>>
    %dma_wait3A_1227 = tpu.memref_squeeze %dma_wait3A_1226 : memref<1x1x16x768xf32, #tpu.memory_space<hbm>> -> memref<16x768xf32, #tpu.memory_space<hbm>>
    %dma_wait3A_1228 = arith.constant 0 : i32
    %dma_wait3A_1229 = tpu.memref_slice %arg4[%dma_wait3A_1220, %dma_wait3A_1221, %add3A_1189, %dma_wait3A_1228] : memref<5x5x1024x768xf32, #tpu.memory_space<hbm>> -> memref<1x1x16x768xf32, #tpu.memory_space<hbm>>
    %dma_wait3A_1230 = tpu.memref_squeeze %dma_wait3A_1229 : memref<1x1x16x768xf32, #tpu.memory_space<hbm>> -> memref<16x768xf32, #tpu.memory_space<hbm>>
    %dma_wait3A_1231 = arith.constant 0 : i32
    %dma_wait3A_1232 = arith.constant 0 : i32
    %dma_wait3A_1233 = tpu.memref_slice %arg8[%dma_wait3A_1231, %dma_wait3A_1232] : memref<32x768xf32, #tpu.memory_space<vmem>> -> memref<16x768xf32, #tpu.memory_space<vmem>>
    tpu.wait_dma2 semaphore(%arg18 : memref<!tpu.dma_semaphore, #tpu.memory_space<semaphore_mem>>) src(%dma_wait3A_1233 : memref<16x768xf32, #tpu.memory_space<vmem>>) dst(%dma_wait3A_1230 : memref<16x768xf32, #tpu.memory_space<hbm>>)
    %dma_wait3A_1234 = arith.constant 2 : i32
    %dma_wait3A_1235 = arith.constant 3 : i32
    %dma_wait3A_1236 = arith.constant 16 : i32
    %dma_wait3A_1237 = arith.constant 0 : i32
    %dma_wait3A_1238 = tpu.memref_slice %arg8[%dma_wait3A_1236, %dma_wait3A_1237] : memref<32x768xf32, #tpu.memory_space<vmem>> -> memref<16x768xf32, #tpu.memory_space<vmem>>
    %dma_wait3A_1239 = arith.constant 0 : i32
    %dma_wait3A_1240 = tpu.memref_slice %arg4[%dma_wait3A_1234, %dma_wait3A_1235, %add3A_1205, %dma_wait3A_1239] : memref<5x5x1024x768xf32, #tpu.memory_space<hbm>> -> memref<1x1x16x768xf32, #tpu.memory_space<hbm>>
    %dma_wait3A_1241 = tpu.memref_squeeze %dma_wait3A_1240 : memref<1x1x16x768xf32, #tpu.memory_space<hbm>> -> memref<16x768xf32, #tpu.memory_space<hbm>>
    %dma_wait3A_1242 = arith.constant 0 : i32
    %dma_wait3A_1243 = tpu.memref_slice %arg4[%dma_wait3A_1234, %dma_wait3A_1235, %add3A_1205, %dma_wait3A_1242] : memref<5x5x1024x768xf32, #tpu.memory_space<hbm>> -> memref<1x1x16x768xf32, #tpu.memory_space<hbm>>
    %dma_wait3A_1244 = tpu.memref_squeeze %dma_wait3A_1243 : memref<1x1x16x768xf32, #tpu.memory_space<hbm>> -> memref<16x768xf32, #tpu.memory_space<hbm>>
    %dma_wait3A_1245 = arith.constant 16 : i32
    %dma_wait3A_1246 = arith.constant 0 : i32
    %dma_wait3A_1247 = tpu.memref_slice %arg8[%dma_wait3A_1245, %dma_wait3A_1246] : memref<32x768xf32, #tpu.memory_space<vmem>> -> memref<16x768xf32, #tpu.memory_space<vmem>>
    tpu.wait_dma2 semaphore(%arg18 : memref<!tpu.dma_semaphore, #tpu.memory_space<semaphore_mem>>) src(%dma_wait3A_1247 : memref<16x768xf32, #tpu.memory_space<vmem>>) dst(%dma_wait3A_1244 : memref<16x768xf32, #tpu.memory_space<hbm>>)
    %dma_start3A_1248 = arith.constant 352 : i32
    %dma_start3A_1249 = tpu.memref_slice %arg6[%dma_start3A_1248] : memref<800xi32, #tpu.memory_space<vmem>> -> memref<32xi32, #tpu.memory_space<vmem>>
    %dma_start3A_1250 = arith.constant 0 : i32
    %dma_start3A_1251 = arith.constant 0 : i32
    %dma_start3A_1252 = tpu.memref_slice %arg2[%dma_start3A_1250, %dma_start3A_1251] : memref<5120x768xf32, #tpu.memory_space<hbm>> -> memref<5120x768xf32, #tpu.memory_space<hbm>>
    tpu.enqueue_indirect_dma source(%dma_start3A_1252 : memref<5120x768xf32, #tpu.memory_space<hbm>>) target(%arg8 : memref<32x768xf32, #tpu.memory_space<vmem>>) offsets(%dma_start3A_1249 : memref<32xi32, #tpu.memory_space<vmem>>) semaphore(%arg13 : memref<!tpu.dma_semaphore, #tpu.memory_space<semaphore_mem>>)
    %dma_wait3A_1253 = arith.constant 224 : i32
    %dma_wait3A_1254 = tpu.memref_slice %arg6[%dma_wait3A_1253] : memref<800xi32, #tpu.memory_space<vmem>> -> memref<32xi32, #tpu.memory_space<vmem>>
    %dma_wait3A_1255 = arith.constant 0 : i32
    %dma_wait3A_1256 = arith.constant 0 : i32
    %dma_wait3A_1257 = tpu.memref_slice %arg2[%dma_wait3A_1255, %dma_wait3A_1256] : memref<5120x768xf32, #tpu.memory_space<hbm>> -> memref<5120x768xf32, #tpu.memory_space<hbm>>
    tpu.wait_indirect_dma semaphore(%arg14 : memref<!tpu.dma_semaphore, #tpu.memory_space<semaphore_mem>>) src(%dma_wait3A_1257 : memref<5120x768xf32, #tpu.memory_space<hbm>>) dst(%arg9 : memref<32x768xf32, #tpu.memory_space<vmem>>)
    %add3A_1258 = arith.constant 0 : i32
    %add3A_1259 = arith.addi %mul3A_4, %add3A_1258 : i32
    %dma_start3A_1260 = arith.constant 2 : i32
    %dma_start3A_1261 = arith.constant 4 : i32
    %dma_start3A_1262 = arith.constant 0 : i32
    %dma_start3A_1263 = arith.constant 0 : i32
    %dma_start3A_1264 = tpu.memref_slice %arg9[%dma_start3A_1262, %dma_start3A_1263] : memref<32x768xf32, #tpu.memory_space<vmem>> -> memref<16x768xf32, #tpu.memory_space<vmem>>
    %dma_start3A_1265 = arith.constant 0 : i32
    %dma_start3A_1266 = tpu.memref_slice %arg4[%dma_start3A_1260, %dma_start3A_1261, %add3A_1259, %dma_start3A_1265] : memref<5x5x1024x768xf32, #tpu.memory_space<hbm>> -> memref<1x1x16x768xf32, #tpu.memory_space<hbm>>
    %dma_start3A_1267 = tpu.memref_squeeze %dma_start3A_1266 : memref<1x1x16x768xf32, #tpu.memory_space<hbm>> -> memref<16x768xf32, #tpu.memory_space<hbm>>
    %dma_start3A_1268 = arith.constant 0 : i32
    %dma_start3A_1269 = tpu.memref_slice %arg4[%dma_start3A_1260, %dma_start3A_1261, %add3A_1259, %dma_start3A_1268] : memref<5x5x1024x768xf32, #tpu.memory_space<hbm>> -> memref<1x1x16x768xf32, #tpu.memory_space<hbm>>
    %dma_start3A_1270 = tpu.memref_squeeze %dma_start3A_1269 : memref<1x1x16x768xf32, #tpu.memory_space<hbm>> -> memref<16x768xf32, #tpu.memory_space<hbm>>
    %dma_start3A_1271 = arith.constant 0 : i32
    %dma_start3A_1272 = arith.constant 0 : i32
    %dma_start3A_1273 = tpu.memref_slice %arg9[%dma_start3A_1271, %dma_start3A_1272] : memref<32x768xf32, #tpu.memory_space<vmem>> -> memref<16x768xf32, #tpu.memory_space<vmem>>
    tpu.enqueue_dma source(%dma_start3A_1273 : memref<16x768xf32, #tpu.memory_space<vmem>>) target(%dma_start3A_1270 : memref<16x768xf32, #tpu.memory_space<hbm>>) target_semaphore(%arg19 : memref<!tpu.dma_semaphore, #tpu.memory_space<semaphore_mem>>)
    %add3A_1274 = arith.constant 0 : i32
    %add3A_1275 = arith.addi %mul3A_4, %add3A_1274 : i32
    %dma_start3A_1276 = arith.constant 3 : i32
    %dma_start3A_1277 = arith.constant 0 : i32
    %dma_start3A_1278 = arith.constant 16 : i32
    %dma_start3A_1279 = arith.constant 0 : i32
    %dma_start3A_1280 = tpu.memref_slice %arg9[%dma_start3A_1278, %dma_start3A_1279] : memref<32x768xf32, #tpu.memory_space<vmem>> -> memref<16x768xf32, #tpu.memory_space<vmem>>
    %dma_start3A_1281 = arith.constant 0 : i32
    %dma_start3A_1282 = tpu.memref_slice %arg4[%dma_start3A_1276, %dma_start3A_1277, %add3A_1275, %dma_start3A_1281] : memref<5x5x1024x768xf32, #tpu.memory_space<hbm>> -> memref<1x1x16x768xf32, #tpu.memory_space<hbm>>
    %dma_start3A_1283 = tpu.memref_squeeze %dma_start3A_1282 : memref<1x1x16x768xf32, #tpu.memory_space<hbm>> -> memref<16x768xf32, #tpu.memory_space<hbm>>
    %dma_start3A_1284 = arith.constant 0 : i32
    %dma_start3A_1285 = tpu.memref_slice %arg4[%dma_start3A_1276, %dma_start3A_1277, %add3A_1275, %dma_start3A_1284] : memref<5x5x1024x768xf32, #tpu.memory_space<hbm>> -> memref<1x1x16x768xf32, #tpu.memory_space<hbm>>
    %dma_start3A_1286 = tpu.memref_squeeze %dma_start3A_1285 : memref<1x1x16x768xf32, #tpu.memory_space<hbm>> -> memref<16x768xf32, #tpu.memory_space<hbm>>
    %dma_start3A_1287 = arith.constant 16 : i32
    %dma_start3A_1288 = arith.constant 0 : i32
    %dma_start3A_1289 = tpu.memref_slice %arg9[%dma_start3A_1287, %dma_start3A_1288] : memref<32x768xf32, #tpu.memory_space<vmem>> -> memref<16x768xf32, #tpu.memory_space<vmem>>
    tpu.enqueue_dma source(%dma_start3A_1289 : memref<16x768xf32, #tpu.memory_space<vmem>>) target(%dma_start3A_1286 : memref<16x768xf32, #tpu.memory_space<hbm>>) target_semaphore(%arg19 : memref<!tpu.dma_semaphore, #tpu.memory_space<semaphore_mem>>)
    %dma_wait3A_1290 = arith.constant 2 : i32
    %dma_wait3A_1291 = arith.constant 4 : i32
    %dma_wait3A_1292 = arith.constant 0 : i32
    %dma_wait3A_1293 = arith.constant 0 : i32
    %dma_wait3A_1294 = tpu.memref_slice %arg9[%dma_wait3A_1292, %dma_wait3A_1293] : memref<32x768xf32, #tpu.memory_space<vmem>> -> memref<16x768xf32, #tpu.memory_space<vmem>>
    %dma_wait3A_1295 = arith.constant 0 : i32
    %dma_wait3A_1296 = tpu.memref_slice %arg4[%dma_wait3A_1290, %dma_wait3A_1291, %add3A_1259, %dma_wait3A_1295] : memref<5x5x1024x768xf32, #tpu.memory_space<hbm>> -> memref<1x1x16x768xf32, #tpu.memory_space<hbm>>
    %dma_wait3A_1297 = tpu.memref_squeeze %dma_wait3A_1296 : memref<1x1x16x768xf32, #tpu.memory_space<hbm>> -> memref<16x768xf32, #tpu.memory_space<hbm>>
    %dma_wait3A_1298 = arith.constant 0 : i32
    %dma_wait3A_1299 = tpu.memref_slice %arg4[%dma_wait3A_1290, %dma_wait3A_1291, %add3A_1259, %dma_wait3A_1298] : memref<5x5x1024x768xf32, #tpu.memory_space<hbm>> -> memref<1x1x16x768xf32, #tpu.memory_space<hbm>>
    %dma_wait3A_1300 = tpu.memref_squeeze %dma_wait3A_1299 : memref<1x1x16x768xf32, #tpu.memory_space<hbm>> -> memref<16x768xf32, #tpu.memory_space<hbm>>
    %dma_wait3A_1301 = arith.constant 0 : i32
    %dma_wait3A_1302 = arith.constant 0 : i32
    %dma_wait3A_1303 = tpu.memref_slice %arg9[%dma_wait3A_1301, %dma_wait3A_1302] : memref<32x768xf32, #tpu.memory_space<vmem>> -> memref<16x768xf32, #tpu.memory_space<vmem>>
    tpu.wait_dma2 semaphore(%arg19 : memref<!tpu.dma_semaphore, #tpu.memory_space<semaphore_mem>>) src(%dma_wait3A_1303 : memref<16x768xf32, #tpu.memory_space<vmem>>) dst(%dma_wait3A_1300 : memref<16x768xf32, #tpu.memory_space<hbm>>)
    %dma_wait3A_1304 = arith.constant 3 : i32
    %dma_wait3A_1305 = arith.constant 0 : i32
    %dma_wait3A_1306 = arith.constant 16 : i32
    %dma_wait3A_1307 = arith.constant 0 : i32
    %dma_wait3A_1308 = tpu.memref_slice %arg9[%dma_wait3A_1306, %dma_wait3A_1307] : memref<32x768xf32, #tpu.memory_space<vmem>> -> memref<16x768xf32, #tpu.memory_space<vmem>>
    %dma_wait3A_1309 = arith.constant 0 : i32
    %dma_wait3A_1310 = tpu.memref_slice %arg4[%dma_wait3A_1304, %dma_wait3A_1305, %add3A_1275, %dma_wait3A_1309] : memref<5x5x1024x768xf32, #tpu.memory_space<hbm>> -> memref<1x1x16x768xf32, #tpu.memory_space<hbm>>
    %dma_wait3A_1311 = tpu.memref_squeeze %dma_wait3A_1310 : memref<1x1x16x768xf32, #tpu.memory_space<hbm>> -> memref<16x768xf32, #tpu.memory_space<hbm>>
    %dma_wait3A_1312 = arith.constant 0 : i32
    %dma_wait3A_1313 = tpu.memref_slice %arg4[%dma_wait3A_1304, %dma_wait3A_1305, %add3A_1275, %dma_wait3A_1312] : memref<5x5x1024x768xf32, #tpu.memory_space<hbm>> -> memref<1x1x16x768xf32, #tpu.memory_space<hbm>>
    %dma_wait3A_1314 = tpu.memref_squeeze %dma_wait3A_1313 : memref<1x1x16x768xf32, #tpu.memory_space<hbm>> -> memref<16x768xf32, #tpu.memory_space<hbm>>
    %dma_wait3A_1315 = arith.constant 16 : i32
    %dma_wait3A_1316 = arith.constant 0 : i32
    %dma_wait3A_1317 = tpu.memref_slice %arg9[%dma_wait3A_1315, %dma_wait3A_1316] : memref<32x768xf32, #tpu.memory_space<vmem>> -> memref<16x768xf32, #tpu.memory_space<vmem>>
    tpu.wait_dma2 semaphore(%arg19 : memref<!tpu.dma_semaphore, #tpu.memory_space<semaphore_mem>>) src(%dma_wait3A_1317 : memref<16x768xf32, #tpu.memory_space<vmem>>) dst(%dma_wait3A_1314 : memref<16x768xf32, #tpu.memory_space<hbm>>)
    %dma_start3A_1318 = arith.constant 384 : i32
    %dma_start3A_1319 = tpu.memref_slice %arg6[%dma_start3A_1318] : memref<800xi32, #tpu.memory_space<vmem>> -> memref<32xi32, #tpu.memory_space<vmem>>
    %dma_start3A_1320 = arith.constant 0 : i32
    %dma_start3A_1321 = arith.constant 0 : i32
    %dma_start3A_1322 = tpu.memref_slice %arg2[%dma_start3A_1320, %dma_start3A_1321] : memref<5120x768xf32, #tpu.memory_space<hbm>> -> memref<5120x768xf32, #tpu.memory_space<hbm>>
    tpu.enqueue_indirect_dma source(%dma_start3A_1322 : memref<5120x768xf32, #tpu.memory_space<hbm>>) target(%arg9 : memref<32x768xf32, #tpu.memory_space<vmem>>) offsets(%dma_start3A_1319 : memref<32xi32, #tpu.memory_space<vmem>>) semaphore(%arg14 : memref<!tpu.dma_semaphore, #tpu.memory_space<semaphore_mem>>)
    %dma_wait3A_1323 = arith.constant 256 : i32
    %dma_wait3A_1324 = tpu.memref_slice %arg6[%dma_wait3A_1323] : memref<800xi32, #tpu.memory_space<vmem>> -> memref<32xi32, #tpu.memory_space<vmem>>
    %dma_wait3A_1325 = arith.constant 0 : i32
    %dma_wait3A_1326 = arith.constant 0 : i32
    %dma_wait3A_1327 = tpu.memref_slice %arg2[%dma_wait3A_1325, %dma_wait3A_1326] : memref<5120x768xf32, #tpu.memory_space<hbm>> -> memref<5120x768xf32, #tpu.memory_space<hbm>>
    tpu.wait_indirect_dma semaphore(%arg15 : memref<!tpu.dma_semaphore, #tpu.memory_space<semaphore_mem>>) src(%dma_wait3A_1327 : memref<5120x768xf32, #tpu.memory_space<hbm>>) dst(%arg10 : memref<32x768xf32, #tpu.memory_space<vmem>>)
    %add3A_1328 = arith.constant 0 : i32
    %add3A_1329 = arith.addi %mul3A_4, %add3A_1328 : i32
    %dma_start3A_1330 = arith.constant 3 : i32
    %dma_start3A_1331 = arith.constant 1 : i32
    %dma_start3A_1332 = arith.constant 0 : i32
    %dma_start3A_1333 = arith.constant 0 : i32
    %dma_start3A_1334 = tpu.memref_slice %arg10[%dma_start3A_1332, %dma_start3A_1333] : memref<32x768xf32, #tpu.memory_space<vmem>> -> memref<16x768xf32, #tpu.memory_space<vmem>>
    %dma_start3A_1335 = arith.constant 0 : i32
    %dma_start3A_1336 = tpu.memref_slice %arg4[%dma_start3A_1330, %dma_start3A_1331, %add3A_1329, %dma_start3A_1335] : memref<5x5x1024x768xf32, #tpu.memory_space<hbm>> -> memref<1x1x16x768xf32, #tpu.memory_space<hbm>>
    %dma_start3A_1337 = tpu.memref_squeeze %dma_start3A_1336 : memref<1x1x16x768xf32, #tpu.memory_space<hbm>> -> memref<16x768xf32, #tpu.memory_space<hbm>>
    %dma_start3A_1338 = arith.constant 0 : i32
    %dma_start3A_1339 = tpu.memref_slice %arg4[%dma_start3A_1330, %dma_start3A_1331, %add3A_1329, %dma_start3A_1338] : memref<5x5x1024x768xf32, #tpu.memory_space<hbm>> -> memref<1x1x16x768xf32, #tpu.memory_space<hbm>>
    %dma_start3A_1340 = tpu.memref_squeeze %dma_start3A_1339 : memref<1x1x16x768xf32, #tpu.memory_space<hbm>> -> memref<16x768xf32, #tpu.memory_space<hbm>>
    %dma_start3A_1341 = arith.constant 0 : i32
    %dma_start3A_1342 = arith.constant 0 : i32
    %dma_start3A_1343 = tpu.memref_slice %arg10[%dma_start3A_1341, %dma_start3A_1342] : memref<32x768xf32, #tpu.memory_space<vmem>> -> memref<16x768xf32, #tpu.memory_space<vmem>>
    tpu.enqueue_dma source(%dma_start3A_1343 : memref<16x768xf32, #tpu.memory_space<vmem>>) target(%dma_start3A_1340 : memref<16x768xf32, #tpu.memory_space<hbm>>) target_semaphore(%arg20 : memref<!tpu.dma_semaphore, #tpu.memory_space<semaphore_mem>>)
    %add3A_1344 = arith.constant 0 : i32
    %add3A_1345 = arith.addi %mul3A_4, %add3A_1344 : i32
    %dma_start3A_1346 = arith.constant 3 : i32
    %dma_start3A_1347 = arith.constant 2 : i32
    %dma_start3A_1348 = arith.constant 16 : i32
    %dma_start3A_1349 = arith.constant 0 : i32
    %dma_start3A_1350 = tpu.memref_slice %arg10[%dma_start3A_1348, %dma_start3A_1349] : memref<32x768xf32, #tpu.memory_space<vmem>> -> memref<16x768xf32, #tpu.memory_space<vmem>>
    %dma_start3A_1351 = arith.constant 0 : i32
    %dma_start3A_1352 = tpu.memref_slice %arg4[%dma_start3A_1346, %dma_start3A_1347, %add3A_1345, %dma_start3A_1351] : memref<5x5x1024x768xf32, #tpu.memory_space<hbm>> -> memref<1x1x16x768xf32, #tpu.memory_space<hbm>>
    %dma_start3A_1353 = tpu.memref_squeeze %dma_start3A_1352 : memref<1x1x16x768xf32, #tpu.memory_space<hbm>> -> memref<16x768xf32, #tpu.memory_space<hbm>>
    %dma_start3A_1354 = arith.constant 0 : i32
    %dma_start3A_1355 = tpu.memref_slice %arg4[%dma_start3A_1346, %dma_start3A_1347, %add3A_1345, %dma_start3A_1354] : memref<5x5x1024x768xf32, #tpu.memory_space<hbm>> -> memref<1x1x16x768xf32, #tpu.memory_space<hbm>>
    %dma_start3A_1356 = tpu.memref_squeeze %dma_start3A_1355 : memref<1x1x16x768xf32, #tpu.memory_space<hbm>> -> memref<16x768xf32, #tpu.memory_space<hbm>>
    %dma_start3A_1357 = arith.constant 16 : i32
    %dma_start3A_1358 = arith.constant 0 : i32
    %dma_start3A_1359 = tpu.memref_slice %arg10[%dma_start3A_1357, %dma_start3A_1358] : memref<32x768xf32, #tpu.memory_space<vmem>> -> memref<16x768xf32, #tpu.memory_space<vmem>>
    tpu.enqueue_dma source(%dma_start3A_1359 : memref<16x768xf32, #tpu.memory_space<vmem>>) target(%dma_start3A_1356 : memref<16x768xf32, #tpu.memory_space<hbm>>) target_semaphore(%arg20 : memref<!tpu.dma_semaphore, #tpu.memory_space<semaphore_mem>>)
    %dma_wait3A_1360 = arith.constant 3 : i32
    %dma_wait3A_1361 = arith.constant 1 : i32
    %dma_wait3A_1362 = arith.constant 0 : i32
    %dma_wait3A_1363 = arith.constant 0 : i32
    %dma_wait3A_1364 = tpu.memref_slice %arg10[%dma_wait3A_1362, %dma_wait3A_1363] : memref<32x768xf32, #tpu.memory_space<vmem>> -> memref<16x768xf32, #tpu.memory_space<vmem>>
    %dma_wait3A_1365 = arith.constant 0 : i32
    %dma_wait3A_1366 = tpu.memref_slice %arg4[%dma_wait3A_1360, %dma_wait3A_1361, %add3A_1329, %dma_wait3A_1365] : memref<5x5x1024x768xf32, #tpu.memory_space<hbm>> -> memref<1x1x16x768xf32, #tpu.memory_space<hbm>>
    %dma_wait3A_1367 = tpu.memref_squeeze %dma_wait3A_1366 : memref<1x1x16x768xf32, #tpu.memory_space<hbm>> -> memref<16x768xf32, #tpu.memory_space<hbm>>
    %dma_wait3A_1368 = arith.constant 0 : i32
    %dma_wait3A_1369 = tpu.memref_slice %arg4[%dma_wait3A_1360, %dma_wait3A_1361, %add3A_1329, %dma_wait3A_1368] : memref<5x5x1024x768xf32, #tpu.memory_space<hbm>> -> memref<1x1x16x768xf32, #tpu.memory_space<hbm>>
    %dma_wait3A_1370 = tpu.memref_squeeze %dma_wait3A_1369 : memref<1x1x16x768xf32, #tpu.memory_space<hbm>> -> memref<16x768xf32, #tpu.memory_space<hbm>>
    %dma_wait3A_1371 = arith.constant 0 : i32
    %dma_wait3A_1372 = arith.constant 0 : i32
    %dma_wait3A_1373 = tpu.memref_slice %arg10[%dma_wait3A_1371, %dma_wait3A_1372] : memref<32x768xf32, #tpu.memory_space<vmem>> -> memref<16x768xf32, #tpu.memory_space<vmem>>
    tpu.wait_dma2 semaphore(%arg20 : memref<!tpu.dma_semaphore, #tpu.memory_space<semaphore_mem>>) src(%dma_wait3A_1373 : memref<16x768xf32, #tpu.memory_space<vmem>>) dst(%dma_wait3A_1370 : memref<16x768xf32, #tpu.memory_space<hbm>>)
    %dma_wait3A_1374 = arith.constant 3 : i32
    %dma_wait3A_1375 = arith.constant 2 : i32
    %dma_wait3A_1376 = arith.constant 16 : i32
    %dma_wait3A_1377 = arith.constant 0 : i32
    %dma_wait3A_1378 = tpu.memref_slice %arg10[%dma_wait3A_1376, %dma_wait3A_1377] : memref<32x768xf32, #tpu.memory_space<vmem>> -> memref<16x768xf32, #tpu.memory_space<vmem>>
    %dma_wait3A_1379 = arith.constant 0 : i32
    %dma_wait3A_1380 = tpu.memref_slice %arg4[%dma_wait3A_1374, %dma_wait3A_1375, %add3A_1345, %dma_wait3A_1379] : memref<5x5x1024x768xf32, #tpu.memory_space<hbm>> -> memref<1x1x16x768xf32, #tpu.memory_space<hbm>>
    %dma_wait3A_1381 = tpu.memref_squeeze %dma_wait3A_1380 : memref<1x1x16x768xf32, #tpu.memory_space<hbm>> -> memref<16x768xf32, #tpu.memory_space<hbm>>
    %dma_wait3A_1382 = arith.constant 0 : i32
    %dma_wait3A_1383 = tpu.memref_slice %arg4[%dma_wait3A_1374, %dma_wait3A_1375, %add3A_1345, %dma_wait3A_1382] : memref<5x5x1024x768xf32, #tpu.memory_space<hbm>> -> memref<1x1x16x768xf32, #tpu.memory_space<hbm>>
    %dma_wait3A_1384 = tpu.memref_squeeze %dma_wait3A_1383 : memref<1x1x16x768xf32, #tpu.memory_space<hbm>> -> memref<16x768xf32, #tpu.memory_space<hbm>>
    %dma_wait3A_1385 = arith.constant 16 : i32
    %dma_wait3A_1386 = arith.constant 0 : i32
    %dma_wait3A_1387 = tpu.memref_slice %arg10[%dma_wait3A_1385, %dma_wait3A_1386] : memref<32x768xf32, #tpu.memory_space<vmem>> -> memref<16x768xf32, #tpu.memory_space<vmem>>
    tpu.wait_dma2 semaphore(%arg20 : memref<!tpu.dma_semaphore, #tpu.memory_space<semaphore_mem>>) src(%dma_wait3A_1387 : memref<16x768xf32, #tpu.memory_space<vmem>>) dst(%dma_wait3A_1384 : memref<16x768xf32, #tpu.memory_space<hbm>>)
    %dma_start3A_1388 = arith.constant 416 : i32
    %dma_start3A_1389 = tpu.memref_slice %arg6[%dma_start3A_1388] : memref<800xi32, #tpu.memory_space<vmem>> -> memref<32xi32, #tpu.memory_space<vmem>>
    %dma_start3A_1390 = arith.constant 0 : i32
    %dma_start3A_1391 = arith.constant 0 : i32
    %dma_start3A_1392 = tpu.memref_slice %arg2[%dma_start3A_1390, %dma_start3A_1391] : memref<5120x768xf32, #tpu.memory_space<hbm>> -> memref<5120x768xf32, #tpu.memory_space<hbm>>
    tpu.enqueue_indirect_dma source(%dma_start3A_1392 : memref<5120x768xf32, #tpu.memory_space<hbm>>) target(%arg10 : memref<32x768xf32, #tpu.memory_space<vmem>>) offsets(%dma_start3A_1389 : memref<32xi32, #tpu.memory_space<vmem>>) semaphore(%arg15 : memref<!tpu.dma_semaphore, #tpu.memory_space<semaphore_mem>>)
    %dma_wait3A_1393 = arith.constant 288 : i32
    %dma_wait3A_1394 = tpu.memref_slice %arg6[%dma_wait3A_1393] : memref<800xi32, #tpu.memory_space<vmem>> -> memref<32xi32, #tpu.memory_space<vmem>>
    %dma_wait3A_1395 = arith.constant 0 : i32
    %dma_wait3A_1396 = arith.constant 0 : i32
    %dma_wait3A_1397 = tpu.memref_slice %arg2[%dma_wait3A_1395, %dma_wait3A_1396] : memref<5120x768xf32, #tpu.memory_space<hbm>> -> memref<5120x768xf32, #tpu.memory_space<hbm>>
    tpu.wait_indirect_dma semaphore(%arg16 : memref<!tpu.dma_semaphore, #tpu.memory_space<semaphore_mem>>) src(%dma_wait3A_1397 : memref<5120x768xf32, #tpu.memory_space<hbm>>) dst(%arg11 : memref<32x768xf32, #tpu.memory_space<vmem>>)
    %add3A_1398 = arith.constant 0 : i32
    %add3A_1399 = arith.addi %mul3A_4, %add3A_1398 : i32
    %dma_start3A_1400 = arith.constant 3 : i32
    %dma_start3A_1401 = arith.constant 3 : i32
    %dma_start3A_1402 = arith.constant 0 : i32
    %dma_start3A_1403 = arith.constant 0 : i32
    %dma_start3A_1404 = tpu.memref_slice %arg11[%dma_start3A_1402, %dma_start3A_1403] : memref<32x768xf32, #tpu.memory_space<vmem>> -> memref<16x768xf32, #tpu.memory_space<vmem>>
    %dma_start3A_1405 = arith.constant 0 : i32
    %dma_start3A_1406 = tpu.memref_slice %arg4[%dma_start3A_1400, %dma_start3A_1401, %add3A_1399, %dma_start3A_1405] : memref<5x5x1024x768xf32, #tpu.memory_space<hbm>> -> memref<1x1x16x768xf32, #tpu.memory_space<hbm>>
    %dma_start3A_1407 = tpu.memref_squeeze %dma_start3A_1406 : memref<1x1x16x768xf32, #tpu.memory_space<hbm>> -> memref<16x768xf32, #tpu.memory_space<hbm>>
    %dma_start3A_1408 = arith.constant 0 : i32
    %dma_start3A_1409 = tpu.memref_slice %arg4[%dma_start3A_1400, %dma_start3A_1401, %add3A_1399, %dma_start3A_1408] : memref<5x5x1024x768xf32, #tpu.memory_space<hbm>> -> memref<1x1x16x768xf32, #tpu.memory_space<hbm>>
    %dma_start3A_1410 = tpu.memref_squeeze %dma_start3A_1409 : memref<1x1x16x768xf32, #tpu.memory_space<hbm>> -> memref<16x768xf32, #tpu.memory_space<hbm>>
    %dma_start3A_1411 = arith.constant 0 : i32
    %dma_start3A_1412 = arith.constant 0 : i32
    %dma_start3A_1413 = tpu.memref_slice %arg11[%dma_start3A_1411, %dma_start3A_1412] : memref<32x768xf32, #tpu.memory_space<vmem>> -> memref<16x768xf32, #tpu.memory_space<vmem>>
    tpu.enqueue_dma source(%dma_start3A_1413 : memref<16x768xf32, #tpu.memory_space<vmem>>) target(%dma_start3A_1410 : memref<16x768xf32, #tpu.memory_space<hbm>>) target_semaphore(%arg21 : memref<!tpu.dma_semaphore, #tpu.memory_space<semaphore_mem>>)
    %add3A_1414 = arith.constant 0 : i32
    %add3A_1415 = arith.addi %mul3A_4, %add3A_1414 : i32
    %dma_start3A_1416 = arith.constant 3 : i32
    %dma_start3A_1417 = arith.constant 4 : i32
    %dma_start3A_1418 = arith.constant 16 : i32
    %dma_start3A_1419 = arith.constant 0 : i32
    %dma_start3A_1420 = tpu.memref_slice %arg11[%dma_start3A_1418, %dma_start3A_1419] : memref<32x768xf32, #tpu.memory_space<vmem>> -> memref<16x768xf32, #tpu.memory_space<vmem>>
    %dma_start3A_1421 = arith.constant 0 : i32
    %dma_start3A_1422 = tpu.memref_slice %arg4[%dma_start3A_1416, %dma_start3A_1417, %add3A_1415, %dma_start3A_1421] : memref<5x5x1024x768xf32, #tpu.memory_space<hbm>> -> memref<1x1x16x768xf32, #tpu.memory_space<hbm>>
    %dma_start3A_1423 = tpu.memref_squeeze %dma_start3A_1422 : memref<1x1x16x768xf32, #tpu.memory_space<hbm>> -> memref<16x768xf32, #tpu.memory_space<hbm>>
    %dma_start3A_1424 = arith.constant 0 : i32
    %dma_start3A_1425 = tpu.memref_slice %arg4[%dma_start3A_1416, %dma_start3A_1417, %add3A_1415, %dma_start3A_1424] : memref<5x5x1024x768xf32, #tpu.memory_space<hbm>> -> memref<1x1x16x768xf32, #tpu.memory_space<hbm>>
    %dma_start3A_1426 = tpu.memref_squeeze %dma_start3A_1425 : memref<1x1x16x768xf32, #tpu.memory_space<hbm>> -> memref<16x768xf32, #tpu.memory_space<hbm>>
    %dma_start3A_1427 = arith.constant 16 : i32
    %dma_start3A_1428 = arith.constant 0 : i32
    %dma_start3A_1429 = tpu.memref_slice %arg11[%dma_start3A_1427, %dma_start3A_1428] : memref<32x768xf32, #tpu.memory_space<vmem>> -> memref<16x768xf32, #tpu.memory_space<vmem>>
    tpu.enqueue_dma source(%dma_start3A_1429 : memref<16x768xf32, #tpu.memory_space<vmem>>) target(%dma_start3A_1426 : memref<16x768xf32, #tpu.memory_space<hbm>>) target_semaphore(%arg21 : memref<!tpu.dma_semaphore, #tpu.memory_space<semaphore_mem>>)
    %dma_wait3A_1430 = arith.constant 3 : i32
    %dma_wait3A_1431 = arith.constant 3 : i32
    %dma_wait3A_1432 = arith.constant 0 : i32
    %dma_wait3A_1433 = arith.constant 0 : i32
    %dma_wait3A_1434 = tpu.memref_slice %arg11[%dma_wait3A_1432, %dma_wait3A_1433] : memref<32x768xf32, #tpu.memory_space<vmem>> -> memref<16x768xf32, #tpu.memory_space<vmem>>
    %dma_wait3A_1435 = arith.constant 0 : i32
    %dma_wait3A_1436 = tpu.memref_slice %arg4[%dma_wait3A_1430, %dma_wait3A_1431, %add3A_1399, %dma_wait3A_1435] : memref<5x5x1024x768xf32, #tpu.memory_space<hbm>> -> memref<1x1x16x768xf32, #tpu.memory_space<hbm>>
    %dma_wait3A_1437 = tpu.memref_squeeze %dma_wait3A_1436 : memref<1x1x16x768xf32, #tpu.memory_space<hbm>> -> memref<16x768xf32, #tpu.memory_space<hbm>>
    %dma_wait3A_1438 = arith.constant 0 : i32
    %dma_wait3A_1439 = tpu.memref_slice %arg4[%dma_wait3A_1430, %dma_wait3A_1431, %add3A_1399, %dma_wait3A_1438] : memref<5x5x1024x768xf32, #tpu.memory_space<hbm>> -> memref<1x1x16x768xf32, #tpu.memory_space<hbm>>
    %dma_wait3A_1440 = tpu.memref_squeeze %dma_wait3A_1439 : memref<1x1x16x768xf32, #tpu.memory_space<hbm>> -> memref<16x768xf32, #tpu.memory_space<hbm>>
    %dma_wait3A_1441 = arith.constant 0 : i32
    %dma_wait3A_1442 = arith.constant 0 : i32
    %dma_wait3A_1443 = tpu.memref_slice %arg11[%dma_wait3A_1441, %dma_wait3A_1442] : memref<32x768xf32, #tpu.memory_space<vmem>> -> memref<16x768xf32, #tpu.memory_space<vmem>>
    tpu.wait_dma2 semaphore(%arg21 : memref<!tpu.dma_semaphore, #tpu.memory_space<semaphore_mem>>) src(%dma_wait3A_1443 : memref<16x768xf32, #tpu.memory_space<vmem>>) dst(%dma_wait3A_1440 : memref<16x768xf32, #tpu.memory_space<hbm>>)
    %dma_wait3A_1444 = arith.constant 3 : i32
    %dma_wait3A_1445 = arith.constant 4 : i32
    %dma_wait3A_1446 = arith.constant 16 : i32
    %dma_wait3A_1447 = arith.constant 0 : i32
    %dma_wait3A_1448 = tpu.memref_slice %arg11[%dma_wait3A_1446, %dma_wait3A_1447] : memref<32x768xf32, #tpu.memory_space<vmem>> -> memref<16x768xf32, #tpu.memory_space<vmem>>
    %dma_wait3A_1449 = arith.constant 0 : i32
    %dma_wait3A_1450 = tpu.memref_slice %arg4[%dma_wait3A_1444, %dma_wait3A_1445, %add3A_1415, %dma_wait3A_1449] : memref<5x5x1024x768xf32, #tpu.memory_space<hbm>> -> memref<1x1x16x768xf32, #tpu.memory_space<hbm>>
    %dma_wait3A_1451 = tpu.memref_squeeze %dma_wait3A_1450 : memref<1x1x16x768xf32, #tpu.memory_space<hbm>> -> memref<16x768xf32, #tpu.memory_space<hbm>>
    %dma_wait3A_1452 = arith.constant 0 : i32
    %dma_wait3A_1453 = tpu.memref_slice %arg4[%dma_wait3A_1444, %dma_wait3A_1445, %add3A_1415, %dma_wait3A_1452] : memref<5x5x1024x768xf32, #tpu.memory_space<hbm>> -> memref<1x1x16x768xf32, #tpu.memory_space<hbm>>
    %dma_wait3A_1454 = tpu.memref_squeeze %dma_wait3A_1453 : memref<1x1x16x768xf32, #tpu.memory_space<hbm>> -> memref<16x768xf32, #tpu.memory_space<hbm>>
    %dma_wait3A_1455 = arith.constant 16 : i32
    %dma_wait3A_1456 = arith.constant 0 : i32
    %dma_wait3A_1457 = tpu.memref_slice %arg11[%dma_wait3A_1455, %dma_wait3A_1456] : memref<32x768xf32, #tpu.memory_space<vmem>> -> memref<16x768xf32, #tpu.memory_space<vmem>>
    tpu.wait_dma2 semaphore(%arg21 : memref<!tpu.dma_semaphore, #tpu.memory_space<semaphore_mem>>) src(%dma_wait3A_1457 : memref<16x768xf32, #tpu.memory_space<vmem>>) dst(%dma_wait3A_1454 : memref<16x768xf32, #tpu.memory_space<hbm>>)
    %dma_start3A_1458 = arith.constant 448 : i32
    %dma_start3A_1459 = tpu.memref_slice %arg6[%dma_start3A_1458] : memref<800xi32, #tpu.memory_space<vmem>> -> memref<32xi32, #tpu.memory_space<vmem>>
    %dma_start3A_1460 = arith.constant 0 : i32
    %dma_start3A_1461 = arith.constant 0 : i32
    %dma_start3A_1462 = tpu.memref_slice %arg2[%dma_start3A_1460, %dma_start3A_1461] : memref<5120x768xf32, #tpu.memory_space<hbm>> -> memref<5120x768xf32, #tpu.memory_space<hbm>>
    tpu.enqueue_indirect_dma source(%dma_start3A_1462 : memref<5120x768xf32, #tpu.memory_space<hbm>>) target(%arg11 : memref<32x768xf32, #tpu.memory_space<vmem>>) offsets(%dma_start3A_1459 : memref<32xi32, #tpu.memory_space<vmem>>) semaphore(%arg16 : memref<!tpu.dma_semaphore, #tpu.memory_space<semaphore_mem>>)
    %dma_wait3A_1463 = arith.constant 320 : i32
    %dma_wait3A_1464 = tpu.memref_slice %arg6[%dma_wait3A_1463] : memref<800xi32, #tpu.memory_space<vmem>> -> memref<32xi32, #tpu.memory_space<vmem>>
    %dma_wait3A_1465 = arith.constant 0 : i32
    %dma_wait3A_1466 = arith.constant 0 : i32
    %dma_wait3A_1467 = tpu.memref_slice %arg2[%dma_wait3A_1465, %dma_wait3A_1466] : memref<5120x768xf32, #tpu.memory_space<hbm>> -> memref<5120x768xf32, #tpu.memory_space<hbm>>
    tpu.wait_indirect_dma semaphore(%arg12 : memref<!tpu.dma_semaphore, #tpu.memory_space<semaphore_mem>>) src(%dma_wait3A_1467 : memref<5120x768xf32, #tpu.memory_space<hbm>>) dst(%arg7 : memref<32x768xf32, #tpu.memory_space<vmem>>)
    %add3A_1468 = arith.constant 0 : i32
    %add3A_1469 = arith.addi %mul3A_4, %add3A_1468 : i32
    %dma_start3A_1470 = arith.constant 4 : i32
    %dma_start3A_1471 = arith.constant 0 : i32
    %dma_start3A_1472 = arith.constant 0 : i32
    %dma_start3A_1473 = arith.constant 0 : i32
    %dma_start3A_1474 = tpu.memref_slice %arg7[%dma_start3A_1472, %dma_start3A_1473] : memref<32x768xf32, #tpu.memory_space<vmem>> -> memref<16x768xf32, #tpu.memory_space<vmem>>
    %dma_start3A_1475 = arith.constant 0 : i32
    %dma_start3A_1476 = tpu.memref_slice %arg4[%dma_start3A_1470, %dma_start3A_1471, %add3A_1469, %dma_start3A_1475] : memref<5x5x1024x768xf32, #tpu.memory_space<hbm>> -> memref<1x1x16x768xf32, #tpu.memory_space<hbm>>
    %dma_start3A_1477 = tpu.memref_squeeze %dma_start3A_1476 : memref<1x1x16x768xf32, #tpu.memory_space<hbm>> -> memref<16x768xf32, #tpu.memory_space<hbm>>
    %dma_start3A_1478 = arith.constant 0 : i32
    %dma_start3A_1479 = tpu.memref_slice %arg4[%dma_start3A_1470, %dma_start3A_1471, %add3A_1469, %dma_start3A_1478] : memref<5x5x1024x768xf32, #tpu.memory_space<hbm>> -> memref<1x1x16x768xf32, #tpu.memory_space<hbm>>
    %dma_start3A_1480 = tpu.memref_squeeze %dma_start3A_1479 : memref<1x1x16x768xf32, #tpu.memory_space<hbm>> -> memref<16x768xf32, #tpu.memory_space<hbm>>
    %dma_start3A_1481 = arith.constant 0 : i32
    %dma_start3A_1482 = arith.constant 0 : i32
    %dma_start3A_1483 = tpu.memref_slice %arg7[%dma_start3A_1481, %dma_start3A_1482] : memref<32x768xf32, #tpu.memory_space<vmem>> -> memref<16x768xf32, #tpu.memory_space<vmem>>
    tpu.enqueue_dma source(%dma_start3A_1483 : memref<16x768xf32, #tpu.memory_space<vmem>>) target(%dma_start3A_1480 : memref<16x768xf32, #tpu.memory_space<hbm>>) target_semaphore(%arg17 : memref<!tpu.dma_semaphore, #tpu.memory_space<semaphore_mem>>)
    %add3A_1484 = arith.constant 0 : i32
    %add3A_1485 = arith.addi %mul3A_4, %add3A_1484 : i32
    %dma_start3A_1486 = arith.constant 4 : i32
    %dma_start3A_1487 = arith.constant 1 : i32
    %dma_start3A_1488 = arith.constant 16 : i32
    %dma_start3A_1489 = arith.constant 0 : i32
    %dma_start3A_1490 = tpu.memref_slice %arg7[%dma_start3A_1488, %dma_start3A_1489] : memref<32x768xf32, #tpu.memory_space<vmem>> -> memref<16x768xf32, #tpu.memory_space<vmem>>
    %dma_start3A_1491 = arith.constant 0 : i32
    %dma_start3A_1492 = tpu.memref_slice %arg4[%dma_start3A_1486, %dma_start3A_1487, %add3A_1485, %dma_start3A_1491] : memref<5x5x1024x768xf32, #tpu.memory_space<hbm>> -> memref<1x1x16x768xf32, #tpu.memory_space<hbm>>
    %dma_start3A_1493 = tpu.memref_squeeze %dma_start3A_1492 : memref<1x1x16x768xf32, #tpu.memory_space<hbm>> -> memref<16x768xf32, #tpu.memory_space<hbm>>
    %dma_start3A_1494 = arith.constant 0 : i32
    %dma_start3A_1495 = tpu.memref_slice %arg4[%dma_start3A_1486, %dma_start3A_1487, %add3A_1485, %dma_start3A_1494] : memref<5x5x1024x768xf32, #tpu.memory_space<hbm>> -> memref<1x1x16x768xf32, #tpu.memory_space<hbm>>
    %dma_start3A_1496 = tpu.memref_squeeze %dma_start3A_1495 : memref<1x1x16x768xf32, #tpu.memory_space<hbm>> -> memref<16x768xf32, #tpu.memory_space<hbm>>
    %dma_start3A_1497 = arith.constant 16 : i32
    %dma_start3A_1498 = arith.constant 0 : i32
    %dma_start3A_1499 = tpu.memref_slice %arg7[%dma_start3A_1497, %dma_start3A_1498] : memref<32x768xf32, #tpu.memory_space<vmem>> -> memref<16x768xf32, #tpu.memory_space<vmem>>
    tpu.enqueue_dma source(%dma_start3A_1499 : memref<16x768xf32, #tpu.memory_space<vmem>>) target(%dma_start3A_1496 : memref<16x768xf32, #tpu.memory_space<hbm>>) target_semaphore(%arg17 : memref<!tpu.dma_semaphore, #tpu.memory_space<semaphore_mem>>)
    %dma_wait3A_1500 = arith.constant 4 : i32
    %dma_wait3A_1501 = arith.constant 0 : i32
    %dma_wait3A_1502 = arith.constant 0 : i32
    %dma_wait3A_1503 = arith.constant 0 : i32
    %dma_wait3A_1504 = tpu.memref_slice %arg7[%dma_wait3A_1502, %dma_wait3A_1503] : memref<32x768xf32, #tpu.memory_space<vmem>> -> memref<16x768xf32, #tpu.memory_space<vmem>>
    %dma_wait3A_1505 = arith.constant 0 : i32
    %dma_wait3A_1506 = tpu.memref_slice %arg4[%dma_wait3A_1500, %dma_wait3A_1501, %add3A_1469, %dma_wait3A_1505] : memref<5x5x1024x768xf32, #tpu.memory_space<hbm>> -> memref<1x1x16x768xf32, #tpu.memory_space<hbm>>
    %dma_wait3A_1507 = tpu.memref_squeeze %dma_wait3A_1506 : memref<1x1x16x768xf32, #tpu.memory_space<hbm>> -> memref<16x768xf32, #tpu.memory_space<hbm>>
    %dma_wait3A_1508 = arith.constant 0 : i32
    %dma_wait3A_1509 = tpu.memref_slice %arg4[%dma_wait3A_1500, %dma_wait3A_1501, %add3A_1469, %dma_wait3A_1508] : memref<5x5x1024x768xf32, #tpu.memory_space<hbm>> -> memref<1x1x16x768xf32, #tpu.memory_space<hbm>>
    %dma_wait3A_1510 = tpu.memref_squeeze %dma_wait3A_1509 : memref<1x1x16x768xf32, #tpu.memory_space<hbm>> -> memref<16x768xf32, #tpu.memory_space<hbm>>
    %dma_wait3A_1511 = arith.constant 0 : i32
    %dma_wait3A_1512 = arith.constant 0 : i32
    %dma_wait3A_1513 = tpu.memref_slice %arg7[%dma_wait3A_1511, %dma_wait3A_1512] : memref<32x768xf32, #tpu.memory_space<vmem>> -> memref<16x768xf32, #tpu.memory_space<vmem>>
    tpu.wait_dma2 semaphore(%arg17 : memref<!tpu.dma_semaphore, #tpu.memory_space<semaphore_mem>>) src(%dma_wait3A_1513 : memref<16x768xf32, #tpu.memory_space<vmem>>) dst(%dma_wait3A_1510 : memref<16x768xf32, #tpu.memory_space<hbm>>)
    %dma_wait3A_1514 = arith.constant 4 : i32
    %dma_wait3A_1515 = arith.constant 1 : i32
    %dma_wait3A_1516 = arith.constant 16 : i32
    %dma_wait3A_1517 = arith.constant 0 : i32
    %dma_wait3A_1518 = tpu.memref_slice %arg7[%dma_wait3A_1516, %dma_wait3A_1517] : memref<32x768xf32, #tpu.memory_space<vmem>> -> memref<16x768xf32, #tpu.memory_space<vmem>>
    %dma_wait3A_1519 = arith.constant 0 : i32
    %dma_wait3A_1520 = tpu.memref_slice %arg4[%dma_wait3A_1514, %dma_wait3A_1515, %add3A_1485, %dma_wait3A_1519] : memref<5x5x1024x768xf32, #tpu.memory_space<hbm>> -> memref<1x1x16x768xf32, #tpu.memory_space<hbm>>
    %dma_wait3A_1521 = tpu.memref_squeeze %dma_wait3A_1520 : memref<1x1x16x768xf32, #tpu.memory_space<hbm>> -> memref<16x768xf32, #tpu.memory_space<hbm>>
    %dma_wait3A_1522 = arith.constant 0 : i32
    %dma_wait3A_1523 = tpu.memref_slice %arg4[%dma_wait3A_1514, %dma_wait3A_1515, %add3A_1485, %dma_wait3A_1522] : memref<5x5x1024x768xf32, #tpu.memory_space<hbm>> -> memref<1x1x16x768xf32, #tpu.memory_space<hbm>>
    %dma_wait3A_1524 = tpu.memref_squeeze %dma_wait3A_1523 : memref<1x1x16x768xf32, #tpu.memory_space<hbm>> -> memref<16x768xf32, #tpu.memory_space<hbm>>
    %dma_wait3A_1525 = arith.constant 16 : i32
    %dma_wait3A_1526 = arith.constant 0 : i32
    %dma_wait3A_1527 = tpu.memref_slice %arg7[%dma_wait3A_1525, %dma_wait3A_1526] : memref<32x768xf32, #tpu.memory_space<vmem>> -> memref<16x768xf32, #tpu.memory_space<vmem>>
    tpu.wait_dma2 semaphore(%arg17 : memref<!tpu.dma_semaphore, #tpu.memory_space<semaphore_mem>>) src(%dma_wait3A_1527 : memref<16x768xf32, #tpu.memory_space<vmem>>) dst(%dma_wait3A_1524 : memref<16x768xf32, #tpu.memory_space<hbm>>)
    %dma_start3A_1528 = arith.constant 480 : i32
    %dma_start3A_1529 = tpu.memref_slice %arg6[%dma_start3A_1528] : memref<800xi32, #tpu.memory_space<vmem>> -> memref<32xi32, #tpu.memory_space<vmem>>
    %dma_start3A_1530 = arith.constant 0 : i32
    %dma_start3A_1531 = arith.constant 0 : i32
    %dma_start3A_1532 = tpu.memref_slice %arg2[%dma_start3A_1530, %dma_start3A_1531] : memref<5120x768xf32, #tpu.memory_space<hbm>> -> memref<5120x768xf32, #tpu.memory_space<hbm>>
    tpu.enqueue_indirect_dma source(%dma_start3A_1532 : memref<5120x768xf32, #tpu.memory_space<hbm>>) target(%arg7 : memref<32x768xf32, #tpu.memory_space<vmem>>) offsets(%dma_start3A_1529 : memref<32xi32, #tpu.memory_space<vmem>>) semaphore(%arg12 : memref<!tpu.dma_semaphore, #tpu.memory_space<semaphore_mem>>)
    %dma_wait3A_1533 = arith.constant 352 : i32
    %dma_wait3A_1534 = tpu.memref_slice %arg6[%dma_wait3A_1533] : memref<800xi32, #tpu.memory_space<vmem>> -> memref<32xi32, #tpu.memory_space<vmem>>
    %dma_wait3A_1535 = arith.constant 0 : i32
    %dma_wait3A_1536 = arith.constant 0 : i32
    %dma_wait3A_1537 = tpu.memref_slice %arg2[%dma_wait3A_1535, %dma_wait3A_1536] : memref<5120x768xf32, #tpu.memory_space<hbm>> -> memref<5120x768xf32, #tpu.memory_space<hbm>>
    tpu.wait_indirect_dma semaphore(%arg13 : memref<!tpu.dma_semaphore, #tpu.memory_space<semaphore_mem>>) src(%dma_wait3A_1537 : memref<5120x768xf32, #tpu.memory_space<hbm>>) dst(%arg8 : memref<32x768xf32, #tpu.memory_space<vmem>>)
    %add3A_1538 = arith.constant 0 : i32
    %add3A_1539 = arith.addi %mul3A_4, %add3A_1538 : i32
    %dma_start3A_1540 = arith.constant 4 : i32
    %dma_start3A_1541 = arith.constant 2 : i32
    %dma_start3A_1542 = arith.constant 0 : i32
    %dma_start3A_1543 = arith.constant 0 : i32
    %dma_start3A_1544 = tpu.memref_slice %arg8[%dma_start3A_1542, %dma_start3A_1543] : memref<32x768xf32, #tpu.memory_space<vmem>> -> memref<16x768xf32, #tpu.memory_space<vmem>>
    %dma_start3A_1545 = arith.constant 0 : i32
    %dma_start3A_1546 = tpu.memref_slice %arg4[%dma_start3A_1540, %dma_start3A_1541, %add3A_1539, %dma_start3A_1545] : memref<5x5x1024x768xf32, #tpu.memory_space<hbm>> -> memref<1x1x16x768xf32, #tpu.memory_space<hbm>>
    %dma_start3A_1547 = tpu.memref_squeeze %dma_start3A_1546 : memref<1x1x16x768xf32, #tpu.memory_space<hbm>> -> memref<16x768xf32, #tpu.memory_space<hbm>>
    %dma_start3A_1548 = arith.constant 0 : i32
    %dma_start3A_1549 = tpu.memref_slice %arg4[%dma_start3A_1540, %dma_start3A_1541, %add3A_1539, %dma_start3A_1548] : memref<5x5x1024x768xf32, #tpu.memory_space<hbm>> -> memref<1x1x16x768xf32, #tpu.memory_space<hbm>>
    %dma_start3A_1550 = tpu.memref_squeeze %dma_start3A_1549 : memref<1x1x16x768xf32, #tpu.memory_space<hbm>> -> memref<16x768xf32, #tpu.memory_space<hbm>>
    %dma_start3A_1551 = arith.constant 0 : i32
    %dma_start3A_1552 = arith.constant 0 : i32
    %dma_start3A_1553 = tpu.memref_slice %arg8[%dma_start3A_1551, %dma_start3A_1552] : memref<32x768xf32, #tpu.memory_space<vmem>> -> memref<16x768xf32, #tpu.memory_space<vmem>>
    tpu.enqueue_dma source(%dma_start3A_1553 : memref<16x768xf32, #tpu.memory_space<vmem>>) target(%dma_start3A_1550 : memref<16x768xf32, #tpu.memory_space<hbm>>) target_semaphore(%arg18 : memref<!tpu.dma_semaphore, #tpu.memory_space<semaphore_mem>>)
    %add3A_1554 = arith.constant 0 : i32
    %add3A_1555 = arith.addi %mul3A_4, %add3A_1554 : i32
    %dma_start3A_1556 = arith.constant 4 : i32
    %dma_start3A_1557 = arith.constant 3 : i32
    %dma_start3A_1558 = arith.constant 16 : i32
    %dma_start3A_1559 = arith.constant 0 : i32
    %dma_start3A_1560 = tpu.memref_slice %arg8[%dma_start3A_1558, %dma_start3A_1559] : memref<32x768xf32, #tpu.memory_space<vmem>> -> memref<16x768xf32, #tpu.memory_space<vmem>>
    %dma_start3A_1561 = arith.constant 0 : i32
    %dma_start3A_1562 = tpu.memref_slice %arg4[%dma_start3A_1556, %dma_start3A_1557, %add3A_1555, %dma_start3A_1561] : memref<5x5x1024x768xf32, #tpu.memory_space<hbm>> -> memref<1x1x16x768xf32, #tpu.memory_space<hbm>>
    %dma_start3A_1563 = tpu.memref_squeeze %dma_start3A_1562 : memref<1x1x16x768xf32, #tpu.memory_space<hbm>> -> memref<16x768xf32, #tpu.memory_space<hbm>>
    %dma_start3A_1564 = arith.constant 0 : i32
    %dma_start3A_1565 = tpu.memref_slice %arg4[%dma_start3A_1556, %dma_start3A_1557, %add3A_1555, %dma_start3A_1564] : memref<5x5x1024x768xf32, #tpu.memory_space<hbm>> -> memref<1x1x16x768xf32, #tpu.memory_space<hbm>>
    %dma_start3A_1566 = tpu.memref_squeeze %dma_start3A_1565 : memref<1x1x16x768xf32, #tpu.memory_space<hbm>> -> memref<16x768xf32, #tpu.memory_space<hbm>>
    %dma_start3A_1567 = arith.constant 16 : i32
    %dma_start3A_1568 = arith.constant 0 : i32
    %dma_start3A_1569 = tpu.memref_slice %arg8[%dma_start3A_1567, %dma_start3A_1568] : memref<32x768xf32, #tpu.memory_space<vmem>> -> memref<16x768xf32, #tpu.memory_space<vmem>>
    tpu.enqueue_dma source(%dma_start3A_1569 : memref<16x768xf32, #tpu.memory_space<vmem>>) target(%dma_start3A_1566 : memref<16x768xf32, #tpu.memory_space<hbm>>) target_semaphore(%arg18 : memref<!tpu.dma_semaphore, #tpu.memory_space<semaphore_mem>>)
    %dma_wait3A_1570 = arith.constant 4 : i32
    %dma_wait3A_1571 = arith.constant 2 : i32
    %dma_wait3A_1572 = arith.constant 0 : i32
    %dma_wait3A_1573 = arith.constant 0 : i32
    %dma_wait3A_1574 = tpu.memref_slice %arg8[%dma_wait3A_1572, %dma_wait3A_1573] : memref<32x768xf32, #tpu.memory_space<vmem>> -> memref<16x768xf32, #tpu.memory_space<vmem>>
    %dma_wait3A_1575 = arith.constant 0 : i32
    %dma_wait3A_1576 = tpu.memref_slice %arg4[%dma_wait3A_1570, %dma_wait3A_1571, %add3A_1539, %dma_wait3A_1575] : memref<5x5x1024x768xf32, #tpu.memory_space<hbm>> -> memref<1x1x16x768xf32, #tpu.memory_space<hbm>>
    %dma_wait3A_1577 = tpu.memref_squeeze %dma_wait3A_1576 : memref<1x1x16x768xf32, #tpu.memory_space<hbm>> -> memref<16x768xf32, #tpu.memory_space<hbm>>
    %dma_wait3A_1578 = arith.constant 0 : i32
    %dma_wait3A_1579 = tpu.memref_slice %arg4[%dma_wait3A_1570, %dma_wait3A_1571, %add3A_1539, %dma_wait3A_1578] : memref<5x5x1024x768xf32, #tpu.memory_space<hbm>> -> memref<1x1x16x768xf32, #tpu.memory_space<hbm>>
    %dma_wait3A_1580 = tpu.memref_squeeze %dma_wait3A_1579 : memref<1x1x16x768xf32, #tpu.memory_space<hbm>> -> memref<16x768xf32, #tpu.memory_space<hbm>>
    %dma_wait3A_1581 = arith.constant 0 : i32
    %dma_wait3A_1582 = arith.constant 0 : i32
    %dma_wait3A_1583 = tpu.memref_slice %arg8[%dma_wait3A_1581, %dma_wait3A_1582] : memref<32x768xf32, #tpu.memory_space<vmem>> -> memref<16x768xf32, #tpu.memory_space<vmem>>
    tpu.wait_dma2 semaphore(%arg18 : memref<!tpu.dma_semaphore, #tpu.memory_space<semaphore_mem>>) src(%dma_wait3A_1583 : memref<16x768xf32, #tpu.memory_space<vmem>>) dst(%dma_wait3A_1580 : memref<16x768xf32, #tpu.memory_space<hbm>>)
    %dma_wait3A_1584 = arith.constant 4 : i32
    %dma_wait3A_1585 = arith.constant 3 : i32
    %dma_wait3A_1586 = arith.constant 16 : i32
    %dma_wait3A_1587 = arith.constant 0 : i32
    %dma_wait3A_1588 = tpu.memref_slice %arg8[%dma_wait3A_1586, %dma_wait3A_1587] : memref<32x768xf32, #tpu.memory_space<vmem>> -> memref<16x768xf32, #tpu.memory_space<vmem>>
    %dma_wait3A_1589 = arith.constant 0 : i32
    %dma_wait3A_1590 = tpu.memref_slice %arg4[%dma_wait3A_1584, %dma_wait3A_1585, %add3A_1555, %dma_wait3A_1589] : memref<5x5x1024x768xf32, #tpu.memory_space<hbm>> -> memref<1x1x16x768xf32, #tpu.memory_space<hbm>>
    %dma_wait3A_1591 = tpu.memref_squeeze %dma_wait3A_1590 : memref<1x1x16x768xf32, #tpu.memory_space<hbm>> -> memref<16x768xf32, #tpu.memory_space<hbm>>
    %dma_wait3A_1592 = arith.constant 0 : i32
    %dma_wait3A_1593 = tpu.memref_slice %arg4[%dma_wait3A_1584, %dma_wait3A_1585, %add3A_1555, %dma_wait3A_1592] : memref<5x5x1024x768xf32, #tpu.memory_space<hbm>> -> memref<1x1x16x768xf32, #tpu.memory_space<hbm>>
    %dma_wait3A_1594 = tpu.memref_squeeze %dma_wait3A_1593 : memref<1x1x16x768xf32, #tpu.memory_space<hbm>> -> memref<16x768xf32, #tpu.memory_space<hbm>>
    %dma_wait3A_1595 = arith.constant 16 : i32
    %dma_wait3A_1596 = arith.constant 0 : i32
    %dma_wait3A_1597 = tpu.memref_slice %arg8[%dma_wait3A_1595, %dma_wait3A_1596] : memref<32x768xf32, #tpu.memory_space<vmem>> -> memref<16x768xf32, #tpu.memory_space<vmem>>
    tpu.wait_dma2 semaphore(%arg18 : memref<!tpu.dma_semaphore, #tpu.memory_space<semaphore_mem>>) src(%dma_wait3A_1597 : memref<16x768xf32, #tpu.memory_space<vmem>>) dst(%dma_wait3A_1594 : memref<16x768xf32, #tpu.memory_space<hbm>>)
    %dma_start3A_1598 = arith.constant 512 : i32
    %dma_start3A_1599 = tpu.memref_slice %arg6[%dma_start3A_1598] : memref<800xi32, #tpu.memory_space<vmem>> -> memref<32xi32, #tpu.memory_space<vmem>>
    %dma_start3A_1600 = arith.constant 0 : i32
    %dma_start3A_1601 = arith.constant 0 : i32
    %dma_start3A_1602 = tpu.memref_slice %arg2[%dma_start3A_1600, %dma_start3A_1601] : memref<5120x768xf32, #tpu.memory_space<hbm>> -> memref<5120x768xf32, #tpu.memory_space<hbm>>
    tpu.enqueue_indirect_dma source(%dma_start3A_1602 : memref<5120x768xf32, #tpu.memory_space<hbm>>) target(%arg8 : memref<32x768xf32, #tpu.memory_space<vmem>>) offsets(%dma_start3A_1599 : memref<32xi32, #tpu.memory_space<vmem>>) semaphore(%arg13 : memref<!tpu.dma_semaphore, #tpu.memory_space<semaphore_mem>>)
    %dma_wait3A_1603 = arith.constant 384 : i32
    %dma_wait3A_1604 = tpu.memref_slice %arg6[%dma_wait3A_1603] : memref<800xi32, #tpu.memory_space<vmem>> -> memref<32xi32, #tpu.memory_space<vmem>>
    %dma_wait3A_1605 = arith.constant 0 : i32
    %dma_wait3A_1606 = arith.constant 0 : i32
    %dma_wait3A_1607 = tpu.memref_slice %arg2[%dma_wait3A_1605, %dma_wait3A_1606] : memref<5120x768xf32, #tpu.memory_space<hbm>> -> memref<5120x768xf32, #tpu.memory_space<hbm>>
    tpu.wait_indirect_dma semaphore(%arg14 : memref<!tpu.dma_semaphore, #tpu.memory_space<semaphore_mem>>) src(%dma_wait3A_1607 : memref<5120x768xf32, #tpu.memory_space<hbm>>) dst(%arg9 : memref<32x768xf32, #tpu.memory_space<vmem>>)
    %add3A_1608 = arith.constant 0 : i32
    %add3A_1609 = arith.addi %mul3A_4, %add3A_1608 : i32
    %dma_start3A_1610 = arith.constant 4 : i32
    %dma_start3A_1611 = arith.constant 4 : i32
    %dma_start3A_1612 = arith.constant 0 : i32
    %dma_start3A_1613 = arith.constant 0 : i32
    %dma_start3A_1614 = tpu.memref_slice %arg9[%dma_start3A_1612, %dma_start3A_1613] : memref<32x768xf32, #tpu.memory_space<vmem>> -> memref<16x768xf32, #tpu.memory_space<vmem>>
    %dma_start3A_1615 = arith.constant 0 : i32
    %dma_start3A_1616 = tpu.memref_slice %arg4[%dma_start3A_1610, %dma_start3A_1611, %add3A_1609, %dma_start3A_1615] : memref<5x5x1024x768xf32, #tpu.memory_space<hbm>> -> memref<1x1x16x768xf32, #tpu.memory_space<hbm>>
    %dma_start3A_1617 = tpu.memref_squeeze %dma_start3A_1616 : memref<1x1x16x768xf32, #tpu.memory_space<hbm>> -> memref<16x768xf32, #tpu.memory_space<hbm>>
    %dma_start3A_1618 = arith.constant 0 : i32
    %dma_start3A_1619 = tpu.memref_slice %arg4[%dma_start3A_1610, %dma_start3A_1611, %add3A_1609, %dma_start3A_1618] : memref<5x5x1024x768xf32, #tpu.memory_space<hbm>> -> memref<1x1x16x768xf32, #tpu.memory_space<hbm>>
    %dma_start3A_1620 = tpu.memref_squeeze %dma_start3A_1619 : memref<1x1x16x768xf32, #tpu.memory_space<hbm>> -> memref<16x768xf32, #tpu.memory_space<hbm>>
    %dma_start3A_1621 = arith.constant 0 : i32
    %dma_start3A_1622 = arith.constant 0 : i32
    %dma_start3A_1623 = tpu.memref_slice %arg9[%dma_start3A_1621, %dma_start3A_1622] : memref<32x768xf32, #tpu.memory_space<vmem>> -> memref<16x768xf32, #tpu.memory_space<vmem>>
    tpu.enqueue_dma source(%dma_start3A_1623 : memref<16x768xf32, #tpu.memory_space<vmem>>) target(%dma_start3A_1620 : memref<16x768xf32, #tpu.memory_space<hbm>>) target_semaphore(%arg19 : memref<!tpu.dma_semaphore, #tpu.memory_space<semaphore_mem>>)
    %add3A_1624 = arith.constant 16 : i32
    %add3A_1625 = arith.addi %mul3A_4, %add3A_1624 : i32
    %dma_start3A_1626 = arith.constant 0 : i32
    %dma_start3A_1627 = arith.constant 0 : i32
    %dma_start3A_1628 = arith.constant 16 : i32
    %dma_start3A_1629 = arith.constant 0 : i32
    %dma_start3A_1630 = tpu.memref_slice %arg9[%dma_start3A_1628, %dma_start3A_1629] : memref<32x768xf32, #tpu.memory_space<vmem>> -> memref<16x768xf32, #tpu.memory_space<vmem>>
    %dma_start3A_1631 = arith.constant 0 : i32
    %dma_start3A_1632 = tpu.memref_slice %arg4[%dma_start3A_1626, %dma_start3A_1627, %add3A_1625, %dma_start3A_1631] : memref<5x5x1024x768xf32, #tpu.memory_space<hbm>> -> memref<1x1x16x768xf32, #tpu.memory_space<hbm>>
    %dma_start3A_1633 = tpu.memref_squeeze %dma_start3A_1632 : memref<1x1x16x768xf32, #tpu.memory_space<hbm>> -> memref<16x768xf32, #tpu.memory_space<hbm>>
    %dma_start3A_1634 = arith.constant 0 : i32
    %dma_start3A_1635 = tpu.memref_slice %arg4[%dma_start3A_1626, %dma_start3A_1627, %add3A_1625, %dma_start3A_1634] : memref<5x5x1024x768xf32, #tpu.memory_space<hbm>> -> memref<1x1x16x768xf32, #tpu.memory_space<hbm>>
    %dma_start3A_1636 = tpu.memref_squeeze %dma_start3A_1635 : memref<1x1x16x768xf32, #tpu.memory_space<hbm>> -> memref<16x768xf32, #tpu.memory_space<hbm>>
    %dma_start3A_1637 = arith.constant 16 : i32
    %dma_start3A_1638 = arith.constant 0 : i32
    %dma_start3A_1639 = tpu.memref_slice %arg9[%dma_start3A_1637, %dma_start3A_1638] : memref<32x768xf32, #tpu.memory_space<vmem>> -> memref<16x768xf32, #tpu.memory_space<vmem>>
    tpu.enqueue_dma source(%dma_start3A_1639 : memref<16x768xf32, #tpu.memory_space<vmem>>) target(%dma_start3A_1636 : memref<16x768xf32, #tpu.memory_space<hbm>>) target_semaphore(%arg19 : memref<!tpu.dma_semaphore, #tpu.memory_space<semaphore_mem>>)
    %dma_wait3A_1640 = arith.constant 4 : i32
    %dma_wait3A_1641 = arith.constant 4 : i32
    %dma_wait3A_1642 = arith.constant 0 : i32
    %dma_wait3A_1643 = arith.constant 0 : i32
    %dma_wait3A_1644 = tpu.memref_slice %arg9[%dma_wait3A_1642, %dma_wait3A_1643] : memref<32x768xf32, #tpu.memory_space<vmem>> -> memref<16x768xf32, #tpu.memory_space<vmem>>
    %dma_wait3A_1645 = arith.constant 0 : i32
    %dma_wait3A_1646 = tpu.memref_slice %arg4[%dma_wait3A_1640, %dma_wait3A_1641, %add3A_1609, %dma_wait3A_1645] : memref<5x5x1024x768xf32, #tpu.memory_space<hbm>> -> memref<1x1x16x768xf32, #tpu.memory_space<hbm>>
    %dma_wait3A_1647 = tpu.memref_squeeze %dma_wait3A_1646 : memref<1x1x16x768xf32, #tpu.memory_space<hbm>> -> memref<16x768xf32, #tpu.memory_space<hbm>>
    %dma_wait3A_1648 = arith.constant 0 : i32
    %dma_wait3A_1649 = tpu.memref_slice %arg4[%dma_wait3A_1640, %dma_wait3A_1641, %add3A_1609, %dma_wait3A_1648] : memref<5x5x1024x768xf32, #tpu.memory_space<hbm>> -> memref<1x1x16x768xf32, #tpu.memory_space<hbm>>
    %dma_wait3A_1650 = tpu.memref_squeeze %dma_wait3A_1649 : memref<1x1x16x768xf32, #tpu.memory_space<hbm>> -> memref<16x768xf32, #tpu.memory_space<hbm>>
    %dma_wait3A_1651 = arith.constant 0 : i32
    %dma_wait3A_1652 = arith.constant 0 : i32
    %dma_wait3A_1653 = tpu.memref_slice %arg9[%dma_wait3A_1651, %dma_wait3A_1652] : memref<32x768xf32, #tpu.memory_space<vmem>> -> memref<16x768xf32, #tpu.memory_space<vmem>>
    tpu.wait_dma2 semaphore(%arg19 : memref<!tpu.dma_semaphore, #tpu.memory_space<semaphore_mem>>) src(%dma_wait3A_1653 : memref<16x768xf32, #tpu.memory_space<vmem>>) dst(%dma_wait3A_1650 : memref<16x768xf32, #tpu.memory_space<hbm>>)
    %dma_wait3A_1654 = arith.constant 0 : i32
    %dma_wait3A_1655 = arith.constant 0 : i32
    %dma_wait3A_1656 = arith.constant 16 : i32
    %dma_wait3A_1657 = arith.constant 0 : i32
    %dma_wait3A_1658 = tpu.memref_slice %arg9[%dma_wait3A_1656, %dma_wait3A_1657] : memref<32x768xf32, #tpu.memory_space<vmem>> -> memref<16x768xf32, #tpu.memory_space<vmem>>
    %dma_wait3A_1659 = arith.constant 0 : i32
    %dma_wait3A_1660 = tpu.memref_slice %arg4[%dma_wait3A_1654, %dma_wait3A_1655, %add3A_1625, %dma_wait3A_1659] : memref<5x5x1024x768xf32, #tpu.memory_space<hbm>> -> memref<1x1x16x768xf32, #tpu.memory_space<hbm>>
    %dma_wait3A_1661 = tpu.memref_squeeze %dma_wait3A_1660 : memref<1x1x16x768xf32, #tpu.memory_space<hbm>> -> memref<16x768xf32, #tpu.memory_space<hbm>>
    %dma_wait3A_1662 = arith.constant 0 : i32
    %dma_wait3A_1663 = tpu.memref_slice %arg4[%dma_wait3A_1654, %dma_wait3A_1655, %add3A_1625, %dma_wait3A_1662] : memref<5x5x1024x768xf32, #tpu.memory_space<hbm>> -> memref<1x1x16x768xf32, #tpu.memory_space<hbm>>
    %dma_wait3A_1664 = tpu.memref_squeeze %dma_wait3A_1663 : memref<1x1x16x768xf32, #tpu.memory_space<hbm>> -> memref<16x768xf32, #tpu.memory_space<hbm>>
    %dma_wait3A_1665 = arith.constant 16 : i32
    %dma_wait3A_1666 = arith.constant 0 : i32
    %dma_wait3A_1667 = tpu.memref_slice %arg9[%dma_wait3A_1665, %dma_wait3A_1666] : memref<32x768xf32, #tpu.memory_space<vmem>> -> memref<16x768xf32, #tpu.memory_space<vmem>>
    tpu.wait_dma2 semaphore(%arg19 : memref<!tpu.dma_semaphore, #tpu.memory_space<semaphore_mem>>) src(%dma_wait3A_1667 : memref<16x768xf32, #tpu.memory_space<vmem>>) dst(%dma_wait3A_1664 : memref<16x768xf32, #tpu.memory_space<hbm>>)
    %dma_start3A_1668 = arith.constant 544 : i32
    %dma_start3A_1669 = tpu.memref_slice %arg6[%dma_start3A_1668] : memref<800xi32, #tpu.memory_space<vmem>> -> memref<32xi32, #tpu.memory_space<vmem>>
    %dma_start3A_1670 = arith.constant 0 : i32
    %dma_start3A_1671 = arith.constant 0 : i32
    %dma_start3A_1672 = tpu.memref_slice %arg2[%dma_start3A_1670, %dma_start3A_1671] : memref<5120x768xf32, #tpu.memory_space<hbm>> -> memref<5120x768xf32, #tpu.memory_space<hbm>>
    tpu.enqueue_indirect_dma source(%dma_start3A_1672 : memref<5120x768xf32, #tpu.memory_space<hbm>>) target(%arg9 : memref<32x768xf32, #tpu.memory_space<vmem>>) offsets(%dma_start3A_1669 : memref<32xi32, #tpu.memory_space<vmem>>) semaphore(%arg14 : memref<!tpu.dma_semaphore, #tpu.memory_space<semaphore_mem>>)
    %dma_wait3A_1673 = arith.constant 416 : i32
    %dma_wait3A_1674 = tpu.memref_slice %arg6[%dma_wait3A_1673] : memref<800xi32, #tpu.memory_space<vmem>> -> memref<32xi32, #tpu.memory_space<vmem>>
    %dma_wait3A_1675 = arith.constant 0 : i32
    %dma_wait3A_1676 = arith.constant 0 : i32
    %dma_wait3A_1677 = tpu.memref_slice %arg2[%dma_wait3A_1675, %dma_wait3A_1676] : memref<5120x768xf32, #tpu.memory_space<hbm>> -> memref<5120x768xf32, #tpu.memory_space<hbm>>
    tpu.wait_indirect_dma semaphore(%arg15 : memref<!tpu.dma_semaphore, #tpu.memory_space<semaphore_mem>>) src(%dma_wait3A_1677 : memref<5120x768xf32, #tpu.memory_space<hbm>>) dst(%arg10 : memref<32x768xf32, #tpu.memory_space<vmem>>)
    %add3A_1678 = arith.constant 16 : i32
    %add3A_1679 = arith.addi %mul3A_4, %add3A_1678 : i32
    %dma_start3A_1680 = arith.constant 0 : i32
    %dma_start3A_1681 = arith.constant 1 : i32
    %dma_start3A_1682 = arith.constant 0 : i32
    %dma_start3A_1683 = arith.constant 0 : i32
    %dma_start3A_1684 = tpu.memref_slice %arg10[%dma_start3A_1682, %dma_start3A_1683] : memref<32x768xf32, #tpu.memory_space<vmem>> -> memref<16x768xf32, #tpu.memory_space<vmem>>
    %dma_start3A_1685 = arith.constant 0 : i32
    %dma_start3A_1686 = tpu.memref_slice %arg4[%dma_start3A_1680, %dma_start3A_1681, %add3A_1679, %dma_start3A_1685] : memref<5x5x1024x768xf32, #tpu.memory_space<hbm>> -> memref<1x1x16x768xf32, #tpu.memory_space<hbm>>
    %dma_start3A_1687 = tpu.memref_squeeze %dma_start3A_1686 : memref<1x1x16x768xf32, #tpu.memory_space<hbm>> -> memref<16x768xf32, #tpu.memory_space<hbm>>
    %dma_start3A_1688 = arith.constant 0 : i32
    %dma_start3A_1689 = tpu.memref_slice %arg4[%dma_start3A_1680, %dma_start3A_1681, %add3A_1679, %dma_start3A_1688] : memref<5x5x1024x768xf32, #tpu.memory_space<hbm>> -> memref<1x1x16x768xf32, #tpu.memory_space<hbm>>
    %dma_start3A_1690 = tpu.memref_squeeze %dma_start3A_1689 : memref<1x1x16x768xf32, #tpu.memory_space<hbm>> -> memref<16x768xf32, #tpu.memory_space<hbm>>
    %dma_start3A_1691 = arith.constant 0 : i32
    %dma_start3A_1692 = arith.constant 0 : i32
    %dma_start3A_1693 = tpu.memref_slice %arg10[%dma_start3A_1691, %dma_start3A_1692] : memref<32x768xf32, #tpu.memory_space<vmem>> -> memref<16x768xf32, #tpu.memory_space<vmem>>
    tpu.enqueue_dma source(%dma_start3A_1693 : memref<16x768xf32, #tpu.memory_space<vmem>>) target(%dma_start3A_1690 : memref<16x768xf32, #tpu.memory_space<hbm>>) target_semaphore(%arg20 : memref<!tpu.dma_semaphore, #tpu.memory_space<semaphore_mem>>)
    %add3A_1694 = arith.constant 16 : i32
    %add3A_1695 = arith.addi %mul3A_4, %add3A_1694 : i32
    %dma_start3A_1696 = arith.constant 0 : i32
    %dma_start3A_1697 = arith.constant 2 : i32
    %dma_start3A_1698 = arith.constant 16 : i32
    %dma_start3A_1699 = arith.constant 0 : i32
    %dma_start3A_1700 = tpu.memref_slice %arg10[%dma_start3A_1698, %dma_start3A_1699] : memref<32x768xf32, #tpu.memory_space<vmem>> -> memref<16x768xf32, #tpu.memory_space<vmem>>
    %dma_start3A_1701 = arith.constant 0 : i32
    %dma_start3A_1702 = tpu.memref_slice %arg4[%dma_start3A_1696, %dma_start3A_1697, %add3A_1695, %dma_start3A_1701] : memref<5x5x1024x768xf32, #tpu.memory_space<hbm>> -> memref<1x1x16x768xf32, #tpu.memory_space<hbm>>
    %dma_start3A_1703 = tpu.memref_squeeze %dma_start3A_1702 : memref<1x1x16x768xf32, #tpu.memory_space<hbm>> -> memref<16x768xf32, #tpu.memory_space<hbm>>
    %dma_start3A_1704 = arith.constant 0 : i32
    %dma_start3A_1705 = tpu.memref_slice %arg4[%dma_start3A_1696, %dma_start3A_1697, %add3A_1695, %dma_start3A_1704] : memref<5x5x1024x768xf32, #tpu.memory_space<hbm>> -> memref<1x1x16x768xf32, #tpu.memory_space<hbm>>
    %dma_start3A_1706 = tpu.memref_squeeze %dma_start3A_1705 : memref<1x1x16x768xf32, #tpu.memory_space<hbm>> -> memref<16x768xf32, #tpu.memory_space<hbm>>
    %dma_start3A_1707 = arith.constant 16 : i32
    %dma_start3A_1708 = arith.constant 0 : i32
    %dma_start3A_1709 = tpu.memref_slice %arg10[%dma_start3A_1707, %dma_start3A_1708] : memref<32x768xf32, #tpu.memory_space<vmem>> -> memref<16x768xf32, #tpu.memory_space<vmem>>
    tpu.enqueue_dma source(%dma_start3A_1709 : memref<16x768xf32, #tpu.memory_space<vmem>>) target(%dma_start3A_1706 : memref<16x768xf32, #tpu.memory_space<hbm>>) target_semaphore(%arg20 : memref<!tpu.dma_semaphore, #tpu.memory_space<semaphore_mem>>)
    %dma_wait3A_1710 = arith.constant 0 : i32
    %dma_wait3A_1711 = arith.constant 1 : i32
    %dma_wait3A_1712 = arith.constant 0 : i32
    %dma_wait3A_1713 = arith.constant 0 : i32
    %dma_wait3A_1714 = tpu.memref_slice %arg10[%dma_wait3A_1712, %dma_wait3A_1713] : memref<32x768xf32, #tpu.memory_space<vmem>> -> memref<16x768xf32, #tpu.memory_space<vmem>>
    %dma_wait3A_1715 = arith.constant 0 : i32
    %dma_wait3A_1716 = tpu.memref_slice %arg4[%dma_wait3A_1710, %dma_wait3A_1711, %add3A_1679, %dma_wait3A_1715] : memref<5x5x1024x768xf32, #tpu.memory_space<hbm>> -> memref<1x1x16x768xf32, #tpu.memory_space<hbm>>
    %dma_wait3A_1717 = tpu.memref_squeeze %dma_wait3A_1716 : memref<1x1x16x768xf32, #tpu.memory_space<hbm>> -> memref<16x768xf32, #tpu.memory_space<hbm>>
    %dma_wait3A_1718 = arith.constant 0 : i32
    %dma_wait3A_1719 = tpu.memref_slice %arg4[%dma_wait3A_1710, %dma_wait3A_1711, %add3A_1679, %dma_wait3A_1718] : memref<5x5x1024x768xf32, #tpu.memory_space<hbm>> -> memref<1x1x16x768xf32, #tpu.memory_space<hbm>>
    %dma_wait3A_1720 = tpu.memref_squeeze %dma_wait3A_1719 : memref<1x1x16x768xf32, #tpu.memory_space<hbm>> -> memref<16x768xf32, #tpu.memory_space<hbm>>
    %dma_wait3A_1721 = arith.constant 0 : i32
    %dma_wait3A_1722 = arith.constant 0 : i32
    %dma_wait3A_1723 = tpu.memref_slice %arg10[%dma_wait3A_1721, %dma_wait3A_1722] : memref<32x768xf32, #tpu.memory_space<vmem>> -> memref<16x768xf32, #tpu.memory_space<vmem>>
    tpu.wait_dma2 semaphore(%arg20 : memref<!tpu.dma_semaphore, #tpu.memory_space<semaphore_mem>>) src(%dma_wait3A_1723 : memref<16x768xf32, #tpu.memory_space<vmem>>) dst(%dma_wait3A_1720 : memref<16x768xf32, #tpu.memory_space<hbm>>)
    %dma_wait3A_1724 = arith.constant 0 : i32
    %dma_wait3A_1725 = arith.constant 2 : i32
    %dma_wait3A_1726 = arith.constant 16 : i32
    %dma_wait3A_1727 = arith.constant 0 : i32
    %dma_wait3A_1728 = tpu.memref_slice %arg10[%dma_wait3A_1726, %dma_wait3A_1727] : memref<32x768xf32, #tpu.memory_space<vmem>> -> memref<16x768xf32, #tpu.memory_space<vmem>>
    %dma_wait3A_1729 = arith.constant 0 : i32
    %dma_wait3A_1730 = tpu.memref_slice %arg4[%dma_wait3A_1724, %dma_wait3A_1725, %add3A_1695, %dma_wait3A_1729] : memref<5x5x1024x768xf32, #tpu.memory_space<hbm>> -> memref<1x1x16x768xf32, #tpu.memory_space<hbm>>
    %dma_wait3A_1731 = tpu.memref_squeeze %dma_wait3A_1730 : memref<1x1x16x768xf32, #tpu.memory_space<hbm>> -> memref<16x768xf32, #tpu.memory_space<hbm>>
    %dma_wait3A_1732 = arith.constant 0 : i32
    %dma_wait3A_1733 = tpu.memref_slice %arg4[%dma_wait3A_1724, %dma_wait3A_1725, %add3A_1695, %dma_wait3A_1732] : memref<5x5x1024x768xf32, #tpu.memory_space<hbm>> -> memref<1x1x16x768xf32, #tpu.memory_space<hbm>>
    %dma_wait3A_1734 = tpu.memref_squeeze %dma_wait3A_1733 : memref<1x1x16x768xf32, #tpu.memory_space<hbm>> -> memref<16x768xf32, #tpu.memory_space<hbm>>
    %dma_wait3A_1735 = arith.constant 16 : i32
    %dma_wait3A_1736 = arith.constant 0 : i32
    %dma_wait3A_1737 = tpu.memref_slice %arg10[%dma_wait3A_1735, %dma_wait3A_1736] : memref<32x768xf32, #tpu.memory_space<vmem>> -> memref<16x768xf32, #tpu.memory_space<vmem>>
    tpu.wait_dma2 semaphore(%arg20 : memref<!tpu.dma_semaphore, #tpu.memory_space<semaphore_mem>>) src(%dma_wait3A_1737 : memref<16x768xf32, #tpu.memory_space<vmem>>) dst(%dma_wait3A_1734 : memref<16x768xf32, #tpu.memory_space<hbm>>)
    %dma_start3A_1738 = arith.constant 576 : i32
    %dma_start3A_1739 = tpu.memref_slice %arg6[%dma_start3A_1738] : memref<800xi32, #tpu.memory_space<vmem>> -> memref<32xi32, #tpu.memory_space<vmem>>
    %dma_start3A_1740 = arith.constant 0 : i32
    %dma_start3A_1741 = arith.constant 0 : i32
    %dma_start3A_1742 = tpu.memref_slice %arg2[%dma_start3A_1740, %dma_start3A_1741] : memref<5120x768xf32, #tpu.memory_space<hbm>> -> memref<5120x768xf32, #tpu.memory_space<hbm>>
    tpu.enqueue_indirect_dma source(%dma_start3A_1742 : memref<5120x768xf32, #tpu.memory_space<hbm>>) target(%arg10 : memref<32x768xf32, #tpu.memory_space<vmem>>) offsets(%dma_start3A_1739 : memref<32xi32, #tpu.memory_space<vmem>>) semaphore(%arg15 : memref<!tpu.dma_semaphore, #tpu.memory_space<semaphore_mem>>)
    %dma_wait3A_1743 = arith.constant 448 : i32
    %dma_wait3A_1744 = tpu.memref_slice %arg6[%dma_wait3A_1743] : memref<800xi32, #tpu.memory_space<vmem>> -> memref<32xi32, #tpu.memory_space<vmem>>
    %dma_wait3A_1745 = arith.constant 0 : i32
    %dma_wait3A_1746 = arith.constant 0 : i32
    %dma_wait3A_1747 = tpu.memref_slice %arg2[%dma_wait3A_1745, %dma_wait3A_1746] : memref<5120x768xf32, #tpu.memory_space<hbm>> -> memref<5120x768xf32, #tpu.memory_space<hbm>>
    tpu.wait_indirect_dma semaphore(%arg16 : memref<!tpu.dma_semaphore, #tpu.memory_space<semaphore_mem>>) src(%dma_wait3A_1747 : memref<5120x768xf32, #tpu.memory_space<hbm>>) dst(%arg11 : memref<32x768xf32, #tpu.memory_space<vmem>>)
    %add3A_1748 = arith.constant 16 : i32
    %add3A_1749 = arith.addi %mul3A_4, %add3A_1748 : i32
    %dma_start3A_1750 = arith.constant 0 : i32
    %dma_start3A_1751 = arith.constant 3 : i32
    %dma_start3A_1752 = arith.constant 0 : i32
    %dma_start3A_1753 = arith.constant 0 : i32
    %dma_start3A_1754 = tpu.memref_slice %arg11[%dma_start3A_1752, %dma_start3A_1753] : memref<32x768xf32, #tpu.memory_space<vmem>> -> memref<16x768xf32, #tpu.memory_space<vmem>>
    %dma_start3A_1755 = arith.constant 0 : i32
    %dma_start3A_1756 = tpu.memref_slice %arg4[%dma_start3A_1750, %dma_start3A_1751, %add3A_1749, %dma_start3A_1755] : memref<5x5x1024x768xf32, #tpu.memory_space<hbm>> -> memref<1x1x16x768xf32, #tpu.memory_space<hbm>>
    %dma_start3A_1757 = tpu.memref_squeeze %dma_start3A_1756 : memref<1x1x16x768xf32, #tpu.memory_space<hbm>> -> memref<16x768xf32, #tpu.memory_space<hbm>>
    %dma_start3A_1758 = arith.constant 0 : i32
    %dma_start3A_1759 = tpu.memref_slice %arg4[%dma_start3A_1750, %dma_start3A_1751, %add3A_1749, %dma_start3A_1758] : memref<5x5x1024x768xf32, #tpu.memory_space<hbm>> -> memref<1x1x16x768xf32, #tpu.memory_space<hbm>>
    %dma_start3A_1760 = tpu.memref_squeeze %dma_start3A_1759 : memref<1x1x16x768xf32, #tpu.memory_space<hbm>> -> memref<16x768xf32, #tpu.memory_space<hbm>>
    %dma_start3A_1761 = arith.constant 0 : i32
    %dma_start3A_1762 = arith.constant 0 : i32
    %dma_start3A_1763 = tpu.memref_slice %arg11[%dma_start3A_1761, %dma_start3A_1762] : memref<32x768xf32, #tpu.memory_space<vmem>> -> memref<16x768xf32, #tpu.memory_space<vmem>>
    tpu.enqueue_dma source(%dma_start3A_1763 : memref<16x768xf32, #tpu.memory_space<vmem>>) target(%dma_start3A_1760 : memref<16x768xf32, #tpu.memory_space<hbm>>) target_semaphore(%arg21 : memref<!tpu.dma_semaphore, #tpu.memory_space<semaphore_mem>>)
    %add3A_1764 = arith.constant 16 : i32
    %add3A_1765 = arith.addi %mul3A_4, %add3A_1764 : i32
    %dma_start3A_1766 = arith.constant 0 : i32
    %dma_start3A_1767 = arith.constant 4 : i32
    %dma_start3A_1768 = arith.constant 16 : i32
    %dma_start3A_1769 = arith.constant 0 : i32
    %dma_start3A_1770 = tpu.memref_slice %arg11[%dma_start3A_1768, %dma_start3A_1769] : memref<32x768xf32, #tpu.memory_space<vmem>> -> memref<16x768xf32, #tpu.memory_space<vmem>>
    %dma_start3A_1771 = arith.constant 0 : i32
    %dma_start3A_1772 = tpu.memref_slice %arg4[%dma_start3A_1766, %dma_start3A_1767, %add3A_1765, %dma_start3A_1771] : memref<5x5x1024x768xf32, #tpu.memory_space<hbm>> -> memref<1x1x16x768xf32, #tpu.memory_space<hbm>>
    %dma_start3A_1773 = tpu.memref_squeeze %dma_start3A_1772 : memref<1x1x16x768xf32, #tpu.memory_space<hbm>> -> memref<16x768xf32, #tpu.memory_space<hbm>>
    %dma_start3A_1774 = arith.constant 0 : i32
    %dma_start3A_1775 = tpu.memref_slice %arg4[%dma_start3A_1766, %dma_start3A_1767, %add3A_1765, %dma_start3A_1774] : memref<5x5x1024x768xf32, #tpu.memory_space<hbm>> -> memref<1x1x16x768xf32, #tpu.memory_space<hbm>>
    %dma_start3A_1776 = tpu.memref_squeeze %dma_start3A_1775 : memref<1x1x16x768xf32, #tpu.memory_space<hbm>> -> memref<16x768xf32, #tpu.memory_space<hbm>>
    %dma_start3A_1777 = arith.constant 16 : i32
    %dma_start3A_1778 = arith.constant 0 : i32
    %dma_start3A_1779 = tpu.memref_slice %arg11[%dma_start3A_1777, %dma_start3A_1778] : memref<32x768xf32, #tpu.memory_space<vmem>> -> memref<16x768xf32, #tpu.memory_space<vmem>>
    tpu.enqueue_dma source(%dma_start3A_1779 : memref<16x768xf32, #tpu.memory_space<vmem>>) target(%dma_start3A_1776 : memref<16x768xf32, #tpu.memory_space<hbm>>) target_semaphore(%arg21 : memref<!tpu.dma_semaphore, #tpu.memory_space<semaphore_mem>>)
    %dma_wait3A_1780 = arith.constant 0 : i32
    %dma_wait3A_1781 = arith.constant 3 : i32
    %dma_wait3A_1782 = arith.constant 0 : i32
    %dma_wait3A_1783 = arith.constant 0 : i32
    %dma_wait3A_1784 = tpu.memref_slice %arg11[%dma_wait3A_1782, %dma_wait3A_1783] : memref<32x768xf32, #tpu.memory_space<vmem>> -> memref<16x768xf32, #tpu.memory_space<vmem>>
    %dma_wait3A_1785 = arith.constant 0 : i32
    %dma_wait3A_1786 = tpu.memref_slice %arg4[%dma_wait3A_1780, %dma_wait3A_1781, %add3A_1749, %dma_wait3A_1785] : memref<5x5x1024x768xf32, #tpu.memory_space<hbm>> -> memref<1x1x16x768xf32, #tpu.memory_space<hbm>>
    %dma_wait3A_1787 = tpu.memref_squeeze %dma_wait3A_1786 : memref<1x1x16x768xf32, #tpu.memory_space<hbm>> -> memref<16x768xf32, #tpu.memory_space<hbm>>
    %dma_wait3A_1788 = arith.constant 0 : i32
    %dma_wait3A_1789 = tpu.memref_slice %arg4[%dma_wait3A_1780, %dma_wait3A_1781, %add3A_1749, %dma_wait3A_1788] : memref<5x5x1024x768xf32, #tpu.memory_space<hbm>> -> memref<1x1x16x768xf32, #tpu.memory_space<hbm>>
    %dma_wait3A_1790 = tpu.memref_squeeze %dma_wait3A_1789 : memref<1x1x16x768xf32, #tpu.memory_space<hbm>> -> memref<16x768xf32, #tpu.memory_space<hbm>>
    %dma_wait3A_1791 = arith.constant 0 : i32
    %dma_wait3A_1792 = arith.constant 0 : i32
    %dma_wait3A_1793 = tpu.memref_slice %arg11[%dma_wait3A_1791, %dma_wait3A_1792] : memref<32x768xf32, #tpu.memory_space<vmem>> -> memref<16x768xf32, #tpu.memory_space<vmem>>
    tpu.wait_dma2 semaphore(%arg21 : memref<!tpu.dma_semaphore, #tpu.memory_space<semaphore_mem>>) src(%dma_wait3A_1793 : memref<16x768xf32, #tpu.memory_space<vmem>>) dst(%dma_wait3A_1790 : memref<16x768xf32, #tpu.memory_space<hbm>>)
    %dma_wait3A_1794 = arith.constant 0 : i32
    %dma_wait3A_1795 = arith.constant 4 : i32
    %dma_wait3A_1796 = arith.constant 16 : i32
    %dma_wait3A_1797 = arith.constant 0 : i32
    %dma_wait3A_1798 = tpu.memref_slice %arg11[%dma_wait3A_1796, %dma_wait3A_1797] : memref<32x768xf32, #tpu.memory_space<vmem>> -> memref<16x768xf32, #tpu.memory_space<vmem>>
    %dma_wait3A_1799 = arith.constant 0 : i32
    %dma_wait3A_1800 = tpu.memref_slice %arg4[%dma_wait3A_1794, %dma_wait3A_1795, %add3A_1765, %dma_wait3A_1799] : memref<5x5x1024x768xf32, #tpu.memory_space<hbm>> -> memref<1x1x16x768xf32, #tpu.memory_space<hbm>>
    %dma_wait3A_1801 = tpu.memref_squeeze %dma_wait3A_1800 : memref<1x1x16x768xf32, #tpu.memory_space<hbm>> -> memref<16x768xf32, #tpu.memory_space<hbm>>
    %dma_wait3A_1802 = arith.constant 0 : i32
    %dma_wait3A_1803 = tpu.memref_slice %arg4[%dma_wait3A_1794, %dma_wait3A_1795, %add3A_1765, %dma_wait3A_1802] : memref<5x5x1024x768xf32, #tpu.memory_space<hbm>> -> memref<1x1x16x768xf32, #tpu.memory_space<hbm>>
    %dma_wait3A_1804 = tpu.memref_squeeze %dma_wait3A_1803 : memref<1x1x16x768xf32, #tpu.memory_space<hbm>> -> memref<16x768xf32, #tpu.memory_space<hbm>>
    %dma_wait3A_1805 = arith.constant 16 : i32
    %dma_wait3A_1806 = arith.constant 0 : i32
    %dma_wait3A_1807 = tpu.memref_slice %arg11[%dma_wait3A_1805, %dma_wait3A_1806] : memref<32x768xf32, #tpu.memory_space<vmem>> -> memref<16x768xf32, #tpu.memory_space<vmem>>
    tpu.wait_dma2 semaphore(%arg21 : memref<!tpu.dma_semaphore, #tpu.memory_space<semaphore_mem>>) src(%dma_wait3A_1807 : memref<16x768xf32, #tpu.memory_space<vmem>>) dst(%dma_wait3A_1804 : memref<16x768xf32, #tpu.memory_space<hbm>>)
    %dma_start3A_1808 = arith.constant 608 : i32
    %dma_start3A_1809 = tpu.memref_slice %arg6[%dma_start3A_1808] : memref<800xi32, #tpu.memory_space<vmem>> -> memref<32xi32, #tpu.memory_space<vmem>>
    %dma_start3A_1810 = arith.constant 0 : i32
    %dma_start3A_1811 = arith.constant 0 : i32
    %dma_start3A_1812 = tpu.memref_slice %arg2[%dma_start3A_1810, %dma_start3A_1811] : memref<5120x768xf32, #tpu.memory_space<hbm>> -> memref<5120x768xf32, #tpu.memory_space<hbm>>
    tpu.enqueue_indirect_dma source(%dma_start3A_1812 : memref<5120x768xf32, #tpu.memory_space<hbm>>) target(%arg11 : memref<32x768xf32, #tpu.memory_space<vmem>>) offsets(%dma_start3A_1809 : memref<32xi32, #tpu.memory_space<vmem>>) semaphore(%arg16 : memref<!tpu.dma_semaphore, #tpu.memory_space<semaphore_mem>>)
    %dma_wait3A_1813 = arith.constant 480 : i32
    %dma_wait3A_1814 = tpu.memref_slice %arg6[%dma_wait3A_1813] : memref<800xi32, #tpu.memory_space<vmem>> -> memref<32xi32, #tpu.memory_space<vmem>>
    %dma_wait3A_1815 = arith.constant 0 : i32
    %dma_wait3A_1816 = arith.constant 0 : i32
    %dma_wait3A_1817 = tpu.memref_slice %arg2[%dma_wait3A_1815, %dma_wait3A_1816] : memref<5120x768xf32, #tpu.memory_space<hbm>> -> memref<5120x768xf32, #tpu.memory_space<hbm>>
    tpu.wait_indirect_dma semaphore(%arg12 : memref<!tpu.dma_semaphore, #tpu.memory_space<semaphore_mem>>) src(%dma_wait3A_1817 : memref<5120x768xf32, #tpu.memory_space<hbm>>) dst(%arg7 : memref<32x768xf32, #tpu.memory_space<vmem>>)
    %add3A_1818 = arith.constant 16 : i32
    %add3A_1819 = arith.addi %mul3A_4, %add3A_1818 : i32
    %dma_start3A_1820 = arith.constant 1 : i32
    %dma_start3A_1821 = arith.constant 0 : i32
    %dma_start3A_1822 = arith.constant 0 : i32
    %dma_start3A_1823 = arith.constant 0 : i32
    %dma_start3A_1824 = tpu.memref_slice %arg7[%dma_start3A_1822, %dma_start3A_1823] : memref<32x768xf32, #tpu.memory_space<vmem>> -> memref<16x768xf32, #tpu.memory_space<vmem>>
    %dma_start3A_1825 = arith.constant 0 : i32
    %dma_start3A_1826 = tpu.memref_slice %arg4[%dma_start3A_1820, %dma_start3A_1821, %add3A_1819, %dma_start3A_1825] : memref<5x5x1024x768xf32, #tpu.memory_space<hbm>> -> memref<1x1x16x768xf32, #tpu.memory_space<hbm>>
    %dma_start3A_1827 = tpu.memref_squeeze %dma_start3A_1826 : memref<1x1x16x768xf32, #tpu.memory_space<hbm>> -> memref<16x768xf32, #tpu.memory_space<hbm>>
    %dma_start3A_1828 = arith.constant 0 : i32
    %dma_start3A_1829 = tpu.memref_slice %arg4[%dma_start3A_1820, %dma_start3A_1821, %add3A_1819, %dma_start3A_1828] : memref<5x5x1024x768xf32, #tpu.memory_space<hbm>> -> memref<1x1x16x768xf32, #tpu.memory_space<hbm>>
    %dma_start3A_1830 = tpu.memref_squeeze %dma_start3A_1829 : memref<1x1x16x768xf32, #tpu.memory_space<hbm>> -> memref<16x768xf32, #tpu.memory_space<hbm>>
    %dma_start3A_1831 = arith.constant 0 : i32
    %dma_start3A_1832 = arith.constant 0 : i32
    %dma_start3A_1833 = tpu.memref_slice %arg7[%dma_start3A_1831, %dma_start3A_1832] : memref<32x768xf32, #tpu.memory_space<vmem>> -> memref<16x768xf32, #tpu.memory_space<vmem>>
    tpu.enqueue_dma source(%dma_start3A_1833 : memref<16x768xf32, #tpu.memory_space<vmem>>) target(%dma_start3A_1830 : memref<16x768xf32, #tpu.memory_space<hbm>>) target_semaphore(%arg17 : memref<!tpu.dma_semaphore, #tpu.memory_space<semaphore_mem>>)
    %add3A_1834 = arith.constant 16 : i32
    %add3A_1835 = arith.addi %mul3A_4, %add3A_1834 : i32
    %dma_start3A_1836 = arith.constant 1 : i32
    %dma_start3A_1837 = arith.constant 1 : i32
    %dma_start3A_1838 = arith.constant 16 : i32
    %dma_start3A_1839 = arith.constant 0 : i32
    %dma_start3A_1840 = tpu.memref_slice %arg7[%dma_start3A_1838, %dma_start3A_1839] : memref<32x768xf32, #tpu.memory_space<vmem>> -> memref<16x768xf32, #tpu.memory_space<vmem>>
    %dma_start3A_1841 = arith.constant 0 : i32
    %dma_start3A_1842 = tpu.memref_slice %arg4[%dma_start3A_1836, %dma_start3A_1837, %add3A_1835, %dma_start3A_1841] : memref<5x5x1024x768xf32, #tpu.memory_space<hbm>> -> memref<1x1x16x768xf32, #tpu.memory_space<hbm>>
    %dma_start3A_1843 = tpu.memref_squeeze %dma_start3A_1842 : memref<1x1x16x768xf32, #tpu.memory_space<hbm>> -> memref<16x768xf32, #tpu.memory_space<hbm>>
    %dma_start3A_1844 = arith.constant 0 : i32
    %dma_start3A_1845 = tpu.memref_slice %arg4[%dma_start3A_1836, %dma_start3A_1837, %add3A_1835, %dma_start3A_1844] : memref<5x5x1024x768xf32, #tpu.memory_space<hbm>> -> memref<1x1x16x768xf32, #tpu.memory_space<hbm>>
    %dma_start3A_1846 = tpu.memref_squeeze %dma_start3A_1845 : memref<1x1x16x768xf32, #tpu.memory_space<hbm>> -> memref<16x768xf32, #tpu.memory_space<hbm>>
    %dma_start3A_1847 = arith.constant 16 : i32
    %dma_start3A_1848 = arith.constant 0 : i32
    %dma_start3A_1849 = tpu.memref_slice %arg7[%dma_start3A_1847, %dma_start3A_1848] : memref<32x768xf32, #tpu.memory_space<vmem>> -> memref<16x768xf32, #tpu.memory_space<vmem>>
    tpu.enqueue_dma source(%dma_start3A_1849 : memref<16x768xf32, #tpu.memory_space<vmem>>) target(%dma_start3A_1846 : memref<16x768xf32, #tpu.memory_space<hbm>>) target_semaphore(%arg17 : memref<!tpu.dma_semaphore, #tpu.memory_space<semaphore_mem>>)
    %dma_wait3A_1850 = arith.constant 1 : i32
    %dma_wait3A_1851 = arith.constant 0 : i32
    %dma_wait3A_1852 = arith.constant 0 : i32
    %dma_wait3A_1853 = arith.constant 0 : i32
    %dma_wait3A_1854 = tpu.memref_slice %arg7[%dma_wait3A_1852, %dma_wait3A_1853] : memref<32x768xf32, #tpu.memory_space<vmem>> -> memref<16x768xf32, #tpu.memory_space<vmem>>
    %dma_wait3A_1855 = arith.constant 0 : i32
    %dma_wait3A_1856 = tpu.memref_slice %arg4[%dma_wait3A_1850, %dma_wait3A_1851, %add3A_1819, %dma_wait3A_1855] : memref<5x5x1024x768xf32, #tpu.memory_space<hbm>> -> memref<1x1x16x768xf32, #tpu.memory_space<hbm>>
    %dma_wait3A_1857 = tpu.memref_squeeze %dma_wait3A_1856 : memref<1x1x16x768xf32, #tpu.memory_space<hbm>> -> memref<16x768xf32, #tpu.memory_space<hbm>>
    %dma_wait3A_1858 = arith.constant 0 : i32
    %dma_wait3A_1859 = tpu.memref_slice %arg4[%dma_wait3A_1850, %dma_wait3A_1851, %add3A_1819, %dma_wait3A_1858] : memref<5x5x1024x768xf32, #tpu.memory_space<hbm>> -> memref<1x1x16x768xf32, #tpu.memory_space<hbm>>
    %dma_wait3A_1860 = tpu.memref_squeeze %dma_wait3A_1859 : memref<1x1x16x768xf32, #tpu.memory_space<hbm>> -> memref<16x768xf32, #tpu.memory_space<hbm>>
    %dma_wait3A_1861 = arith.constant 0 : i32
    %dma_wait3A_1862 = arith.constant 0 : i32
    %dma_wait3A_1863 = tpu.memref_slice %arg7[%dma_wait3A_1861, %dma_wait3A_1862] : memref<32x768xf32, #tpu.memory_space<vmem>> -> memref<16x768xf32, #tpu.memory_space<vmem>>
    tpu.wait_dma2 semaphore(%arg17 : memref<!tpu.dma_semaphore, #tpu.memory_space<semaphore_mem>>) src(%dma_wait3A_1863 : memref<16x768xf32, #tpu.memory_space<vmem>>) dst(%dma_wait3A_1860 : memref<16x768xf32, #tpu.memory_space<hbm>>)
    %dma_wait3A_1864 = arith.constant 1 : i32
    %dma_wait3A_1865 = arith.constant 1 : i32
    %dma_wait3A_1866 = arith.constant 16 : i32
    %dma_wait3A_1867 = arith.constant 0 : i32
    %dma_wait3A_1868 = tpu.memref_slice %arg7[%dma_wait3A_1866, %dma_wait3A_1867] : memref<32x768xf32, #tpu.memory_space<vmem>> -> memref<16x768xf32, #tpu.memory_space<vmem>>
    %dma_wait3A_1869 = arith.constant 0 : i32
    %dma_wait3A_1870 = tpu.memref_slice %arg4[%dma_wait3A_1864, %dma_wait3A_1865, %add3A_1835, %dma_wait3A_1869] : memref<5x5x1024x768xf32, #tpu.memory_space<hbm>> -> memref<1x1x16x768xf32, #tpu.memory_space<hbm>>
    %dma_wait3A_1871 = tpu.memref_squeeze %dma_wait3A_1870 : memref<1x1x16x768xf32, #tpu.memory_space<hbm>> -> memref<16x768xf32, #tpu.memory_space<hbm>>
    %dma_wait3A_1872 = arith.constant 0 : i32
    %dma_wait3A_1873 = tpu.memref_slice %arg4[%dma_wait3A_1864, %dma_wait3A_1865, %add3A_1835, %dma_wait3A_1872] : memref<5x5x1024x768xf32, #tpu.memory_space<hbm>> -> memref<1x1x16x768xf32, #tpu.memory_space<hbm>>
    %dma_wait3A_1874 = tpu.memref_squeeze %dma_wait3A_1873 : memref<1x1x16x768xf32, #tpu.memory_space<hbm>> -> memref<16x768xf32, #tpu.memory_space<hbm>>
    %dma_wait3A_1875 = arith.constant 16 : i32
    %dma_wait3A_1876 = arith.constant 0 : i32
    %dma_wait3A_1877 = tpu.memref_slice %arg7[%dma_wait3A_1875, %dma_wait3A_1876] : memref<32x768xf32, #tpu.memory_space<vmem>> -> memref<16x768xf32, #tpu.memory_space<vmem>>
    tpu.wait_dma2 semaphore(%arg17 : memref<!tpu.dma_semaphore, #tpu.memory_space<semaphore_mem>>) src(%dma_wait3A_1877 : memref<16x768xf32, #tpu.memory_space<vmem>>) dst(%dma_wait3A_1874 : memref<16x768xf32, #tpu.memory_space<hbm>>)
    %dma_start3A_1878 = arith.constant 640 : i32
    %dma_start3A_1879 = tpu.memref_slice %arg6[%dma_start3A_1878] : memref<800xi32, #tpu.memory_space<vmem>> -> memref<32xi32, #tpu.memory_space<vmem>>
    %dma_start3A_1880 = arith.constant 0 : i32
    %dma_start3A_1881 = arith.constant 0 : i32
    %dma_start3A_1882 = tpu.memref_slice %arg2[%dma_start3A_1880, %dma_start3A_1881] : memref<5120x768xf32, #tpu.memory_space<hbm>> -> memref<5120x768xf32, #tpu.memory_space<hbm>>
    tpu.enqueue_indirect_dma source(%dma_start3A_1882 : memref<5120x768xf32, #tpu.memory_space<hbm>>) target(%arg7 : memref<32x768xf32, #tpu.memory_space<vmem>>) offsets(%dma_start3A_1879 : memref<32xi32, #tpu.memory_space<vmem>>) semaphore(%arg12 : memref<!tpu.dma_semaphore, #tpu.memory_space<semaphore_mem>>)
    %dma_wait3A_1883 = arith.constant 512 : i32
    %dma_wait3A_1884 = tpu.memref_slice %arg6[%dma_wait3A_1883] : memref<800xi32, #tpu.memory_space<vmem>> -> memref<32xi32, #tpu.memory_space<vmem>>
    %dma_wait3A_1885 = arith.constant 0 : i32
    %dma_wait3A_1886 = arith.constant 0 : i32
    %dma_wait3A_1887 = tpu.memref_slice %arg2[%dma_wait3A_1885, %dma_wait3A_1886] : memref<5120x768xf32, #tpu.memory_space<hbm>> -> memref<5120x768xf32, #tpu.memory_space<hbm>>
    tpu.wait_indirect_dma semaphore(%arg13 : memref<!tpu.dma_semaphore, #tpu.memory_space<semaphore_mem>>) src(%dma_wait3A_1887 : memref<5120x768xf32, #tpu.memory_space<hbm>>) dst(%arg8 : memref<32x768xf32, #tpu.memory_space<vmem>>)
    %add3A_1888 = arith.constant 16 : i32
    %add3A_1889 = arith.addi %mul3A_4, %add3A_1888 : i32
    %dma_start3A_1890 = arith.constant 1 : i32
    %dma_start3A_1891 = arith.constant 2 : i32
    %dma_start3A_1892 = arith.constant 0 : i32
    %dma_start3A_1893 = arith.constant 0 : i32
    %dma_start3A_1894 = tpu.memref_slice %arg8[%dma_start3A_1892, %dma_start3A_1893] : memref<32x768xf32, #tpu.memory_space<vmem>> -> memref<16x768xf32, #tpu.memory_space<vmem>>
    %dma_start3A_1895 = arith.constant 0 : i32
    %dma_start3A_1896 = tpu.memref_slice %arg4[%dma_start3A_1890, %dma_start3A_1891, %add3A_1889, %dma_start3A_1895] : memref<5x5x1024x768xf32, #tpu.memory_space<hbm>> -> memref<1x1x16x768xf32, #tpu.memory_space<hbm>>
    %dma_start3A_1897 = tpu.memref_squeeze %dma_start3A_1896 : memref<1x1x16x768xf32, #tpu.memory_space<hbm>> -> memref<16x768xf32, #tpu.memory_space<hbm>>
    %dma_start3A_1898 = arith.constant 0 : i32
    %dma_start3A_1899 = tpu.memref_slice %arg4[%dma_start3A_1890, %dma_start3A_1891, %add3A_1889, %dma_start3A_1898] : memref<5x5x1024x768xf32, #tpu.memory_space<hbm>> -> memref<1x1x16x768xf32, #tpu.memory_space<hbm>>
    %dma_start3A_1900 = tpu.memref_squeeze %dma_start3A_1899 : memref<1x1x16x768xf32, #tpu.memory_space<hbm>> -> memref<16x768xf32, #tpu.memory_space<hbm>>
    %dma_start3A_1901 = arith.constant 0 : i32
    %dma_start3A_1902 = arith.constant 0 : i32
    %dma_start3A_1903 = tpu.memref_slice %arg8[%dma_start3A_1901, %dma_start3A_1902] : memref<32x768xf32, #tpu.memory_space<vmem>> -> memref<16x768xf32, #tpu.memory_space<vmem>>
    tpu.enqueue_dma source(%dma_start3A_1903 : memref<16x768xf32, #tpu.memory_space<vmem>>) target(%dma_start3A_1900 : memref<16x768xf32, #tpu.memory_space<hbm>>) target_semaphore(%arg18 : memref<!tpu.dma_semaphore, #tpu.memory_space<semaphore_mem>>)
    %add3A_1904 = arith.constant 16 : i32
    %add3A_1905 = arith.addi %mul3A_4, %add3A_1904 : i32
    %dma_start3A_1906 = arith.constant 1 : i32
    %dma_start3A_1907 = arith.constant 3 : i32
    %dma_start3A_1908 = arith.constant 16 : i32
    %dma_start3A_1909 = arith.constant 0 : i32
    %dma_start3A_1910 = tpu.memref_slice %arg8[%dma_start3A_1908, %dma_start3A_1909] : memref<32x768xf32, #tpu.memory_space<vmem>> -> memref<16x768xf32, #tpu.memory_space<vmem>>
    %dma_start3A_1911 = arith.constant 0 : i32
    %dma_start3A_1912 = tpu.memref_slice %arg4[%dma_start3A_1906, %dma_start3A_1907, %add3A_1905, %dma_start3A_1911] : memref<5x5x1024x768xf32, #tpu.memory_space<hbm>> -> memref<1x1x16x768xf32, #tpu.memory_space<hbm>>
    %dma_start3A_1913 = tpu.memref_squeeze %dma_start3A_1912 : memref<1x1x16x768xf32, #tpu.memory_space<hbm>> -> memref<16x768xf32, #tpu.memory_space<hbm>>
    %dma_start3A_1914 = arith.constant 0 : i32
    %dma_start3A_1915 = tpu.memref_slice %arg4[%dma_start3A_1906, %dma_start3A_1907, %add3A_1905, %dma_start3A_1914] : memref<5x5x1024x768xf32, #tpu.memory_space<hbm>> -> memref<1x1x16x768xf32, #tpu.memory_space<hbm>>
    %dma_start3A_1916 = tpu.memref_squeeze %dma_start3A_1915 : memref<1x1x16x768xf32, #tpu.memory_space<hbm>> -> memref<16x768xf32, #tpu.memory_space<hbm>>
    %dma_start3A_1917 = arith.constant 16 : i32
    %dma_start3A_1918 = arith.constant 0 : i32
    %dma_start3A_1919 = tpu.memref_slice %arg8[%dma_start3A_1917, %dma_start3A_1918] : memref<32x768xf32, #tpu.memory_space<vmem>> -> memref<16x768xf32, #tpu.memory_space<vmem>>
    tpu.enqueue_dma source(%dma_start3A_1919 : memref<16x768xf32, #tpu.memory_space<vmem>>) target(%dma_start3A_1916 : memref<16x768xf32, #tpu.memory_space<hbm>>) target_semaphore(%arg18 : memref<!tpu.dma_semaphore, #tpu.memory_space<semaphore_mem>>)
    %dma_wait3A_1920 = arith.constant 1 : i32
    %dma_wait3A_1921 = arith.constant 2 : i32
    %dma_wait3A_1922 = arith.constant 0 : i32
    %dma_wait3A_1923 = arith.constant 0 : i32
    %dma_wait3A_1924 = tpu.memref_slice %arg8[%dma_wait3A_1922, %dma_wait3A_1923] : memref<32x768xf32, #tpu.memory_space<vmem>> -> memref<16x768xf32, #tpu.memory_space<vmem>>
    %dma_wait3A_1925 = arith.constant 0 : i32
    %dma_wait3A_1926 = tpu.memref_slice %arg4[%dma_wait3A_1920, %dma_wait3A_1921, %add3A_1889, %dma_wait3A_1925] : memref<5x5x1024x768xf32, #tpu.memory_space<hbm>> -> memref<1x1x16x768xf32, #tpu.memory_space<hbm>>
    %dma_wait3A_1927 = tpu.memref_squeeze %dma_wait3A_1926 : memref<1x1x16x768xf32, #tpu.memory_space<hbm>> -> memref<16x768xf32, #tpu.memory_space<hbm>>
    %dma_wait3A_1928 = arith.constant 0 : i32
    %dma_wait3A_1929 = tpu.memref_slice %arg4[%dma_wait3A_1920, %dma_wait3A_1921, %add3A_1889, %dma_wait3A_1928] : memref<5x5x1024x768xf32, #tpu.memory_space<hbm>> -> memref<1x1x16x768xf32, #tpu.memory_space<hbm>>
    %dma_wait3A_1930 = tpu.memref_squeeze %dma_wait3A_1929 : memref<1x1x16x768xf32, #tpu.memory_space<hbm>> -> memref<16x768xf32, #tpu.memory_space<hbm>>
    %dma_wait3A_1931 = arith.constant 0 : i32
    %dma_wait3A_1932 = arith.constant 0 : i32
    %dma_wait3A_1933 = tpu.memref_slice %arg8[%dma_wait3A_1931, %dma_wait3A_1932] : memref<32x768xf32, #tpu.memory_space<vmem>> -> memref<16x768xf32, #tpu.memory_space<vmem>>
    tpu.wait_dma2 semaphore(%arg18 : memref<!tpu.dma_semaphore, #tpu.memory_space<semaphore_mem>>) src(%dma_wait3A_1933 : memref<16x768xf32, #tpu.memory_space<vmem>>) dst(%dma_wait3A_1930 : memref<16x768xf32, #tpu.memory_space<hbm>>)
    %dma_wait3A_1934 = arith.constant 1 : i32
    %dma_wait3A_1935 = arith.constant 3 : i32
    %dma_wait3A_1936 = arith.constant 16 : i32
    %dma_wait3A_1937 = arith.constant 0 : i32
    %dma_wait3A_1938 = tpu.memref_slice %arg8[%dma_wait3A_1936, %dma_wait3A_1937] : memref<32x768xf32, #tpu.memory_space<vmem>> -> memref<16x768xf32, #tpu.memory_space<vmem>>
    %dma_wait3A_1939 = arith.constant 0 : i32
    %dma_wait3A_1940 = tpu.memref_slice %arg4[%dma_wait3A_1934, %dma_wait3A_1935, %add3A_1905, %dma_wait3A_1939] : memref<5x5x1024x768xf32, #tpu.memory_space<hbm>> -> memref<1x1x16x768xf32, #tpu.memory_space<hbm>>
    %dma_wait3A_1941 = tpu.memref_squeeze %dma_wait3A_1940 : memref<1x1x16x768xf32, #tpu.memory_space<hbm>> -> memref<16x768xf32, #tpu.memory_space<hbm>>
    %dma_wait3A_1942 = arith.constant 0 : i32
    %dma_wait3A_1943 = tpu.memref_slice %arg4[%dma_wait3A_1934, %dma_wait3A_1935, %add3A_1905, %dma_wait3A_1942] : memref<5x5x1024x768xf32, #tpu.memory_space<hbm>> -> memref<1x1x16x768xf32, #tpu.memory_space<hbm>>
    %dma_wait3A_1944 = tpu.memref_squeeze %dma_wait3A_1943 : memref<1x1x16x768xf32, #tpu.memory_space<hbm>> -> memref<16x768xf32, #tpu.memory_space<hbm>>
    %dma_wait3A_1945 = arith.constant 16 : i32
    %dma_wait3A_1946 = arith.constant 0 : i32
    %dma_wait3A_1947 = tpu.memref_slice %arg8[%dma_wait3A_1945, %dma_wait3A_1946] : memref<32x768xf32, #tpu.memory_space<vmem>> -> memref<16x768xf32, #tpu.memory_space<vmem>>
    tpu.wait_dma2 semaphore(%arg18 : memref<!tpu.dma_semaphore, #tpu.memory_space<semaphore_mem>>) src(%dma_wait3A_1947 : memref<16x768xf32, #tpu.memory_space<vmem>>) dst(%dma_wait3A_1944 : memref<16x768xf32, #tpu.memory_space<hbm>>)
    %dma_start3A_1948 = arith.constant 672 : i32
    %dma_start3A_1949 = tpu.memref_slice %arg6[%dma_start3A_1948] : memref<800xi32, #tpu.memory_space<vmem>> -> memref<32xi32, #tpu.memory_space<vmem>>
    %dma_start3A_1950 = arith.constant 0 : i32
    %dma_start3A_1951 = arith.constant 0 : i32
    %dma_start3A_1952 = tpu.memref_slice %arg2[%dma_start3A_1950, %dma_start3A_1951] : memref<5120x768xf32, #tpu.memory_space<hbm>> -> memref<5120x768xf32, #tpu.memory_space<hbm>>
    tpu.enqueue_indirect_dma source(%dma_start3A_1952 : memref<5120x768xf32, #tpu.memory_space<hbm>>) target(%arg8 : memref<32x768xf32, #tpu.memory_space<vmem>>) offsets(%dma_start3A_1949 : memref<32xi32, #tpu.memory_space<vmem>>) semaphore(%arg13 : memref<!tpu.dma_semaphore, #tpu.memory_space<semaphore_mem>>)
    %dma_wait3A_1953 = arith.constant 544 : i32
    %dma_wait3A_1954 = tpu.memref_slice %arg6[%dma_wait3A_1953] : memref<800xi32, #tpu.memory_space<vmem>> -> memref<32xi32, #tpu.memory_space<vmem>>
    %dma_wait3A_1955 = arith.constant 0 : i32
    %dma_wait3A_1956 = arith.constant 0 : i32
    %dma_wait3A_1957 = tpu.memref_slice %arg2[%dma_wait3A_1955, %dma_wait3A_1956] : memref<5120x768xf32, #tpu.memory_space<hbm>> -> memref<5120x768xf32, #tpu.memory_space<hbm>>
    tpu.wait_indirect_dma semaphore(%arg14 : memref<!tpu.dma_semaphore, #tpu.memory_space<semaphore_mem>>) src(%dma_wait3A_1957 : memref<5120x768xf32, #tpu.memory_space<hbm>>) dst(%arg9 : memref<32x768xf32, #tpu.memory_space<vmem>>)
    %add3A_1958 = arith.constant 16 : i32
    %add3A_1959 = arith.addi %mul3A_4, %add3A_1958 : i32
    %dma_start3A_1960 = arith.constant 1 : i32
    %dma_start3A_1961 = arith.constant 4 : i32
    %dma_start3A_1962 = arith.constant 0 : i32
    %dma_start3A_1963 = arith.constant 0 : i32
    %dma_start3A_1964 = tpu.memref_slice %arg9[%dma_start3A_1962, %dma_start3A_1963] : memref<32x768xf32, #tpu.memory_space<vmem>> -> memref<16x768xf32, #tpu.memory_space<vmem>>
    %dma_start3A_1965 = arith.constant 0 : i32
    %dma_start3A_1966 = tpu.memref_slice %arg4[%dma_start3A_1960, %dma_start3A_1961, %add3A_1959, %dma_start3A_1965] : memref<5x5x1024x768xf32, #tpu.memory_space<hbm>> -> memref<1x1x16x768xf32, #tpu.memory_space<hbm>>
    %dma_start3A_1967 = tpu.memref_squeeze %dma_start3A_1966 : memref<1x1x16x768xf32, #tpu.memory_space<hbm>> -> memref<16x768xf32, #tpu.memory_space<hbm>>
    %dma_start3A_1968 = arith.constant 0 : i32
    %dma_start3A_1969 = tpu.memref_slice %arg4[%dma_start3A_1960, %dma_start3A_1961, %add3A_1959, %dma_start3A_1968] : memref<5x5x1024x768xf32, #tpu.memory_space<hbm>> -> memref<1x1x16x768xf32, #tpu.memory_space<hbm>>
    %dma_start3A_1970 = tpu.memref_squeeze %dma_start3A_1969 : memref<1x1x16x768xf32, #tpu.memory_space<hbm>> -> memref<16x768xf32, #tpu.memory_space<hbm>>
    %dma_start3A_1971 = arith.constant 0 : i32
    %dma_start3A_1972 = arith.constant 0 : i32
    %dma_start3A_1973 = tpu.memref_slice %arg9[%dma_start3A_1971, %dma_start3A_1972] : memref<32x768xf32, #tpu.memory_space<vmem>> -> memref<16x768xf32, #tpu.memory_space<vmem>>
    tpu.enqueue_dma source(%dma_start3A_1973 : memref<16x768xf32, #tpu.memory_space<vmem>>) target(%dma_start3A_1970 : memref<16x768xf32, #tpu.memory_space<hbm>>) target_semaphore(%arg19 : memref<!tpu.dma_semaphore, #tpu.memory_space<semaphore_mem>>)
    %add3A_1974 = arith.constant 16 : i32
    %add3A_1975 = arith.addi %mul3A_4, %add3A_1974 : i32
    %dma_start3A_1976 = arith.constant 2 : i32
    %dma_start3A_1977 = arith.constant 0 : i32
    %dma_start3A_1978 = arith.constant 16 : i32
    %dma_start3A_1979 = arith.constant 0 : i32
    %dma_start3A_1980 = tpu.memref_slice %arg9[%dma_start3A_1978, %dma_start3A_1979] : memref<32x768xf32, #tpu.memory_space<vmem>> -> memref<16x768xf32, #tpu.memory_space<vmem>>
    %dma_start3A_1981 = arith.constant 0 : i32
    %dma_start3A_1982 = tpu.memref_slice %arg4[%dma_start3A_1976, %dma_start3A_1977, %add3A_1975, %dma_start3A_1981] : memref<5x5x1024x768xf32, #tpu.memory_space<hbm>> -> memref<1x1x16x768xf32, #tpu.memory_space<hbm>>
    %dma_start3A_1983 = tpu.memref_squeeze %dma_start3A_1982 : memref<1x1x16x768xf32, #tpu.memory_space<hbm>> -> memref<16x768xf32, #tpu.memory_space<hbm>>
    %dma_start3A_1984 = arith.constant 0 : i32
    %dma_start3A_1985 = tpu.memref_slice %arg4[%dma_start3A_1976, %dma_start3A_1977, %add3A_1975, %dma_start3A_1984] : memref<5x5x1024x768xf32, #tpu.memory_space<hbm>> -> memref<1x1x16x768xf32, #tpu.memory_space<hbm>>
    %dma_start3A_1986 = tpu.memref_squeeze %dma_start3A_1985 : memref<1x1x16x768xf32, #tpu.memory_space<hbm>> -> memref<16x768xf32, #tpu.memory_space<hbm>>
    %dma_start3A_1987 = arith.constant 16 : i32
    %dma_start3A_1988 = arith.constant 0 : i32
    %dma_start3A_1989 = tpu.memref_slice %arg9[%dma_start3A_1987, %dma_start3A_1988] : memref<32x768xf32, #tpu.memory_space<vmem>> -> memref<16x768xf32, #tpu.memory_space<vmem>>
    tpu.enqueue_dma source(%dma_start3A_1989 : memref<16x768xf32, #tpu.memory_space<vmem>>) target(%dma_start3A_1986 : memref<16x768xf32, #tpu.memory_space<hbm>>) target_semaphore(%arg19 : memref<!tpu.dma_semaphore, #tpu.memory_space<semaphore_mem>>)
    %dma_wait3A_1990 = arith.constant 1 : i32
    %dma_wait3A_1991 = arith.constant 4 : i32
    %dma_wait3A_1992 = arith.constant 0 : i32
    %dma_wait3A_1993 = arith.constant 0 : i32
    %dma_wait3A_1994 = tpu.memref_slice %arg9[%dma_wait3A_1992, %dma_wait3A_1993] : memref<32x768xf32, #tpu.memory_space<vmem>> -> memref<16x768xf32, #tpu.memory_space<vmem>>
    %dma_wait3A_1995 = arith.constant 0 : i32
    %dma_wait3A_1996 = tpu.memref_slice %arg4[%dma_wait3A_1990, %dma_wait3A_1991, %add3A_1959, %dma_wait3A_1995] : memref<5x5x1024x768xf32, #tpu.memory_space<hbm>> -> memref<1x1x16x768xf32, #tpu.memory_space<hbm>>
    %dma_wait3A_1997 = tpu.memref_squeeze %dma_wait3A_1996 : memref<1x1x16x768xf32, #tpu.memory_space<hbm>> -> memref<16x768xf32, #tpu.memory_space<hbm>>
    %dma_wait3A_1998 = arith.constant 0 : i32
    %dma_wait3A_1999 = tpu.memref_slice %arg4[%dma_wait3A_1990, %dma_wait3A_1991, %add3A_1959, %dma_wait3A_1998] : memref<5x5x1024x768xf32, #tpu.memory_space<hbm>> -> memref<1x1x16x768xf32, #tpu.memory_space<hbm>>
    %dma_wait3A_2000 = tpu.memref_squeeze %dma_wait3A_1999 : memref<1x1x16x768xf32, #tpu.memory_space<hbm>> -> memref<16x768xf32, #tpu.memory_space<hbm>>
    %dma_wait3A_2001 = arith.constant 0 : i32
    %dma_wait3A_2002 = arith.constant 0 : i32
    %dma_wait3A_2003 = tpu.memref_slice %arg9[%dma_wait3A_2001, %dma_wait3A_2002] : memref<32x768xf32, #tpu.memory_space<vmem>> -> memref<16x768xf32, #tpu.memory_space<vmem>>
    tpu.wait_dma2 semaphore(%arg19 : memref<!tpu.dma_semaphore, #tpu.memory_space<semaphore_mem>>) src(%dma_wait3A_2003 : memref<16x768xf32, #tpu.memory_space<vmem>>) dst(%dma_wait3A_2000 : memref<16x768xf32, #tpu.memory_space<hbm>>)
    %dma_wait3A_2004 = arith.constant 2 : i32
    %dma_wait3A_2005 = arith.constant 0 : i32
    %dma_wait3A_2006 = arith.constant 16 : i32
    %dma_wait3A_2007 = arith.constant 0 : i32
    %dma_wait3A_2008 = tpu.memref_slice %arg9[%dma_wait3A_2006, %dma_wait3A_2007] : memref<32x768xf32, #tpu.memory_space<vmem>> -> memref<16x768xf32, #tpu.memory_space<vmem>>
    %dma_wait3A_2009 = arith.constant 0 : i32
    %dma_wait3A_2010 = tpu.memref_slice %arg4[%dma_wait3A_2004, %dma_wait3A_2005, %add3A_1975, %dma_wait3A_2009] : memref<5x5x1024x768xf32, #tpu.memory_space<hbm>> -> memref<1x1x16x768xf32, #tpu.memory_space<hbm>>
    %dma_wait3A_2011 = tpu.memref_squeeze %dma_wait3A_2010 : memref<1x1x16x768xf32, #tpu.memory_space<hbm>> -> memref<16x768xf32, #tpu.memory_space<hbm>>
    %dma_wait3A_2012 = arith.constant 0 : i32
    %dma_wait3A_2013 = tpu.memref_slice %arg4[%dma_wait3A_2004, %dma_wait3A_2005, %add3A_1975, %dma_wait3A_2012] : memref<5x5x1024x768xf32, #tpu.memory_space<hbm>> -> memref<1x1x16x768xf32, #tpu.memory_space<hbm>>
    %dma_wait3A_2014 = tpu.memref_squeeze %dma_wait3A_2013 : memref<1x1x16x768xf32, #tpu.memory_space<hbm>> -> memref<16x768xf32, #tpu.memory_space<hbm>>
    %dma_wait3A_2015 = arith.constant 16 : i32
    %dma_wait3A_2016 = arith.constant 0 : i32
    %dma_wait3A_2017 = tpu.memref_slice %arg9[%dma_wait3A_2015, %dma_wait3A_2016] : memref<32x768xf32, #tpu.memory_space<vmem>> -> memref<16x768xf32, #tpu.memory_space<vmem>>
    tpu.wait_dma2 semaphore(%arg19 : memref<!tpu.dma_semaphore, #tpu.memory_space<semaphore_mem>>) src(%dma_wait3A_2017 : memref<16x768xf32, #tpu.memory_space<vmem>>) dst(%dma_wait3A_2014 : memref<16x768xf32, #tpu.memory_space<hbm>>)
    %dma_start3A_2018 = arith.constant 704 : i32
    %dma_start3A_2019 = tpu.memref_slice %arg6[%dma_start3A_2018] : memref<800xi32, #tpu.memory_space<vmem>> -> memref<32xi32, #tpu.memory_space<vmem>>
    %dma_start3A_2020 = arith.constant 0 : i32
    %dma_start3A_2021 = arith.constant 0 : i32
    %dma_start3A_2022 = tpu.memref_slice %arg2[%dma_start3A_2020, %dma_start3A_2021] : memref<5120x768xf32, #tpu.memory_space<hbm>> -> memref<5120x768xf32, #tpu.memory_space<hbm>>
    tpu.enqueue_indirect_dma source(%dma_start3A_2022 : memref<5120x768xf32, #tpu.memory_space<hbm>>) target(%arg9 : memref<32x768xf32, #tpu.memory_space<vmem>>) offsets(%dma_start3A_2019 : memref<32xi32, #tpu.memory_space<vmem>>) semaphore(%arg14 : memref<!tpu.dma_semaphore, #tpu.memory_space<semaphore_mem>>)
    %dma_wait3A_2023 = arith.constant 576 : i32
    %dma_wait3A_2024 = tpu.memref_slice %arg6[%dma_wait3A_2023] : memref<800xi32, #tpu.memory_space<vmem>> -> memref<32xi32, #tpu.memory_space<vmem>>
    %dma_wait3A_2025 = arith.constant 0 : i32
    %dma_wait3A_2026 = arith.constant 0 : i32
    %dma_wait3A_2027 = tpu.memref_slice %arg2[%dma_wait3A_2025, %dma_wait3A_2026] : memref<5120x768xf32, #tpu.memory_space<hbm>> -> memref<5120x768xf32, #tpu.memory_space<hbm>>
    tpu.wait_indirect_dma semaphore(%arg15 : memref<!tpu.dma_semaphore, #tpu.memory_space<semaphore_mem>>) src(%dma_wait3A_2027 : memref<5120x768xf32, #tpu.memory_space<hbm>>) dst(%arg10 : memref<32x768xf32, #tpu.memory_space<vmem>>)
    %add3A_2028 = arith.constant 16 : i32
    %add3A_2029 = arith.addi %mul3A_4, %add3A_2028 : i32
    %dma_start3A_2030 = arith.constant 2 : i32
    %dma_start3A_2031 = arith.constant 1 : i32
    %dma_start3A_2032 = arith.constant 0 : i32
    %dma_start3A_2033 = arith.constant 0 : i32
    %dma_start3A_2034 = tpu.memref_slice %arg10[%dma_start3A_2032, %dma_start3A_2033] : memref<32x768xf32, #tpu.memory_space<vmem>> -> memref<16x768xf32, #tpu.memory_space<vmem>>
    %dma_start3A_2035 = arith.constant 0 : i32
    %dma_start3A_2036 = tpu.memref_slice %arg4[%dma_start3A_2030, %dma_start3A_2031, %add3A_2029, %dma_start3A_2035] : memref<5x5x1024x768xf32, #tpu.memory_space<hbm>> -> memref<1x1x16x768xf32, #tpu.memory_space<hbm>>
    %dma_start3A_2037 = tpu.memref_squeeze %dma_start3A_2036 : memref<1x1x16x768xf32, #tpu.memory_space<hbm>> -> memref<16x768xf32, #tpu.memory_space<hbm>>
    %dma_start3A_2038 = arith.constant 0 : i32
    %dma_start3A_2039 = tpu.memref_slice %arg4[%dma_start3A_2030, %dma_start3A_2031, %add3A_2029, %dma_start3A_2038] : memref<5x5x1024x768xf32, #tpu.memory_space<hbm>> -> memref<1x1x16x768xf32, #tpu.memory_space<hbm>>
    %dma_start3A_2040 = tpu.memref_squeeze %dma_start3A_2039 : memref<1x1x16x768xf32, #tpu.memory_space<hbm>> -> memref<16x768xf32, #tpu.memory_space<hbm>>
    %dma_start3A_2041 = arith.constant 0 : i32
    %dma_start3A_2042 = arith.constant 0 : i32
    %dma_start3A_2043 = tpu.memref_slice %arg10[%dma_start3A_2041, %dma_start3A_2042] : memref<32x768xf32, #tpu.memory_space<vmem>> -> memref<16x768xf32, #tpu.memory_space<vmem>>
    tpu.enqueue_dma source(%dma_start3A_2043 : memref<16x768xf32, #tpu.memory_space<vmem>>) target(%dma_start3A_2040 : memref<16x768xf32, #tpu.memory_space<hbm>>) target_semaphore(%arg20 : memref<!tpu.dma_semaphore, #tpu.memory_space<semaphore_mem>>)
    %add3A_2044 = arith.constant 16 : i32
    %add3A_2045 = arith.addi %mul3A_4, %add3A_2044 : i32
    %dma_start3A_2046 = arith.constant 2 : i32
    %dma_start3A_2047 = arith.constant 2 : i32
    %dma_start3A_2048 = arith.constant 16 : i32
    %dma_start3A_2049 = arith.constant 0 : i32
    %dma_start3A_2050 = tpu.memref_slice %arg10[%dma_start3A_2048, %dma_start3A_2049] : memref<32x768xf32, #tpu.memory_space<vmem>> -> memref<16x768xf32, #tpu.memory_space<vmem>>
    %dma_start3A_2051 = arith.constant 0 : i32
    %dma_start3A_2052 = tpu.memref_slice %arg4[%dma_start3A_2046, %dma_start3A_2047, %add3A_2045, %dma_start3A_2051] : memref<5x5x1024x768xf32, #tpu.memory_space<hbm>> -> memref<1x1x16x768xf32, #tpu.memory_space<hbm>>
    %dma_start3A_2053 = tpu.memref_squeeze %dma_start3A_2052 : memref<1x1x16x768xf32, #tpu.memory_space<hbm>> -> memref<16x768xf32, #tpu.memory_space<hbm>>
    %dma_start3A_2054 = arith.constant 0 : i32
    %dma_start3A_2055 = tpu.memref_slice %arg4[%dma_start3A_2046, %dma_start3A_2047, %add3A_2045, %dma_start3A_2054] : memref<5x5x1024x768xf32, #tpu.memory_space<hbm>> -> memref<1x1x16x768xf32, #tpu.memory_space<hbm>>
    %dma_start3A_2056 = tpu.memref_squeeze %dma_start3A_2055 : memref<1x1x16x768xf32, #tpu.memory_space<hbm>> -> memref<16x768xf32, #tpu.memory_space<hbm>>
    %dma_start3A_2057 = arith.constant 16 : i32
    %dma_start3A_2058 = arith.constant 0 : i32
    %dma_start3A_2059 = tpu.memref_slice %arg10[%dma_start3A_2057, %dma_start3A_2058] : memref<32x768xf32, #tpu.memory_space<vmem>> -> memref<16x768xf32, #tpu.memory_space<vmem>>
    tpu.enqueue_dma source(%dma_start3A_2059 : memref<16x768xf32, #tpu.memory_space<vmem>>) target(%dma_start3A_2056 : memref<16x768xf32, #tpu.memory_space<hbm>>) target_semaphore(%arg20 : memref<!tpu.dma_semaphore, #tpu.memory_space<semaphore_mem>>)
    %dma_wait3A_2060 = arith.constant 2 : i32
    %dma_wait3A_2061 = arith.constant 1 : i32
    %dma_wait3A_2062 = arith.constant 0 : i32
    %dma_wait3A_2063 = arith.constant 0 : i32
    %dma_wait3A_2064 = tpu.memref_slice %arg10[%dma_wait3A_2062, %dma_wait3A_2063] : memref<32x768xf32, #tpu.memory_space<vmem>> -> memref<16x768xf32, #tpu.memory_space<vmem>>
    %dma_wait3A_2065 = arith.constant 0 : i32
    %dma_wait3A_2066 = tpu.memref_slice %arg4[%dma_wait3A_2060, %dma_wait3A_2061, %add3A_2029, %dma_wait3A_2065] : memref<5x5x1024x768xf32, #tpu.memory_space<hbm>> -> memref<1x1x16x768xf32, #tpu.memory_space<hbm>>
    %dma_wait3A_2067 = tpu.memref_squeeze %dma_wait3A_2066 : memref<1x1x16x768xf32, #tpu.memory_space<hbm>> -> memref<16x768xf32, #tpu.memory_space<hbm>>
    %dma_wait3A_2068 = arith.constant 0 : i32
    %dma_wait3A_2069 = tpu.memref_slice %arg4[%dma_wait3A_2060, %dma_wait3A_2061, %add3A_2029, %dma_wait3A_2068] : memref<5x5x1024x768xf32, #tpu.memory_space<hbm>> -> memref<1x1x16x768xf32, #tpu.memory_space<hbm>>
    %dma_wait3A_2070 = tpu.memref_squeeze %dma_wait3A_2069 : memref<1x1x16x768xf32, #tpu.memory_space<hbm>> -> memref<16x768xf32, #tpu.memory_space<hbm>>
    %dma_wait3A_2071 = arith.constant 0 : i32
    %dma_wait3A_2072 = arith.constant 0 : i32
    %dma_wait3A_2073 = tpu.memref_slice %arg10[%dma_wait3A_2071, %dma_wait3A_2072] : memref<32x768xf32, #tpu.memory_space<vmem>> -> memref<16x768xf32, #tpu.memory_space<vmem>>
    tpu.wait_dma2 semaphore(%arg20 : memref<!tpu.dma_semaphore, #tpu.memory_space<semaphore_mem>>) src(%dma_wait3A_2073 : memref<16x768xf32, #tpu.memory_space<vmem>>) dst(%dma_wait3A_2070 : memref<16x768xf32, #tpu.memory_space<hbm>>)
    %dma_wait3A_2074 = arith.constant 2 : i32
    %dma_wait3A_2075 = arith.constant 2 : i32
    %dma_wait3A_2076 = arith.constant 16 : i32
    %dma_wait3A_2077 = arith.constant 0 : i32
    %dma_wait3A_2078 = tpu.memref_slice %arg10[%dma_wait3A_2076, %dma_wait3A_2077] : memref<32x768xf32, #tpu.memory_space<vmem>> -> memref<16x768xf32, #tpu.memory_space<vmem>>
    %dma_wait3A_2079 = arith.constant 0 : i32
    %dma_wait3A_2080 = tpu.memref_slice %arg4[%dma_wait3A_2074, %dma_wait3A_2075, %add3A_2045, %dma_wait3A_2079] : memref<5x5x1024x768xf32, #tpu.memory_space<hbm>> -> memref<1x1x16x768xf32, #tpu.memory_space<hbm>>
    %dma_wait3A_2081 = tpu.memref_squeeze %dma_wait3A_2080 : memref<1x1x16x768xf32, #tpu.memory_space<hbm>> -> memref<16x768xf32, #tpu.memory_space<hbm>>
    %dma_wait3A_2082 = arith.constant 0 : i32
    %dma_wait3A_2083 = tpu.memref_slice %arg4[%dma_wait3A_2074, %dma_wait3A_2075, %add3A_2045, %dma_wait3A_2082] : memref<5x5x1024x768xf32, #tpu.memory_space<hbm>> -> memref<1x1x16x768xf32, #tpu.memory_space<hbm>>
    %dma_wait3A_2084 = tpu.memref_squeeze %dma_wait3A_2083 : memref<1x1x16x768xf32, #tpu.memory_space<hbm>> -> memref<16x768xf32, #tpu.memory_space<hbm>>
    %dma_wait3A_2085 = arith.constant 16 : i32
    %dma_wait3A_2086 = arith.constant 0 : i32
    %dma_wait3A_2087 = tpu.memref_slice %arg10[%dma_wait3A_2085, %dma_wait3A_2086] : memref<32x768xf32, #tpu.memory_space<vmem>> -> memref<16x768xf32, #tpu.memory_space<vmem>>
    tpu.wait_dma2 semaphore(%arg20 : memref<!tpu.dma_semaphore, #tpu.memory_space<semaphore_mem>>) src(%dma_wait3A_2087 : memref<16x768xf32, #tpu.memory_space<vmem>>) dst(%dma_wait3A_2084 : memref<16x768xf32, #tpu.memory_space<hbm>>)
    %dma_start3A_2088 = arith.constant 736 : i32
    %dma_start3A_2089 = tpu.memref_slice %arg6[%dma_start3A_2088] : memref<800xi32, #tpu.memory_space<vmem>> -> memref<32xi32, #tpu.memory_space<vmem>>
    %dma_start3A_2090 = arith.constant 0 : i32
    %dma_start3A_2091 = arith.constant 0 : i32
    %dma_start3A_2092 = tpu.memref_slice %arg2[%dma_start3A_2090, %dma_start3A_2091] : memref<5120x768xf32, #tpu.memory_space<hbm>> -> memref<5120x768xf32, #tpu.memory_space<hbm>>
    tpu.enqueue_indirect_dma source(%dma_start3A_2092 : memref<5120x768xf32, #tpu.memory_space<hbm>>) target(%arg10 : memref<32x768xf32, #tpu.memory_space<vmem>>) offsets(%dma_start3A_2089 : memref<32xi32, #tpu.memory_space<vmem>>) semaphore(%arg15 : memref<!tpu.dma_semaphore, #tpu.memory_space<semaphore_mem>>)
    %dma_wait3A_2093 = arith.constant 608 : i32
    %dma_wait3A_2094 = tpu.memref_slice %arg6[%dma_wait3A_2093] : memref<800xi32, #tpu.memory_space<vmem>> -> memref<32xi32, #tpu.memory_space<vmem>>
    %dma_wait3A_2095 = arith.constant 0 : i32
    %dma_wait3A_2096 = arith.constant 0 : i32
    %dma_wait3A_2097 = tpu.memref_slice %arg2[%dma_wait3A_2095, %dma_wait3A_2096] : memref<5120x768xf32, #tpu.memory_space<hbm>> -> memref<5120x768xf32, #tpu.memory_space<hbm>>
    tpu.wait_indirect_dma semaphore(%arg16 : memref<!tpu.dma_semaphore, #tpu.memory_space<semaphore_mem>>) src(%dma_wait3A_2097 : memref<5120x768xf32, #tpu.memory_space<hbm>>) dst(%arg11 : memref<32x768xf32, #tpu.memory_space<vmem>>)
    %add3A_2098 = arith.constant 16 : i32
    %add3A_2099 = arith.addi %mul3A_4, %add3A_2098 : i32
    %dma_start3A_2100 = arith.constant 2 : i32
    %dma_start3A_2101 = arith.constant 3 : i32
    %dma_start3A_2102 = arith.constant 0 : i32
    %dma_start3A_2103 = arith.constant 0 : i32
    %dma_start3A_2104 = tpu.memref_slice %arg11[%dma_start3A_2102, %dma_start3A_2103] : memref<32x768xf32, #tpu.memory_space<vmem>> -> memref<16x768xf32, #tpu.memory_space<vmem>>
    %dma_start3A_2105 = arith.constant 0 : i32
    %dma_start3A_2106 = tpu.memref_slice %arg4[%dma_start3A_2100, %dma_start3A_2101, %add3A_2099, %dma_start3A_2105] : memref<5x5x1024x768xf32, #tpu.memory_space<hbm>> -> memref<1x1x16x768xf32, #tpu.memory_space<hbm>>
    %dma_start3A_2107 = tpu.memref_squeeze %dma_start3A_2106 : memref<1x1x16x768xf32, #tpu.memory_space<hbm>> -> memref<16x768xf32, #tpu.memory_space<hbm>>
    %dma_start3A_2108 = arith.constant 0 : i32
    %dma_start3A_2109 = tpu.memref_slice %arg4[%dma_start3A_2100, %dma_start3A_2101, %add3A_2099, %dma_start3A_2108] : memref<5x5x1024x768xf32, #tpu.memory_space<hbm>> -> memref<1x1x16x768xf32, #tpu.memory_space<hbm>>
    %dma_start3A_2110 = tpu.memref_squeeze %dma_start3A_2109 : memref<1x1x16x768xf32, #tpu.memory_space<hbm>> -> memref<16x768xf32, #tpu.memory_space<hbm>>
    %dma_start3A_2111 = arith.constant 0 : i32
    %dma_start3A_2112 = arith.constant 0 : i32
    %dma_start3A_2113 = tpu.memref_slice %arg11[%dma_start3A_2111, %dma_start3A_2112] : memref<32x768xf32, #tpu.memory_space<vmem>> -> memref<16x768xf32, #tpu.memory_space<vmem>>
    tpu.enqueue_dma source(%dma_start3A_2113 : memref<16x768xf32, #tpu.memory_space<vmem>>) target(%dma_start3A_2110 : memref<16x768xf32, #tpu.memory_space<hbm>>) target_semaphore(%arg21 : memref<!tpu.dma_semaphore, #tpu.memory_space<semaphore_mem>>)
    %add3A_2114 = arith.constant 16 : i32
    %add3A_2115 = arith.addi %mul3A_4, %add3A_2114 : i32
    %dma_start3A_2116 = arith.constant 2 : i32
    %dma_start3A_2117 = arith.constant 4 : i32
    %dma_start3A_2118 = arith.constant 16 : i32
    %dma_start3A_2119 = arith.constant 0 : i32
    %dma_start3A_2120 = tpu.memref_slice %arg11[%dma_start3A_2118, %dma_start3A_2119] : memref<32x768xf32, #tpu.memory_space<vmem>> -> memref<16x768xf32, #tpu.memory_space<vmem>>
    %dma_start3A_2121 = arith.constant 0 : i32
    %dma_start3A_2122 = tpu.memref_slice %arg4[%dma_start3A_2116, %dma_start3A_2117, %add3A_2115, %dma_start3A_2121] : memref<5x5x1024x768xf32, #tpu.memory_space<hbm>> -> memref<1x1x16x768xf32, #tpu.memory_space<hbm>>
    %dma_start3A_2123 = tpu.memref_squeeze %dma_start3A_2122 : memref<1x1x16x768xf32, #tpu.memory_space<hbm>> -> memref<16x768xf32, #tpu.memory_space<hbm>>
    %dma_start3A_2124 = arith.constant 0 : i32
    %dma_start3A_2125 = tpu.memref_slice %arg4[%dma_start3A_2116, %dma_start3A_2117, %add3A_2115, %dma_start3A_2124] : memref<5x5x1024x768xf32, #tpu.memory_space<hbm>> -> memref<1x1x16x768xf32, #tpu.memory_space<hbm>>
    %dma_start3A_2126 = tpu.memref_squeeze %dma_start3A_2125 : memref<1x1x16x768xf32, #tpu.memory_space<hbm>> -> memref<16x768xf32, #tpu.memory_space<hbm>>
    %dma_start3A_2127 = arith.constant 16 : i32
    %dma_start3A_2128 = arith.constant 0 : i32
    %dma_start3A_2129 = tpu.memref_slice %arg11[%dma_start3A_2127, %dma_start3A_2128] : memref<32x768xf32, #tpu.memory_space<vmem>> -> memref<16x768xf32, #tpu.memory_space<vmem>>
    tpu.enqueue_dma source(%dma_start3A_2129 : memref<16x768xf32, #tpu.memory_space<vmem>>) target(%dma_start3A_2126 : memref<16x768xf32, #tpu.memory_space<hbm>>) target_semaphore(%arg21 : memref<!tpu.dma_semaphore, #tpu.memory_space<semaphore_mem>>)
    %dma_wait3A_2130 = arith.constant 2 : i32
    %dma_wait3A_2131 = arith.constant 3 : i32
    %dma_wait3A_2132 = arith.constant 0 : i32
    %dma_wait3A_2133 = arith.constant 0 : i32
    %dma_wait3A_2134 = tpu.memref_slice %arg11[%dma_wait3A_2132, %dma_wait3A_2133] : memref<32x768xf32, #tpu.memory_space<vmem>> -> memref<16x768xf32, #tpu.memory_space<vmem>>
    %dma_wait3A_2135 = arith.constant 0 : i32
    %dma_wait3A_2136 = tpu.memref_slice %arg4[%dma_wait3A_2130, %dma_wait3A_2131, %add3A_2099, %dma_wait3A_2135] : memref<5x5x1024x768xf32, #tpu.memory_space<hbm>> -> memref<1x1x16x768xf32, #tpu.memory_space<hbm>>
    %dma_wait3A_2137 = tpu.memref_squeeze %dma_wait3A_2136 : memref<1x1x16x768xf32, #tpu.memory_space<hbm>> -> memref<16x768xf32, #tpu.memory_space<hbm>>
    %dma_wait3A_2138 = arith.constant 0 : i32
    %dma_wait3A_2139 = tpu.memref_slice %arg4[%dma_wait3A_2130, %dma_wait3A_2131, %add3A_2099, %dma_wait3A_2138] : memref<5x5x1024x768xf32, #tpu.memory_space<hbm>> -> memref<1x1x16x768xf32, #tpu.memory_space<hbm>>
    %dma_wait3A_2140 = tpu.memref_squeeze %dma_wait3A_2139 : memref<1x1x16x768xf32, #tpu.memory_space<hbm>> -> memref<16x768xf32, #tpu.memory_space<hbm>>
    %dma_wait3A_2141 = arith.constant 0 : i32
    %dma_wait3A_2142 = arith.constant 0 : i32
    %dma_wait3A_2143 = tpu.memref_slice %arg11[%dma_wait3A_2141, %dma_wait3A_2142] : memref<32x768xf32, #tpu.memory_space<vmem>> -> memref<16x768xf32, #tpu.memory_space<vmem>>
    tpu.wait_dma2 semaphore(%arg21 : memref<!tpu.dma_semaphore, #tpu.memory_space<semaphore_mem>>) src(%dma_wait3A_2143 : memref<16x768xf32, #tpu.memory_space<vmem>>) dst(%dma_wait3A_2140 : memref<16x768xf32, #tpu.memory_space<hbm>>)
    %dma_wait3A_2144 = arith.constant 2 : i32
    %dma_wait3A_2145 = arith.constant 4 : i32
    %dma_wait3A_2146 = arith.constant 16 : i32
    %dma_wait3A_2147 = arith.constant 0 : i32
    %dma_wait3A_2148 = tpu.memref_slice %arg11[%dma_wait3A_2146, %dma_wait3A_2147] : memref<32x768xf32, #tpu.memory_space<vmem>> -> memref<16x768xf32, #tpu.memory_space<vmem>>
    %dma_wait3A_2149 = arith.constant 0 : i32
    %dma_wait3A_2150 = tpu.memref_slice %arg4[%dma_wait3A_2144, %dma_wait3A_2145, %add3A_2115, %dma_wait3A_2149] : memref<5x5x1024x768xf32, #tpu.memory_space<hbm>> -> memref<1x1x16x768xf32, #tpu.memory_space<hbm>>
    %dma_wait3A_2151 = tpu.memref_squeeze %dma_wait3A_2150 : memref<1x1x16x768xf32, #tpu.memory_space<hbm>> -> memref<16x768xf32, #tpu.memory_space<hbm>>
    %dma_wait3A_2152 = arith.constant 0 : i32
    %dma_wait3A_2153 = tpu.memref_slice %arg4[%dma_wait3A_2144, %dma_wait3A_2145, %add3A_2115, %dma_wait3A_2152] : memref<5x5x1024x768xf32, #tpu.memory_space<hbm>> -> memref<1x1x16x768xf32, #tpu.memory_space<hbm>>
    %dma_wait3A_2154 = tpu.memref_squeeze %dma_wait3A_2153 : memref<1x1x16x768xf32, #tpu.memory_space<hbm>> -> memref<16x768xf32, #tpu.memory_space<hbm>>
    %dma_wait3A_2155 = arith.constant 16 : i32
    %dma_wait3A_2156 = arith.constant 0 : i32
    %dma_wait3A_2157 = tpu.memref_slice %arg11[%dma_wait3A_2155, %dma_wait3A_2156] : memref<32x768xf32, #tpu.memory_space<vmem>> -> memref<16x768xf32, #tpu.memory_space<vmem>>
    tpu.wait_dma2 semaphore(%arg21 : memref<!tpu.dma_semaphore, #tpu.memory_space<semaphore_mem>>) src(%dma_wait3A_2157 : memref<16x768xf32, #tpu.memory_space<vmem>>) dst(%dma_wait3A_2154 : memref<16x768xf32, #tpu.memory_space<hbm>>)
    %dma_start3A_2158 = arith.constant 768 : i32
    %dma_start3A_2159 = tpu.memref_slice %arg6[%dma_start3A_2158] : memref<800xi32, #tpu.memory_space<vmem>> -> memref<32xi32, #tpu.memory_space<vmem>>
    %dma_start3A_2160 = arith.constant 0 : i32
    %dma_start3A_2161 = arith.constant 0 : i32
    %dma_start3A_2162 = tpu.memref_slice %arg2[%dma_start3A_2160, %dma_start3A_2161] : memref<5120x768xf32, #tpu.memory_space<hbm>> -> memref<5120x768xf32, #tpu.memory_space<hbm>>
    tpu.enqueue_indirect_dma source(%dma_start3A_2162 : memref<5120x768xf32, #tpu.memory_space<hbm>>) target(%arg11 : memref<32x768xf32, #tpu.memory_space<vmem>>) offsets(%dma_start3A_2159 : memref<32xi32, #tpu.memory_space<vmem>>) semaphore(%arg16 : memref<!tpu.dma_semaphore, #tpu.memory_space<semaphore_mem>>)
    %dma_wait3A_2163 = arith.constant 640 : i32
    %dma_wait3A_2164 = tpu.memref_slice %arg6[%dma_wait3A_2163] : memref<800xi32, #tpu.memory_space<vmem>> -> memref<32xi32, #tpu.memory_space<vmem>>
    %dma_wait3A_2165 = arith.constant 0 : i32
    %dma_wait3A_2166 = arith.constant 0 : i32
    %dma_wait3A_2167 = tpu.memref_slice %arg2[%dma_wait3A_2165, %dma_wait3A_2166] : memref<5120x768xf32, #tpu.memory_space<hbm>> -> memref<5120x768xf32, #tpu.memory_space<hbm>>
    tpu.wait_indirect_dma semaphore(%arg12 : memref<!tpu.dma_semaphore, #tpu.memory_space<semaphore_mem>>) src(%dma_wait3A_2167 : memref<5120x768xf32, #tpu.memory_space<hbm>>) dst(%arg7 : memref<32x768xf32, #tpu.memory_space<vmem>>)
    %add3A_2168 = arith.constant 16 : i32
    %add3A_2169 = arith.addi %mul3A_4, %add3A_2168 : i32
    %dma_start3A_2170 = arith.constant 3 : i32
    %dma_start3A_2171 = arith.constant 0 : i32
    %dma_start3A_2172 = arith.constant 0 : i32
    %dma_start3A_2173 = arith.constant 0 : i32
    %dma_start3A_2174 = tpu.memref_slice %arg7[%dma_start3A_2172, %dma_start3A_2173] : memref<32x768xf32, #tpu.memory_space<vmem>> -> memref<16x768xf32, #tpu.memory_space<vmem>>
    %dma_start3A_2175 = arith.constant 0 : i32
    %dma_start3A_2176 = tpu.memref_slice %arg4[%dma_start3A_2170, %dma_start3A_2171, %add3A_2169, %dma_start3A_2175] : memref<5x5x1024x768xf32, #tpu.memory_space<hbm>> -> memref<1x1x16x768xf32, #tpu.memory_space<hbm>>
    %dma_start3A_2177 = tpu.memref_squeeze %dma_start3A_2176 : memref<1x1x16x768xf32, #tpu.memory_space<hbm>> -> memref<16x768xf32, #tpu.memory_space<hbm>>
    %dma_start3A_2178 = arith.constant 0 : i32
    %dma_start3A_2179 = tpu.memref_slice %arg4[%dma_start3A_2170, %dma_start3A_2171, %add3A_2169, %dma_start3A_2178] : memref<5x5x1024x768xf32, #tpu.memory_space<hbm>> -> memref<1x1x16x768xf32, #tpu.memory_space<hbm>>
    %dma_start3A_2180 = tpu.memref_squeeze %dma_start3A_2179 : memref<1x1x16x768xf32, #tpu.memory_space<hbm>> -> memref<16x768xf32, #tpu.memory_space<hbm>>
    %dma_start3A_2181 = arith.constant 0 : i32
    %dma_start3A_2182 = arith.constant 0 : i32
    %dma_start3A_2183 = tpu.memref_slice %arg7[%dma_start3A_2181, %dma_start3A_2182] : memref<32x768xf32, #tpu.memory_space<vmem>> -> memref<16x768xf32, #tpu.memory_space<vmem>>
    tpu.enqueue_dma source(%dma_start3A_2183 : memref<16x768xf32, #tpu.memory_space<vmem>>) target(%dma_start3A_2180 : memref<16x768xf32, #tpu.memory_space<hbm>>) target_semaphore(%arg17 : memref<!tpu.dma_semaphore, #tpu.memory_space<semaphore_mem>>)
    %add3A_2184 = arith.constant 16 : i32
    %add3A_2185 = arith.addi %mul3A_4, %add3A_2184 : i32
    %dma_start3A_2186 = arith.constant 3 : i32
    %dma_start3A_2187 = arith.constant 1 : i32
    %dma_start3A_2188 = arith.constant 16 : i32
    %dma_start3A_2189 = arith.constant 0 : i32
    %dma_start3A_2190 = tpu.memref_slice %arg7[%dma_start3A_2188, %dma_start3A_2189] : memref<32x768xf32, #tpu.memory_space<vmem>> -> memref<16x768xf32, #tpu.memory_space<vmem>>
    %dma_start3A_2191 = arith.constant 0 : i32
    %dma_start3A_2192 = tpu.memref_slice %arg4[%dma_start3A_2186, %dma_start3A_2187, %add3A_2185, %dma_start3A_2191] : memref<5x5x1024x768xf32, #tpu.memory_space<hbm>> -> memref<1x1x16x768xf32, #tpu.memory_space<hbm>>
    %dma_start3A_2193 = tpu.memref_squeeze %dma_start3A_2192 : memref<1x1x16x768xf32, #tpu.memory_space<hbm>> -> memref<16x768xf32, #tpu.memory_space<hbm>>
    %dma_start3A_2194 = arith.constant 0 : i32
    %dma_start3A_2195 = tpu.memref_slice %arg4[%dma_start3A_2186, %dma_start3A_2187, %add3A_2185, %dma_start3A_2194] : memref<5x5x1024x768xf32, #tpu.memory_space<hbm>> -> memref<1x1x16x768xf32, #tpu.memory_space<hbm>>
    %dma_start3A_2196 = tpu.memref_squeeze %dma_start3A_2195 : memref<1x1x16x768xf32, #tpu.memory_space<hbm>> -> memref<16x768xf32, #tpu.memory_space<hbm>>
    %dma_start3A_2197 = arith.constant 16 : i32
    %dma_start3A_2198 = arith.constant 0 : i32
    %dma_start3A_2199 = tpu.memref_slice %arg7[%dma_start3A_2197, %dma_start3A_2198] : memref<32x768xf32, #tpu.memory_space<vmem>> -> memref<16x768xf32, #tpu.memory_space<vmem>>
    tpu.enqueue_dma source(%dma_start3A_2199 : memref<16x768xf32, #tpu.memory_space<vmem>>) target(%dma_start3A_2196 : memref<16x768xf32, #tpu.memory_space<hbm>>) target_semaphore(%arg17 : memref<!tpu.dma_semaphore, #tpu.memory_space<semaphore_mem>>)
    %dma_wait3A_2200 = arith.constant 672 : i32
    %dma_wait3A_2201 = tpu.memref_slice %arg6[%dma_wait3A_2200] : memref<800xi32, #tpu.memory_space<vmem>> -> memref<32xi32, #tpu.memory_space<vmem>>
    %dma_wait3A_2202 = arith.constant 0 : i32
    %dma_wait3A_2203 = arith.constant 0 : i32
    %dma_wait3A_2204 = tpu.memref_slice %arg2[%dma_wait3A_2202, %dma_wait3A_2203] : memref<5120x768xf32, #tpu.memory_space<hbm>> -> memref<5120x768xf32, #tpu.memory_space<hbm>>
    tpu.wait_indirect_dma semaphore(%arg13 : memref<!tpu.dma_semaphore, #tpu.memory_space<semaphore_mem>>) src(%dma_wait3A_2204 : memref<5120x768xf32, #tpu.memory_space<hbm>>) dst(%arg8 : memref<32x768xf32, #tpu.memory_space<vmem>>)
    %add3A_2205 = arith.constant 16 : i32
    %add3A_2206 = arith.addi %mul3A_4, %add3A_2205 : i32
    %dma_start3A_2207 = arith.constant 3 : i32
    %dma_start3A_2208 = arith.constant 2 : i32
    %dma_start3A_2209 = arith.constant 0 : i32
    %dma_start3A_2210 = arith.constant 0 : i32
    %dma_start3A_2211 = tpu.memref_slice %arg8[%dma_start3A_2209, %dma_start3A_2210] : memref<32x768xf32, #tpu.memory_space<vmem>> -> memref<16x768xf32, #tpu.memory_space<vmem>>
    %dma_start3A_2212 = arith.constant 0 : i32
    %dma_start3A_2213 = tpu.memref_slice %arg4[%dma_start3A_2207, %dma_start3A_2208, %add3A_2206, %dma_start3A_2212] : memref<5x5x1024x768xf32, #tpu.memory_space<hbm>> -> memref<1x1x16x768xf32, #tpu.memory_space<hbm>>
    %dma_start3A_2214 = tpu.memref_squeeze %dma_start3A_2213 : memref<1x1x16x768xf32, #tpu.memory_space<hbm>> -> memref<16x768xf32, #tpu.memory_space<hbm>>
    %dma_start3A_2215 = arith.constant 0 : i32
    %dma_start3A_2216 = tpu.memref_slice %arg4[%dma_start3A_2207, %dma_start3A_2208, %add3A_2206, %dma_start3A_2215] : memref<5x5x1024x768xf32, #tpu.memory_space<hbm>> -> memref<1x1x16x768xf32, #tpu.memory_space<hbm>>
    %dma_start3A_2217 = tpu.memref_squeeze %dma_start3A_2216 : memref<1x1x16x768xf32, #tpu.memory_space<hbm>> -> memref<16x768xf32, #tpu.memory_space<hbm>>
    %dma_start3A_2218 = arith.constant 0 : i32
    %dma_start3A_2219 = arith.constant 0 : i32
    %dma_start3A_2220 = tpu.memref_slice %arg8[%dma_start3A_2218, %dma_start3A_2219] : memref<32x768xf32, #tpu.memory_space<vmem>> -> memref<16x768xf32, #tpu.memory_space<vmem>>
    tpu.enqueue_dma source(%dma_start3A_2220 : memref<16x768xf32, #tpu.memory_space<vmem>>) target(%dma_start3A_2217 : memref<16x768xf32, #tpu.memory_space<hbm>>) target_semaphore(%arg18 : memref<!tpu.dma_semaphore, #tpu.memory_space<semaphore_mem>>)
    %add3A_2221 = arith.constant 16 : i32
    %add3A_2222 = arith.addi %mul3A_4, %add3A_2221 : i32
    %dma_start3A_2223 = arith.constant 3 : i32
    %dma_start3A_2224 = arith.constant 3 : i32
    %dma_start3A_2225 = arith.constant 16 : i32
    %dma_start3A_2226 = arith.constant 0 : i32
    %dma_start3A_2227 = tpu.memref_slice %arg8[%dma_start3A_2225, %dma_start3A_2226] : memref<32x768xf32, #tpu.memory_space<vmem>> -> memref<16x768xf32, #tpu.memory_space<vmem>>
    %dma_start3A_2228 = arith.constant 0 : i32
    %dma_start3A_2229 = tpu.memref_slice %arg4[%dma_start3A_2223, %dma_start3A_2224, %add3A_2222, %dma_start3A_2228] : memref<5x5x1024x768xf32, #tpu.memory_space<hbm>> -> memref<1x1x16x768xf32, #tpu.memory_space<hbm>>
    %dma_start3A_2230 = tpu.memref_squeeze %dma_start3A_2229 : memref<1x1x16x768xf32, #tpu.memory_space<hbm>> -> memref<16x768xf32, #tpu.memory_space<hbm>>
    %dma_start3A_2231 = arith.constant 0 : i32
    %dma_start3A_2232 = tpu.memref_slice %arg4[%dma_start3A_2223, %dma_start3A_2224, %add3A_2222, %dma_start3A_2231] : memref<5x5x1024x768xf32, #tpu.memory_space<hbm>> -> memref<1x1x16x768xf32, #tpu.memory_space<hbm>>
    %dma_start3A_2233 = tpu.memref_squeeze %dma_start3A_2232 : memref<1x1x16x768xf32, #tpu.memory_space<hbm>> -> memref<16x768xf32, #tpu.memory_space<hbm>>
    %dma_start3A_2234 = arith.constant 16 : i32
    %dma_start3A_2235 = arith.constant 0 : i32
    %dma_start3A_2236 = tpu.memref_slice %arg8[%dma_start3A_2234, %dma_start3A_2235] : memref<32x768xf32, #tpu.memory_space<vmem>> -> memref<16x768xf32, #tpu.memory_space<vmem>>
    tpu.enqueue_dma source(%dma_start3A_2236 : memref<16x768xf32, #tpu.memory_space<vmem>>) target(%dma_start3A_2233 : memref<16x768xf32, #tpu.memory_space<hbm>>) target_semaphore(%arg18 : memref<!tpu.dma_semaphore, #tpu.memory_space<semaphore_mem>>)
    %dma_wait3A_2237 = arith.constant 704 : i32
    %dma_wait3A_2238 = tpu.memref_slice %arg6[%dma_wait3A_2237] : memref<800xi32, #tpu.memory_space<vmem>> -> memref<32xi32, #tpu.memory_space<vmem>>
    %dma_wait3A_2239 = arith.constant 0 : i32
    %dma_wait3A_2240 = arith.constant 0 : i32
    %dma_wait3A_2241 = tpu.memref_slice %arg2[%dma_wait3A_2239, %dma_wait3A_2240] : memref<5120x768xf32, #tpu.memory_space<hbm>> -> memref<5120x768xf32, #tpu.memory_space<hbm>>
    tpu.wait_indirect_dma semaphore(%arg14 : memref<!tpu.dma_semaphore, #tpu.memory_space<semaphore_mem>>) src(%dma_wait3A_2241 : memref<5120x768xf32, #tpu.memory_space<hbm>>) dst(%arg9 : memref<32x768xf32, #tpu.memory_space<vmem>>)
    %add3A_2242 = arith.constant 16 : i32
    %add3A_2243 = arith.addi %mul3A_4, %add3A_2242 : i32
    %dma_start3A_2244 = arith.constant 3 : i32
    %dma_start3A_2245 = arith.constant 4 : i32
    %dma_start3A_2246 = arith.constant 0 : i32
    %dma_start3A_2247 = arith.constant 0 : i32
    %dma_start3A_2248 = tpu.memref_slice %arg9[%dma_start3A_2246, %dma_start3A_2247] : memref<32x768xf32, #tpu.memory_space<vmem>> -> memref<16x768xf32, #tpu.memory_space<vmem>>
    %dma_start3A_2249 = arith.constant 0 : i32
    %dma_start3A_2250 = tpu.memref_slice %arg4[%dma_start3A_2244, %dma_start3A_2245, %add3A_2243, %dma_start3A_2249] : memref<5x5x1024x768xf32, #tpu.memory_space<hbm>> -> memref<1x1x16x768xf32, #tpu.memory_space<hbm>>
    %dma_start3A_2251 = tpu.memref_squeeze %dma_start3A_2250 : memref<1x1x16x768xf32, #tpu.memory_space<hbm>> -> memref<16x768xf32, #tpu.memory_space<hbm>>
    %dma_start3A_2252 = arith.constant 0 : i32
    %dma_start3A_2253 = tpu.memref_slice %arg4[%dma_start3A_2244, %dma_start3A_2245, %add3A_2243, %dma_start3A_2252] : memref<5x5x1024x768xf32, #tpu.memory_space<hbm>> -> memref<1x1x16x768xf32, #tpu.memory_space<hbm>>
    %dma_start3A_2254 = tpu.memref_squeeze %dma_start3A_2253 : memref<1x1x16x768xf32, #tpu.memory_space<hbm>> -> memref<16x768xf32, #tpu.memory_space<hbm>>
    %dma_start3A_2255 = arith.constant 0 : i32
    %dma_start3A_2256 = arith.constant 0 : i32
    %dma_start3A_2257 = tpu.memref_slice %arg9[%dma_start3A_2255, %dma_start3A_2256] : memref<32x768xf32, #tpu.memory_space<vmem>> -> memref<16x768xf32, #tpu.memory_space<vmem>>
    tpu.enqueue_dma source(%dma_start3A_2257 : memref<16x768xf32, #tpu.memory_space<vmem>>) target(%dma_start3A_2254 : memref<16x768xf32, #tpu.memory_space<hbm>>) target_semaphore(%arg19 : memref<!tpu.dma_semaphore, #tpu.memory_space<semaphore_mem>>)
    %add3A_2258 = arith.constant 16 : i32
    %add3A_2259 = arith.addi %mul3A_4, %add3A_2258 : i32
    %dma_start3A_2260 = arith.constant 4 : i32
    %dma_start3A_2261 = arith.constant 0 : i32
    %dma_start3A_2262 = arith.constant 16 : i32
    %dma_start3A_2263 = arith.constant 0 : i32
    %dma_start3A_2264 = tpu.memref_slice %arg9[%dma_start3A_2262, %dma_start3A_2263] : memref<32x768xf32, #tpu.memory_space<vmem>> -> memref<16x768xf32, #tpu.memory_space<vmem>>
    %dma_start3A_2265 = arith.constant 0 : i32
    %dma_start3A_2266 = tpu.memref_slice %arg4[%dma_start3A_2260, %dma_start3A_2261, %add3A_2259, %dma_start3A_2265] : memref<5x5x1024x768xf32, #tpu.memory_space<hbm>> -> memref<1x1x16x768xf32, #tpu.memory_space<hbm>>
    %dma_start3A_2267 = tpu.memref_squeeze %dma_start3A_2266 : memref<1x1x16x768xf32, #tpu.memory_space<hbm>> -> memref<16x768xf32, #tpu.memory_space<hbm>>
    %dma_start3A_2268 = arith.constant 0 : i32
    %dma_start3A_2269 = tpu.memref_slice %arg4[%dma_start3A_2260, %dma_start3A_2261, %add3A_2259, %dma_start3A_2268] : memref<5x5x1024x768xf32, #tpu.memory_space<hbm>> -> memref<1x1x16x768xf32, #tpu.memory_space<hbm>>
    %dma_start3A_2270 = tpu.memref_squeeze %dma_start3A_2269 : memref<1x1x16x768xf32, #tpu.memory_space<hbm>> -> memref<16x768xf32, #tpu.memory_space<hbm>>
    %dma_start3A_2271 = arith.constant 16 : i32
    %dma_start3A_2272 = arith.constant 0 : i32
    %dma_start3A_2273 = tpu.memref_slice %arg9[%dma_start3A_2271, %dma_start3A_2272] : memref<32x768xf32, #tpu.memory_space<vmem>> -> memref<16x768xf32, #tpu.memory_space<vmem>>
    tpu.enqueue_dma source(%dma_start3A_2273 : memref<16x768xf32, #tpu.memory_space<vmem>>) target(%dma_start3A_2270 : memref<16x768xf32, #tpu.memory_space<hbm>>) target_semaphore(%arg19 : memref<!tpu.dma_semaphore, #tpu.memory_space<semaphore_mem>>)
    %dma_wait3A_2274 = arith.constant 736 : i32
    %dma_wait3A_2275 = tpu.memref_slice %arg6[%dma_wait3A_2274] : memref<800xi32, #tpu.memory_space<vmem>> -> memref<32xi32, #tpu.memory_space<vmem>>
    %dma_wait3A_2276 = arith.constant 0 : i32
    %dma_wait3A_2277 = arith.constant 0 : i32
    %dma_wait3A_2278 = tpu.memref_slice %arg2[%dma_wait3A_2276, %dma_wait3A_2277] : memref<5120x768xf32, #tpu.memory_space<hbm>> -> memref<5120x768xf32, #tpu.memory_space<hbm>>
    tpu.wait_indirect_dma semaphore(%arg15 : memref<!tpu.dma_semaphore, #tpu.memory_space<semaphore_mem>>) src(%dma_wait3A_2278 : memref<5120x768xf32, #tpu.memory_space<hbm>>) dst(%arg10 : memref<32x768xf32, #tpu.memory_space<vmem>>)
    %add3A_2279 = arith.constant 16 : i32
    %add3A_2280 = arith.addi %mul3A_4, %add3A_2279 : i32
    %dma_start3A_2281 = arith.constant 4 : i32
    %dma_start3A_2282 = arith.constant 1 : i32
    %dma_start3A_2283 = arith.constant 0 : i32
    %dma_start3A_2284 = arith.constant 0 : i32
    %dma_start3A_2285 = tpu.memref_slice %arg10[%dma_start3A_2283, %dma_start3A_2284] : memref<32x768xf32, #tpu.memory_space<vmem>> -> memref<16x768xf32, #tpu.memory_space<vmem>>
    %dma_start3A_2286 = arith.constant 0 : i32
    %dma_start3A_2287 = tpu.memref_slice %arg4[%dma_start3A_2281, %dma_start3A_2282, %add3A_2280, %dma_start3A_2286] : memref<5x5x1024x768xf32, #tpu.memory_space<hbm>> -> memref<1x1x16x768xf32, #tpu.memory_space<hbm>>
    %dma_start3A_2288 = tpu.memref_squeeze %dma_start3A_2287 : memref<1x1x16x768xf32, #tpu.memory_space<hbm>> -> memref<16x768xf32, #tpu.memory_space<hbm>>
    %dma_start3A_2289 = arith.constant 0 : i32
    %dma_start3A_2290 = tpu.memref_slice %arg4[%dma_start3A_2281, %dma_start3A_2282, %add3A_2280, %dma_start3A_2289] : memref<5x5x1024x768xf32, #tpu.memory_space<hbm>> -> memref<1x1x16x768xf32, #tpu.memory_space<hbm>>
    %dma_start3A_2291 = tpu.memref_squeeze %dma_start3A_2290 : memref<1x1x16x768xf32, #tpu.memory_space<hbm>> -> memref<16x768xf32, #tpu.memory_space<hbm>>
    %dma_start3A_2292 = arith.constant 0 : i32
    %dma_start3A_2293 = arith.constant 0 : i32
    %dma_start3A_2294 = tpu.memref_slice %arg10[%dma_start3A_2292, %dma_start3A_2293] : memref<32x768xf32, #tpu.memory_space<vmem>> -> memref<16x768xf32, #tpu.memory_space<vmem>>
    tpu.enqueue_dma source(%dma_start3A_2294 : memref<16x768xf32, #tpu.memory_space<vmem>>) target(%dma_start3A_2291 : memref<16x768xf32, #tpu.memory_space<hbm>>) target_semaphore(%arg20 : memref<!tpu.dma_semaphore, #tpu.memory_space<semaphore_mem>>)
    %add3A_2295 = arith.constant 16 : i32
    %add3A_2296 = arith.addi %mul3A_4, %add3A_2295 : i32
    %dma_start3A_2297 = arith.constant 4 : i32
    %dma_start3A_2298 = arith.constant 2 : i32
    %dma_start3A_2299 = arith.constant 16 : i32
    %dma_start3A_2300 = arith.constant 0 : i32
    %dma_start3A_2301 = tpu.memref_slice %arg10[%dma_start3A_2299, %dma_start3A_2300] : memref<32x768xf32, #tpu.memory_space<vmem>> -> memref<16x768xf32, #tpu.memory_space<vmem>>
    %dma_start3A_2302 = arith.constant 0 : i32
    %dma_start3A_2303 = tpu.memref_slice %arg4[%dma_start3A_2297, %dma_start3A_2298, %add3A_2296, %dma_start3A_2302] : memref<5x5x1024x768xf32, #tpu.memory_space<hbm>> -> memref<1x1x16x768xf32, #tpu.memory_space<hbm>>
    %dma_start3A_2304 = tpu.memref_squeeze %dma_start3A_2303 : memref<1x1x16x768xf32, #tpu.memory_space<hbm>> -> memref<16x768xf32, #tpu.memory_space<hbm>>
    %dma_start3A_2305 = arith.constant 0 : i32
    %dma_start3A_2306 = tpu.memref_slice %arg4[%dma_start3A_2297, %dma_start3A_2298, %add3A_2296, %dma_start3A_2305] : memref<5x5x1024x768xf32, #tpu.memory_space<hbm>> -> memref<1x1x16x768xf32, #tpu.memory_space<hbm>>
    %dma_start3A_2307 = tpu.memref_squeeze %dma_start3A_2306 : memref<1x1x16x768xf32, #tpu.memory_space<hbm>> -> memref<16x768xf32, #tpu.memory_space<hbm>>
    %dma_start3A_2308 = arith.constant 16 : i32
    %dma_start3A_2309 = arith.constant 0 : i32
    %dma_start3A_2310 = tpu.memref_slice %arg10[%dma_start3A_2308, %dma_start3A_2309] : memref<32x768xf32, #tpu.memory_space<vmem>> -> memref<16x768xf32, #tpu.memory_space<vmem>>
    tpu.enqueue_dma source(%dma_start3A_2310 : memref<16x768xf32, #tpu.memory_space<vmem>>) target(%dma_start3A_2307 : memref<16x768xf32, #tpu.memory_space<hbm>>) target_semaphore(%arg20 : memref<!tpu.dma_semaphore, #tpu.memory_space<semaphore_mem>>)
    %dma_wait3A_2311 = arith.constant 768 : i32
    %dma_wait3A_2312 = tpu.memref_slice %arg6[%dma_wait3A_2311] : memref<800xi32, #tpu.memory_space<vmem>> -> memref<32xi32, #tpu.memory_space<vmem>>
    %dma_wait3A_2313 = arith.constant 0 : i32
    %dma_wait3A_2314 = arith.constant 0 : i32
    %dma_wait3A_2315 = tpu.memref_slice %arg2[%dma_wait3A_2313, %dma_wait3A_2314] : memref<5120x768xf32, #tpu.memory_space<hbm>> -> memref<5120x768xf32, #tpu.memory_space<hbm>>
    tpu.wait_indirect_dma semaphore(%arg16 : memref<!tpu.dma_semaphore, #tpu.memory_space<semaphore_mem>>) src(%dma_wait3A_2315 : memref<5120x768xf32, #tpu.memory_space<hbm>>) dst(%arg11 : memref<32x768xf32, #tpu.memory_space<vmem>>)
    %add3A_2316 = arith.constant 16 : i32
    %add3A_2317 = arith.addi %mul3A_4, %add3A_2316 : i32
    %dma_start3A_2318 = arith.constant 4 : i32
    %dma_start3A_2319 = arith.constant 3 : i32
    %dma_start3A_2320 = arith.constant 0 : i32
    %dma_start3A_2321 = arith.constant 0 : i32
    %dma_start3A_2322 = tpu.memref_slice %arg11[%dma_start3A_2320, %dma_start3A_2321] : memref<32x768xf32, #tpu.memory_space<vmem>> -> memref<16x768xf32, #tpu.memory_space<vmem>>
    %dma_start3A_2323 = arith.constant 0 : i32
    %dma_start3A_2324 = tpu.memref_slice %arg4[%dma_start3A_2318, %dma_start3A_2319, %add3A_2317, %dma_start3A_2323] : memref<5x5x1024x768xf32, #tpu.memory_space<hbm>> -> memref<1x1x16x768xf32, #tpu.memory_space<hbm>>
    %dma_start3A_2325 = tpu.memref_squeeze %dma_start3A_2324 : memref<1x1x16x768xf32, #tpu.memory_space<hbm>> -> memref<16x768xf32, #tpu.memory_space<hbm>>
    %dma_start3A_2326 = arith.constant 0 : i32
    %dma_start3A_2327 = tpu.memref_slice %arg4[%dma_start3A_2318, %dma_start3A_2319, %add3A_2317, %dma_start3A_2326] : memref<5x5x1024x768xf32, #tpu.memory_space<hbm>> -> memref<1x1x16x768xf32, #tpu.memory_space<hbm>>
    %dma_start3A_2328 = tpu.memref_squeeze %dma_start3A_2327 : memref<1x1x16x768xf32, #tpu.memory_space<hbm>> -> memref<16x768xf32, #tpu.memory_space<hbm>>
    %dma_start3A_2329 = arith.constant 0 : i32
    %dma_start3A_2330 = arith.constant 0 : i32
    %dma_start3A_2331 = tpu.memref_slice %arg11[%dma_start3A_2329, %dma_start3A_2330] : memref<32x768xf32, #tpu.memory_space<vmem>> -> memref<16x768xf32, #tpu.memory_space<vmem>>
    tpu.enqueue_dma source(%dma_start3A_2331 : memref<16x768xf32, #tpu.memory_space<vmem>>) target(%dma_start3A_2328 : memref<16x768xf32, #tpu.memory_space<hbm>>) target_semaphore(%arg21 : memref<!tpu.dma_semaphore, #tpu.memory_space<semaphore_mem>>)
    %add3A_2332 = arith.constant 16 : i32
    %add3A_2333 = arith.addi %mul3A_4, %add3A_2332 : i32
    %dma_start3A_2334 = arith.constant 4 : i32
    %dma_start3A_2335 = arith.constant 4 : i32
    %dma_start3A_2336 = arith.constant 16 : i32
    %dma_start3A_2337 = arith.constant 0 : i32
    %dma_start3A_2338 = tpu.memref_slice %arg11[%dma_start3A_2336, %dma_start3A_2337] : memref<32x768xf32, #tpu.memory_space<vmem>> -> memref<16x768xf32, #tpu.memory_space<vmem>>
    %dma_start3A_2339 = arith.constant 0 : i32
    %dma_start3A_2340 = tpu.memref_slice %arg4[%dma_start3A_2334, %dma_start3A_2335, %add3A_2333, %dma_start3A_2339] : memref<5x5x1024x768xf32, #tpu.memory_space<hbm>> -> memref<1x1x16x768xf32, #tpu.memory_space<hbm>>
    %dma_start3A_2341 = tpu.memref_squeeze %dma_start3A_2340 : memref<1x1x16x768xf32, #tpu.memory_space<hbm>> -> memref<16x768xf32, #tpu.memory_space<hbm>>
    %dma_start3A_2342 = arith.constant 0 : i32
    %dma_start3A_2343 = tpu.memref_slice %arg4[%dma_start3A_2334, %dma_start3A_2335, %add3A_2333, %dma_start3A_2342] : memref<5x5x1024x768xf32, #tpu.memory_space<hbm>> -> memref<1x1x16x768xf32, #tpu.memory_space<hbm>>
    %dma_start3A_2344 = tpu.memref_squeeze %dma_start3A_2343 : memref<1x1x16x768xf32, #tpu.memory_space<hbm>> -> memref<16x768xf32, #tpu.memory_space<hbm>>
    %dma_start3A_2345 = arith.constant 16 : i32
    %dma_start3A_2346 = arith.constant 0 : i32
    %dma_start3A_2347 = tpu.memref_slice %arg11[%dma_start3A_2345, %dma_start3A_2346] : memref<32x768xf32, #tpu.memory_space<vmem>> -> memref<16x768xf32, #tpu.memory_space<vmem>>
    tpu.enqueue_dma source(%dma_start3A_2347 : memref<16x768xf32, #tpu.memory_space<vmem>>) target(%dma_start3A_2344 : memref<16x768xf32, #tpu.memory_space<hbm>>) target_semaphore(%arg21 : memref<!tpu.dma_semaphore, #tpu.memory_space<semaphore_mem>>)
    %dma_wait3A_2348 = arith.constant 3 : i32
    %dma_wait3A_2349 = arith.constant 0 : i32
    %dma_wait3A_2350 = arith.constant 0 : i32
    %dma_wait3A_2351 = arith.constant 0 : i32
    %dma_wait3A_2352 = tpu.memref_slice %arg7[%dma_wait3A_2350, %dma_wait3A_2351] : memref<32x768xf32, #tpu.memory_space<vmem>> -> memref<16x768xf32, #tpu.memory_space<vmem>>
    %dma_wait3A_2353 = arith.constant 0 : i32
    %dma_wait3A_2354 = tpu.memref_slice %arg4[%dma_wait3A_2348, %dma_wait3A_2349, %add3A_2169, %dma_wait3A_2353] : memref<5x5x1024x768xf32, #tpu.memory_space<hbm>> -> memref<1x1x16x768xf32, #tpu.memory_space<hbm>>
    %dma_wait3A_2355 = tpu.memref_squeeze %dma_wait3A_2354 : memref<1x1x16x768xf32, #tpu.memory_space<hbm>> -> memref<16x768xf32, #tpu.memory_space<hbm>>
    %dma_wait3A_2356 = arith.constant 0 : i32
    %dma_wait3A_2357 = tpu.memref_slice %arg4[%dma_wait3A_2348, %dma_wait3A_2349, %add3A_2169, %dma_wait3A_2356] : memref<5x5x1024x768xf32, #tpu.memory_space<hbm>> -> memref<1x1x16x768xf32, #tpu.memory_space<hbm>>
    %dma_wait3A_2358 = tpu.memref_squeeze %dma_wait3A_2357 : memref<1x1x16x768xf32, #tpu.memory_space<hbm>> -> memref<16x768xf32, #tpu.memory_space<hbm>>
    %dma_wait3A_2359 = arith.constant 0 : i32
    %dma_wait3A_2360 = arith.constant 0 : i32
    %dma_wait3A_2361 = tpu.memref_slice %arg7[%dma_wait3A_2359, %dma_wait3A_2360] : memref<32x768xf32, #tpu.memory_space<vmem>> -> memref<16x768xf32, #tpu.memory_space<vmem>>
    tpu.wait_dma2 semaphore(%arg17 : memref<!tpu.dma_semaphore, #tpu.memory_space<semaphore_mem>>) src(%dma_wait3A_2361 : memref<16x768xf32, #tpu.memory_space<vmem>>) dst(%dma_wait3A_2358 : memref<16x768xf32, #tpu.memory_space<hbm>>)
    %dma_wait3A_2362 = arith.constant 3 : i32
    %dma_wait3A_2363 = arith.constant 1 : i32
    %dma_wait3A_2364 = arith.constant 16 : i32
    %dma_wait3A_2365 = arith.constant 0 : i32
    %dma_wait3A_2366 = tpu.memref_slice %arg7[%dma_wait3A_2364, %dma_wait3A_2365] : memref<32x768xf32, #tpu.memory_space<vmem>> -> memref<16x768xf32, #tpu.memory_space<vmem>>
    %dma_wait3A_2367 = arith.constant 0 : i32
    %dma_wait3A_2368 = tpu.memref_slice %arg4[%dma_wait3A_2362, %dma_wait3A_2363, %add3A_2185, %dma_wait3A_2367] : memref<5x5x1024x768xf32, #tpu.memory_space<hbm>> -> memref<1x1x16x768xf32, #tpu.memory_space<hbm>>
    %dma_wait3A_2369 = tpu.memref_squeeze %dma_wait3A_2368 : memref<1x1x16x768xf32, #tpu.memory_space<hbm>> -> memref<16x768xf32, #tpu.memory_space<hbm>>
    %dma_wait3A_2370 = arith.constant 0 : i32
    %dma_wait3A_2371 = tpu.memref_slice %arg4[%dma_wait3A_2362, %dma_wait3A_2363, %add3A_2185, %dma_wait3A_2370] : memref<5x5x1024x768xf32, #tpu.memory_space<hbm>> -> memref<1x1x16x768xf32, #tpu.memory_space<hbm>>
    %dma_wait3A_2372 = tpu.memref_squeeze %dma_wait3A_2371 : memref<1x1x16x768xf32, #tpu.memory_space<hbm>> -> memref<16x768xf32, #tpu.memory_space<hbm>>
    %dma_wait3A_2373 = arith.constant 16 : i32
    %dma_wait3A_2374 = arith.constant 0 : i32
    %dma_wait3A_2375 = tpu.memref_slice %arg7[%dma_wait3A_2373, %dma_wait3A_2374] : memref<32x768xf32, #tpu.memory_space<vmem>> -> memref<16x768xf32, #tpu.memory_space<vmem>>
    tpu.wait_dma2 semaphore(%arg17 : memref<!tpu.dma_semaphore, #tpu.memory_space<semaphore_mem>>) src(%dma_wait3A_2375 : memref<16x768xf32, #tpu.memory_space<vmem>>) dst(%dma_wait3A_2372 : memref<16x768xf32, #tpu.memory_space<hbm>>)
    %dma_wait3A_2376 = arith.constant 3 : i32
    %dma_wait3A_2377 = arith.constant 2 : i32
    %dma_wait3A_2378 = arith.constant 0 : i32
    %dma_wait3A_2379 = arith.constant 0 : i32
    %dma_wait3A_2380 = tpu.memref_slice %arg8[%dma_wait3A_2378, %dma_wait3A_2379] : memref<32x768xf32, #tpu.memory_space<vmem>> -> memref<16x768xf32, #tpu.memory_space<vmem>>
    %dma_wait3A_2381 = arith.constant 0 : i32
    %dma_wait3A_2382 = tpu.memref_slice %arg4[%dma_wait3A_2376, %dma_wait3A_2377, %add3A_2206, %dma_wait3A_2381] : memref<5x5x1024x768xf32, #tpu.memory_space<hbm>> -> memref<1x1x16x768xf32, #tpu.memory_space<hbm>>
    %dma_wait3A_2383 = tpu.memref_squeeze %dma_wait3A_2382 : memref<1x1x16x768xf32, #tpu.memory_space<hbm>> -> memref<16x768xf32, #tpu.memory_space<hbm>>
    %dma_wait3A_2384 = arith.constant 0 : i32
    %dma_wait3A_2385 = tpu.memref_slice %arg4[%dma_wait3A_2376, %dma_wait3A_2377, %add3A_2206, %dma_wait3A_2384] : memref<5x5x1024x768xf32, #tpu.memory_space<hbm>> -> memref<1x1x16x768xf32, #tpu.memory_space<hbm>>
    %dma_wait3A_2386 = tpu.memref_squeeze %dma_wait3A_2385 : memref<1x1x16x768xf32, #tpu.memory_space<hbm>> -> memref<16x768xf32, #tpu.memory_space<hbm>>
    %dma_wait3A_2387 = arith.constant 0 : i32
    %dma_wait3A_2388 = arith.constant 0 : i32
    %dma_wait3A_2389 = tpu.memref_slice %arg8[%dma_wait3A_2387, %dma_wait3A_2388] : memref<32x768xf32, #tpu.memory_space<vmem>> -> memref<16x768xf32, #tpu.memory_space<vmem>>
    tpu.wait_dma2 semaphore(%arg18 : memref<!tpu.dma_semaphore, #tpu.memory_space<semaphore_mem>>) src(%dma_wait3A_2389 : memref<16x768xf32, #tpu.memory_space<vmem>>) dst(%dma_wait3A_2386 : memref<16x768xf32, #tpu.memory_space<hbm>>)
    %dma_wait3A_2390 = arith.constant 3 : i32
    %dma_wait3A_2391 = arith.constant 3 : i32
    %dma_wait3A_2392 = arith.constant 16 : i32
    %dma_wait3A_2393 = arith.constant 0 : i32
    %dma_wait3A_2394 = tpu.memref_slice %arg8[%dma_wait3A_2392, %dma_wait3A_2393] : memref<32x768xf32, #tpu.memory_space<vmem>> -> memref<16x768xf32, #tpu.memory_space<vmem>>
    %dma_wait3A_2395 = arith.constant 0 : i32
    %dma_wait3A_2396 = tpu.memref_slice %arg4[%dma_wait3A_2390, %dma_wait3A_2391, %add3A_2222, %dma_wait3A_2395] : memref<5x5x1024x768xf32, #tpu.memory_space<hbm>> -> memref<1x1x16x768xf32, #tpu.memory_space<hbm>>
    %dma_wait3A_2397 = tpu.memref_squeeze %dma_wait3A_2396 : memref<1x1x16x768xf32, #tpu.memory_space<hbm>> -> memref<16x768xf32, #tpu.memory_space<hbm>>
    %dma_wait3A_2398 = arith.constant 0 : i32
    %dma_wait3A_2399 = tpu.memref_slice %arg4[%dma_wait3A_2390, %dma_wait3A_2391, %add3A_2222, %dma_wait3A_2398] : memref<5x5x1024x768xf32, #tpu.memory_space<hbm>> -> memref<1x1x16x768xf32, #tpu.memory_space<hbm>>
    %dma_wait3A_2400 = tpu.memref_squeeze %dma_wait3A_2399 : memref<1x1x16x768xf32, #tpu.memory_space<hbm>> -> memref<16x768xf32, #tpu.memory_space<hbm>>
    %dma_wait3A_2401 = arith.constant 16 : i32
    %dma_wait3A_2402 = arith.constant 0 : i32
    %dma_wait3A_2403 = tpu.memref_slice %arg8[%dma_wait3A_2401, %dma_wait3A_2402] : memref<32x768xf32, #tpu.memory_space<vmem>> -> memref<16x768xf32, #tpu.memory_space<vmem>>
    tpu.wait_dma2 semaphore(%arg18 : memref<!tpu.dma_semaphore, #tpu.memory_space<semaphore_mem>>) src(%dma_wait3A_2403 : memref<16x768xf32, #tpu.memory_space<vmem>>) dst(%dma_wait3A_2400 : memref<16x768xf32, #tpu.memory_space<hbm>>)
    %dma_wait3A_2404 = arith.constant 3 : i32
    %dma_wait3A_2405 = arith.constant 4 : i32
    %dma_wait3A_2406 = arith.constant 0 : i32
    %dma_wait3A_2407 = arith.constant 0 : i32
    %dma_wait3A_2408 = tpu.memref_slice %arg9[%dma_wait3A_2406, %dma_wait3A_2407] : memref<32x768xf32, #tpu.memory_space<vmem>> -> memref<16x768xf32, #tpu.memory_space<vmem>>
    %dma_wait3A_2409 = arith.constant 0 : i32
    %dma_wait3A_2410 = tpu.memref_slice %arg4[%dma_wait3A_2404, %dma_wait3A_2405, %add3A_2243, %dma_wait3A_2409] : memref<5x5x1024x768xf32, #tpu.memory_space<hbm>> -> memref<1x1x16x768xf32, #tpu.memory_space<hbm>>
    %dma_wait3A_2411 = tpu.memref_squeeze %dma_wait3A_2410 : memref<1x1x16x768xf32, #tpu.memory_space<hbm>> -> memref<16x768xf32, #tpu.memory_space<hbm>>
    %dma_wait3A_2412 = arith.constant 0 : i32
    %dma_wait3A_2413 = tpu.memref_slice %arg4[%dma_wait3A_2404, %dma_wait3A_2405, %add3A_2243, %dma_wait3A_2412] : memref<5x5x1024x768xf32, #tpu.memory_space<hbm>> -> memref<1x1x16x768xf32, #tpu.memory_space<hbm>>
    %dma_wait3A_2414 = tpu.memref_squeeze %dma_wait3A_2413 : memref<1x1x16x768xf32, #tpu.memory_space<hbm>> -> memref<16x768xf32, #tpu.memory_space<hbm>>
    %dma_wait3A_2415 = arith.constant 0 : i32
    %dma_wait3A_2416 = arith.constant 0 : i32
    %dma_wait3A_2417 = tpu.memref_slice %arg9[%dma_wait3A_2415, %dma_wait3A_2416] : memref<32x768xf32, #tpu.memory_space<vmem>> -> memref<16x768xf32, #tpu.memory_space<vmem>>
    tpu.wait_dma2 semaphore(%arg19 : memref<!tpu.dma_semaphore, #tpu.memory_space<semaphore_mem>>) src(%dma_wait3A_2417 : memref<16x768xf32, #tpu.memory_space<vmem>>) dst(%dma_wait3A_2414 : memref<16x768xf32, #tpu.memory_space<hbm>>)
    %dma_wait3A_2418 = arith.constant 4 : i32
    %dma_wait3A_2419 = arith.constant 0 : i32
    %dma_wait3A_2420 = arith.constant 16 : i32
    %dma_wait3A_2421 = arith.constant 0 : i32
    %dma_wait3A_2422 = tpu.memref_slice %arg9[%dma_wait3A_2420, %dma_wait3A_2421] : memref<32x768xf32, #tpu.memory_space<vmem>> -> memref<16x768xf32, #tpu.memory_space<vmem>>
    %dma_wait3A_2423 = arith.constant 0 : i32
    %dma_wait3A_2424 = tpu.memref_slice %arg4[%dma_wait3A_2418, %dma_wait3A_2419, %add3A_2259, %dma_wait3A_2423] : memref<5x5x1024x768xf32, #tpu.memory_space<hbm>> -> memref<1x1x16x768xf32, #tpu.memory_space<hbm>>
    %dma_wait3A_2425 = tpu.memref_squeeze %dma_wait3A_2424 : memref<1x1x16x768xf32, #tpu.memory_space<hbm>> -> memref<16x768xf32, #tpu.memory_space<hbm>>
    %dma_wait3A_2426 = arith.constant 0 : i32
    %dma_wait3A_2427 = tpu.memref_slice %arg4[%dma_wait3A_2418, %dma_wait3A_2419, %add3A_2259, %dma_wait3A_2426] : memref<5x5x1024x768xf32, #tpu.memory_space<hbm>> -> memref<1x1x16x768xf32, #tpu.memory_space<hbm>>
    %dma_wait3A_2428 = tpu.memref_squeeze %dma_wait3A_2427 : memref<1x1x16x768xf32, #tpu.memory_space<hbm>> -> memref<16x768xf32, #tpu.memory_space<hbm>>
    %dma_wait3A_2429 = arith.constant 16 : i32
    %dma_wait3A_2430 = arith.constant 0 : i32
    %dma_wait3A_2431 = tpu.memref_slice %arg9[%dma_wait3A_2429, %dma_wait3A_2430] : memref<32x768xf32, #tpu.memory_space<vmem>> -> memref<16x768xf32, #tpu.memory_space<vmem>>
    tpu.wait_dma2 semaphore(%arg19 : memref<!tpu.dma_semaphore, #tpu.memory_space<semaphore_mem>>) src(%dma_wait3A_2431 : memref<16x768xf32, #tpu.memory_space<vmem>>) dst(%dma_wait3A_2428 : memref<16x768xf32, #tpu.memory_space<hbm>>)
    %dma_wait3A_2432 = arith.constant 4 : i32
    %dma_wait3A_2433 = arith.constant 1 : i32
    %dma_wait3A_2434 = arith.constant 0 : i32
    %dma_wait3A_2435 = arith.constant 0 : i32
    %dma_wait3A_2436 = tpu.memref_slice %arg10[%dma_wait3A_2434, %dma_wait3A_2435] : memref<32x768xf32, #tpu.memory_space<vmem>> -> memref<16x768xf32, #tpu.memory_space<vmem>>
    %dma_wait3A_2437 = arith.constant 0 : i32
    %dma_wait3A_2438 = tpu.memref_slice %arg4[%dma_wait3A_2432, %dma_wait3A_2433, %add3A_2280, %dma_wait3A_2437] : memref<5x5x1024x768xf32, #tpu.memory_space<hbm>> -> memref<1x1x16x768xf32, #tpu.memory_space<hbm>>
    %dma_wait3A_2439 = tpu.memref_squeeze %dma_wait3A_2438 : memref<1x1x16x768xf32, #tpu.memory_space<hbm>> -> memref<16x768xf32, #tpu.memory_space<hbm>>
    %dma_wait3A_2440 = arith.constant 0 : i32
    %dma_wait3A_2441 = tpu.memref_slice %arg4[%dma_wait3A_2432, %dma_wait3A_2433, %add3A_2280, %dma_wait3A_2440] : memref<5x5x1024x768xf32, #tpu.memory_space<hbm>> -> memref<1x1x16x768xf32, #tpu.memory_space<hbm>>
    %dma_wait3A_2442 = tpu.memref_squeeze %dma_wait3A_2441 : memref<1x1x16x768xf32, #tpu.memory_space<hbm>> -> memref<16x768xf32, #tpu.memory_space<hbm>>
    %dma_wait3A_2443 = arith.constant 0 : i32
    %dma_wait3A_2444 = arith.constant 0 : i32
    %dma_wait3A_2445 = tpu.memref_slice %arg10[%dma_wait3A_2443, %dma_wait3A_2444] : memref<32x768xf32, #tpu.memory_space<vmem>> -> memref<16x768xf32, #tpu.memory_space<vmem>>
    tpu.wait_dma2 semaphore(%arg20 : memref<!tpu.dma_semaphore, #tpu.memory_space<semaphore_mem>>) src(%dma_wait3A_2445 : memref<16x768xf32, #tpu.memory_space<vmem>>) dst(%dma_wait3A_2442 : memref<16x768xf32, #tpu.memory_space<hbm>>)
    %dma_wait3A_2446 = arith.constant 4 : i32
    %dma_wait3A_2447 = arith.constant 2 : i32
    %dma_wait3A_2448 = arith.constant 16 : i32
    %dma_wait3A_2449 = arith.constant 0 : i32
    %dma_wait3A_2450 = tpu.memref_slice %arg10[%dma_wait3A_2448, %dma_wait3A_2449] : memref<32x768xf32, #tpu.memory_space<vmem>> -> memref<16x768xf32, #tpu.memory_space<vmem>>
    %dma_wait3A_2451 = arith.constant 0 : i32
    %dma_wait3A_2452 = tpu.memref_slice %arg4[%dma_wait3A_2446, %dma_wait3A_2447, %add3A_2296, %dma_wait3A_2451] : memref<5x5x1024x768xf32, #tpu.memory_space<hbm>> -> memref<1x1x16x768xf32, #tpu.memory_space<hbm>>
    %dma_wait3A_2453 = tpu.memref_squeeze %dma_wait3A_2452 : memref<1x1x16x768xf32, #tpu.memory_space<hbm>> -> memref<16x768xf32, #tpu.memory_space<hbm>>
    %dma_wait3A_2454 = arith.constant 0 : i32
    %dma_wait3A_2455 = tpu.memref_slice %arg4[%dma_wait3A_2446, %dma_wait3A_2447, %add3A_2296, %dma_wait3A_2454] : memref<5x5x1024x768xf32, #tpu.memory_space<hbm>> -> memref<1x1x16x768xf32, #tpu.memory_space<hbm>>
    %dma_wait3A_2456 = tpu.memref_squeeze %dma_wait3A_2455 : memref<1x1x16x768xf32, #tpu.memory_space<hbm>> -> memref<16x768xf32, #tpu.memory_space<hbm>>
    %dma_wait3A_2457 = arith.constant 16 : i32
    %dma_wait3A_2458 = arith.constant 0 : i32
    %dma_wait3A_2459 = tpu.memref_slice %arg10[%dma_wait3A_2457, %dma_wait3A_2458] : memref<32x768xf32, #tpu.memory_space<vmem>> -> memref<16x768xf32, #tpu.memory_space<vmem>>
    tpu.wait_dma2 semaphore(%arg20 : memref<!tpu.dma_semaphore, #tpu.memory_space<semaphore_mem>>) src(%dma_wait3A_2459 : memref<16x768xf32, #tpu.memory_space<vmem>>) dst(%dma_wait3A_2456 : memref<16x768xf32, #tpu.memory_space<hbm>>)
    %dma_wait3A_2460 = arith.constant 4 : i32
    %dma_wait3A_2461 = arith.constant 3 : i32
    %dma_wait3A_2462 = arith.constant 0 : i32
    %dma_wait3A_2463 = arith.constant 0 : i32
    %dma_wait3A_2464 = tpu.memref_slice %arg11[%dma_wait3A_2462, %dma_wait3A_2463] : memref<32x768xf32, #tpu.memory_space<vmem>> -> memref<16x768xf32, #tpu.memory_space<vmem>>
    %dma_wait3A_2465 = arith.constant 0 : i32
    %dma_wait3A_2466 = tpu.memref_slice %arg4[%dma_wait3A_2460, %dma_wait3A_2461, %add3A_2317, %dma_wait3A_2465] : memref<5x5x1024x768xf32, #tpu.memory_space<hbm>> -> memref<1x1x16x768xf32, #tpu.memory_space<hbm>>
    %dma_wait3A_2467 = tpu.memref_squeeze %dma_wait3A_2466 : memref<1x1x16x768xf32, #tpu.memory_space<hbm>> -> memref<16x768xf32, #tpu.memory_space<hbm>>
    %dma_wait3A_2468 = arith.constant 0 : i32
    %dma_wait3A_2469 = tpu.memref_slice %arg4[%dma_wait3A_2460, %dma_wait3A_2461, %add3A_2317, %dma_wait3A_2468] : memref<5x5x1024x768xf32, #tpu.memory_space<hbm>> -> memref<1x1x16x768xf32, #tpu.memory_space<hbm>>
    %dma_wait3A_2470 = tpu.memref_squeeze %dma_wait3A_2469 : memref<1x1x16x768xf32, #tpu.memory_space<hbm>> -> memref<16x768xf32, #tpu.memory_space<hbm>>
    %dma_wait3A_2471 = arith.constant 0 : i32
    %dma_wait3A_2472 = arith.constant 0 : i32
    %dma_wait3A_2473 = tpu.memref_slice %arg11[%dma_wait3A_2471, %dma_wait3A_2472] : memref<32x768xf32, #tpu.memory_space<vmem>> -> memref<16x768xf32, #tpu.memory_space<vmem>>
    tpu.wait_dma2 semaphore(%arg21 : memref<!tpu.dma_semaphore, #tpu.memory_space<semaphore_mem>>) src(%dma_wait3A_2473 : memref<16x768xf32, #tpu.memory_space<vmem>>) dst(%dma_wait3A_2470 : memref<16x768xf32, #tpu.memory_space<hbm>>)
    %dma_wait3A_2474 = arith.constant 4 : i32
    %dma_wait3A_2475 = arith.constant 4 : i32
    %dma_wait3A_2476 = arith.constant 16 : i32
    %dma_wait3A_2477 = arith.constant 0 : i32
    %dma_wait3A_2478 = tpu.memref_slice %arg11[%dma_wait3A_2476, %dma_wait3A_2477] : memref<32x768xf32, #tpu.memory_space<vmem>> -> memref<16x768xf32, #tpu.memory_space<vmem>>
    %dma_wait3A_2479 = arith.constant 0 : i32
    %dma_wait3A_2480 = tpu.memref_slice %arg4[%dma_wait3A_2474, %dma_wait3A_2475, %add3A_2333, %dma_wait3A_2479] : memref<5x5x1024x768xf32, #tpu.memory_space<hbm>> -> memref<1x1x16x768xf32, #tpu.memory_space<hbm>>
    %dma_wait3A_2481 = tpu.memref_squeeze %dma_wait3A_2480 : memref<1x1x16x768xf32, #tpu.memory_space<hbm>> -> memref<16x768xf32, #tpu.memory_space<hbm>>
    %dma_wait3A_2482 = arith.constant 0 : i32
    %dma_wait3A_2483 = tpu.memref_slice %arg4[%dma_wait3A_2474, %dma_wait3A_2475, %add3A_2333, %dma_wait3A_2482] : memref<5x5x1024x768xf32, #tpu.memory_space<hbm>> -> memref<1x1x16x768xf32, #tpu.memory_space<hbm>>
    %dma_wait3A_2484 = tpu.memref_squeeze %dma_wait3A_2483 : memref<1x1x16x768xf32, #tpu.memory_space<hbm>> -> memref<16x768xf32, #tpu.memory_space<hbm>>
    %dma_wait3A_2485 = arith.constant 16 : i32
    %dma_wait3A_2486 = arith.constant 0 : i32
    %dma_wait3A_2487 = tpu.memref_slice %arg11[%dma_wait3A_2485, %dma_wait3A_2486] : memref<32x768xf32, #tpu.memory_space<vmem>> -> memref<16x768xf32, #tpu.memory_space<vmem>>
    tpu.wait_dma2 semaphore(%arg21 : memref<!tpu.dma_semaphore, #tpu.memory_space<semaphore_mem>>) src(%dma_wait3A_2487 : memref<16x768xf32, #tpu.memory_space<vmem>>) dst(%dma_wait3A_2484 : memref<16x768xf32, #tpu.memory_space<hbm>>)
    return
  }
}

module attributes {stable_mosaic.version = 14 : i64} {
  func.func @_simtopk_kernel(%arg0: i32, %arg1: memref<256x768xf32, #tpu.memory_space<vmem>>, %arg2: memref<1024x768xf32, #tpu.memory_space<vmem>>, %arg3: memref<256x5xi32, #tpu.memory_space<vmem>>) attributes {dimension_semantics = [#tpu.dimension_semantics<arbitrary>], iteration_bounds = array<i64: 4>, scalar_prefetch = 0 : i64, scratch_operands = 0 : i64, tpu.core_type = #tpu.core_type<tc>, window_params = [{transform_indices = @transform_0, window_bounds = array<i64: 256, 768>}, {pipeline_mode = #tpu.pipeline_mode<synchronous>, transform_indices = @transform_1, window_bounds = array<i64: 1024, 768>}, {transform_indices = @transform_2, window_bounds = array<i64: 256, 5>}]} {
    %get3A = arith.constant 0 : index
    %get3A_0 = arith.constant 0 : index
    %get3A_1 = vector.load %arg1[%get3A, %get3A_0] : memref<256x768xf32, #tpu.memory_space<vmem>>, vector<256x768xf32>
    %get3A_2 = arith.constant 0 : index
    %get3A_3 = arith.constant 0 : index
    %get3A_4 = vector.load %arg2[%get3A_2, %get3A_3] : memref<1024x768xf32, #tpu.memory_space<vmem>>, vector<1024x768xf32>
    %mul3A = arith.mulf %get3A_1, %get3A_1 : vector<256x768xf32>
    %reduce_sum3A = arith.constant dense<0.000000e+00> : vector<256xf32>
    %reduce_sum3A_5 = vector.multi_reduction <add>, %mul3A, %reduce_sum3A [1] : vector<256x768xf32> to vector<256xf32>
    %broadcast_in_dim3A = vector.shape_cast %reduce_sum3A_5 : vector<256xf32> to vector<256x1xf32>
    %sqrt3A = math.sqrt %broadcast_in_dim3A : vector<256x1xf32>
    %max3A = arith.constant 9.99999996E-13 : f32
    %max3A_6 = vector.broadcast %max3A : f32 to vector<256x1xf32>
    %max3A_7 = arith.maximumf %sqrt3A, %max3A_6 : vector<256x1xf32>
    %div3A = vector.broadcast %max3A_7 : vector<256x1xf32> to vector<256x768xf32>
    %div3A_8 = arith.divf %get3A_1, %div3A : vector<256x768xf32>
    %mul3A_9 = arith.mulf %get3A_4, %get3A_4 : vector<1024x768xf32>
    %reduce_sum3A_10 = arith.constant dense<0.000000e+00> : vector<1024xf32>
    %reduce_sum3A_11 = vector.multi_reduction <add>, %mul3A_9, %reduce_sum3A_10 [1] : vector<1024x768xf32> to vector<1024xf32>
    %broadcast_in_dim3A_12 = vector.shape_cast %reduce_sum3A_11 : vector<1024xf32> to vector<1024x1xf32>
    %sqrt3A_13 = math.sqrt %broadcast_in_dim3A_12 : vector<1024x1xf32>
    %max3A_14 = arith.constant 9.99999996E-13 : f32
    %max3A_15 = vector.broadcast %max3A_14 : f32 to vector<1024x1xf32>
    %max3A_16 = arith.maximumf %sqrt3A_13, %max3A_15 : vector<1024x1xf32>
    %div3A_17 = vector.broadcast %max3A_16 : vector<1024x1xf32> to vector<1024x768xf32>
    %div3A_18 = arith.divf %get3A_4, %div3A_17 : vector<1024x768xf32>
    %transpose3A = tpu.transpose %div3A_18, [1, 0] : vector<1024x768xf32> -> vector<768x1024xf32>
    %dot_general3A = arith.constant dense<0.000000e+00> : vector<256x1024xf32>
    %dot_general3A_19 = tpu.matmul %div3A_8, %transpose3A, %dot_general3A {dimension_numbers = #tpu.dot_dimension_numbers<[1], [0], [0], [1], [0, 0, 1, 1], [], []>, transpose_lhs_hint = false} : vector<256x768xf32>, vector<768x1024xf32>, vector<256x1024xf32> -> vector<256x1024xf32>
    %iota3A = tpu.iota {dimensions = array<i32: 1>} : vector<256x1024xi32>
    %argmax3A = tpu.reduce_index %dot_general3A_19 {axis = 1 : i32, kind = #tpu.reduction_kind<arg_max>} : vector<256x1024xf32> -> vector<256xi32>
    %broadcast_in_dim3A_20 = vector.shape_cast %argmax3A : vector<256xi32> to vector<256x1xi32>
    %eq3A = vector.broadcast %broadcast_in_dim3A_20 : vector<256x1xi32> to vector<256x1024xi32>
    %eq3A_21 = arith.cmpi eq, %iota3A, %eq3A : vector<256x1024xi32>
    %jit3A = arith.constant 0xFF800000 : f32
    %broadcast_in_dim3A_22 = vector.broadcast %jit3A : f32 to vector<256x1024xf32>
    %select_n3A = arith.select %eq3A_21, %broadcast_in_dim3A_22, %dot_general3A_19 : vector<256x1024xi1>, vector<256x1024xf32>
    %argmax3A_23 = tpu.reduce_index %select_n3A {axis = 1 : i32, kind = #tpu.reduction_kind<arg_max>} : vector<256x1024xf32> -> vector<256xi32>
    %broadcast_in_dim3A_24 = vector.shape_cast %argmax3A_23 : vector<256xi32> to vector<256x1xi32>
    %eq3A_25 = vector.broadcast %broadcast_in_dim3A_24 : vector<256x1xi32> to vector<256x1024xi32>
    %eq3A_26 = arith.cmpi eq, %iota3A, %eq3A_25 : vector<256x1024xi32>
    %jit3A_27 = arith.constant 0xFF800000 : f32
    %broadcast_in_dim3A_28 = vector.broadcast %jit3A_27 : f32 to vector<256x1024xf32>
    %select_n3A_29 = arith.select %eq3A_26, %broadcast_in_dim3A_28, %select_n3A : vector<256x1024xi1>, vector<256x1024xf32>
    %argmax3A_30 = tpu.reduce_index %select_n3A_29 {axis = 1 : i32, kind = #tpu.reduction_kind<arg_max>} : vector<256x1024xf32> -> vector<256xi32>
    %broadcast_in_dim3A_31 = vector.shape_cast %argmax3A_30 : vector<256xi32> to vector<256x1xi32>
    %eq3A_32 = vector.broadcast %broadcast_in_dim3A_31 : vector<256x1xi32> to vector<256x1024xi32>
    %eq3A_33 = arith.cmpi eq, %iota3A, %eq3A_32 : vector<256x1024xi32>
    %jit3A_34 = arith.constant 0xFF800000 : f32
    %broadcast_in_dim3A_35 = vector.broadcast %jit3A_34 : f32 to vector<256x1024xf32>
    %select_n3A_36 = arith.select %eq3A_33, %broadcast_in_dim3A_35, %select_n3A_29 : vector<256x1024xi1>, vector<256x1024xf32>
    %argmax3A_37 = tpu.reduce_index %select_n3A_36 {axis = 1 : i32, kind = #tpu.reduction_kind<arg_max>} : vector<256x1024xf32> -> vector<256xi32>
    %broadcast_in_dim3A_38 = vector.shape_cast %argmax3A_37 : vector<256xi32> to vector<256x1xi32>
    %eq3A_39 = vector.broadcast %broadcast_in_dim3A_38 : vector<256x1xi32> to vector<256x1024xi32>
    %eq3A_40 = arith.cmpi eq, %iota3A, %eq3A_39 : vector<256x1024xi32>
    %jit3A_41 = arith.constant 0xFF800000 : f32
    %broadcast_in_dim3A_42 = vector.broadcast %jit3A_41 : f32 to vector<256x1024xf32>
    %select_n3A_43 = arith.select %eq3A_40, %broadcast_in_dim3A_42, %select_n3A_36 : vector<256x1024xi1>, vector<256x1024xf32>
    %argmax3A_44 = tpu.reduce_index %select_n3A_43 {axis = 1 : i32, kind = #tpu.reduction_kind<arg_max>} : vector<256x1024xf32> -> vector<256xi32>
    %stack3A = vector.shape_cast %argmax3A : vector<256xi32> to vector<256x1xi32>
    %stack3A_45 = vector.shape_cast %argmax3A_23 : vector<256xi32> to vector<256x1xi32>
    %stack3A_46 = vector.shape_cast %argmax3A_30 : vector<256xi32> to vector<256x1xi32>
    %stack3A_47 = vector.shape_cast %argmax3A_37 : vector<256xi32> to vector<256x1xi32>
    %stack3A_48 = vector.shape_cast %argmax3A_44 : vector<256xi32> to vector<256x1xi32>
    %stack3A_49 = tpu.concatenate %stack3A, %stack3A_45, %stack3A_46, %stack3A_47, %stack3A_48 in 1 : vector<256x1xi32>, vector<256x1xi32>, vector<256x1xi32>, vector<256x1xi32>, vector<256x1xi32> -> vector<256x5xi32>
    %swap3A = arith.constant 0 : index
    %swap3A_50 = arith.constant 0 : index
    %swap3A_51 = vector.load %arg3[%swap3A, %swap3A_50] : memref<256x5xi32, #tpu.memory_space<vmem>>, vector<256x5xi32>
    tpu.vector_store %arg3[%swap3A, %swap3A_50], %stack3A_49 {strides = array<i32>} : memref<256x5xi32, #tpu.memory_space<vmem>>, vector<256x5xi32>,
    return
  }
  func.func @transform_0(%arg0: i32) -> (i32, i32) {
    %c0_i32 = arith.constant 0 : i32
    %c0_i32_0 = arith.constant 0 : i32
    return %arg0, %c0_i32 : i32, i32
  }
  func.func @transform_1(%arg0: i32) -> (i32, i32) {
    %c0_i32 = arith.constant 0 : i32
    %c0_i32_0 = arith.constant 0 : i32
    %c0_i32_1 = arith.constant 0 : i32
    return %c0_i32, %c0_i32_0 : i32, i32
  }
  func.func @transform_2(%arg0: i32) -> (i32, i32) {
    %c0_i32 = arith.constant 0 : i32
    %c0_i32_0 = arith.constant 0 : i32
    return %arg0, %c0_i32 : i32, i32
  }
}

</mosaic_0001>

<sc_bundles>
// kernel: kernel.4.cloned.1.call-start
scs
__scs_entry_jumppad:
0x0: {  	(pc) =	sbr.rel $0x88, $3  }
0x1: {  	(tag) =	ssettag $0x0;
	lr =	simm.s32 $0x1  }
0x2: {  	[smem:$0x3F9E] =	sst lr;
	_ =	strace $0xD0000000  }
0x3: {  	_ = 	snop  }
0x4: {  	_ = 	snop  }
0x5: {  	_ = 	snop  }
0x6: {  	_ = 	snop  }
0x7: {  	_ = 	snop  }
__scs_overlays_trampoline_lowered:
0x8: {  	[smem:$0x3FAD] =	sst s0  }
0x9: {  	[smem:$0x3FAE] =	sst s1  }
0xa: {  	[smem:$0x3FAF] =	sst s2  }
0xb: {  	[smem:$0x3FB0] =	sst s3  }
0xc: {  	[smem:$0x3FB1] =	sst s4  }
0xd: {  	[smem:$0x3FB2] =	sst s5  }
0xe: {  	[smem:$0x3FB3] =	sst s6  }
0xf: {  	[smem:$0x3FB4] =	sst s7  }
0x10: {  	[smem:$0x3FB5] =	sst s8  }
0x11: {  	[smem:$0x3FB6] =	sst s9;
	s0 =	simm.s32 @!p0 $0x0  }
0x12: {  	s1 =	sld [smem:$0x3F9C];
	s0 =	simm.s32 @p0 $0x1  }
0x13: {  	[smem:$0x3FB7] =	sst s0;
	s0 =	simm.s32 @!p1 $0x0  }
0x14: {  	s2 =	sld [smem:$0x3F9B];
	s0 =	simm.s32 @p1 $0x1  }
0x15: {  	[smem:$0x3FB8] =	sst s0;
	s0 =	simm.s32 @!p2 $0x0  }
0x16: {  	s3 =	sld [smem:$0x3FDB];
	s0 =	simm.s32 @p2 $0x1  }
0x17: {  	s4 =	simm.s32 $0x1BF5;
	[smem:$0x3FBA] =	sst s0  }
0x18: {  	s0 =	sld [smem:$0x3F9D];
	_ =	swait.ge [sflag:s4], $0x0  }
0x19: {  	s7 =	sld [smem:$0x3F9E]  }
0x1a: {  	s8 =	sadd.s32 $0xFFFFE003, lr  }
0x1b: {  	s9 =	sadd.s32 $0xFFFFFEF7, lr;
	s5 =	simm.s32 $0xFFFFFFFF;
	p2 =	slt.u32 s8, $0xFFFFF086  }
0x1c: {  	p1 =	slt.u32 s9, $0xF7A;
	s5 =	simm.s32 @!p2 $0x0  }
0x1d: {  	s5 =	simm.s32 @p1 $0x1;
	p0 =	seq.s32 s7, s2  }
0x1e: {  	s7 =	smul.u32 @!p0 $0xF7A, s2;
	p2 =	seq.s32 @!p0 s5, $0x0  }
0x1f: {  	s9 =	smul.u32 $0xF7A, s1;
	s8 =	simm.s32 @!p0 $0x1BF5;
	p2 =	por !p2, p0  }
0x20: {  	[sflag:s8] =	ssyncset.s32 @!p0 $0xFFFFF086;
	s6 =	sadd.s32 @!p0 s3, s7;
	s7 =	simm.s32 @!p0 $0x108  }
0x21: {  	s3 =	sadd.s32 s3, s9;
	s6 =	sadd.s32 @!p0 $0x88, s6;
	s7 =	simm.s32 @p2 $0x1082  }
0x22: {  	[simem:s7], [sflag:s8] =	dma.local @!p0 [hbm:s6], $0xF7A  }
0x23: {  	s9 =	sor.u32 $0xD0000000, s2;
	s6 =	simm.s32 $0x108;
	_ =	swait.ge @!p0 [sflag:s8], $0x0  }
0x24: {  	s3 =	sadd.s32 $0x88, s3;
	s6 =	simm.s32 @!p1 $0x1082;
	[sflag:s4] =	ssyncset.s32 $0xFFFFF086  }
0x25: {  	[simem:s6], [sflag:s4] =	dma.local [hbm:s3], $0xF7A  }
0x26: {  	[smem:$0x3F9E] =	sst s1;
	(tag) =	ssettag s2;
	_ =	strace s9  }
0x27: {  	s1 =	sld [smem:$0x3FAE]  }
0x28: {  	s2 =	sld [smem:$0x3FAF]  }
0x29: {  	s4 =	sld [smem:$0x3FB1]  }
0x2a: {  	p0 =	seq.s32 s5, $0x0;
	s5 =	sld [smem:$0x3FB2]  }
0x2b: {  	s6 =	sld [smem:$0x3FB3]  }
0x2c: {  	s7 =	sld [smem:$0x3FB4]  }
0x2d: {  	s3 =	simm.s32 $0x108;
	s8 =	sld [smem:$0x3FB5]  }
0x2e: {  	s3 =	simm.s32 @!p0 $0x1082;
	s9 =	sld [smem:$0x3FB6]  }
0x2f: {  	lr =	sadd.s32 s0, s3;
	s0 =	sld [smem:$0x3FAD]  }
0x30: {  	s3 =	sld [smem:$0x3FB0]  }
0x31: {  	[smem:$0x3FB9] =	sst s10  }
0x32: {  	s10 =	sld [smem:$0x3FB7];
	_ =	sdelay $0x3  }
0x33: {  	p0 =	seq.s32 s10, $0x1;
	s10 =	sld [smem:$0x3FB9];
	_ =	sdelay $0x3  }
0x34: {  	[smem:$0x3FB9] =	sst s10  }
0x35: {  	s10 =	sld [smem:$0x3FB8];
	_ =	sdelay $0x3  }
0x36: {  	p1 =	seq.s32 s10, $0x1;
	s10 =	sld [smem:$0x3FB9];
	_ =	sdelay $0x3  }
0x37: {  	[smem:$0x3FB9] =	sst s10  }
0x38: {  	s10 =	sld [smem:$0x3FBA]  }
0x39: {  	_ = 	snop;
	(pc) =	sbr.ind lr, $3  }
0x3a: {  	_ = 	snop  }
0x3b: {  	_ = 	snop  }
0x3c: {  	p2 =	seq.s32 s10, $0x1;
	s10 =	sld [smem:$0x3FB9]  }
0x3d: {  	_ =	shalt  }
0x3e: {  	_ =	shalt  }
0x3f: {  	_ =	shalt  }
0x40: {  	_ =	shalt  }
0x41: {  	_ =	shalt  }
0x42: {  	_ =	shalt  }
0x43: {  	_ =	shalt  }
0x44: {  	_ =	shalt  }
0x45: {  	_ =	shalt  }
0x46: {  	_ =	shalt  }
0x47: {  	_ =	shalt  }
0x48: {  	_ =	shalt  }
0x49: {  	_ =	shalt  }
0x4a: {  	_ =	shalt  }
0x4b: {  	_ =	shalt  }
0x4c: {  	_ =	shalt  }
0x4d: {  	_ =	shalt  }
0x4e: {  	_ =	shalt  }
0x4f: {  	_ =	shalt  }
0x50: {  	_ =	shalt  }
0x51: {  	_ =	shalt  }
0x52: {  	_ =	shalt  }
0x53: {  	_ =	shalt  }
0x54: {  	_ =	shalt  }
0x55: {  	_ =	shalt  }
0x56: {  	_ =	shalt  }
0x57: {  	_ =	shalt  }
0x58: {  	_ =	shalt  }
0x59: {  	_ =	shalt  }
0x5a: {  	_ =	shalt  }
0x5b: {  	_ =	shalt  }
0x5c: {  	_ =	shalt  }
0x5d: {  	_ =	shalt  }
0x5e: {  	_ =	shalt  }
0x5f: {  	_ =	shalt  }
0x60: {  	_ =	shalt  }
0x61: {  	_ =	shalt  }
0x62: {  	_ =	shalt  }
0x63: {  	_ =	shalt  }
0x64: {  	_ =	shalt  }
0x65: {  	_ =	shalt  }
0x66: {  	_ =	shalt  }
0x67: {  	_ =	shalt  }
0x68: {  	_ =	shalt  }
0x69: {  	_ =	shalt  }
0x6a: {  	_ =	shalt  }
0x6b: {  	_ =	shalt  }
0x6c: {  	_ =	shalt  }
0x6d: {  	_ =	shalt  }
0x6e: {  	_ =	shalt  }
0x6f: {  	_ =	shalt  }
0x70: {  	_ =	shalt  }
0x71: {  	_ =	shalt  }
0x72: {  	_ =	shalt  }
0x73: {  	_ =	shalt  }
0x74: {  	_ =	shalt  }
0x75: {  	_ =	shalt  }
0x76: {  	_ =	shalt  }
0x77: {  	_ =	shalt  }
0x78: {  	_ =	shalt  }
0x79: {  	_ =	shalt  }
0x7a: {  	_ =	shalt  }
0x7b: {  	_ =	shalt  }
0x7c: {  	_ =	shalt  }
0x7d: {  	_ =	shalt  }
0x7e: {  	_ =	shalt  }
0x7f: {  	_ =	shalt  }
0x80: {  	_ =	shalt  }
0x81: {  	_ =	shalt  }
0x82: {  	_ =	shalt  }
0x83: {  	_ =	shalt  }
0x84: {  	_ =	shalt  }
0x85: {  	_ =	shalt  }
0x86: {  	_ =	shalt  }
0x87: {  	_ =	shalt  }
.Lfunc_end0:
.L_simem_size_0:
called_computation_lowered:
.L_overlay_start_0:
0x88: {  	s2 =	sld [smem:$0x3FD9]  }
0x89: {  	s3 =	sld [smem:$0x3FFE];
	_ =	sdelay $0x1  }
0x8a: {  	s1 =	srdreg.scid  }
0x8b: {  	s0 =	sand.u32 $0x1, s1  }
0x8c: {  	s14 =	sshll.u32 s0, $0xA;
	s2 =	sadd.s32 s3, s2  }
0x8d: {  	s2 =	sadd.s32 s2, s14  }
0x8e: {  	[smem:$0x3FC5] =	sst s2  }
0x8f: {  	_ = 	snop  }
0x90: {  	s2 =	sld [smem:$0x3FD0];
	_ =	sdelay $0x2  }
0x91: {  	s4 =	simm.s32 $0xA;
	s5 =	simm.s32 $0x10;
	s15 =	sld [smem:$0x3FC8]  }
0x92: {  	[smem:s5], [sflag:s4] =	dma.local [hbm:s2], $0x1  }
0x93: {  	_ =	swait.eq [sflag:s4], $0x1  }
0x94: {  	[sflag:s4] =	ssyncset.done $0x0  }
0x95: {  	[sflag:s4] =	ssyncadd.s32 $0xFFFFFFFF  }
0x96: {  	s16 =	sld [smem:$0x10];
	(tm) =	ssettm $0x1  }
0x97: {  	s17 =	sld [smem:$0x3FFB];
	_ =	sdelay $0x3  }
0x98: {  	_ =	strace s17  }
0x99: {  	s4 =	sld [smem:$0x3FFC];
	_ =	sdelay $0x3  }
0x9a: {  	_ =	strace s4  }
0x9b: {  	s4 =	sld [smem:$0x3FFD];
	_ =	sdelay $0x3  }
0x9c: {  	_ =	strace s4  }
0x9d: {  	_ =	strace $0x8FFFFFFF  }
0x9e: {  	s18 =	sld [smem:$0x3FDB];
	_ =	sdelay $0x1  }
0x9f: {  	s19 =	simm.s32 $_scs_section_size  }
0xa0: {  	s6 =	simm.s32 $_size__tile_overlayer_lowered;
	s7 =	simm.s32 $_tile_overlayer_lowered  }
0xa1: {  	s22 =	simm.s32 $0x1BFF;
	s21 =	sshll.u32 s7, $0x1;
	s4 =	sadd.s32 s19, s18  }
0xa2: {  	s8 =	simm.s32 $0x0;
	s20 =	sshll.u32 s6, $0x1;
	s6 =	sadd.s32 s21, s4  }
0xa3: {  	[timem:s8], [sflag:s22] =	dma.local [hbm:s6], s20  }
0xa4: {  	_ =	swait.ge [sflag:s22], s20  }
0xa5: {  	s5 =	ssub.s32 $0x0, s20;
	[sflag:s22] =	ssyncset.done $0x0  }
0xa6: {  	[sflag:s22] =	ssyncadd.s32 s5;
	_ =	sdelay $0x1  }
0xa7: {  	s23 =	simm.s32 $0x1B8B  }
0xa8: {  	_ =	swait.ge [sflag:s23], $0x1  }
0xa9: {  	[sflag:s23] =	ssyncset.done $0x0  }
0xaa: {  	s25 =	simm.s32 $0x1B8E;
	s24 =	sld [smem:$0x3FFE];
	[sflag:s23] =	ssyncadd.s32 $0xFFFFFFFF  }
0xab: {  	s26 =	simm.s32 $execute0_lowered;
	[smem:$0x3FD2] =	sst s25  }
0xac: {  	s6 =	sshll.u32 s26, $0x1;
	_ =	strace $0x80000046;
	[dreg:$0x1] =	wrdreg $0xFFFFFFFF  }
0xad: {  	s28 =	simm.s32 $_size_execute0_lowered;
	s4 =	sadd.s32 s4, s6;
	[dreg:$0x0] =	wrdreg $0x0  }
0xae: {  	s6 =	sshll.u32 s28, $0x1;
	[dreg:$0x2] =	wrdreg s4  }
0xaf: {  	[dreg:$0x3] =	wrdreg s6  }
0xb0: {  	[dreg:$0x4] =	wrdreg $0xC0  }
0xb1: {  	_ =	task [dreg:s8], $0x5FFFF  }
0xb2: {  	[dreg:$0x1] =	wrdreg $0xFFFFFFFF  }
0xb3: {  	[dreg:$0x0] =	wrdreg $0x60  }
0xb4: {  	[dreg:$0x2] =	wrdreg s15  }
0xb5: {  	[dreg:$0x3] =	wrdreg s24  }
0xb6: {  	[dreg:$0x4] =	wrdreg s16  }
0xb7: {  	[dreg:$0x5] =	wrdreg $0x9  }
0xb8: {  	_ =	task.clear_ibuf [dreg:s8], $0x6FFFF;
	_ =	strace $0x90000046  }
0xb9: {  	s29 =	simm.s32 $0x9;
	_ =	strace $0x80000048  }
0xba: {  	_ =	swait.ge [sflag:s29], $0x1  }
0xbb: {  	[sflag:s29] =	ssyncadd.s32 $0xFFFFFFFF  }
0xbc: {  	_ =	strace $0x90000048  }
0xbd: {  	_ =	sfence  }
0xbe: {  	s30 =	sld [smem:$0x0];
	_ =	sdelay $0x2  }
0xbf: {  	s31 =	sshll.u32 s1, $0xD;
	s1 =	sshrl.u32 s1, $0x2  }
0xc0: {  	s3 =	sand.u32 $0x4000, s31;
	s1 =	sadd.s32 s1, s30  }
0xc1: {  	s0 =	sor.u32 s3, s0;
	s1 =	sshll.u32 s1, $0x11  }
0xc2: {  	s0 =	sor.u32 s1, s0  }
0xc3: {  	s0 =	sadd.s32 $0x8F2B, s0  }
0xc4: {  	[sflag:s0] =	ssyncadd.remote.s32 $0x1  }
0xc5: {  	_ =	sfence.sel $0xFFFF  }
0xc6: {  	[dreg:$0x0] =	wrdreg $0xFFFFFFFF;
	(pc) =	sbr.abs _section_cstart, $3  }
0xc7: {  	[dreg:$0x1] =	wrdreg $0xFFFFFFFF  }
0xc8: {  	_ =	task.clear_ibuf [dreg:s8], $0x2FFFF;
	_ =	strace $0x9FFFFFFF  }
0xc9: {  	(tm) =	ssettm $0x7FFFFFFF  }
tec
execute0_lowered:
.L_overlay_start_1:
0x0: {  	(tag) =	ssettag $0x1  }
0x1: {  	s0 =	srdreg.scid;
	s1 =	stileid.u32  }
0x2: {  	s0 =	sand.u32 $0x1, s0;
	s1 =	sshll.u32 s1, $0x1  }
0x3: {  	s1 =	sor.u32 s0, s1  }
0x4: {  	s2 =	rddreg [dreg:$0x0];
	s5 =	smul.u32 $0x14, s1  }
0x5: {  	s4 =	rddreg [dreg:$0x1];
	s1 =	smul.u32 $0x6000, s1  }
0x6: {  	s6 =	rddreg [dreg:$0x2];
	s3 =	simm.s32 $0x0;
	s4 =	sadd.s32 s5, s4  }
0x7: {  	[smem:$0x7FF] =	sst s3;
	s1 =	sshrl.u32 s1, $0x3;
	s4 =	sadd.s32 $0x800, s4  }
0x8: {  	_ =	strace $0x80000047;
	s6 =	sadd.s32 s6, s1;
	[dreg:$0x4] =	wrdreg s4  }
0x9: {  	s1 =	sadd.s32 $0x18000, s6;
	[smem:$0x7FC] =	sst s6  }
0xa: {  	s8 =	sadd.s32 $0x30000, s6;
	[dreg:$0x5] =	wrdreg s1  }
0xb: {  	s9 =	sadd.s32 $0x48000, s6;
	[dreg:$0x6] =	wrdreg s8  }
0xc: {  	s10 =	sadd.s32 $0x60000, s6;
	[dreg:$0x7] =	wrdreg s9  }
0xd: {  	s11 =	sadd.s32 $0x78000, s6;
	[dreg:$0x8] =	wrdreg s10  }
0xe: {  	s12 =	sadd.s32 $0x90000, s6;
	[dreg:$0x9] =	wrdreg s11  }
0xf: {  	s13 =	sadd.s32 $0xA8000, s6;
	[dreg:$0xa] =	wrdreg s12  }
0x10: {  	s14 =	sadd.s32 $0xC0000, s6;
	[dreg:$0xb] =	wrdreg s13  }
0x11: {  	s15 =	sadd.s32 $0xD8000, s6;
	[dreg:$0xc] =	wrdreg s14  }
0x12: {  	s16 =	sadd.s32 $0xF0000, s6;
	[dreg:$0xd] =	wrdreg s15  }
0x13: {  	s17 =	sadd.s32 $0x108000, s6;
	[dreg:$0xe] =	wrdreg s16  }
0x14: {  	s18 =	sadd.s32 $0x120000, s6;
	[dreg:$0xf] =	wrdreg s17  }
0x15: {  	s19 =	sadd.s32 $0x138000, s6;
	[dreg:$0x10] =	wrdreg s18  }
0x16: {  	s20 =	sadd.s32 $0x150000, s6;
	[dreg:$0x11] =	wrdreg s19  }
0x17: {  	s21 =	sadd.s32 $0x168000, s6;
	[dreg:$0x12] =	wrdreg s20  }
0x18: {  	s22 =	sadd.s32 $0x180000, s6;
	[dreg:$0x13] =	wrdreg s21  }
0x19: {  	s23 =	sadd.s32 $0x198000, s6;
	[dreg:$0x14] =	wrdreg s22  }
0x1a: {  	s24 =	sadd.s32 $0x1B0000, s6;
	[dreg:$0x15] =	wrdreg s23  }
0x1b: {  	s25 =	sadd.s32 $0x1C8000, s6;
	[dreg:$0x16] =	wrdreg s24  }
0x1c: {  	s26 =	sadd.s32 $0x1E0000, s6;
	[dreg:$0x17] =	wrdreg s25  }
0x1d: {  	s28 =	sadd.s32 $0x1F8000, s6;
	[dreg:$0x18] =	wrdreg s26  }
0x1e: {  	s29 =	sadd.s32 $0x210000, s6;
	[dreg:$0x19] =	wrdreg s28  }
0x1f: {  	s30 =	sadd.s32 $0x228000, s6;
	[dreg:$0x1a] =	wrdreg s29  }
0x20: {  	s31 =	sadd.s32 $0x240000, s6;
	[dreg:$0x1b] =	wrdreg s30  }
0x21: {  	s4 =	sadd.s32 $0x600, s6;
	[dreg:$0x1c] =	wrdreg s31  }
0x22: {  	s5 =	sadd.s32 $0x18600, s6;
	[dreg:$0x1d] =	wrdreg s4  }
0x23: {  	s7 =	sadd.s32 $0x30600, s6;
	[dreg:$0x1e] =	wrdreg s5  }
0x24: {  	[dreg:$0x1f] =	wrdreg s7;
	s8 =	sadd.s32 $0x48600, s6  }
0x25: {  	s9 =	sadd.s32 $0x60600, s6;
	[smem:$0x7E7] =	sst s8  }
0x26: {  	s10 =	sadd.s32 $0x78600, s6;
	[smem:$0x7E8] =	sst s9  }
0x27: {  	v0 =	vlaneseq.u32;
	vm0 =	vmmov $0xffff;
	s11 =	sadd.s32 $0x90600, s6;
	[smem:$0x7E9] =	sst s10  }
0x28: {  	v1 =	vmul.u32 $0x5, v0;
	v4 =	vor.u32 $0x30, v0;
	v5 =	vor.u32 $0x40, v0;
	s12 =	sadd.s32 $0xA8600, s6;
	[smem:$0x7EA] =	sst s11  }
0x29: {  	v7 =	vor.u32 $0x50, v0;
	v8 =	vor.u32 $0x60, v0;
	v9 =	vor.u32 $0x70, v0;
	s13 =	sadd.s32 $0xC0600, s6;
	[smem:$0x7EB] =	sst s12  }
0x2a: {  	v10 =	vor.u32 $0x80, v0;
	v11 =	vor.u32 $0x90, v0;
	v13 =	vor.u32 $0xA0, v0;
	s14 =	sadd.s32 $0xD8600, s6;
	[smem:$0x7EC] =	sst s13  }
0x2b: {  	v2 =	vor.u32 $0x10, v0;
	v14 =	vor.u32 $0xB0, v0;
	v15 =	vor.u32 $0xC0, v0;
	s15 =	sadd.s32 $0xF0600, s6;
	s16 =	sadd.s32 $0x108600, s6;
	[smem:$0x7ED] =	sst s14  }
0x2c: {  	v16 =	vor.u32 $0xD0, v0;
	v17 =	vor.u32 $0xE0, v0;
	v19 =	vor.u32 $0xF0, v0;
	s17 =	sadd.s32 $0x120600, s6;
	[smem:$0x7EE] =	sst s15  }
0x2d: {  	v20 =	vor.u32 $0x100, v0;
	v21 =	vor.u32 $0x110, v0;
	v22 =	vor.u32 $0x120, v0;
	s18 =	sadd.s32 $0x138600, s6;
	[smem:$0x7EF] =	sst s16  }
0x2e: {  	v23 =	vor.u32 $0x130, v0;
	v25 =	vor.u32 $0x140, v0;
	v26 =	vor.u32 $0x150, v0;
	s19 =	sadd.s32 $0x150600, s6;
	[smem:$0x7F0] =	sst s17  }
0x2f: {  	v27 =	vor.u32 $0x160, v0;
	v28 =	vor.u32 $0x170, v0;
	v29 =	vor.u32 $0x180, v0;
	s20 =	sadd.s32 $0x168600, s6;
	[smem:$0x7F1] =	sst s18  }
0x30: {  	v31 =	vshrl.u32 v0, $0x3;
	v30 =	vand.u32 $0x7, v0;
	v32 =	vor.u32 $0x8, v0;
	s21 =	sadd.s32 $0x180600, s6;
	[smem:$0x7F2] =	sst s19  }
0x31: {  	v34 =	vor.u32 $0x190, v0;
	v35 =	vor.u32 $0x1A0, v0;
	v36 =	vor.u32 $0x1B0, v0;
	s22 =	sadd.s32 $0x198600, s6;
	[smem:$0x7F3] =	sst s20  }
0x32: {  	v37 =	vor.u32 $0x1C0, v0;
	v38 =	vor.u32 $0x1D0, v0;
	v40 =	vor.u32 $0x1E0, v0;
	s23 =	sadd.s32 $0x1B0600, s6;
	[smem:$0x7F4] =	sst s21  }
0x33: {  	v41 =	vor.u32 $0x1F0, v0;
	v42 =	vor.u32 $0x200, v0;
	v43 =	vor.u32 $0x210, v0;
	s24 =	sadd.s32 $0x1C8600, s6;
	[smem:$0x7F5] =	sst s22  }
0x34: {  	v44 =	vor.u32 $0x220, v0;
	v46 =	vor.u32 $0x230, v0;
	v47 =	vor.u32 $0x240, v0;
	s25 =	sadd.s32 $0x1E0600, s6;
	[smem:$0x7F6] =	sst s23  }
0x35: {  	v48 =	vor.u32 $0x250, v0;
	v49 =	vor.u32 $0x260, v0;
	v50 =	vor.u32 $0x270, v0;
	s26 =	sadd.s32 $0x1F8600, s6;
	[smem:$0x7F7] =	sst s24  }
0x36: {  	v52 =	vor.u32 $0x280, v0;
	v53 =	vor.u32 $0x290, v0;
	v54 =	vor.u32 $0x2A0, v0;
	s0 =	ssub.s32 $0x2, s0;
	s29 =	sadd.s32 $0x210600, s6;
	[smem:$0x7F8] =	sst s25  }
0x37: {  	v55 =	vor.u32 $0x2B0, v0;
	v56 =	vor.u32 $0x2C0, v0;
	v58 =	vor.u32 $0x2D0, v0;
	s28 =	sshrl.u32 s0, $0x1;
	s30 =	sadd.s32 $0x228600, s6;
	[smem:$0x7F9] =	sst s26  }
0x38: {  	v59 =	vor.u32 $0x2E0, v0;
	v60 =	vor.u32 $0x2F0, v0;
	v61 =	vor.u32 $0x300, v0;
	s5 =	sadd.s32 $0x100, s2;
	s31 =	sadd.s32 $0x240600, s6;
	[smem:$0x7FA] =	sst s29  }
0x39: {  	v62 =	vor.u32 $0x310, v0;
	[tilespmem:$0x1FFE0] =	vst v2;
	v2 =	vor.u32 $0x20, v0;
	v31 =	vmul.u32 $0x8, v31;
	s6 =	sadd.s32 $0x200, s2;
	s0 =	ssub.s32 s0, s28;
	[smem:$0x7FB] =	sst s30  }
0x3a: {  	v6 =	vadd.s32 $0x1, v1;
	v12 =	vadd.s32 $0x2, v1;
	v18 =	vadd.s32 $0x3, v1;
	[smem:$0x7FD] =	sst s31;
	s9 =	simm.s32 $0x100;
	s8 =	simm.s32 $0x6  }
0x3b: {  	v24 =	vadd.s32 $0x4, v1;
	v33 =	vadd.s32 $0x50, v1;
	v39 =	vadd.s32 $0x51, v1;
	s12 =	simm.s32 $0x7;
	s15 =	simm.s32 $0x8;
	s19 =	simm.s32 $0x9  }
0x3c: {  	[tilespmem:$0x1FFF0] =	vst v2;
	v45 =	vadd.s32 $0x52, v1;
	v51 =	vadd.s32 $0x53, v1;
	v57 =	vadd.s32 $0x54, v1;
	s21 =	simm.s32 $0xA;
	s11 =	simm.s32 $0x1;
	s1 =	smax.u32 s0, $0x1  }
.LBB2_1:
0x3d: {  	[smem:$0x7E6] =	sst s1  }
0x3e: {  	s25 =	rddreg [dreg:$0x4];
	s26 =	simm.s32 $0xB  }
0x3f: {  	[tilespmem:s3], [sflag:$0xB] =	stream.linear.gather [hbm4b:s25+s3], $0xA0, $0x38;
	[tilespmem:$0x1E480] =	vst v63  }
0x40: {  	_ =	swait.ge [sflag:s26], $0xA0  }
0x41: {  	[sflag:s26] =	ssyncset.done $0x0;
	v3 =	vld [tilespmem:$0x1FFE0]  }
0x42: {  	[sflag:s26] =	ssyncadd.s32 $0xFFFFFF60  }
0x43: {  	v63 =	vld.idx.msk [tilespmem:v1+s3+$0x0], $0xffff;
	_ =	sdelay $0x4  }
0x44: {  	[tilespmem:v0+s9+$0x0] =	vst.idx.msk $0xffff, v63;
	v2 =	vadd.s32 $0x400, v63  }
0x45: {  	[tilespmem:v3+s9+$0x0] =	vst.idx.msk $0xffff, v2;
	v3 =	vld [tilespmem:$0x1FFF0];
	_ =	sdelay $0x6  }
0x46: {  	v2 =	vadd.s32 $0x800, v63  }
0x47: {  	[tilespmem:v3+s9+$0x0] =	vst.idx.msk $0xffff, v2;
	v2 =	vadd.s32 $0xC00, v63  }
0x48: {  	[tilespmem:v4+s9+$0x0] =	vst.idx.msk $0xffff, v2;
	v2 =	vadd.s32 $0x1000, v63  }
0x49: {  	[tilespmem:v5+s9+$0x0] =	vst.idx.msk $0xffff, v2  }
0x4a: {  	v2 =	vld.idx.msk [tilespmem:v6+s3+$0x0], $0xffff;
	_ =	sdelay $0x4  }
0x4b: {  	[tilespmem:v7+s9+$0x0] =	vst.idx.msk $0xffff, v2;
	v63 =	vadd.s32 $0x400, v2  }
0x4c: {  	[tilespmem:v8+s9+$0x0] =	vst.idx.msk $0xffff, v63;
	v63 =	vadd.s32 $0x800, v2  }
0x4d: {  	[tilespmem:v9+s9+$0x0] =	vst.idx.msk $0xffff, v63;
	v63 =	vadd.s32 $0xC00, v2  }
0x4e: {  	v2 =	vadd.s32 $0x1000, v2;
	[tilespmem:v10+s9+$0x0] =	vst.idx.msk $0xffff, v63  }
0x4f: {  	[tilespmem:v11+s9+$0x0] =	vst.idx.msk $0xffff, v2  }
0x50: {  	v2 =	vld.idx.msk [tilespmem:v12+s3+$0x0], $0xffff;
	_ =	sdelay $0x4  }
0x51: {  	[tilespmem:v13+s9+$0x0] =	vst.idx.msk $0xffff, v2;
	v63 =	vadd.s32 $0x400, v2  }
0x52: {  	[tilespmem:v14+s9+$0x0] =	vst.idx.msk $0xffff, v63;
	v63 =	vadd.s32 $0x800, v2  }
0x53: {  	[tilespmem:v15+s9+$0x0] =	vst.idx.msk $0xffff, v63;
	v63 =	vadd.s32 $0xC00, v2  }
0x54: {  	v2 =	vadd.s32 $0x1000, v2;
	[tilespmem:v16+s9+$0x0] =	vst.idx.msk $0xffff, v63  }
0x55: {  	[tilespmem:v17+s9+$0x0] =	vst.idx.msk $0xffff, v2  }
0x56: {  	v2 =	vld.idx.msk [tilespmem:v18+s3+$0x0], $0xffff;
	_ =	sdelay $0x4  }
0x57: {  	[tilespmem:v19+s9+$0x0] =	vst.idx.msk $0xffff, v2;
	v63 =	vadd.s32 $0x400, v2  }
0x58: {  	[tilespmem:v20+s9+$0x0] =	vst.idx.msk $0xffff, v63;
	v63 =	vadd.s32 $0x800, v2  }
0x59: {  	[tilespmem:v21+s9+$0x0] =	vst.idx.msk $0xffff, v63;
	v63 =	vadd.s32 $0xC00, v2  }
0x5a: {  	v2 =	vadd.s32 $0x1000, v2;
	[tilespmem:v22+s9+$0x0] =	vst.idx.msk $0xffff, v63  }
0x5b: {  	[tilespmem:v23+s9+$0x0] =	vst.idx.msk $0xffff, v2  }
0x5c: {  	v2 =	vld.idx.msk [tilespmem:v24+s3+$0x0], $0xffff;
	_ =	sdelay $0x4  }
0x5d: {  	[tilespmem:v25+s9+$0x0] =	vst.idx.msk $0xffff, v2;
	v63 =	vadd.s32 $0x400, v2  }
0x5e: {  	[tilespmem:v26+s9+$0x0] =	vst.idx.msk $0xffff, v63;
	v63 =	vadd.s32 $0x800, v2  }
0x5f: {  	[tilespmem:v27+s9+$0x0] =	vst.idx.msk $0xffff, v63;
	v63 =	vadd.s32 $0xC00, v2  }
0x60: {  	v2 =	vadd.s32 $0x1000, v2;
	[tilespmem:v28+s9+$0x0] =	vst.idx.msk $0xffff, v63  }
0x61: {  	[tilespmem:v29+s9+$0x0] =	vst.idx.msk $0xffff, v2  }
0x62: {  	v2 =	vld [tilespmem:$0x100];
	_ =	sdelay $0x4  }
0x63: {  	v63 =	vshrl.u32 v2, $0x3  }
0x64: {  	v63 =	vmul.u32 $0x30, v63  }
0x65: {  	v2 =	vand.u32 $0x7, v2  }
0x66: {  	v2 =	vor.u32 v2, v63  }
0x67: {  	v63 =	vperm.xlane v2, v30;
	_ =	sdelay $0x1  }
0x68: {  	v63 =	vadd.s32 v31, v63;
	_ =	sdelay $0x3  }
0x69: {  	s28 =	simm.s32 $0x480;
	v2 =	vperm.xlane v2, v32  }
0x6a: {  	[tilespmem:s28], [sflag:$0x1] =	stream.indirect_vreg.gather [hbm4b:s2+s3], $0x80, v63, vm0, $0xb8;
	[tilespmem:$0x1E480] =	vst v63  }
0x6b: {  	s29 =	simm.s32 $0xC80;
	v2 =	vadd.s32 v31, v2  }
0x6c: {  	[tilespmem:s29], [sflag:$0x1] =	stream.indirect_vreg.gather [hbm4b:s5+s3], $0x80, v63, vm0, $0xb8;
	[tilespmem:$0x1E480] =	vst v63  }
0x6d: {  	s30 =	simm.s32 $0x1480  }
0x6e: {  	[tilespmem:s30], [sflag:$0x1] =	stream.indirect_vreg.gather [hbm4b:s6+s3], $0x80, v63, vm0, $0xb8;
	[tilespmem:$0x1E480] =	vst v63  }
0x6f: {  	s31 =	simm.s32 $0x1C80  }
0x70: {  	[tilespmem:s31], [sflag:$0x1] =	stream.indirect_vreg.gather [hbm4b:s2+s3], $0x80, v2, vm0, $0xb8;
	[tilespmem:$0x1E480] =	vst v63  }
0x71: {  	s0 =	simm.s32 $0x2480  }
0x72: {  	[tilespmem:s0], [sflag:$0x1] =	stream.indirect_vreg.gather [hbm4b:s5+s3], $0x80, v2, vm0, $0xb8;
	[tilespmem:$0x1E480] =	vst v63  }
0x73: {  	s4 =	simm.s32 $0x2C80  }
0x74: {  	[tilespmem:s4], [sflag:$0x1] =	stream.indirect_vreg.gather [hbm4b:s6+s3], $0x80, v2, vm0, $0xb8;
	[tilespmem:$0x1E480] =	vst v63  }
0x75: {  	v2 =	vld [tilespmem:$0x110];
	_ =	sdelay $0x4  }
0x76: {  	v63 =	vshrl.u32 v2, $0x3  }
0x77: {  	v63 =	vmul.u32 $0x30, v63  }
0x78: {  	v2 =	vand.u32 $0x7, v2  }
0x79: {  	v2 =	vor.u32 v2, v63  }
0x7a: {  	v63 =	vperm.xlane v2, v30;
	_ =	sdelay $0x1  }
0x7b: {  	v63 =	vadd.s32 v31, v63;
	_ =	sdelay $0x3  }
0x7c: {  	s7 =	simm.s32 $0x3480;
	v2 =	vperm.xlane v2, v32  }
0x7d: {  	[tilespmem:s7], [sflag:$0x1] =	stream.indirect_vreg.gather [hbm4b:s2+s3], $0x80, v63, vm0, $0xb8;
	[tilespmem:$0x1E480] =	vst v63  }
0x7e: {  	s10 =	simm.s32 $0x3C80;
	v2 =	vadd.s32 v31, v2  }
0x7f: {  	[tilespmem:s10], [sflag:$0x1] =	stream.indirect_vreg.gather [hbm4b:s5+s3], $0x80, v63, vm0, $0xb8;
	[tilespmem:$0x1E480] =	vst v63  }
0x80: {  	s13 =	simm.s32 $0x4480  }
0x81: {  	[tilespmem:s13], [sflag:$0x1] =	stream.indirect_vreg.gather [hbm4b:s6+s3], $0x80, v63, vm0, $0xb8;
	[tilespmem:$0x1E480] =	vst v63  }
0x82: {  	s14 =	simm.s32 $0x4C80  }
0x83: {  	[tilespmem:s14], [sflag:$0x1] =	stream.indirect_vreg.gather [hbm4b:s2+s3], $0x80, v2, vm0, $0xb8;
	[tilespmem:$0x1E480] =	vst v63  }
0x84: {  	s16 =	simm.s32 $0x5480  }
0x85: {  	[tilespmem:s16], [sflag:$0x1] =	stream.indirect_vreg.gather [hbm4b:s5+s3], $0x80, v2, vm0, $0xb8;
	[tilespmem:$0x1E480] =	vst v63  }
0x86: {  	s17 =	simm.s32 $0x5C80  }
0x87: {  	[tilespmem:s17], [sflag:$0x1] =	stream.indirect_vreg.gather [hbm4b:s6+s3], $0x80, v2, vm0, $0xb8;
	[tilespmem:$0x1E480] =	vst v63  }
0x88: {  	v2 =	vld [tilespmem:$0x120];
	_ =	sdelay $0x4  }
0x89: {  	v63 =	vshrl.u32 v2, $0x3  }
0x8a: {  	v63 =	vmul.u32 $0x30, v63  }
0x8b: {  	v2 =	vand.u32 $0x7, v2  }
0x8c: {  	v2 =	vor.u32 v2, v63  }
0x8d: {  	v63 =	vperm.xlane v2, v30;
	_ =	sdelay $0x1  }
0x8e: {  	v63 =	vadd.s32 v31, v63;
	_ =	sdelay $0x3  }
0x8f: {  	s18 =	simm.s32 $0x6480;
	v2 =	vperm.xlane v2, v32  }
0x90: {  	[tilespmem:s18], [sflag:$0x2] =	stream.indirect_vreg.gather [hbm4b:s2+s3], $0x80, v63, vm0, $0xb8;
	[tilespmem:$0x1E480] =	vst v63  }
0x91: {  	s20 =	simm.s32 $0x6C80;
	v2 =	vadd.s32 v31, v2  }
0x92: {  	[tilespmem:s20], [sflag:$0x2] =	stream.indirect_vreg.gather [hbm4b:s5+s3], $0x80, v63, vm0, $0xb8;
	[tilespmem:$0x1E480] =	vst v63  }
0x93: {  	s23 =	simm.s32 $0x7480  }
0x94: {  	[tilespmem:s23], [sflag:$0x2] =	stream.indirect_vreg.gather [hbm4b:s6+s3], $0x80, v63, vm0, $0xb8;
	[tilespmem:$0x1E480] =	vst v63  }
0x95: {  	s24 =	simm.s32 $0x7C80  }
0x96: {  	[tilespmem:s24], [sflag:$0x2] =	stream.indirect_vreg.gather [hbm4b:s2+s3], $0x80, v2, vm0, $0xb8;
	[tilespmem:$0x1E480] =	vst v63  }
0x97: {  	s26 =	simm.s32 $0x8480  }
0x98: {  	[tilespmem:s26], [sflag:$0x2] =	stream.indirect_vreg.gather [hbm4b:s5+s3], $0x80, v2, vm0, $0xb8;
	[tilespmem:$0x1E480] =	vst v63  }
0x99: {  	s28 =	simm.s32 $0x8C80  }
0x9a: {  	[tilespmem:s28], [sflag:$0x2] =	stream.indirect_vreg.gather [hbm4b:s6+s3], $0x80, v2, vm0, $0xb8;
	[tilespmem:$0x1E480] =	vst v63  }
0x9b: {  	v2 =	vld [tilespmem:$0x130];
	_ =	sdelay $0x4  }
0x9c: {  	v63 =	vshrl.u32 v2, $0x3  }
0x9d: {  	v63 =	vmul.u32 $0x30, v63  }
0x9e: {  	v2 =	vand.u32 $0x7, v2  }
0x9f: {  	v2 =	vor.u32 v2, v63  }
0xa0: {  	v63 =	vperm.xlane v2, v30;
	_ =	sdelay $0x1  }
0xa1: {  	v63 =	vadd.s32 v31, v63;
	_ =	sdelay $0x3  }
0xa2: {  	s0 =	simm.s32 $0x9480;
	v2 =	vperm.xlane v2, v32  }
0xa3: {  	[tilespmem:s0], [sflag:$0x2] =	stream.indirect_vreg.gather [hbm4b:s2+s3], $0x80, v63, vm0, $0xb8;
	[tilespmem:$0x1E480] =	vst v63  }
0xa4: {  	s30 =	simm.s32 $0x9C80;
	v2 =	vadd.s32 v31, v2  }
0xa5: {  	[tilespmem:s30], [sflag:$0x2] =	stream.indirect_vreg.gather [hbm4b:s5+s3], $0x80, v63, vm0, $0xb8;
	[tilespmem:$0x1E480] =	vst v63  }
0xa6: {  	s31 =	simm.s32 $0xA480  }
0xa7: {  	[tilespmem:s31], [sflag:$0x2] =	stream.indirect_vreg.gather [hbm4b:s6+s3], $0x80, v63, vm0, $0xb8;
	[tilespmem:$0x1E480] =	vst v63  }
0xa8: {  	s0 =	simm.s32 $0xAC80  }
0xa9: {  	[tilespmem:s0], [sflag:$0x2] =	stream.indirect_vreg.gather [hbm4b:s2+s3], $0x80, v2, vm0, $0xb8;
	[tilespmem:$0x1E480] =	vst v63  }
0xaa: {  	s4 =	simm.s32 $0xB480  }
0xab: {  	[tilespmem:s4], [sflag:$0x2] =	stream.indirect_vreg.gather [hbm4b:s5+s3], $0x80, v2, vm0, $0xb8;
	[tilespmem:$0x1E480] =	vst v63  }
0xac: {  	s7 =	simm.s32 $0xBC80  }
0xad: {  	[tilespmem:s7], [sflag:$0x2] =	stream.indirect_vreg.gather [hbm4b:s6+s3], $0x80, v2, vm0, $0xb8;
	[tilespmem:$0x1E480] =	vst v63  }
0xae: {  	v2 =	vld [tilespmem:$0x140];
	_ =	sdelay $0x4  }
0xaf: {  	v63 =	vshrl.u32 v2, $0x3  }
0xb0: {  	v63 =	vmul.u32 $0x30, v63  }
0xb1: {  	v2 =	vand.u32 $0x7, v2  }
0xb2: {  	v2 =	vor.u32 v2, v63  }
0xb3: {  	v63 =	vperm.xlane v2, v30;
	_ =	sdelay $0x1  }
0xb4: {  	v63 =	vadd.s32 v31, v63;
	_ =	sdelay $0x3  }
0xb5: {  	s10 =	simm.s32 $0xC480;
	v2 =	vperm.xlane v2, v32  }
0xb6: {  	[tilespmem:s10], [sflag:$0x3] =	stream.indirect_vreg.gather [hbm4b:s2+s3], $0x80, v63, vm0, $0xb8;
	[tilespmem:$0x1E480] =	vst v63  }
0xb7: {  	s14 =	simm.s32 $0xCC80;
	v2 =	vadd.s32 v31, v2  }
0xb8: {  	[tilespmem:s14], [sflag:$0x3] =	stream.indirect_vreg.gather [hbm4b:s5+s3], $0x80, v63, vm0, $0xb8;
	[tilespmem:$0x1E480] =	vst v63  }
0xb9: {  	s16 =	simm.s32 $0xD480  }
0xba: {  	[tilespmem:s16], [sflag:$0x3] =	stream.indirect_vreg.gather [hbm4b:s6+s3], $0x80, v63, vm0, $0xb8;
	[tilespmem:$0x1E480] =	vst v63  }
0xbb: {  	s17 =	simm.s32 $0xDC80  }
0xbc: {  	[tilespmem:s17], [sflag:$0x3] =	stream.indirect_vreg.gather [hbm4b:s2+s3], $0x80, v2, vm0, $0xb8;
	[tilespmem:$0x1E480] =	vst v63  }
0xbd: {  	s23 =	simm.s32 $0xE480  }
0xbe: {  	[tilespmem:s23], [sflag:$0x3] =	stream.indirect_vreg.gather [hbm4b:s5+s3], $0x80, v2, vm0, $0xb8;
	[tilespmem:$0x1E480] =	vst v63  }
0xbf: {  	s24 =	simm.s32 $0xEC80  }
0xc0: {  	[tilespmem:s24], [sflag:$0x3] =	stream.indirect_vreg.gather [hbm4b:s6+s3], $0x80, v2, vm0, $0xb8;
	[tilespmem:$0x1E480] =	vst v63  }
0xc1: {  	v2 =	vld [tilespmem:$0x150];
	_ =	sdelay $0x4  }
0xc2: {  	v63 =	vshrl.u32 v2, $0x3  }
0xc3: {  	v63 =	vmul.u32 $0x30, v63  }
0xc4: {  	v2 =	vand.u32 $0x7, v2  }
0xc5: {  	v2 =	vor.u32 v2, v63  }
0xc6: {  	v63 =	vperm.xlane v2, v30;
	_ =	sdelay $0x1  }
0xc7: {  	v63 =	vadd.s32 v31, v63;
	_ =	sdelay $0x3  }
0xc8: {  	s25 =	simm.s32 $0xF480;
	v2 =	vperm.xlane v2, v32  }
0xc9: {  	[tilespmem:s25], [sflag:$0x3] =	stream.indirect_vreg.gather [hbm4b:s2+s3], $0x80, v63, vm0, $0xb8;
	[tilespmem:$0x1E480] =	vst v63  }
0xca: {  	s26 =	simm.s32 $0xFC80;
	v2 =	vadd.s32 v31, v2  }
0xcb: {  	[tilespmem:s26], [sflag:$0x3] =	stream.indirect_vreg.gather [hbm4b:s5+s3], $0x80, v63, vm0, $0xb8;
	[tilespmem:$0x1E480] =	vst v63  }
0xcc: {  	s28 =	simm.s32 $0x10480  }
0xcd: {  	[tilespmem:s28], [sflag:$0x3] =	stream.indirect_vreg.gather [hbm4b:s6+s3], $0x80, v63, vm0, $0xb8;
	[tilespmem:$0x1E480] =	vst v63  }
0xce: {  	s30 =	simm.s32 $0x10C80  }
0xcf: {  	[tilespmem:s30], [sflag:$0x3] =	stream.indirect_vreg.gather [hbm4b:s2+s3], $0x80, v2, vm0, $0xb8;
	[tilespmem:$0x1E480] =	vst v63  }
0xd0: {  	s31 =	simm.s32 $0x11480  }
0xd1: {  	[tilespmem:s31], [sflag:$0x3] =	stream.indirect_vreg.gather [hbm4b:s5+s3], $0x80, v2, vm0, $0xb8;
	[tilespmem:$0x1E480] =	vst v63  }
0xd2: {  	s0 =	simm.s32 $0x11C80  }
0xd3: {  	[tilespmem:s0], [sflag:$0x3] =	stream.indirect_vreg.gather [hbm4b:s6+s3], $0x80, v2, vm0, $0xb8;
	[tilespmem:$0x1E480] =	vst v63  }
0xd4: {  	v2 =	vld [tilespmem:$0x160];
	_ =	sdelay $0x4  }
0xd5: {  	v63 =	vshrl.u32 v2, $0x3  }
0xd6: {  	v63 =	vmul.u32 $0x30, v63  }
0xd7: {  	v2 =	vand.u32 $0x7, v2  }
0xd8: {  	v2 =	vor.u32 v2, v63  }
0xd9: {  	v63 =	vperm.xlane v2, v30;
	_ =	sdelay $0x1  }
0xda: {  	v63 =	vadd.s32 v31, v63;
	_ =	sdelay $0x3  }
0xdb: {  	s7 =	simm.s32 $0x12480;
	v2 =	vperm.xlane v2, v32  }
0xdc: {  	[tilespmem:s7], [sflag:$0x4] =	stream.indirect_vreg.gather [hbm4b:s2+s3], $0x80, v63, vm0, $0xb8;
	[tilespmem:$0x1E480] =	vst v63  }
0xdd: {  	s10 =	simm.s32 $0x12C80;
	v2 =	vadd.s32 v31, v2  }
0xde: {  	[tilespmem:s10], [sflag:$0x4] =	stream.indirect_vreg.gather [hbm4b:s5+s3], $0x80, v63, vm0, $0xb8;
	[tilespmem:$0x1E480] =	vst v63  }
0xdf: {  	s14 =	simm.s32 $0x13480  }
0xe0: {  	[tilespmem:s14], [sflag:$0x4] =	stream.indirect_vreg.gather [hbm4b:s6+s3], $0x80, v63, vm0, $0xb8;
	[tilespmem:$0x1E480] =	vst v63  }
0xe1: {  	s16 =	simm.s32 $0x13C80  }
0xe2: {  	[tilespmem:s16], [sflag:$0x4] =	stream.indirect_vreg.gather [hbm4b:s2+s3], $0x80, v2, vm0, $0xb8;
	[tilespmem:$0x1E480] =	vst v63  }
0xe3: {  	s17 =	simm.s32 $0x14480  }
0xe4: {  	[tilespmem:s17], [sflag:$0x4] =	stream.indirect_vreg.gather [hbm4b:s5+s3], $0x80, v2, vm0, $0xb8;
	[tilespmem:$0x1E480] =	vst v63  }
0xe5: {  	s23 =	simm.s32 $0x14C80  }
0xe6: {  	[tilespmem:s23], [sflag:$0x4] =	stream.indirect_vreg.gather [hbm4b:s6+s3], $0x80, v2, vm0, $0xb8;
	[tilespmem:$0x1E480] =	vst v63  }
0xe7: {  	v2 =	vld [tilespmem:$0x170];
	_ =	sdelay $0x4  }
0xe8: {  	v63 =	vshrl.u32 v2, $0x3  }
0xe9: {  	v63 =	vmul.u32 $0x30, v63  }
0xea: {  	v2 =	vand.u32 $0x7, v2  }
0xeb: {  	v2 =	vor.u32 v2, v63  }
0xec: {  	v63 =	vperm.xlane v2, v30;
	_ =	sdelay $0x1  }
0xed: {  	v63 =	vadd.s32 v31, v63;
	_ =	sdelay $0x3  }
0xee: {  	s26 =	simm.s32 $0x15480;
	v2 =	vperm.xlane v2, v32  }
0xef: {  	[tilespmem:s26], [sflag:$0x4] =	stream.indirect_vreg.gather [hbm4b:s2+s3], $0x80, v63, vm0, $0xb8;
	[tilespmem:$0x1E480] =	vst v63  }
0xf0: {  	s28 =	simm.s32 $0x15C80;
	v2 =	vadd.s32 v31, v2  }
0xf1: {  	[tilespmem:s28], [sflag:$0x4] =	stream.indirect_vreg.gather [hbm4b:s5+s3], $0x80, v63, vm0, $0xb8;
	[tilespmem:$0x1E480] =	vst v63  }
0xf2: {  	s30 =	simm.s32 $0x16480  }
0xf3: {  	[tilespmem:s30], [sflag:$0x4] =	stream.indirect_vreg.gather [hbm4b:s6+s3], $0x80, v63, vm0, $0xb8;
	[tilespmem:$0x1E480] =	vst v63  }
0xf4: {  	s31 =	simm.s32 $0x16C80  }
0xf5: {  	[tilespmem:s31], [sflag:$0x4] =	stream.indirect_vreg.gather [hbm4b:s2+s3], $0x80, v2, vm0, $0xb8;
	[tilespmem:$0x1E480] =	vst v63  }
0xf6: {  	s0 =	simm.s32 $0x17480  }
0xf7: {  	[tilespmem:s0], [sflag:$0x4] =	stream.indirect_vreg.gather [hbm4b:s5+s3], $0x80, v2, vm0, $0xb8;
	[tilespmem:$0x1E480] =	vst v63  }
0xf8: {  	s7 =	simm.s32 $0x17C80  }
0xf9: {  	[tilespmem:s7], [sflag:$0x4] =	stream.indirect_vreg.gather [hbm4b:s6+s3], $0x80, v2, vm0, $0xb8;
	[tilespmem:$0x1E480] =	vst v63  }
0xfa: {  	v2 =	vld [tilespmem:$0x180];
	_ =	sdelay $0x4  }
0xfb: {  	v63 =	vshrl.u32 v2, $0x3  }
0xfc: {  	v63 =	vmul.u32 $0x30, v63  }
0xfd: {  	v2 =	vand.u32 $0x7, v2  }
0xfe: {  	v2 =	vor.u32 v2, v63  }
0xff: {  	v63 =	vperm.xlane v2, v30;
	_ =	sdelay $0x1  }
0x100: {  	v63 =	vadd.s32 v31, v63;
	_ =	sdelay $0x3  }
0x101: {  	s10 =	simm.s32 $0x18480;
	v2 =	vperm.xlane v2, v32  }
0x102: {  	[tilespmem:s10], [sflag:$0x5] =	stream.indirect_vreg.gather [hbm4b:s2+s3], $0x80, v63, vm0, $0xb8;
	[tilespmem:$0x1E480] =	vst v63  }
0x103: {  	s14 =	simm.s32 $0x18C80;
	v2 =	vadd.s32 v31, v2  }
0x104: {  	[tilespmem:s14], [sflag:$0x5] =	stream.indirect_vreg.gather [hbm4b:s5+s3], $0x80, v63, vm0, $0xb8;
	[tilespmem:$0x1E480] =	vst v63  }
0x105: {  	s16 =	simm.s32 $0x19480  }
0x106: {  	[tilespmem:s16], [sflag:$0x5] =	stream.indirect_vreg.gather [hbm4b:s6+s3], $0x80, v63, vm0, $0xb8;
	[tilespmem:$0x1E480] =	vst v63  }
0x107: {  	s17 =	simm.s32 $0x19C80  }
0x108: {  	[tilespmem:s17], [sflag:$0x5] =	stream.indirect_vreg.gather [hbm4b:s2+s3], $0x80, v2, vm0, $0xb8;
	[tilespmem:$0x1E480] =	vst v63  }
0x109: {  	s26 =	simm.s32 $0x1A480  }
0x10a: {  	[tilespmem:s26], [sflag:$0x5] =	stream.indirect_vreg.gather [hbm4b:s5+s3], $0x80, v2, vm0, $0xb8;
	[tilespmem:$0x1E480] =	vst v63  }
0x10b: {  	s28 =	simm.s32 $0x1AC80  }
0x10c: {  	[tilespmem:s28], [sflag:$0x5] =	stream.indirect_vreg.gather [hbm4b:s6+s3], $0x80, v2, vm0, $0xb8;
	[tilespmem:$0x1E480] =	vst v63  }
0x10d: {  	v2 =	vld [tilespmem:$0x190];
	_ =	sdelay $0x4  }
0x10e: {  	v63 =	vshrl.u32 v2, $0x3  }
0x10f: {  	v63 =	vmul.u32 $0x30, v63  }
0x110: {  	v2 =	vand.u32 $0x7, v2  }
0x111: {  	v2 =	vor.u32 v2, v63  }
0x112: {  	v63 =	vperm.xlane v2, v30;
	_ =	sdelay $0x1  }
0x113: {  	v63 =	vadd.s32 v31, v63;
	_ =	sdelay $0x3  }
0x114: {  	s30 =	simm.s32 $0x1B480;
	v2 =	vperm.xlane v2, v32  }
0x115: {  	[tilespmem:s30], [sflag:$0x5] =	stream.indirect_vreg.gather [hbm4b:s2+s3], $0x80, v63, vm0, $0xb8;
	[tilespmem:$0x1E480] =	vst v63  }
0x116: {  	s31 =	simm.s32 $0x1BC80;
	v2 =	vadd.s32 v31, v2  }
0x117: {  	[tilespmem:s31], [sflag:$0x5] =	stream.indirect_vreg.gather [hbm4b:s5+s3], $0x80, v63, vm0, $0xb8;
	[tilespmem:$0x1E480] =	vst v63  }
0x118: {  	s0 =	simm.s32 $0x1C480  }
0x119: {  	[tilespmem:s0], [sflag:$0x5] =	stream.indirect_vreg.gather [hbm4b:s6+s3], $0x80, v63, vm0, $0xb8;
	[tilespmem:$0x1E480] =	vst v63  }
0x11a: {  	s7 =	simm.s32 $0x1CC80  }
0x11b: {  	[tilespmem:s7], [sflag:$0x5] =	stream.indirect_vreg.gather [hbm4b:s2+s3], $0x80, v2, vm0, $0xb8;
	[tilespmem:$0x1E480] =	vst v63  }
0x11c: {  	s10 =	simm.s32 $0x1D480  }
0x11d: {  	[tilespmem:s10], [sflag:$0x5] =	stream.indirect_vreg.gather [hbm4b:s5+s3], $0x80, v2, vm0, $0xb8;
	[tilespmem:$0x1E480] =	vst v63  }
0x11e: {  	s16 =	simm.s32 $0x1DC80  }
0x11f: {  	[tilespmem:s16], [sflag:$0x5] =	stream.indirect_vreg.gather [hbm4b:s6+s3], $0x80, v2, vm0, $0xb8;
	[tilespmem:$0x1E480] =	vst v63  }
0x120: {  	v2 =	vld.idx.msk [tilespmem:v33+s3+$0x0], $0xffff;
	_ =	sdelay $0x4  }
0x121: {  	[tilespmem:v34+s9+$0x0] =	vst.idx.msk $0xffff, v2;
	v63 =	vadd.s32 $0x400, v2  }
0x122: {  	[tilespmem:v35+s9+$0x0] =	vst.idx.msk $0xffff, v63;
	v63 =	vadd.s32 $0x800, v2  }
0x123: {  	[tilespmem:v36+s9+$0x0] =	vst.idx.msk $0xffff, v63;
	v63 =	vadd.s32 $0xC00, v2  }
0x124: {  	v2 =	vadd.s32 $0x1000, v2;
	[tilespmem:v37+s9+$0x0] =	vst.idx.msk $0xffff, v63  }
0x125: {  	[tilespmem:v38+s9+$0x0] =	vst.idx.msk $0xffff, v2  }
0x126: {  	v2 =	vld.idx.msk [tilespmem:v39+s3+$0x0], $0xffff;
	_ =	sdelay $0x4  }
0x127: {  	[tilespmem:v40+s9+$0x0] =	vst.idx.msk $0xffff, v2;
	v63 =	vadd.s32 $0x400, v2  }
0x128: {  	[tilespmem:v41+s9+$0x0] =	vst.idx.msk $0xffff, v63;
	v63 =	vadd.s32 $0x800, v2  }
0x129: {  	[tilespmem:v42+s9+$0x0] =	vst.idx.msk $0xffff, v63;
	v63 =	vadd.s32 $0xC00, v2  }
0x12a: {  	v2 =	vadd.s32 $0x1000, v2;
	[tilespmem:v43+s9+$0x0] =	vst.idx.msk $0xffff, v63  }
0x12b: {  	[tilespmem:v44+s9+$0x0] =	vst.idx.msk $0xffff, v2  }
0x12c: {  	v2 =	vld.idx.msk [tilespmem:v45+s3+$0x0], $0xffff;
	_ =	sdelay $0x4  }
0x12d: {  	[tilespmem:v46+s9+$0x0] =	vst.idx.msk $0xffff, v2;
	v63 =	vadd.s32 $0x400, v2  }
0x12e: {  	[tilespmem:v47+s9+$0x0] =	vst.idx.msk $0xffff, v63;
	v63 =	vadd.s32 $0x800, v2  }
0x12f: {  	[tilespmem:v48+s9+$0x0] =	vst.idx.msk $0xffff, v63;
	v63 =	vadd.s32 $0xC00, v2  }
0x130: {  	v2 =	vadd.s32 $0x1000, v2;
	[tilespmem:v49+s9+$0x0] =	vst.idx.msk $0xffff, v63  }
0x131: {  	[tilespmem:v50+s9+$0x0] =	vst.idx.msk $0xffff, v2  }
0x132: {  	v2 =	vld.idx.msk [tilespmem:v51+s3+$0x0], $0xffff;
	_ =	sdelay $0x4  }
0x133: {  	[tilespmem:v52+s9+$0x0] =	vst.idx.msk $0xffff, v2;
	v63 =	vadd.s32 $0x400, v2  }
0x134: {  	[tilespmem:v53+s9+$0x0] =	vst.idx.msk $0xffff, v63;
	v63 =	vadd.s32 $0x800, v2  }
0x135: {  	[tilespmem:v54+s9+$0x0] =	vst.idx.msk $0xffff, v63;
	v63 =	vadd.s32 $0xC00, v2  }
0x136: {  	v2 =	vadd.s32 $0x1000, v2;
	[tilespmem:v55+s9+$0x0] =	vst.idx.msk $0xffff, v63  }
0x137: {  	[tilespmem:v56+s9+$0x0] =	vst.idx.msk $0xffff, v2  }
0x138: {  	v2 =	vld.idx.msk [tilespmem:v57+s3+$0x0], $0xffff;
	_ =	sdelay $0x4  }
0x139: {  	[tilespmem:v58+s9+$0x0] =	vst.idx.msk $0xffff, v2;
	v63 =	vadd.s32 $0x400, v2  }
0x13a: {  	[tilespmem:v59+s9+$0x0] =	vst.idx.msk $0xffff, v63;
	v63 =	vadd.s32 $0x800, v2  }
0x13b: {  	[tilespmem:v60+s9+$0x0] =	vst.idx.msk $0xffff, v63;
	v63 =	vadd.s32 $0xC00, v2  }
0x13c: {  	v2 =	vadd.s32 $0x1000, v2;
	[tilespmem:v61+s9+$0x0] =	vst.idx.msk $0xffff, v63  }
0x13d: {  	[tilespmem:v62+s9+$0x0] =	vst.idx.msk $0xffff, v2  }
0x13e: {  	_ =	swait.ge [sflag:s11], $0x6000  }
0x13f: {  	s26 =	sld [smem:$0x7FC]  }
0x140: {  	[sflag:s11] =	ssyncset.done $0x0  }
0x141: {  	s10 =	simm.s32 $0x480;
	[sflag:s11] =	ssyncadd.s32 $0xFFFFA000  }
0x142: {  	[hbm4b:s26+s3] =	stream.linear.scatter [tilespmem:s10], [sflag:$0x6], $0x3000, $0x38;
	[tilespmem:$0x1E480] =	vst v63  }
0x143: {  	s16 =	simm.s32 $0x3480;
	s17 =	rddreg [dreg:$0x5]  }
0x144: {  	[hbm4b:s17+s3] =	stream.linear.scatter [tilespmem:s16], [sflag:$0x6], $0x3000, $0x38;
	[tilespmem:$0x1E480] =	vst v63  }
0x145: {  	_ =	swait.ge [sflag:s8], $0x3000  }
0x146: {  	[sflag:s8] =	ssyncset.done $0x0  }
0x147: {  	[sflag:s8] =	ssyncadd.s32 $0xFFFFD000  }
0x148: {  	_ =	swait.ge [sflag:s8], $0x3000  }
0x149: {  	[sflag:s8] =	ssyncset.done $0x0  }
0x14a: {  	[sflag:s8] =	ssyncadd.s32 $0xFFFFD000  }
0x14b: {  	v2 =	vld [tilespmem:$0x1A0];
	_ =	sdelay $0x4  }
0x14c: {  	v63 =	vshrl.u32 v2, $0x3  }
0x14d: {  	v63 =	vmul.u32 $0x30, v63  }
0x14e: {  	v2 =	vand.u32 $0x7, v2  }
0x14f: {  	v2 =	vor.u32 v2, v63  }
0x150: {  	v63 =	vperm.xlane v2, v30;
	_ =	sdelay $0x1  }
0x151: {  	v63 =	vadd.s32 v31, v63;
	_ =	sdelay $0x3  }
0x152: {  	v2 =	vperm.xlane v2, v32  }
0x153: {  	[tilespmem:s10], [sflag:$0x1] =	stream.indirect_vreg.gather [hbm4b:s2+s3], $0x80, v63, vm0, $0xb8;
	[tilespmem:$0x1E480] =	vst v63  }
0x154: {  	s30 =	simm.s32 $0xC80;
	v2 =	vadd.s32 v31, v2  }
0x155: {  	[tilespmem:s30], [sflag:$0x1] =	stream.indirect_vreg.gather [hbm4b:s5+s3], $0x80, v63, vm0, $0xb8;
	[tilespmem:$0x1E480] =	vst v63  }
0x156: {  	s31 =	simm.s32 $0x1480  }
0x157: {  	[tilespmem:s31], [sflag:$0x1] =	stream.indirect_vreg.gather [hbm4b:s6+s3], $0x80, v63, vm0, $0xb8;
	[tilespmem:$0x1E480] =	vst v63  }
0x158: {  	s7 =	simm.s32 $0x1C80  }
0x159: {  	[tilespmem:s7], [sflag:$0x1] =	stream.indirect_vreg.gather [hbm4b:s2+s3], $0x80, v2, vm0, $0xb8;
	[tilespmem:$0x1E480] =	vst v63  }
0x15a: {  	s28 =	simm.s32 $0x2480  }
0x15b: {  	[tilespmem:s28], [sflag:$0x1] =	stream.indirect_vreg.gather [hbm4b:s5+s3], $0x80, v2, vm0, $0xb8;
	[tilespmem:$0x1E480] =	vst v63  }
0x15c: {  	s22 =	simm.s32 $0x2C80  }
0x15d: {  	[tilespmem:s22], [sflag:$0x1] =	stream.indirect_vreg.gather [hbm4b:s6+s3], $0x80, v2, vm0, $0xb8;
	[tilespmem:$0x1E480] =	vst v63  }
0x15e: {  	v2 =	vld [tilespmem:$0x1B0];
	_ =	sdelay $0x4  }
0x15f: {  	v63 =	vshrl.u32 v2, $0x3  }
0x160: {  	v63 =	vmul.u32 $0x30, v63  }
0x161: {  	v2 =	vand.u32 $0x7, v2  }
0x162: {  	v2 =	vor.u32 v2, v63  }
0x163: {  	v63 =	vperm.xlane v2, v30;
	_ =	sdelay $0x1  }
0x164: {  	v63 =	vadd.s32 v31, v63;
	_ =	sdelay $0x3  }
0x165: {  	v2 =	vperm.xlane v2, v32  }
0x166: {  	[tilespmem:s16], [sflag:$0x1] =	stream.indirect_vreg.gather [hbm4b:s2+s3], $0x80, v63, vm0, $0xb8;
	[tilespmem:$0x1E480] =	vst v63  }
0x167: {  	s17 =	simm.s32 $0x3C80;
	v2 =	vadd.s32 v31, v2  }
0x168: {  	[tilespmem:s17], [sflag:$0x1] =	stream.indirect_vreg.gather [hbm4b:s5+s3], $0x80, v63, vm0, $0xb8;
	[tilespmem:$0x1E480] =	vst v63  }
0x169: {  	s22 =	simm.s32 $0x4480  }
0x16a: {  	[tilespmem:s22], [sflag:$0x1] =	stream.indirect_vreg.gather [hbm4b:s6+s3], $0x80, v63, vm0, $0xb8;
	[tilespmem:$0x1E480] =	vst v63  }
0x16b: {  	s29 =	simm.s32 $0x4C80  }
0x16c: {  	[tilespmem:s29], [sflag:$0x1] =	stream.indirect_vreg.gather [hbm4b:s2+s3], $0x80, v2, vm0, $0xb8;
	[tilespmem:$0x1E480] =	vst v63  }
0x16d: {  	s13 =	simm.s32 $0x5480  }
0x16e: {  	[tilespmem:s13], [sflag:$0x1] =	stream.indirect_vreg.gather [hbm4b:s5+s3], $0x80, v2, vm0, $0xb8;
	[tilespmem:$0x1E480] =	vst v63  }
0x16f: {  	s0 =	simm.s32 $0x5C80;
	s13 =	simm.s32 $0x2  }
0x170: {  	[tilespmem:s0], [sflag:$0x1] =	stream.indirect_vreg.gather [hbm4b:s6+s3], $0x80, v2, vm0, $0xb8;
	[tilespmem:$0x1E480] =	vst v63  }
0x171: {  	_ =	swait.ge [sflag:s13], $0x6000  }
0x172: {  	[sflag:s13] =	ssyncset.done $0x0  }
0x173: {  	s16 =	simm.s32 $0x6480;
	s26 =	rddreg [dreg:$0x6];
	[sflag:s13] =	ssyncadd.s32 $0xFFFFA000  }
0x174: {  	[hbm4b:s26+s3] =	stream.linear.scatter [tilespmem:s16], [sflag:$0x7], $0x3000, $0x38;
	[tilespmem:$0x1E480] =	vst v63  }
0x175: {  	s1 =	simm.s32 $0x9480;
	s10 =	rddreg [dreg:$0x7]  }
0x176: {  	[hbm4b:s10+s3] =	stream.linear.scatter [tilespmem:s1], [sflag:$0x7], $0x3000, $0x38;
	[tilespmem:$0x1E480] =	vst v63  }
0x177: {  	_ =	swait.ge [sflag:s12], $0x3000  }
0x178: {  	[sflag:s12] =	ssyncset.done $0x0  }
0x179: {  	[sflag:s12] =	ssyncadd.s32 $0xFFFFD000  }
0x17a: {  	_ =	swait.ge [sflag:s12], $0x3000  }
0x17b: {  	[sflag:s12] =	ssyncset.done $0x0  }
0x17c: {  	[sflag:s12] =	ssyncadd.s32 $0xFFFFD000  }
0x17d: {  	v2 =	vld [tilespmem:$0x1C0];
	_ =	sdelay $0x4  }
0x17e: {  	v63 =	vshrl.u32 v2, $0x3  }
0x17f: {  	v63 =	vmul.u32 $0x30, v63  }
0x180: {  	v2 =	vand.u32 $0x7, v2  }
0x181: {  	v2 =	vor.u32 v2, v63  }
0x182: {  	v63 =	vperm.xlane v2, v30;
	_ =	sdelay $0x1  }
0x183: {  	v63 =	vadd.s32 v31, v63;
	_ =	sdelay $0x3  }
0x184: {  	v2 =	vperm.xlane v2, v32  }
0x185: {  	[tilespmem:s16], [sflag:$0x2] =	stream.indirect_vreg.gather [hbm4b:s2+s3], $0x80, v63, vm0, $0xb8;
	[tilespmem:$0x1E480] =	vst v63  }
0x186: {  	s18 =	simm.s32 $0x6C80;
	v2 =	vadd.s32 v31, v2  }
0x187: {  	[tilespmem:s18], [sflag:$0x2] =	stream.indirect_vreg.gather [hbm4b:s5+s3], $0x80, v63, vm0, $0xb8;
	[tilespmem:$0x1E480] =	vst v63  }
0x188: {  	s18 =	simm.s32 $0x7480  }
0x189: {  	[tilespmem:s18], [sflag:$0x2] =	stream.indirect_vreg.gather [hbm4b:s6+s3], $0x80, v63, vm0, $0xb8;
	[tilespmem:$0x1E480] =	vst v63  }
0x18a: {  	s25 =	simm.s32 $0x7C80  }
0x18b: {  	[tilespmem:s25], [sflag:$0x2] =	stream.indirect_vreg.gather [hbm4b:s2+s3], $0x80, v2, vm0, $0xb8;
	[tilespmem:$0x1E480] =	vst v63  }
0x18c: {  	s26 =	simm.s32 $0x8480  }
0x18d: {  	[tilespmem:s26], [sflag:$0x2] =	stream.indirect_vreg.gather [hbm4b:s5+s3], $0x80, v2, vm0, $0xb8;
	[tilespmem:$0x1E480] =	vst v63  }
0x18e: {  	s29 =	simm.s32 $0x8C80  }
0x18f: {  	[tilespmem:s29], [sflag:$0x2] =	stream.indirect_vreg.gather [hbm4b:s6+s3], $0x80, v2, vm0, $0xb8;
	[tilespmem:$0x1E480] =	vst v63  }
0x190: {  	v2 =	vld [tilespmem:$0x1D0];
	_ =	sdelay $0x4  }
0x191: {  	v63 =	vshrl.u32 v2, $0x3  }
0x192: {  	v63 =	vmul.u32 $0x30, v63  }
0x193: {  	v2 =	vand.u32 $0x7, v2  }
0x194: {  	v2 =	vor.u32 v2, v63  }
0x195: {  	v63 =	vperm.xlane v2, v30;
	_ =	sdelay $0x1  }
0x196: {  	v63 =	vadd.s32 v31, v63;
	_ =	sdelay $0x3  }
0x197: {  	v2 =	vperm.xlane v2, v32  }
0x198: {  	[tilespmem:s1], [sflag:$0x2] =	stream.indirect_vreg.gather [hbm4b:s2+s3], $0x80, v63, vm0, $0xb8;
	[tilespmem:$0x1E480] =	vst v63  }
0x199: {  	s16 =	simm.s32 $0x9C80;
	v2 =	vadd.s32 v31, v2  }
0x19a: {  	[tilespmem:s16], [sflag:$0x2] =	stream.indirect_vreg.gather [hbm4b:s5+s3], $0x80, v63, vm0, $0xb8;
	[tilespmem:$0x1E480] =	vst v63  }
0x19b: {  	s18 =	simm.s32 $0xA480  }
0x19c: {  	[tilespmem:s18], [sflag:$0x2] =	stream.indirect_vreg.gather [hbm4b:s6+s3], $0x80, v63, vm0, $0xb8;
	[tilespmem:$0x1E480] =	vst v63  }
0x19d: {  	s25 =	simm.s32 $0xAC80  }
0x19e: {  	[tilespmem:s25], [sflag:$0x2] =	stream.indirect_vreg.gather [hbm4b:s2+s3], $0x80, v2, vm0, $0xb8;
	[tilespmem:$0x1E480] =	vst v63  }
0x19f: {  	s26 =	simm.s32 $0xB480  }
0x1a0: {  	[tilespmem:s26], [sflag:$0x2] =	stream.indirect_vreg.gather [hbm4b:s5+s3], $0x80, v2, vm0, $0xb8;
	[tilespmem:$0x1E480] =	vst v63  }
0x1a1: {  	s29 =	simm.s32 $0xBC80;
	s18 =	simm.s32 $0x3  }
0x1a2: {  	[tilespmem:s29], [sflag:$0x2] =	stream.indirect_vreg.gather [hbm4b:s6+s3], $0x80, v2, vm0, $0xb8;
	[tilespmem:$0x1E480] =	vst v63  }
0x1a3: {  	_ =	swait.ge [sflag:s18], $0x6000  }
0x1a4: {  	[sflag:s18] =	ssyncset.done $0x0  }
0x1a5: {  	s16 =	simm.s32 $0xC480;
	s1 =	rddreg [dreg:$0x8];
	[sflag:s18] =	ssyncadd.s32 $0xFFFFA000  }
0x1a6: {  	[hbm4b:s1+s3] =	stream.linear.scatter [tilespmem:s16], [sflag:$0x8], $0x3000, $0x38;
	[tilespmem:$0x1E480] =	vst v63  }
0x1a7: {  	s4 =	simm.s32 $0xF480;
	s10 =	rddreg [dreg:$0x9]  }
0x1a8: {  	[hbm4b:s10+s3] =	stream.linear.scatter [tilespmem:s4], [sflag:$0x8], $0x3000, $0x38;
	[tilespmem:$0x1E480] =	vst v63  }
0x1a9: {  	_ =	swait.ge [sflag:s15], $0x3000  }
0x1aa: {  	[sflag:s15] =	ssyncset.done $0x0  }
0x1ab: {  	[sflag:s15] =	ssyncadd.s32 $0xFFFFD000  }
0x1ac: {  	_ =	swait.ge [sflag:s15], $0x3000  }
0x1ad: {  	[sflag:s15] =	ssyncset.done $0x0  }
0x1ae: {  	[sflag:s15] =	ssyncadd.s32 $0xFFFFD000  }
0x1af: {  	v2 =	vld [tilespmem:$0x1E0];
	_ =	sdelay $0x4  }
0x1b0: {  	v63 =	vshrl.u32 v2, $0x3  }
0x1b1: {  	v63 =	vmul.u32 $0x30, v63  }
0x1b2: {  	v2 =	vand.u32 $0x7, v2  }
0x1b3: {  	v2 =	vor.u32 v2, v63  }
0x1b4: {  	v63 =	vperm.xlane v2, v30;
	_ =	sdelay $0x1  }
0x1b5: {  	v63 =	vadd.s32 v31, v63;
	_ =	sdelay $0x3  }
0x1b6: {  	v2 =	vperm.xlane v2, v32  }
0x1b7: {  	[tilespmem:s16], [sflag:$0x3] =	stream.indirect_vreg.gather [hbm4b:s2+s3], $0x80, v63, vm0, $0xb8;
	[tilespmem:$0x1E480] =	vst v63  }
0x1b8: {  	s20 =	simm.s32 $0xCC80;
	v2 =	vadd.s32 v31, v2  }
0x1b9: {  	[tilespmem:s20], [sflag:$0x3] =	stream.indirect_vreg.gather [hbm4b:s5+s3], $0x80, v63, vm0, $0xb8;
	[tilespmem:$0x1E480] =	vst v63  }
0x1ba: {  	s25 =	simm.s32 $0xD480  }
0x1bb: {  	[tilespmem:s25], [sflag:$0x3] =	stream.indirect_vreg.gather [hbm4b:s6+s3], $0x80, v63, vm0, $0xb8;
	[tilespmem:$0x1E480] =	vst v63  }
0x1bc: {  	s26 =	simm.s32 $0xDC80  }
0x1bd: {  	[tilespmem:s26], [sflag:$0x3] =	stream.indirect_vreg.gather [hbm4b:s2+s3], $0x80, v2, vm0, $0xb8;
	[tilespmem:$0x1E480] =	vst v63  }
0x1be: {  	s29 =	simm.s32 $0xE480  }
0x1bf: {  	[tilespmem:s29], [sflag:$0x3] =	stream.indirect_vreg.gather [hbm4b:s5+s3], $0x80, v2, vm0, $0xb8;
	[tilespmem:$0x1E480] =	vst v63  }
0x1c0: {  	s10 =	simm.s32 $0xEC80  }
0x1c1: {  	[tilespmem:s10], [sflag:$0x3] =	stream.indirect_vreg.gather [hbm4b:s6+s3], $0x80, v2, vm0, $0xb8;
	[tilespmem:$0x1E480] =	vst v63  }
0x1c2: {  	v2 =	vld [tilespmem:$0x1F0];
	_ =	sdelay $0x4  }
0x1c3: {  	v63 =	vshrl.u32 v2, $0x3  }
0x1c4: {  	v63 =	vmul.u32 $0x30, v63  }
0x1c5: {  	v2 =	vand.u32 $0x7, v2  }
0x1c6: {  	v2 =	vor.u32 v2, v63  }
0x1c7: {  	v63 =	vperm.xlane v2, v30;
	_ =	sdelay $0x1  }
0x1c8: {  	v63 =	vadd.s32 v31, v63;
	_ =	sdelay $0x3  }
0x1c9: {  	v2 =	vperm.xlane v2, v32  }
0x1ca: {  	[tilespmem:s4], [sflag:$0x3] =	stream.indirect_vreg.gather [hbm4b:s2+s3], $0x80, v63, vm0, $0xb8;
	[tilespmem:$0x1E480] =	vst v63  }
0x1cb: {  	s16 =	simm.s32 $0xFC80;
	v2 =	vadd.s32 v31, v2  }
0x1cc: {  	[tilespmem:s16], [sflag:$0x3] =	stream.indirect_vreg.gather [hbm4b:s5+s3], $0x80, v63, vm0, $0xb8;
	[tilespmem:$0x1E480] =	vst v63  }
0x1cd: {  	s20 =	simm.s32 $0x10480  }
0x1ce: {  	[tilespmem:s20], [sflag:$0x3] =	stream.indirect_vreg.gather [hbm4b:s6+s3], $0x80, v63, vm0, $0xb8;
	[tilespmem:$0x1E480] =	vst v63  }
0x1cf: {  	s25 =	simm.s32 $0x10C80  }
0x1d0: {  	[tilespmem:s25], [sflag:$0x3] =	stream.indirect_vreg.gather [hbm4b:s2+s3], $0x80, v2, vm0, $0xb8;
	[tilespmem:$0x1E480] =	vst v63  }
0x1d1: {  	s26 =	simm.s32 $0x11480  }
0x1d2: {  	[tilespmem:s26], [sflag:$0x3] =	stream.indirect_vreg.gather [hbm4b:s5+s3], $0x80, v2, vm0, $0xb8;
	[tilespmem:$0x1E480] =	vst v63  }
0x1d3: {  	s29 =	simm.s32 $0x11C80;
	s20 =	simm.s32 $0x4  }
0x1d4: {  	[tilespmem:s29], [sflag:$0x3] =	stream.indirect_vreg.gather [hbm4b:s6+s3], $0x80, v2, vm0, $0xb8;
	[tilespmem:$0x1E480] =	vst v63  }
0x1d5: {  	_ =	swait.ge [sflag:s20], $0x6000  }
0x1d6: {  	[sflag:s20] =	ssyncset.done $0x0  }
0x1d7: {  	s10 =	simm.s32 $0x12480;
	s1 =	rddreg [dreg:$0xa];
	[sflag:s20] =	ssyncadd.s32 $0xFFFFA000  }
0x1d8: {  	[hbm4b:s1+s3] =	stream.linear.scatter [tilespmem:s10], [sflag:$0x9], $0x3000, $0x38;
	[tilespmem:$0x1E480] =	vst v63  }
0x1d9: {  	s16 =	simm.s32 $0x15480;
	s4 =	rddreg [dreg:$0xb]  }
0x1da: {  	[hbm4b:s4+s3] =	stream.linear.scatter [tilespmem:s16], [sflag:$0x9], $0x3000, $0x38;
	[tilespmem:$0x1E480] =	vst v63  }
0x1db: {  	_ =	swait.ge [sflag:s19], $0x3000  }
0x1dc: {  	[sflag:s19] =	ssyncset.done $0x0  }
0x1dd: {  	[sflag:s19] =	ssyncadd.s32 $0xFFFFD000  }
0x1de: {  	_ =	swait.ge [sflag:s19], $0x3000  }
0x1df: {  	[sflag:s19] =	ssyncset.done $0x0  }
0x1e0: {  	[sflag:s19] =	ssyncadd.s32 $0xFFFFD000  }
0x1e1: {  	v2 =	vld [tilespmem:$0x200];
	_ =	sdelay $0x4  }
0x1e2: {  	v63 =	vshrl.u32 v2, $0x3  }
0x1e3: {  	v63 =	vmul.u32 $0x30, v63  }
0x1e4: {  	v2 =	vand.u32 $0x7, v2  }
0x1e5: {  	v2 =	vor.u32 v2, v63  }
0x1e6: {  	v63 =	vperm.xlane v2, v30;
	_ =	sdelay $0x1  }
0x1e7: {  	v63 =	vadd.s32 v31, v63;
	_ =	sdelay $0x3  }
0x1e8: {  	v2 =	vperm.xlane v2, v32  }
0x1e9: {  	[tilespmem:s10], [sflag:$0x4] =	stream.indirect_vreg.gather [hbm4b:s2+s3], $0x80, v63, vm0, $0xb8;
	[tilespmem:$0x1E480] =	vst v63  }
0x1ea: {  	s24 =	simm.s32 $0x12C80;
	v2 =	vadd.s32 v31, v2  }
0x1eb: {  	[tilespmem:s24], [sflag:$0x4] =	stream.indirect_vreg.gather [hbm4b:s5+s3], $0x80, v63, vm0, $0xb8;
	[tilespmem:$0x1E480] =	vst v63  }
0x1ec: {  	s24 =	simm.s32 $0x13480  }
0x1ed: {  	[tilespmem:s24], [sflag:$0x4] =	stream.indirect_vreg.gather [hbm4b:s6+s3], $0x80, v63, vm0, $0xb8;
	[tilespmem:$0x1E480] =	vst v63  }
0x1ee: {  	s25 =	simm.s32 $0x13C80  }
0x1ef: {  	[tilespmem:s25], [sflag:$0x4] =	stream.indirect_vreg.gather [hbm4b:s2+s3], $0x80, v2, vm0, $0xb8;
	[tilespmem:$0x1E480] =	vst v63  }
0x1f0: {  	s26 =	simm.s32 $0x14480  }
0x1f1: {  	[tilespmem:s26], [sflag:$0x4] =	stream.indirect_vreg.gather [hbm4b:s5+s3], $0x80, v2, vm0, $0xb8;
	[tilespmem:$0x1E480] =	vst v63  }
0x1f2: {  	s29 =	simm.s32 $0x14C80  }
0x1f3: {  	[tilespmem:s29], [sflag:$0x4] =	stream.indirect_vreg.gather [hbm4b:s6+s3], $0x80, v2, vm0, $0xb8;
	[tilespmem:$0x1E480] =	vst v63  }
0x1f4: {  	v2 =	vld [tilespmem:$0x210];
	_ =	sdelay $0x4  }
0x1f5: {  	v63 =	vshrl.u32 v2, $0x3  }
0x1f6: {  	v63 =	vmul.u32 $0x30, v63  }
0x1f7: {  	v2 =	vand.u32 $0x7, v2  }
0x1f8: {  	v2 =	vor.u32 v2, v63  }
0x1f9: {  	v63 =	vperm.xlane v2, v30;
	_ =	sdelay $0x1  }
0x1fa: {  	v63 =	vadd.s32 v31, v63;
	_ =	sdelay $0x3  }
0x1fb: {  	v2 =	vperm.xlane v2, v32  }
0x1fc: {  	[tilespmem:s16], [sflag:$0x4] =	stream.indirect_vreg.gather [hbm4b:s2+s3], $0x80, v63, vm0, $0xb8;
	[tilespmem:$0x1E480] =	vst v63  }
0x1fd: {  	s10 =	simm.s32 $0x15C80;
	v2 =	vadd.s32 v31, v2  }
0x1fe: {  	[tilespmem:s10], [sflag:$0x4] =	stream.indirect_vreg.gather [hbm4b:s5+s3], $0x80, v63, vm0, $0xb8;
	[tilespmem:$0x1E480] =	vst v63  }
0x1ff: {  	s16 =	simm.s32 $0x16480  }
0x200: {  	[tilespmem:s16], [sflag:$0x4] =	stream.indirect_vreg.gather [hbm4b:s6+s3], $0x80, v63, vm0, $0xb8;
	[tilespmem:$0x1E480] =	vst v63  }
0x201: {  	s25 =	simm.s32 $0x16C80  }
0x202: {  	[tilespmem:s25], [sflag:$0x4] =	stream.indirect_vreg.gather [hbm4b:s2+s3], $0x80, v2, vm0, $0xb8;
	[tilespmem:$0x1E480] =	vst v63  }
0x203: {  	s26 =	simm.s32 $0x17480  }
0x204: {  	[tilespmem:s26], [sflag:$0x4] =	stream.indirect_vreg.gather [hbm4b:s5+s3], $0x80, v2, vm0, $0xb8;
	[tilespmem:$0x1E480] =	vst v63  }
0x205: {  	s29 =	simm.s32 $0x17C80;
	s10 =	simm.s32 $0x5  }
0x206: {  	[tilespmem:s29], [sflag:$0x4] =	stream.indirect_vreg.gather [hbm4b:s6+s3], $0x80, v2, vm0, $0xb8;
	[tilespmem:$0x1E480] =	vst v63  }
0x207: {  	_ =	swait.ge [sflag:s10], $0x6000  }
0x208: {  	[sflag:s10] =	ssyncset.done $0x0  }
0x209: {  	s16 =	simm.s32 $0x18480;
	s1 =	rddreg [dreg:$0xc];
	[sflag:s10] =	ssyncadd.s32 $0xFFFFA000  }
0x20a: {  	[hbm4b:s1+s3] =	stream.linear.scatter [tilespmem:s16], [sflag:$0xA], $0x3000, $0x38;
	[tilespmem:$0x1E480] =	vst v63  }
0x20b: {  	s25 =	simm.s32 $0x1B480;
	s4 =	rddreg [dreg:$0xd]  }
0x20c: {  	[hbm4b:s4+s3] =	stream.linear.scatter [tilespmem:s25], [sflag:$0xA], $0x3000, $0x38;
	[tilespmem:$0x1E480] =	vst v63  }
0x20d: {  	_ =	swait.ge [sflag:s21], $0x3000  }
0x20e: {  	[sflag:s21] =	ssyncset.done $0x0  }
0x20f: {  	[sflag:s21] =	ssyncadd.s32 $0xFFFFD000  }
0x210: {  	_ =	swait.ge [sflag:s21], $0x3000  }
0x211: {  	[sflag:s21] =	ssyncset.done $0x0  }
0x212: {  	[sflag:s21] =	ssyncadd.s32 $0xFFFFD000  }
0x213: {  	v2 =	vld [tilespmem:$0x220];
	_ =	sdelay $0x4  }
0x214: {  	v63 =	vshrl.u32 v2, $0x3  }
0x215: {  	v63 =	vmul.u32 $0x30, v63  }
0x216: {  	v2 =	vand.u32 $0x7, v2  }
0x217: {  	v2 =	vor.u32 v2, v63  }
0x218: {  	v63 =	vperm.xlane v2, v30;
	_ =	sdelay $0x1  }
0x219: {  	v63 =	vadd.s32 v31, v63;
	_ =	sdelay $0x3  }
0x21a: {  	v2 =	vperm.xlane v2, v32  }
0x21b: {  	[tilespmem:s16], [sflag:$0x5] =	stream.indirect_vreg.gather [hbm4b:s2+s3], $0x80, v63, vm0, $0xb8;
	[tilespmem:$0x1E480] =	vst v63  }
0x21c: {  	s14 =	simm.s32 $0x18C80;
	v2 =	vadd.s32 v31, v2  }
0x21d: {  	[tilespmem:s14], [sflag:$0x5] =	stream.indirect_vreg.gather [hbm4b:s5+s3], $0x80, v63, vm0, $0xb8;
	[tilespmem:$0x1E480] =	vst v63  }
0x21e: {  	s23 =	simm.s32 $0x19480  }
0x21f: {  	[tilespmem:s23], [sflag:$0x5] =	stream.indirect_vreg.gather [hbm4b:s6+s3], $0x80, v63, vm0, $0xb8;
	[tilespmem:$0x1E480] =	vst v63  }
0x220: {  	s29 =	simm.s32 $0x19C80  }
0x221: {  	[tilespmem:s29], [sflag:$0x5] =	stream.indirect_vreg.gather [hbm4b:s2+s3], $0x80, v2, vm0, $0xb8;
	[tilespmem:$0x1E480] =	vst v63  }
0x222: {  	s14 =	simm.s32 $0x1A480  }
0x223: {  	[tilespmem:s14], [sflag:$0x5] =	stream.indirect_vreg.gather [hbm4b:s5+s3], $0x80, v2, vm0, $0xb8;
	[tilespmem:$0x1E480] =	vst v63  }
0x224: {  	s16 =	simm.s32 $0x1AC80  }
0x225: {  	[tilespmem:s16], [sflag:$0x5] =	stream.indirect_vreg.gather [hbm4b:s6+s3], $0x80, v2, vm0, $0xb8;
	[tilespmem:$0x1E480] =	vst v63  }
0x226: {  	v2 =	vld [tilespmem:$0x230];
	_ =	sdelay $0x4  }
0x227: {  	v63 =	vshrl.u32 v2, $0x3  }
0x228: {  	v63 =	vmul.u32 $0x30, v63  }
0x229: {  	v2 =	vand.u32 $0x7, v2  }
0x22a: {  	v2 =	vor.u32 v2, v63  }
0x22b: {  	v63 =	vperm.xlane v2, v30;
	_ =	sdelay $0x1  }
0x22c: {  	v63 =	vadd.s32 v31, v63;
	_ =	sdelay $0x3  }
0x22d: {  	v2 =	vperm.xlane v2, v32  }
0x22e: {  	[tilespmem:s25], [sflag:$0x5] =	stream.indirect_vreg.gather [hbm4b:s2+s3], $0x80, v63, vm0, $0xb8;
	[tilespmem:$0x1E480] =	vst v63  }
0x22f: {  	s23 =	simm.s32 $0x1BC80;
	v2 =	vadd.s32 v31, v2  }
0x230: {  	[tilespmem:s23], [sflag:$0x5] =	stream.indirect_vreg.gather [hbm4b:s5+s3], $0x80, v63, vm0, $0xb8;
	[tilespmem:$0x1E480] =	vst v63  }
0x231: {  	s25 =	simm.s32 $0x1C480  }
0x232: {  	[tilespmem:s25], [sflag:$0x5] =	stream.indirect_vreg.gather [hbm4b:s6+s3], $0x80, v63, vm0, $0xb8;
	[tilespmem:$0x1E480] =	vst v63  }
0x233: {  	s26 =	simm.s32 $0x1CC80  }
0x234: {  	[tilespmem:s26], [sflag:$0x5] =	stream.indirect_vreg.gather [hbm4b:s2+s3], $0x80, v2, vm0, $0xb8;
	[tilespmem:$0x1E480] =	vst v63  }
0x235: {  	s29 =	simm.s32 $0x1D480  }
0x236: {  	[tilespmem:s29], [sflag:$0x5] =	stream.indirect_vreg.gather [hbm4b:s5+s3], $0x80, v2, vm0, $0xb8;
	[tilespmem:$0x1E480] =	vst v63  }
0x237: {  	s4 =	simm.s32 $0x1DC80  }
0x238: {  	[tilespmem:s4], [sflag:$0x5] =	stream.indirect_vreg.gather [hbm4b:s6+s3], $0x80, v2, vm0, $0xb8;
	[tilespmem:$0x1E480] =	vst v63  }
0x239: {  	_ =	swait.ge [sflag:s11], $0x6000  }
0x23a: {  	[sflag:s11] =	ssyncset.done $0x0  }
0x23b: {  	s23 =	simm.s32 $0x480;
	s14 =	rddreg [dreg:$0xe];
	[sflag:s11] =	ssyncadd.s32 $0xFFFFA000  }
0x23c: {  	[hbm4b:s14+s3] =	stream.linear.scatter [tilespmem:s23], [sflag:$0x6], $0x3000, $0x38;
	[tilespmem:$0x1E480] =	vst v63  }
0x23d: {  	s25 =	simm.s32 $0x3480;
	s16 =	rddreg [dreg:$0xf]  }
0x23e: {  	[hbm4b:s16+s3] =	stream.linear.scatter [tilespmem:s25], [sflag:$0x6], $0x3000, $0x38;
	[tilespmem:$0x1E480] =	vst v63  }
0x23f: {  	_ =	swait.ge [sflag:s8], $0x3000  }
0x240: {  	[sflag:s8] =	ssyncset.done $0x0  }
0x241: {  	[sflag:s8] =	ssyncadd.s32 $0xFFFFD000  }
0x242: {  	_ =	swait.ge [sflag:s8], $0x3000  }
0x243: {  	[sflag:s8] =	ssyncset.done $0x0  }
0x244: {  	[sflag:s8] =	ssyncadd.s32 $0xFFFFD000  }
0x245: {  	v2 =	vld [tilespmem:$0x240];
	_ =	sdelay $0x4  }
0x246: {  	v63 =	vshrl.u32 v2, $0x3  }
0x247: {  	v63 =	vmul.u32 $0x30, v63  }
0x248: {  	v2 =	vand.u32 $0x7, v2  }
0x249: {  	v2 =	vor.u32 v2, v63  }
0x24a: {  	v63 =	vperm.xlane v2, v30;
	_ =	sdelay $0x1  }
0x24b: {  	v63 =	vadd.s32 v31, v63;
	_ =	sdelay $0x3  }
0x24c: {  	v2 =	vperm.xlane v2, v32  }
0x24d: {  	[tilespmem:s23], [sflag:$0x1] =	stream.indirect_vreg.gather [hbm4b:s2+s3], $0x80, v63, vm0, $0xb8;
	[tilespmem:$0x1E480] =	vst v63  }
0x24e: {  	v2 =	vadd.s32 v31, v2  }
0x24f: {  	[tilespmem:s30], [sflag:$0x1] =	stream.indirect_vreg.gather [hbm4b:s5+s3], $0x80, v63, vm0, $0xb8;
	[tilespmem:$0x1E480] =	vst v63  }
0x250: {  	_ = 	snop  }
0x251: {  	[tilespmem:s31], [sflag:$0x1] =	stream.indirect_vreg.gather [hbm4b:s6+s3], $0x80, v63, vm0, $0xb8;
	[tilespmem:$0x1E480] =	vst v63  }
0x252: {  	_ = 	snop  }
0x253: {  	[tilespmem:s7], [sflag:$0x1] =	stream.indirect_vreg.gather [hbm4b:s2+s3], $0x80, v2, vm0, $0xb8;
	[tilespmem:$0x1E480] =	vst v63  }
0x254: {  	_ = 	snop  }
0x255: {  	[tilespmem:s28], [sflag:$0x1] =	stream.indirect_vreg.gather [hbm4b:s5+s3], $0x80, v2, vm0, $0xb8;
	[tilespmem:$0x1E480] =	vst v63  }
0x256: {  	s23 =	simm.s32 $0x2C80  }
0x257: {  	[tilespmem:s23], [sflag:$0x1] =	stream.indirect_vreg.gather [hbm4b:s6+s3], $0x80, v2, vm0, $0xb8;
	[tilespmem:$0x1E480] =	vst v63  }
0x258: {  	v2 =	vld [tilespmem:$0x250];
	_ =	sdelay $0x4  }
0x259: {  	v63 =	vshrl.u32 v2, $0x3  }
0x25a: {  	v63 =	vmul.u32 $0x30, v63  }
0x25b: {  	v2 =	vand.u32 $0x7, v2  }
0x25c: {  	v2 =	vor.u32 v2, v63  }
0x25d: {  	v63 =	vperm.xlane v2, v30;
	_ =	sdelay $0x1  }
0x25e: {  	v63 =	vadd.s32 v31, v63;
	_ =	sdelay $0x3  }
0x25f: {  	v2 =	vperm.xlane v2, v32  }
0x260: {  	[tilespmem:s25], [sflag:$0x1] =	stream.indirect_vreg.gather [hbm4b:s2+s3], $0x80, v63, vm0, $0xb8;
	[tilespmem:$0x1E480] =	vst v63  }
0x261: {  	v2 =	vadd.s32 v31, v2  }
0x262: {  	[tilespmem:s17], [sflag:$0x1] =	stream.indirect_vreg.gather [hbm4b:s5+s3], $0x80, v63, vm0, $0xb8;
	[tilespmem:$0x1E480] =	vst v63  }
0x263: {  	_ = 	snop  }
0x264: {  	[tilespmem:s22], [sflag:$0x1] =	stream.indirect_vreg.gather [hbm4b:s6+s3], $0x80, v63, vm0, $0xb8;
	[tilespmem:$0x1E480] =	vst v63  }
0x265: {  	s22 =	simm.s32 $0x4C80  }
0x266: {  	[tilespmem:s22], [sflag:$0x1] =	stream.indirect_vreg.gather [hbm4b:s2+s3], $0x80, v2, vm0, $0xb8;
	[tilespmem:$0x1E480] =	vst v63  }
0x267: {  	s29 =	simm.s32 $0x5480  }
0x268: {  	[tilespmem:s29], [sflag:$0x1] =	stream.indirect_vreg.gather [hbm4b:s5+s3], $0x80, v2, vm0, $0xb8;
	[tilespmem:$0x1E480] =	vst v63  }
0x269: {  	_ = 	snop  }
0x26a: {  	[tilespmem:s0], [sflag:$0x1] =	stream.indirect_vreg.gather [hbm4b:s6+s3], $0x80, v2, vm0, $0xb8;
	[tilespmem:$0x1E480] =	vst v63  }
0x26b: {  	_ =	swait.ge [sflag:s13], $0x6000  }
0x26c: {  	[sflag:s13] =	ssyncset.done $0x0  }
0x26d: {  	s17 =	simm.s32 $0x6480;
	s4 =	rddreg [dreg:$0x10];
	[sflag:s13] =	ssyncadd.s32 $0xFFFFA000  }
0x26e: {  	[hbm4b:s4+s3] =	stream.linear.scatter [tilespmem:s17], [sflag:$0x7], $0x3000, $0x38;
	[tilespmem:$0x1E480] =	vst v63  }
0x26f: {  	s28 =	simm.s32 $0x9480;
	s7 =	rddreg [dreg:$0x11]  }
0x270: {  	[hbm4b:s7+s3] =	stream.linear.scatter [tilespmem:s28], [sflag:$0x7], $0x3000, $0x38;
	[tilespmem:$0x1E480] =	vst v63  }
0x271: {  	_ =	swait.ge [sflag:s12], $0x3000  }
0x272: {  	[sflag:s12] =	ssyncset.done $0x0  }
0x273: {  	[sflag:s12] =	ssyncadd.s32 $0xFFFFD000  }
0x274: {  	_ =	swait.ge [sflag:s12], $0x3000  }
0x275: {  	[sflag:s12] =	ssyncset.done $0x0  }
0x276: {  	[sflag:s12] =	ssyncadd.s32 $0xFFFFD000  }
0x277: {  	v2 =	vld [tilespmem:$0x260];
	_ =	sdelay $0x4  }
0x278: {  	v63 =	vshrl.u32 v2, $0x3  }
0x279: {  	v63 =	vmul.u32 $0x30, v63  }
0x27a: {  	v2 =	vand.u32 $0x7, v2  }
0x27b: {  	v2 =	vor.u32 v2, v63  }
0x27c: {  	v63 =	vperm.xlane v2, v30;
	_ =	sdelay $0x1  }
0x27d: {  	v63 =	vadd.s32 v31, v63;
	_ =	sdelay $0x3  }
0x27e: {  	v2 =	vperm.xlane v2, v32  }
0x27f: {  	[tilespmem:s17], [sflag:$0x2] =	stream.indirect_vreg.gather [hbm4b:s2+s3], $0x80, v63, vm0, $0xb8;
	[tilespmem:$0x1E480] =	vst v63  }
0x280: {  	s30 =	simm.s32 $0x6C80;
	v2 =	vadd.s32 v31, v2  }
0x281: {  	[tilespmem:s30], [sflag:$0x2] =	stream.indirect_vreg.gather [hbm4b:s5+s3], $0x80, v63, vm0, $0xb8;
	[tilespmem:$0x1E480] =	vst v63  }
0x282: {  	s31 =	simm.s32 $0x7480  }
0x283: {  	[tilespmem:s31], [sflag:$0x2] =	stream.indirect_vreg.gather [hbm4b:s6+s3], $0x80, v63, vm0, $0xb8;
	[tilespmem:$0x1E480] =	vst v63  }
0x284: {  	s4 =	simm.s32 $0x7C80  }
0x285: {  	[tilespmem:s4], [sflag:$0x2] =	stream.indirect_vreg.gather [hbm4b:s2+s3], $0x80, v2, vm0, $0xb8;
	[tilespmem:$0x1E480] =	vst v63  }
0x286: {  	s7 =	simm.s32 $0x8480  }
0x287: {  	[tilespmem:s7], [sflag:$0x2] =	stream.indirect_vreg.gather [hbm4b:s5+s3], $0x80, v2, vm0, $0xb8;
	[tilespmem:$0x1E480] =	vst v63  }
0x288: {  	s17 =	simm.s32 $0x8C80  }
0x289: {  	[tilespmem:s17], [sflag:$0x2] =	stream.indirect_vreg.gather [hbm4b:s6+s3], $0x80, v2, vm0, $0xb8;
	[tilespmem:$0x1E480] =	vst v63  }
0x28a: {  	v2 =	vld [tilespmem:$0x270];
	_ =	sdelay $0x4  }
0x28b: {  	v63 =	vshrl.u32 v2, $0x3  }
0x28c: {  	v63 =	vmul.u32 $0x30, v63  }
0x28d: {  	v2 =	vand.u32 $0x7, v2  }
0x28e: {  	v2 =	vor.u32 v2, v63  }
0x28f: {  	v63 =	vperm.xlane v2, v30;
	_ =	sdelay $0x1  }
0x290: {  	v63 =	vadd.s32 v31, v63;
	_ =	sdelay $0x3  }
0x291: {  	v2 =	vperm.xlane v2, v32  }
0x292: {  	[tilespmem:s28], [sflag:$0x2] =	stream.indirect_vreg.gather [hbm4b:s2+s3], $0x80, v63, vm0, $0xb8;
	[tilespmem:$0x1E480] =	vst v63  }
0x293: {  	s25 =	simm.s32 $0x9C80;
	v2 =	vadd.s32 v31, v2  }
0x294: {  	[tilespmem:s25], [sflag:$0x2] =	stream.indirect_vreg.gather [hbm4b:s5+s3], $0x80, v63, vm0, $0xb8;
	[tilespmem:$0x1E480] =	vst v63  }
0x295: {  	s26 =	simm.s32 $0xA480  }
0x296: {  	[tilespmem:s26], [sflag:$0x2] =	stream.indirect_vreg.gather [hbm4b:s6+s3], $0x80, v63, vm0, $0xb8;
	[tilespmem:$0x1E480] =	vst v63  }
0x297: {  	s28 =	simm.s32 $0xAC80  }
0x298: {  	[tilespmem:s28], [sflag:$0x2] =	stream.indirect_vreg.gather [hbm4b:s2+s3], $0x80, v2, vm0, $0xb8;
	[tilespmem:$0x1E480] =	vst v63  }
0x299: {  	s30 =	simm.s32 $0xB480  }
0x29a: {  	[tilespmem:s30], [sflag:$0x2] =	stream.indirect_vreg.gather [hbm4b:s5+s3], $0x80, v2, vm0, $0xb8;
	[tilespmem:$0x1E480] =	vst v63  }
0x29b: {  	s31 =	simm.s32 $0xBC80  }
0x29c: {  	[tilespmem:s31], [sflag:$0x2] =	stream.indirect_vreg.gather [hbm4b:s6+s3], $0x80, v2, vm0, $0xb8;
	[tilespmem:$0x1E480] =	vst v63  }
0x29d: {  	_ =	swait.ge [sflag:s18], $0x6000  }
0x29e: {  	[sflag:s18] =	ssyncset.done $0x0  }
0x29f: {  	s17 =	simm.s32 $0xC480;
	s4 =	rddreg [dreg:$0x12];
	[sflag:s18] =	ssyncadd.s32 $0xFFFFA000  }
0x2a0: {  	[hbm4b:s4+s3] =	stream.linear.scatter [tilespmem:s17], [sflag:$0x8], $0x3000, $0x38;
	[tilespmem:$0x1E480] =	vst v63  }
0x2a1: {  	s25 =	simm.s32 $0xF480;
	s7 =	rddreg [dreg:$0x13]  }
0x2a2: {  	[hbm4b:s7+s3] =	stream.linear.scatter [tilespmem:s25], [sflag:$0x8], $0x3000, $0x38;
	[tilespmem:$0x1E480] =	vst v63  }
0x2a3: {  	_ =	swait.ge [sflag:s15], $0x3000  }
0x2a4: {  	[sflag:s15] =	ssyncset.done $0x0  }
0x2a5: {  	[sflag:s15] =	ssyncadd.s32 $0xFFFFD000  }
0x2a6: {  	_ =	swait.ge [sflag:s15], $0x3000  }
0x2a7: {  	[sflag:s15] =	ssyncset.done $0x0  }
0x2a8: {  	[sflag:s15] =	ssyncadd.s32 $0xFFFFD000  }
0x2a9: {  	v2 =	vld [tilespmem:$0x280];
	_ =	sdelay $0x4  }
0x2aa: {  	v63 =	vshrl.u32 v2, $0x3  }
0x2ab: {  	v63 =	vmul.u32 $0x30, v63  }
0x2ac: {  	v2 =	vand.u32 $0x7, v2  }
0x2ad: {  	v2 =	vor.u32 v2, v63  }
0x2ae: {  	v63 =	vperm.xlane v2, v30;
	_ =	sdelay $0x1  }
0x2af: {  	v63 =	vadd.s32 v31, v63;
	_ =	sdelay $0x3  }
0x2b0: {  	v2 =	vperm.xlane v2, v32  }
0x2b1: {  	[tilespmem:s17], [sflag:$0x3] =	stream.indirect_vreg.gather [hbm4b:s2+s3], $0x80, v63, vm0, $0xb8;
	[tilespmem:$0x1E480] =	vst v63  }
0x2b2: {  	s28 =	simm.s32 $0xCC80;
	v2 =	vadd.s32 v31, v2  }
0x2b3: {  	[tilespmem:s28], [sflag:$0x3] =	stream.indirect_vreg.gather [hbm4b:s5+s3], $0x80, v63, vm0, $0xb8;
	[tilespmem:$0x1E480] =	vst v63  }
0x2b4: {  	s30 =	simm.s32 $0xD480  }
0x2b5: {  	[tilespmem:s30], [sflag:$0x3] =	stream.indirect_vreg.gather [hbm4b:s6+s3], $0x80, v63, vm0, $0xb8;
	[tilespmem:$0x1E480] =	vst v63  }
0x2b6: {  	s31 =	simm.s32 $0xDC80  }
0x2b7: {  	[tilespmem:s31], [sflag:$0x3] =	stream.indirect_vreg.gather [hbm4b:s2+s3], $0x80, v2, vm0, $0xb8;
	[tilespmem:$0x1E480] =	vst v63  }
0x2b8: {  	s4 =	simm.s32 $0xE480  }
0x2b9: {  	[tilespmem:s4], [sflag:$0x3] =	stream.indirect_vreg.gather [hbm4b:s5+s3], $0x80, v2, vm0, $0xb8;
	[tilespmem:$0x1E480] =	vst v63  }
0x2ba: {  	s17 =	simm.s32 $0xEC80  }
0x2bb: {  	[tilespmem:s17], [sflag:$0x3] =	stream.indirect_vreg.gather [hbm4b:s6+s3], $0x80, v2, vm0, $0xb8;
	[tilespmem:$0x1E480] =	vst v63  }
0x2bc: {  	v2 =	vld [tilespmem:$0x290];
	_ =	sdelay $0x4  }
0x2bd: {  	v63 =	vshrl.u32 v2, $0x3  }
0x2be: {  	v63 =	vmul.u32 $0x30, v63  }
0x2bf: {  	v2 =	vand.u32 $0x7, v2  }
0x2c0: {  	v2 =	vor.u32 v2, v63  }
0x2c1: {  	v63 =	vperm.xlane v2, v30;
	_ =	sdelay $0x1  }
0x2c2: {  	v63 =	vadd.s32 v31, v63;
	_ =	sdelay $0x3  }
0x2c3: {  	v2 =	vperm.xlane v2, v32  }
0x2c4: {  	[tilespmem:s25], [sflag:$0x3] =	stream.indirect_vreg.gather [hbm4b:s2+s3], $0x80, v63, vm0, $0xb8;
	[tilespmem:$0x1E480] =	vst v63  }
0x2c5: {  	v2 =	vadd.s32 v31, v2;
	s25 =	simm.s32 $0xFC80  }
0x2c6: {  	[tilespmem:s25], [sflag:$0x3] =	stream.indirect_vreg.gather [hbm4b:s5+s3], $0x80, v63, vm0, $0xb8;
	[tilespmem:$0x1E480] =	vst v63  }
0x2c7: {  	s26 =	simm.s32 $0x10480  }
0x2c8: {  	[tilespmem:s26], [sflag:$0x3] =	stream.indirect_vreg.gather [hbm4b:s6+s3], $0x80, v63, vm0, $0xb8;
	[tilespmem:$0x1E480] =	vst v63  }
0x2c9: {  	s28 =	simm.s32 $0x10C80  }
0x2ca: {  	[tilespmem:s28], [sflag:$0x3] =	stream.indirect_vreg.gather [hbm4b:s2+s3], $0x80, v2, vm0, $0xb8;
	[tilespmem:$0x1E480] =	vst v63  }
0x2cb: {  	s30 =	simm.s32 $0x11480  }
0x2cc: {  	[tilespmem:s30], [sflag:$0x3] =	stream.indirect_vreg.gather [hbm4b:s5+s3], $0x80, v2, vm0, $0xb8;
	[tilespmem:$0x1E480] =	vst v63  }
0x2cd: {  	s31 =	simm.s32 $0x11C80  }
0x2ce: {  	[tilespmem:s31], [sflag:$0x3] =	stream.indirect_vreg.gather [hbm4b:s6+s3], $0x80, v2, vm0, $0xb8;
	[tilespmem:$0x1E480] =	vst v63  }
0x2cf: {  	_ =	swait.ge [sflag:s20], $0x6000  }
0x2d0: {  	[sflag:s20] =	ssyncset.done $0x0  }
0x2d1: {  	s17 =	simm.s32 $0x12480;
	s4 =	rddreg [dreg:$0x14];
	[sflag:s20] =	ssyncadd.s32 $0xFFFFA000  }
0x2d2: {  	[hbm4b:s4+s3] =	stream.linear.scatter [tilespmem:s17], [sflag:$0x9], $0x3000, $0x38;
	[tilespmem:$0x1E480] =	vst v63  }
0x2d3: {  	s28 =	simm.s32 $0x15480;
	s7 =	rddreg [dreg:$0x15]  }
0x2d4: {  	[hbm4b:s7+s3] =	stream.linear.scatter [tilespmem:s28], [sflag:$0x9], $0x3000, $0x38;
	[tilespmem:$0x1E480] =	vst v63  }
0x2d5: {  	_ =	swait.ge [sflag:s19], $0x3000  }
0x2d6: {  	[sflag:s19] =	ssyncset.done $0x0  }
0x2d7: {  	[sflag:s19] =	ssyncadd.s32 $0xFFFFD000  }
0x2d8: {  	_ =	swait.ge [sflag:s19], $0x3000  }
0x2d9: {  	[sflag:s19] =	ssyncset.done $0x0  }
0x2da: {  	[sflag:s19] =	ssyncadd.s32 $0xFFFFD000  }
0x2db: {  	v2 =	vld [tilespmem:$0x2A0];
	_ =	sdelay $0x4  }
0x2dc: {  	v63 =	vshrl.u32 v2, $0x3  }
0x2dd: {  	v63 =	vmul.u32 $0x30, v63  }
0x2de: {  	v2 =	vand.u32 $0x7, v2  }
0x2df: {  	v2 =	vor.u32 v2, v63  }
0x2e0: {  	v63 =	vperm.xlane v2, v30;
	_ =	sdelay $0x1  }
0x2e1: {  	v63 =	vadd.s32 v31, v63;
	_ =	sdelay $0x3  }
0x2e2: {  	v2 =	vperm.xlane v2, v32  }
0x2e3: {  	[tilespmem:s17], [sflag:$0x4] =	stream.indirect_vreg.gather [hbm4b:s2+s3], $0x80, v63, vm0, $0xb8;
	[tilespmem:$0x1E480] =	vst v63  }
0x2e4: {  	s30 =	simm.s32 $0x12C80;
	v2 =	vadd.s32 v31, v2  }
0x2e5: {  	[tilespmem:s30], [sflag:$0x4] =	stream.indirect_vreg.gather [hbm4b:s5+s3], $0x80, v63, vm0, $0xb8;
	[tilespmem:$0x1E480] =	vst v63  }
0x2e6: {  	s24 =	simm.s32 $0x13480  }
0x2e7: {  	[tilespmem:s24], [sflag:$0x4] =	stream.indirect_vreg.gather [hbm4b:s6+s3], $0x80, v63, vm0, $0xb8;
	[tilespmem:$0x1E480] =	vst v63  }
0x2e8: {  	s24 =	simm.s32 $0x13C80  }
0x2e9: {  	[tilespmem:s24], [sflag:$0x4] =	stream.indirect_vreg.gather [hbm4b:s2+s3], $0x80, v2, vm0, $0xb8;
	[tilespmem:$0x1E480] =	vst v63  }
0x2ea: {  	s31 =	simm.s32 $0x14480  }
0x2eb: {  	[tilespmem:s31], [sflag:$0x4] =	stream.indirect_vreg.gather [hbm4b:s5+s3], $0x80, v2, vm0, $0xb8;
	[tilespmem:$0x1E480] =	vst v63  }
0x2ec: {  	s7 =	simm.s32 $0x14C80  }
0x2ed: {  	[tilespmem:s7], [sflag:$0x4] =	stream.indirect_vreg.gather [hbm4b:s6+s3], $0x80, v2, vm0, $0xb8;
	[tilespmem:$0x1E480] =	vst v63  }
0x2ee: {  	v2 =	vld [tilespmem:$0x2B0];
	_ =	sdelay $0x4  }
0x2ef: {  	v63 =	vshrl.u32 v2, $0x3  }
0x2f0: {  	v63 =	vmul.u32 $0x30, v63  }
0x2f1: {  	v2 =	vand.u32 $0x7, v2  }
0x2f2: {  	v2 =	vor.u32 v2, v63  }
0x2f3: {  	v63 =	vperm.xlane v2, v30;
	_ =	sdelay $0x1  }
0x2f4: {  	v63 =	vadd.s32 v31, v63;
	_ =	sdelay $0x3  }
0x2f5: {  	v2 =	vperm.xlane v2, v32  }
0x2f6: {  	[tilespmem:s28], [sflag:$0x4] =	stream.indirect_vreg.gather [hbm4b:s2+s3], $0x80, v63, vm0, $0xb8;
	[tilespmem:$0x1E480] =	vst v63  }
0x2f7: {  	s17 =	simm.s32 $0x15C80;
	v2 =	vadd.s32 v31, v2  }
0x2f8: {  	[tilespmem:s17], [sflag:$0x4] =	stream.indirect_vreg.gather [hbm4b:s5+s3], $0x80, v63, vm0, $0xb8;
	[tilespmem:$0x1E480] =	vst v63  }
0x2f9: {  	s25 =	simm.s32 $0x16480  }
0x2fa: {  	[tilespmem:s25], [sflag:$0x4] =	stream.indirect_vreg.gather [hbm4b:s6+s3], $0x80, v63, vm0, $0xb8;
	[tilespmem:$0x1E480] =	vst v63  }
0x2fb: {  	s26 =	simm.s32 $0x16C80  }
0x2fc: {  	[tilespmem:s26], [sflag:$0x4] =	stream.indirect_vreg.gather [hbm4b:s2+s3], $0x80, v2, vm0, $0xb8;
	[tilespmem:$0x1E480] =	vst v63  }
0x2fd: {  	s28 =	simm.s32 $0x17480  }
0x2fe: {  	[tilespmem:s28], [sflag:$0x4] =	stream.indirect_vreg.gather [hbm4b:s5+s3], $0x80, v2, vm0, $0xb8;
	[tilespmem:$0x1E480] =	vst v63  }
0x2ff: {  	s30 =	simm.s32 $0x17C80  }
0x300: {  	[tilespmem:s30], [sflag:$0x4] =	stream.indirect_vreg.gather [hbm4b:s6+s3], $0x80, v2, vm0, $0xb8;
	[tilespmem:$0x1E480] =	vst v63  }
0x301: {  	_ =	swait.ge [sflag:s10], $0x6000  }
0x302: {  	[sflag:s10] =	ssyncset.done $0x0  }
0x303: {  	s17 =	simm.s32 $0x18480;
	s31 =	rddreg [dreg:$0x16];
	[sflag:s10] =	ssyncadd.s32 $0xFFFFA000  }
0x304: {  	[hbm4b:s31+s3] =	stream.linear.scatter [tilespmem:s17], [sflag:$0xA], $0x3000, $0x38;
	[tilespmem:$0x1E480] =	vst v63  }
0x305: {  	s25 =	simm.s32 $0x1B480;
	s4 =	rddreg [dreg:$0x17]  }
0x306: {  	[hbm4b:s4+s3] =	stream.linear.scatter [tilespmem:s25], [sflag:$0xA], $0x3000, $0x38;
	[tilespmem:$0x1E480] =	vst v63  }
0x307: {  	_ =	swait.ge [sflag:s21], $0x3000  }
0x308: {  	[sflag:s21] =	ssyncset.done $0x0  }
0x309: {  	[sflag:s21] =	ssyncadd.s32 $0xFFFFD000  }
0x30a: {  	_ =	swait.ge [sflag:s21], $0x3000  }
0x30b: {  	[sflag:s21] =	ssyncset.done $0x0  }
0x30c: {  	[sflag:s21] =	ssyncadd.s32 $0xFFFFD000  }
0x30d: {  	v2 =	vld [tilespmem:$0x2C0];
	_ =	sdelay $0x4  }
0x30e: {  	v63 =	vshrl.u32 v2, $0x3  }
0x30f: {  	v63 =	vmul.u32 $0x30, v63  }
0x310: {  	v2 =	vand.u32 $0x7, v2  }
0x311: {  	v2 =	vor.u32 v2, v63  }
0x312: {  	v63 =	vperm.xlane v2, v30;
	_ =	sdelay $0x1  }
0x313: {  	v63 =	vadd.s32 v31, v63;
	_ =	sdelay $0x3  }
0x314: {  	v2 =	vperm.xlane v2, v32  }
0x315: {  	[tilespmem:s17], [sflag:$0x5] =	stream.indirect_vreg.gather [hbm4b:s2+s3], $0x80, v63, vm0, $0xb8;
	[tilespmem:$0x1E480] =	vst v63  }
0x316: {  	s28 =	simm.s32 $0x18C80;
	v2 =	vadd.s32 v31, v2  }
0x317: {  	[tilespmem:s28], [sflag:$0x5] =	stream.indirect_vreg.gather [hbm4b:s5+s3], $0x80, v63, vm0, $0xb8;
	[tilespmem:$0x1E480] =	vst v63  }
0x318: {  	s31 =	simm.s32 $0x19480  }
0x319: {  	[tilespmem:s31], [sflag:$0x5] =	stream.indirect_vreg.gather [hbm4b:s6+s3], $0x80, v63, vm0, $0xb8;
	[tilespmem:$0x1E480] =	vst v63  }
0x31a: {  	s30 =	simm.s32 $0x19C80  }
0x31b: {  	[tilespmem:s30], [sflag:$0x5] =	stream.indirect_vreg.gather [hbm4b:s2+s3], $0x80, v2, vm0, $0xb8;
	[tilespmem:$0x1E480] =	vst v63  }
0x31c: {  	s4 =	simm.s32 $0x1A480  }
0x31d: {  	[tilespmem:s4], [sflag:$0x5] =	stream.indirect_vreg.gather [hbm4b:s5+s3], $0x80, v2, vm0, $0xb8;
	[tilespmem:$0x1E480] =	vst v63  }
0x31e: {  	s26 =	simm.s32 $0x1AC80  }
0x31f: {  	[tilespmem:s26], [sflag:$0x5] =	stream.indirect_vreg.gather [hbm4b:s6+s3], $0x80, v2, vm0, $0xb8;
	[tilespmem:$0x1E480] =	vst v63  }
0x320: {  	v2 =	vld [tilespmem:$0x2D0];
	_ =	sdelay $0x4  }
0x321: {  	v63 =	vshrl.u32 v2, $0x3  }
0x322: {  	v63 =	vmul.u32 $0x30, v63  }
0x323: {  	v2 =	vand.u32 $0x7, v2  }
0x324: {  	v2 =	vor.u32 v2, v63  }
0x325: {  	v63 =	vperm.xlane v2, v30;
	_ =	sdelay $0x1  }
0x326: {  	v63 =	vadd.s32 v31, v63;
	_ =	sdelay $0x3  }
0x327: {  	v2 =	vperm.xlane v2, v32  }
0x328: {  	[tilespmem:s25], [sflag:$0x5] =	stream.indirect_vreg.gather [hbm4b:s2+s3], $0x80, v63, vm0, $0xb8;
	[tilespmem:$0x1E480] =	vst v63  }
0x329: {  	s28 =	simm.s32 $0x1BC80;
	v2 =	vadd.s32 v31, v2  }
0x32a: {  	[tilespmem:s28], [sflag:$0x5] =	stream.indirect_vreg.gather [hbm4b:s5+s3], $0x80, v63, vm0, $0xb8;
	[tilespmem:$0x1E480] =	vst v63  }
0x32b: {  	s30 =	simm.s32 $0x1C480  }
0x32c: {  	[tilespmem:s30], [sflag:$0x5] =	stream.indirect_vreg.gather [hbm4b:s6+s3], $0x80, v63, vm0, $0xb8;
	[tilespmem:$0x1E480] =	vst v63  }
0x32d: {  	s17 =	simm.s32 $0x1CC80  }
0x32e: {  	[tilespmem:s17], [sflag:$0x5] =	stream.indirect_vreg.gather [hbm4b:s2+s3], $0x80, v2, vm0, $0xb8;
	[tilespmem:$0x1E480] =	vst v63  }
0x32f: {  	s28 =	simm.s32 $0x1D480  }
0x330: {  	[tilespmem:s28], [sflag:$0x5] =	stream.indirect_vreg.gather [hbm4b:s5+s3], $0x80, v2, vm0, $0xb8;
	[tilespmem:$0x1E480] =	vst v63  }
0x331: {  	s30 =	simm.s32 $0x1DC80  }
0x332: {  	[tilespmem:s30], [sflag:$0x5] =	stream.indirect_vreg.gather [hbm4b:s6+s3], $0x80, v2, vm0, $0xb8;
	[tilespmem:$0x1E480] =	vst v63  }
0x333: {  	_ =	swait.ge [sflag:s11], $0x6000  }
0x334: {  	[sflag:s11] =	ssyncset.done $0x0  }
0x335: {  	s14 =	simm.s32 $0x480;
	s25 =	rddreg [dreg:$0x18];
	[sflag:s11] =	ssyncadd.s32 $0xFFFFA000  }
0x336: {  	[hbm4b:s25+s3] =	stream.linear.scatter [tilespmem:s14], [sflag:$0x6], $0x3000, $0x38;
	[tilespmem:$0x1E480] =	vst v63  }
0x337: {  	s16 =	simm.s32 $0x3480;
	s26 =	rddreg [dreg:$0x19]  }
0x338: {  	[hbm4b:s26+s3] =	stream.linear.scatter [tilespmem:s16], [sflag:$0x6], $0x3000, $0x38;
	[tilespmem:$0x1E480] =	vst v63  }
0x339: {  	_ =	swait.ge [sflag:s8], $0x3000  }
0x33a: {  	[sflag:s8] =	ssyncset.done $0x0  }
0x33b: {  	[sflag:s8] =	ssyncadd.s32 $0xFFFFD000  }
0x33c: {  	_ =	swait.ge [sflag:s8], $0x3000  }
0x33d: {  	[sflag:s8] =	ssyncset.done $0x0  }
0x33e: {  	[sflag:s8] =	ssyncadd.s32 $0xFFFFD000  }
0x33f: {  	v2 =	vld [tilespmem:$0x2E0];
	_ =	sdelay $0x4  }
0x340: {  	v63 =	vshrl.u32 v2, $0x3  }
0x341: {  	v63 =	vmul.u32 $0x30, v63  }
0x342: {  	v2 =	vand.u32 $0x7, v2  }
0x343: {  	v2 =	vor.u32 v2, v63  }
0x344: {  	v63 =	vperm.xlane v2, v30;
	_ =	sdelay $0x1  }
0x345: {  	v63 =	vadd.s32 v31, v63;
	_ =	sdelay $0x3  }
0x346: {  	v2 =	vperm.xlane v2, v32  }
0x347: {  	[tilespmem:s14], [sflag:$0x1] =	stream.indirect_vreg.gather [hbm4b:s2+s3], $0x80, v63, vm0, $0xb8;
	[tilespmem:$0x1E480] =	vst v63  }
0x348: {  	s25 =	simm.s32 $0xC80;
	v2 =	vadd.s32 v31, v2  }
0x349: {  	[tilespmem:s25], [sflag:$0x1] =	stream.indirect_vreg.gather [hbm4b:s5+s3], $0x80, v63, vm0, $0xb8;
	[tilespmem:$0x1E480] =	vst v63  }
0x34a: {  	s26 =	simm.s32 $0x1480  }
0x34b: {  	[tilespmem:s26], [sflag:$0x1] =	stream.indirect_vreg.gather [hbm4b:s6+s3], $0x80, v63, vm0, $0xb8;
	[tilespmem:$0x1E480] =	vst v63  }
0x34c: {  	s25 =	simm.s32 $0x1C80  }
0x34d: {  	[tilespmem:s25], [sflag:$0x1] =	stream.indirect_vreg.gather [hbm4b:s2+s3], $0x80, v2, vm0, $0xb8;
	[tilespmem:$0x1E480] =	vst v63  }
0x34e: {  	s26 =	simm.s32 $0x2480  }
0x34f: {  	[tilespmem:s26], [sflag:$0x1] =	stream.indirect_vreg.gather [hbm4b:s5+s3], $0x80, v2, vm0, $0xb8;
	[tilespmem:$0x1E480] =	vst v63  }
0x350: {  	_ = 	snop  }
0x351: {  	[tilespmem:s23], [sflag:$0x1] =	stream.indirect_vreg.gather [hbm4b:s6+s3], $0x80, v2, vm0, $0xb8;
	[tilespmem:$0x1E480] =	vst v63  }
0x352: {  	v2 =	vld [tilespmem:$0x2F0];
	_ =	sdelay $0x4  }
0x353: {  	v63 =	vshrl.u32 v2, $0x3  }
0x354: {  	v63 =	vmul.u32 $0x30, v63  }
0x355: {  	v2 =	vand.u32 $0x7, v2  }
0x356: {  	v2 =	vor.u32 v2, v63  }
0x357: {  	v63 =	vperm.xlane v2, v30;
	_ =	sdelay $0x1  }
0x358: {  	v63 =	vadd.s32 v31, v63;
	_ =	sdelay $0x3  }
0x359: {  	v2 =	vperm.xlane v2, v32  }
0x35a: {  	[tilespmem:s16], [sflag:$0x1] =	stream.indirect_vreg.gather [hbm4b:s2+s3], $0x80, v63, vm0, $0xb8;
	[tilespmem:$0x1E480] =	vst v63  }
0x35b: {  	s25 =	simm.s32 $0x3C80;
	v2 =	vadd.s32 v31, v2  }
0x35c: {  	[tilespmem:s25], [sflag:$0x1] =	stream.indirect_vreg.gather [hbm4b:s5+s3], $0x80, v63, vm0, $0xb8;
	[tilespmem:$0x1E480] =	vst v63  }
0x35d: {  	s26 =	simm.s32 $0x4480  }
0x35e: {  	[tilespmem:s26], [sflag:$0x1] =	stream.indirect_vreg.gather [hbm4b:s6+s3], $0x80, v63, vm0, $0xb8;
	[tilespmem:$0x1E480] =	vst v63  }
0x35f: {  	_ = 	snop  }
0x360: {  	[tilespmem:s22], [sflag:$0x1] =	stream.indirect_vreg.gather [hbm4b:s2+s3], $0x80, v2, vm0, $0xb8;
	[tilespmem:$0x1E480] =	vst v63  }
0x361: {  	_ = 	snop  }
0x362: {  	[tilespmem:s29], [sflag:$0x1] =	stream.indirect_vreg.gather [hbm4b:s5+s3], $0x80, v2, vm0, $0xb8;
	[tilespmem:$0x1E480] =	vst v63  }
0x363: {  	s29 =	simm.s32 $0x5C80  }
0x364: {  	[tilespmem:s29], [sflag:$0x1] =	stream.indirect_vreg.gather [hbm4b:s6+s3], $0x80, v2, vm0, $0xb8;
	[tilespmem:$0x1E480] =	vst v63  }
0x365: {  	_ =	swait.ge [sflag:s13], $0x6000  }
0x366: {  	[sflag:s13] =	ssyncset.done $0x0  }
0x367: {  	s23 =	simm.s32 $0x6480;
	s14 =	rddreg [dreg:$0x1a];
	[sflag:s13] =	ssyncadd.s32 $0xFFFFA000  }
0x368: {  	[hbm4b:s14+s3] =	stream.linear.scatter [tilespmem:s23], [sflag:$0x7], $0x3000, $0x38;
	[tilespmem:$0x1E480] =	vst v63  }
0x369: {  	s1 =	simm.s32 $0x9480;
	s16 =	rddreg [dreg:$0x1b]  }
0x36a: {  	[hbm4b:s16+s3] =	stream.linear.scatter [tilespmem:s1], [sflag:$0x7], $0x3000, $0x38;
	[tilespmem:$0x1E480] =	vst v63  }
0x36b: {  	_ =	swait.ge [sflag:s12], $0x3000  }
0x36c: {  	[sflag:s12] =	ssyncset.done $0x0  }
0x36d: {  	[sflag:s12] =	ssyncadd.s32 $0xFFFFD000  }
0x36e: {  	_ =	swait.ge [sflag:s12], $0x3000  }
0x36f: {  	[sflag:s12] =	ssyncset.done $0x0  }
0x370: {  	[sflag:s12] =	ssyncadd.s32 $0xFFFFD000  }
0x371: {  	v2 =	vld [tilespmem:$0x300];
	_ =	sdelay $0x4  }
0x372: {  	v63 =	vshrl.u32 v2, $0x3  }
0x373: {  	v63 =	vmul.u32 $0x30, v63  }
0x374: {  	v2 =	vand.u32 $0x7, v2  }
0x375: {  	v2 =	vor.u32 v2, v63  }
0x376: {  	v63 =	vperm.xlane v2, v30;
	_ =	sdelay $0x1  }
0x377: {  	v63 =	vadd.s32 v31, v63;
	_ =	sdelay $0x3  }
0x378: {  	v2 =	vperm.xlane v2, v32  }
0x379: {  	[tilespmem:s23], [sflag:$0x2] =	stream.indirect_vreg.gather [hbm4b:s2+s3], $0x80, v63, vm0, $0xb8;
	[tilespmem:$0x1E480] =	vst v63  }
0x37a: {  	s26 =	simm.s32 $0x6C80;
	v2 =	vadd.s32 v31, v2  }
0x37b: {  	[tilespmem:s26], [sflag:$0x2] =	stream.indirect_vreg.gather [hbm4b:s5+s3], $0x80, v63, vm0, $0xb8;
	[tilespmem:$0x1E480] =	vst v63  }
0x37c: {  	s14 =	simm.s32 $0x7480  }
0x37d: {  	[tilespmem:s14], [sflag:$0x2] =	stream.indirect_vreg.gather [hbm4b:s6+s3], $0x80, v63, vm0, $0xb8;
	[tilespmem:$0x1E480] =	vst v63  }
0x37e: {  	s16 =	simm.s32 $0x7C80  }
0x37f: {  	[tilespmem:s16], [sflag:$0x2] =	stream.indirect_vreg.gather [hbm4b:s2+s3], $0x80, v2, vm0, $0xb8;
	[tilespmem:$0x1E480] =	vst v63  }
0x380: {  	s23 =	simm.s32 $0x8480  }
0x381: {  	[tilespmem:s23], [sflag:$0x2] =	stream.indirect_vreg.gather [hbm4b:s5+s3], $0x80, v2, vm0, $0xb8;
	[tilespmem:$0x1E480] =	vst v63  }
0x382: {  	s26 =	simm.s32 $0x8C80  }
0x383: {  	[tilespmem:s26], [sflag:$0x2] =	stream.indirect_vreg.gather [hbm4b:s6+s3], $0x80, v2, vm0, $0xb8;
	[tilespmem:$0x1E480] =	vst v63  }
0x384: {  	v2 =	vld [tilespmem:$0x310];
	_ =	sdelay $0x4  }
0x385: {  	v63 =	vshrl.u32 v2, $0x3  }
0x386: {  	v63 =	vmul.u32 $0x30, v63  }
0x387: {  	v2 =	vand.u32 $0x7, v2  }
0x388: {  	v2 =	vor.u32 v2, v63  }
0x389: {  	v63 =	vperm.xlane v2, v30;
	_ =	sdelay $0x1  }
0x38a: {  	v63 =	vadd.s32 v31, v63;
	_ =	sdelay $0x3  }
0x38b: {  	v2 =	vperm.xlane v2, v32  }
0x38c: {  	[tilespmem:s1], [sflag:$0x2] =	stream.indirect_vreg.gather [hbm4b:s2+s3], $0x80, v63, vm0, $0xb8;
	[tilespmem:$0x1E480] =	vst v63  }
0x38d: {  	s14 =	simm.s32 $0x9C80;
	v2 =	vadd.s32 v31, v2  }
0x38e: {  	[tilespmem:s14], [sflag:$0x2] =	stream.indirect_vreg.gather [hbm4b:s5+s3], $0x80, v63, vm0, $0xb8;
	[tilespmem:$0x1E480] =	vst v63  }
0x38f: {  	s16 =	simm.s32 $0xA480  }
0x390: {  	[tilespmem:s16], [sflag:$0x2] =	stream.indirect_vreg.gather [hbm4b:s6+s3], $0x80, v63, vm0, $0xb8;
	[tilespmem:$0x1E480] =	vst v63  }
0x391: {  	s23 =	simm.s32 $0xAC80  }
0x392: {  	[tilespmem:s23], [sflag:$0x2] =	stream.indirect_vreg.gather [hbm4b:s2+s3], $0x80, v2, vm0, $0xb8;
	[tilespmem:$0x1E480] =	vst v63  }
0x393: {  	s25 =	simm.s32 $0xB480  }
0x394: {  	[tilespmem:s25], [sflag:$0x2] =	stream.indirect_vreg.gather [hbm4b:s5+s3], $0x80, v2, vm0, $0xb8;
	[tilespmem:$0x1E480] =	vst v63  }
0x395: {  	s26 =	simm.s32 $0xBC80  }
0x396: {  	[tilespmem:s26], [sflag:$0x2] =	stream.indirect_vreg.gather [hbm4b:s6+s3], $0x80, v2, vm0, $0xb8;
	[tilespmem:$0x1E480] =	vst v63  }
0x397: {  	_ =	swait.ge [sflag:s18], $0x6000  }
0x398: {  	[sflag:s18] =	ssyncset.done $0x0  }
0x399: {  	s23 =	simm.s32 $0xC480;
	s14 =	rddreg [dreg:$0x1c];
	[sflag:s18] =	ssyncadd.s32 $0xFFFFA000  }
0x39a: {  	[hbm4b:s14+s3] =	stream.linear.scatter [tilespmem:s23], [sflag:$0x8], $0x3000, $0x38;
	[tilespmem:$0x1E480] =	vst v63  }
0x39b: {  	s0 =	simm.s32 $0xF480;
	s16 =	rddreg [dreg:$0x1d]  }
0x39c: {  	[hbm4b:s16+s3] =	stream.linear.scatter [tilespmem:s0], [sflag:$0x8], $0x3000, $0x38;
	[tilespmem:$0x1E480] =	vst v63  }
0x39d: {  	_ =	swait.ge [sflag:s15], $0x3000  }
0x39e: {  	[sflag:s15] =	ssyncset.done $0x0  }
0x39f: {  	[sflag:s15] =	ssyncadd.s32 $0xFFFFD000  }
0x3a0: {  	_ =	swait.ge [sflag:s15], $0x3000  }
0x3a1: {  	[sflag:s15] =	ssyncset.done $0x0  }
0x3a2: {  	[sflag:s15] =	ssyncadd.s32 $0xFFFFD000  }
0x3a3: {  	v2 =	vld [tilespmem:$0x320];
	_ =	sdelay $0x4  }
0x3a4: {  	v63 =	vshrl.u32 v2, $0x3  }
0x3a5: {  	v63 =	vmul.u32 $0x30, v63  }
0x3a6: {  	v2 =	vand.u32 $0x7, v2  }
0x3a7: {  	v2 =	vor.u32 v2, v63  }
0x3a8: {  	v63 =	vperm.xlane v2, v30;
	_ =	sdelay $0x1  }
0x3a9: {  	v63 =	vadd.s32 v31, v63;
	_ =	sdelay $0x3  }
0x3aa: {  	v2 =	vperm.xlane v2, v32  }
0x3ab: {  	[tilespmem:s23], [sflag:$0x3] =	stream.indirect_vreg.gather [hbm4b:s2+s3], $0x80, v63, vm0, $0xb8;
	[tilespmem:$0x1E480] =	vst v63  }
0x3ac: {  	s25 =	simm.s32 $0xCC80;
	v2 =	vadd.s32 v31, v2  }
0x3ad: {  	[tilespmem:s25], [sflag:$0x3] =	stream.indirect_vreg.gather [hbm4b:s5+s3], $0x80, v63, vm0, $0xb8;
	[tilespmem:$0x1E480] =	vst v63  }
0x3ae: {  	s26 =	simm.s32 $0xD480  }
0x3af: {  	[tilespmem:s26], [sflag:$0x3] =	stream.indirect_vreg.gather [hbm4b:s6+s3], $0x80, v63, vm0, $0xb8;
	[tilespmem:$0x1E480] =	vst v63  }
0x3b0: {  	s14 =	simm.s32 $0xDC80  }
0x3b1: {  	[tilespmem:s14], [sflag:$0x3] =	stream.indirect_vreg.gather [hbm4b:s2+s3], $0x80, v2, vm0, $0xb8;
	[tilespmem:$0x1E480] =	vst v63  }
0x3b2: {  	s16 =	simm.s32 $0xE480  }
0x3b3: {  	[tilespmem:s16], [sflag:$0x3] =	stream.indirect_vreg.gather [hbm4b:s5+s3], $0x80, v2, vm0, $0xb8;
	[tilespmem:$0x1E480] =	vst v63  }
0x3b4: {  	s25 =	simm.s32 $0xEC80  }
0x3b5: {  	[tilespmem:s25], [sflag:$0x3] =	stream.indirect_vreg.gather [hbm4b:s6+s3], $0x80, v2, vm0, $0xb8;
	[tilespmem:$0x1E480] =	vst v63  }
0x3b6: {  	v2 =	vld [tilespmem:$0x330];
	_ =	sdelay $0x4  }
0x3b7: {  	v63 =	vshrl.u32 v2, $0x3  }
0x3b8: {  	v63 =	vmul.u32 $0x30, v63  }
0x3b9: {  	v2 =	vand.u32 $0x7, v2  }
0x3ba: {  	v2 =	vor.u32 v2, v63  }
0x3bb: {  	v63 =	vperm.xlane v2, v30;
	_ =	sdelay $0x1  }
0x3bc: {  	v63 =	vadd.s32 v31, v63;
	_ =	sdelay $0x3  }
0x3bd: {  	v2 =	vperm.xlane v2, v32  }
0x3be: {  	[tilespmem:s0], [sflag:$0x3] =	stream.indirect_vreg.gather [hbm4b:s2+s3], $0x80, v63, vm0, $0xb8;
	[tilespmem:$0x1E480] =	vst v63  }
0x3bf: {  	s26 =	simm.s32 $0xFC80;
	v2 =	vadd.s32 v31, v2  }
0x3c0: {  	[tilespmem:s26], [sflag:$0x3] =	stream.indirect_vreg.gather [hbm4b:s5+s3], $0x80, v63, vm0, $0xb8;
	[tilespmem:$0x1E480] =	vst v63  }
0x3c1: {  	s1 =	simm.s32 $0x10480  }
0x3c2: {  	[tilespmem:s1], [sflag:$0x3] =	stream.indirect_vreg.gather [hbm4b:s6+s3], $0x80, v63, vm0, $0xb8;
	[tilespmem:$0x1E480] =	vst v63  }
0x3c3: {  	s14 =	simm.s32 $0x10C80  }
0x3c4: {  	[tilespmem:s14], [sflag:$0x3] =	stream.indirect_vreg.gather [hbm4b:s2+s3], $0x80, v2, vm0, $0xb8;
	[tilespmem:$0x1E480] =	vst v63  }
0x3c5: {  	s16 =	simm.s32 $0x11480  }
0x3c6: {  	[tilespmem:s16], [sflag:$0x3] =	stream.indirect_vreg.gather [hbm4b:s5+s3], $0x80, v2, vm0, $0xb8;
	[tilespmem:$0x1E480] =	vst v63  }
0x3c7: {  	s25 =	simm.s32 $0x11C80  }
0x3c8: {  	[tilespmem:s25], [sflag:$0x3] =	stream.indirect_vreg.gather [hbm4b:s6+s3], $0x80, v2, vm0, $0xb8;
	[tilespmem:$0x1E480] =	vst v63  }
0x3c9: {  	_ =	swait.ge [sflag:s20], $0x6000  }
0x3ca: {  	[sflag:s20] =	ssyncset.done $0x0  }
0x3cb: {  	s1 =	simm.s32 $0x12480;
	s26 =	rddreg [dreg:$0x1e];
	[sflag:s20] =	ssyncadd.s32 $0xFFFFA000  }
0x3cc: {  	[hbm4b:s26+s3] =	stream.linear.scatter [tilespmem:s1], [sflag:$0x9], $0x3000, $0x38;
	[tilespmem:$0x1E480] =	vst v63  }
0x3cd: {  	s7 =	simm.s32 $0x15480;
	s0 =	rddreg [dreg:$0x1f]  }
0x3ce: {  	[hbm4b:s0+s3] =	stream.linear.scatter [tilespmem:s7], [sflag:$0x9], $0x3000, $0x38;
	[tilespmem:$0x1E480] =	vst v63  }
0x3cf: {  	_ =	swait.ge [sflag:s19], $0x3000  }
0x3d0: {  	[sflag:s19] =	ssyncset.done $0x0  }
0x3d1: {  	[sflag:s19] =	ssyncadd.s32 $0xFFFFD000  }
0x3d2: {  	_ =	swait.ge [sflag:s19], $0x3000  }
0x3d3: {  	[sflag:s19] =	ssyncset.done $0x0  }
0x3d4: {  	[sflag:s19] =	ssyncadd.s32 $0xFFFFD000  }
0x3d5: {  	v2 =	vld [tilespmem:$0x340];
	_ =	sdelay $0x4  }
0x3d6: {  	v63 =	vshrl.u32 v2, $0x3  }
0x3d7: {  	v63 =	vmul.u32 $0x30, v63  }
0x3d8: {  	v2 =	vand.u32 $0x7, v2  }
0x3d9: {  	v2 =	vor.u32 v2, v63  }
0x3da: {  	v63 =	vperm.xlane v2, v30;
	_ =	sdelay $0x1  }
0x3db: {  	v63 =	vadd.s32 v31, v63;
	_ =	sdelay $0x3  }
0x3dc: {  	v2 =	vperm.xlane v2, v32  }
0x3dd: {  	[tilespmem:s1], [sflag:$0x4] =	stream.indirect_vreg.gather [hbm4b:s2+s3], $0x80, v63, vm0, $0xb8;
	[tilespmem:$0x1E480] =	vst v63  }
0x3de: {  	s14 =	simm.s32 $0x12C80;
	v2 =	vadd.s32 v31, v2  }
0x3df: {  	[tilespmem:s14], [sflag:$0x4] =	stream.indirect_vreg.gather [hbm4b:s5+s3], $0x80, v63, vm0, $0xb8;
	[tilespmem:$0x1E480] =	vst v63  }
0x3e0: {  	s25 =	simm.s32 $0x13480  }
0x3e1: {  	[tilespmem:s25], [sflag:$0x4] =	stream.indirect_vreg.gather [hbm4b:s6+s3], $0x80, v63, vm0, $0xb8;
	[tilespmem:$0x1E480] =	vst v63  }
0x3e2: {  	_ = 	snop  }
0x3e3: {  	[tilespmem:s24], [sflag:$0x4] =	stream.indirect_vreg.gather [hbm4b:s2+s3], $0x80, v2, vm0, $0xb8;
	[tilespmem:$0x1E480] =	vst v63  }
0x3e4: {  	s26 =	simm.s32 $0x14480  }
0x3e5: {  	[tilespmem:s26], [sflag:$0x4] =	stream.indirect_vreg.gather [hbm4b:s5+s3], $0x80, v2, vm0, $0xb8;
	[tilespmem:$0x1E480] =	vst v63  }
0x3e6: {  	s1 =	simm.s32 $0x14C80  }
0x3e7: {  	[tilespmem:s1], [sflag:$0x4] =	stream.indirect_vreg.gather [hbm4b:s6+s3], $0x80, v2, vm0, $0xb8;
	[tilespmem:$0x1E480] =	vst v63  }
0x3e8: {  	v2 =	vld [tilespmem:$0x350];
	_ =	sdelay $0x4  }
0x3e9: {  	v63 =	vshrl.u32 v2, $0x3  }
0x3ea: {  	v63 =	vmul.u32 $0x30, v63  }
0x3eb: {  	v2 =	vand.u32 $0x7, v2  }
0x3ec: {  	v2 =	vor.u32 v2, v63  }
0x3ed: {  	v63 =	vperm.xlane v2, v30;
	_ =	sdelay $0x1  }
0x3ee: {  	v63 =	vadd.s32 v31, v63;
	_ =	sdelay $0x3  }
0x3ef: {  	v2 =	vperm.xlane v2, v32  }
0x3f0: {  	[tilespmem:s7], [sflag:$0x4] =	stream.indirect_vreg.gather [hbm4b:s2+s3], $0x80, v63, vm0, $0xb8;
	[tilespmem:$0x1E480] =	vst v63  }
0x3f1: {  	v2 =	vadd.s32 v31, v2;
	s7 =	simm.s32 $0x15C80  }
0x3f2: {  	[tilespmem:s7], [sflag:$0x4] =	stream.indirect_vreg.gather [hbm4b:s5+s3], $0x80, v63, vm0, $0xb8;
	[tilespmem:$0x1E480] =	vst v63  }
0x3f3: {  	s14 =	simm.s32 $0x16480  }
0x3f4: {  	[tilespmem:s14], [sflag:$0x4] =	stream.indirect_vreg.gather [hbm4b:s6+s3], $0x80, v63, vm0, $0xb8;
	[tilespmem:$0x1E480] =	vst v63  }
0x3f5: {  	s24 =	simm.s32 $0x16C80  }
0x3f6: {  	[tilespmem:s24], [sflag:$0x4] =	stream.indirect_vreg.gather [hbm4b:s2+s3], $0x80, v2, vm0, $0xb8;
	[tilespmem:$0x1E480] =	vst v63  }
0x3f7: {  	s25 =	simm.s32 $0x17480  }
0x3f8: {  	[tilespmem:s25], [sflag:$0x4] =	stream.indirect_vreg.gather [hbm4b:s5+s3], $0x80, v2, vm0, $0xb8;
	[tilespmem:$0x1E480] =	vst v63  }
0x3f9: {  	s26 =	simm.s32 $0x17C80  }
0x3fa: {  	[tilespmem:s26], [sflag:$0x4] =	stream.indirect_vreg.gather [hbm4b:s6+s3], $0x80, v2, vm0, $0xb8;
	[tilespmem:$0x1E480] =	vst v63  }
0x3fb: {  	_ =	swait.ge [sflag:s10], $0x6000  }
0x3fc: {  	s1 =	sld [smem:$0x7E7]  }
0x3fd: {  	[sflag:s10] =	ssyncset.done $0x0  }
0x3fe: {  	s14 =	simm.s32 $0x18480;
	s7 =	sld [smem:$0x7E8];
	[sflag:s10] =	ssyncadd.s32 $0xFFFFA000  }
0x3ff: {  	[hbm4b:s1+s3] =	stream.linear.scatter [tilespmem:s14], [sflag:$0xA], $0x3000, $0x38;
	[tilespmem:$0x1E480] =	vst v63  }
0x400: {  	s4 =	simm.s32 $0x1B480  }
0x401: {  	[hbm4b:s7+s3] =	stream.linear.scatter [tilespmem:s4], [sflag:$0xA], $0x3000, $0x38;
	[tilespmem:$0x1E480] =	vst v63  }
0x402: {  	_ =	swait.ge [sflag:s21], $0x3000  }
0x403: {  	[sflag:s21] =	ssyncset.done $0x0  }
0x404: {  	[sflag:s21] =	ssyncadd.s32 $0xFFFFD000  }
0x405: {  	_ =	swait.ge [sflag:s21], $0x3000  }
0x406: {  	[sflag:s21] =	ssyncset.done $0x0  }
0x407: {  	[sflag:s21] =	ssyncadd.s32 $0xFFFFD000  }
0x408: {  	v2 =	vld [tilespmem:$0x360];
	_ =	sdelay $0x4  }
0x409: {  	v63 =	vshrl.u32 v2, $0x3  }
0x40a: {  	v63 =	vmul.u32 $0x30, v63  }
0x40b: {  	v2 =	vand.u32 $0x7, v2  }
0x40c: {  	v2 =	vor.u32 v2, v63  }
0x40d: {  	v63 =	vperm.xlane v2, v30;
	_ =	sdelay $0x1  }
0x40e: {  	v63 =	vadd.s32 v31, v63;
	_ =	sdelay $0x3  }
0x40f: {  	v2 =	vperm.xlane v2, v32  }
0x410: {  	[tilespmem:s14], [sflag:$0x5] =	stream.indirect_vreg.gather [hbm4b:s2+s3], $0x80, v63, vm0, $0xb8;
	[tilespmem:$0x1E480] =	vst v63  }
0x411: {  	s24 =	simm.s32 $0x18C80;
	v2 =	vadd.s32 v31, v2  }
0x412: {  	[tilespmem:s24], [sflag:$0x5] =	stream.indirect_vreg.gather [hbm4b:s5+s3], $0x80, v63, vm0, $0xb8;
	[tilespmem:$0x1E480] =	vst v63  }
0x413: {  	_ = 	snop  }
0x414: {  	[tilespmem:s31], [sflag:$0x5] =	stream.indirect_vreg.gather [hbm4b:s6+s3], $0x80, v63, vm0, $0xb8;
	[tilespmem:$0x1E480] =	vst v63  }
0x415: {  	s25 =	simm.s32 $0x19C80  }
0x416: {  	[tilespmem:s25], [sflag:$0x5] =	stream.indirect_vreg.gather [hbm4b:s2+s3], $0x80, v2, vm0, $0xb8;
	[tilespmem:$0x1E480] =	vst v63  }
0x417: {  	s26 =	simm.s32 $0x1A480  }
0x418: {  	[tilespmem:s26], [sflag:$0x5] =	stream.indirect_vreg.gather [hbm4b:s5+s3], $0x80, v2, vm0, $0xb8;
	[tilespmem:$0x1E480] =	vst v63  }
0x419: {  	s14 =	simm.s32 $0x1AC80  }
0x41a: {  	[tilespmem:s14], [sflag:$0x5] =	stream.indirect_vreg.gather [hbm4b:s6+s3], $0x80, v2, vm0, $0xb8;
	[tilespmem:$0x1E480] =	vst v63  }
0x41b: {  	v2 =	vld [tilespmem:$0x370];
	_ =	sdelay $0x4  }
0x41c: {  	v63 =	vshrl.u32 v2, $0x3  }
0x41d: {  	v63 =	vmul.u32 $0x30, v63  }
0x41e: {  	v2 =	vand.u32 $0x7, v2  }
0x41f: {  	v2 =	vor.u32 v2, v63  }
0x420: {  	v63 =	vperm.xlane v2, v30;
	_ =	sdelay $0x1  }
0x421: {  	v63 =	vadd.s32 v31, v63;
	_ =	sdelay $0x3  }
0x422: {  	v2 =	vperm.xlane v2, v32  }
0x423: {  	[tilespmem:s4], [sflag:$0x5] =	stream.indirect_vreg.gather [hbm4b:s2+s3], $0x80, v63, vm0, $0xb8;
	[tilespmem:$0x1E480] =	vst v63  }
0x424: {  	s31 =	simm.s32 $0x1BC80;
	v2 =	vadd.s32 v31, v2  }
0x425: {  	[tilespmem:s31], [sflag:$0x5] =	stream.indirect_vreg.gather [hbm4b:s5+s3], $0x80, v63, vm0, $0xb8;
	[tilespmem:$0x1E480] =	vst v63  }
0x426: {  	s1 =	simm.s32 $0x1C480  }
0x427: {  	[tilespmem:s1], [sflag:$0x5] =	stream.indirect_vreg.gather [hbm4b:s6+s3], $0x80, v63, vm0, $0xb8;
	[tilespmem:$0x1E480] =	vst v63  }
0x428: {  	_ = 	snop  }
0x429: {  	[tilespmem:s17], [sflag:$0x5] =	stream.indirect_vreg.gather [hbm4b:s2+s3], $0x80, v2, vm0, $0xb8;
	[tilespmem:$0x1E480] =	vst v63  }
0x42a: {  	_ = 	snop  }
0x42b: {  	[tilespmem:s28], [sflag:$0x5] =	stream.indirect_vreg.gather [hbm4b:s5+s3], $0x80, v2, vm0, $0xb8;
	[tilespmem:$0x1E480] =	vst v63  }
0x42c: {  	_ = 	snop  }
0x42d: {  	[tilespmem:s30], [sflag:$0x5] =	stream.indirect_vreg.gather [hbm4b:s6+s3], $0x80, v2, vm0, $0xb8;
	[tilespmem:$0x1E480] =	vst v63  }
0x42e: {  	_ =	swait.ge [sflag:s11], $0x6000  }
0x42f: {  	s4 =	sld [smem:$0x7E9]  }
0x430: {  	[sflag:s11] =	ssyncset.done $0x0  }
0x431: {  	s31 =	simm.s32 $0x480;
	s17 =	sld [smem:$0x7EA];
	[sflag:s11] =	ssyncadd.s32 $0xFFFFA000  }
0x432: {  	[hbm4b:s4+s3] =	stream.linear.scatter [tilespmem:s31], [sflag:$0x6], $0x3000, $0x38;
	[tilespmem:$0x1E480] =	vst v63  }
0x433: {  	s0 =	simm.s32 $0x3480  }
0x434: {  	[hbm4b:s17+s3] =	stream.linear.scatter [tilespmem:s0], [sflag:$0x6], $0x3000, $0x38;
	[tilespmem:$0x1E480] =	vst v63  }
0x435: {  	_ =	swait.ge [sflag:s8], $0x3000  }
0x436: {  	[sflag:s8] =	ssyncset.done $0x0  }
0x437: {  	[sflag:s8] =	ssyncadd.s32 $0xFFFFD000  }
0x438: {  	_ =	swait.ge [sflag:s8], $0x3000  }
0x439: {  	[sflag:s8] =	ssyncset.done $0x0  }
0x43a: {  	[sflag:s8] =	ssyncadd.s32 $0xFFFFD000  }
0x43b: {  	v2 =	vld [tilespmem:$0x380];
	_ =	sdelay $0x4  }
0x43c: {  	v63 =	vshrl.u32 v2, $0x3  }
0x43d: {  	v63 =	vmul.u32 $0x30, v63  }
0x43e: {  	v2 =	vand.u32 $0x7, v2  }
0x43f: {  	v2 =	vor.u32 v2, v63  }
0x440: {  	v63 =	vperm.xlane v2, v30;
	_ =	sdelay $0x1  }
0x441: {  	v63 =	vadd.s32 v31, v63;
	_ =	sdelay $0x3  }
0x442: {  	v2 =	vperm.xlane v2, v32  }
0x443: {  	[tilespmem:s31], [sflag:$0x1] =	stream.indirect_vreg.gather [hbm4b:s2+s3], $0x80, v63, vm0, $0xb8;
	[tilespmem:$0x1E480] =	vst v63  }
0x444: {  	s4 =	simm.s32 $0xC80;
	v2 =	vadd.s32 v31, v2  }
0x445: {  	[tilespmem:s4], [sflag:$0x1] =	stream.indirect_vreg.gather [hbm4b:s5+s3], $0x80, v63, vm0, $0xb8;
	[tilespmem:$0x1E480] =	vst v63  }
0x446: {  	s17 =	simm.s32 $0x1480  }
0x447: {  	[tilespmem:s17], [sflag:$0x1] =	stream.indirect_vreg.gather [hbm4b:s6+s3], $0x80, v63, vm0, $0xb8;
	[tilespmem:$0x1E480] =	vst v63  }
0x448: {  	s25 =	simm.s32 $0x1C80  }
0x449: {  	[tilespmem:s25], [sflag:$0x1] =	stream.indirect_vreg.gather [hbm4b:s2+s3], $0x80, v2, vm0, $0xb8;
	[tilespmem:$0x1E480] =	vst v63  }
0x44a: {  	s26 =	simm.s32 $0x2480  }
0x44b: {  	[tilespmem:s26], [sflag:$0x1] =	stream.indirect_vreg.gather [hbm4b:s5+s3], $0x80, v2, vm0, $0xb8;
	[tilespmem:$0x1E480] =	vst v63  }
0x44c: {  	s4 =	simm.s32 $0x2C80  }
0x44d: {  	[tilespmem:s4], [sflag:$0x1] =	stream.indirect_vreg.gather [hbm4b:s6+s3], $0x80, v2, vm0, $0xb8;
	[tilespmem:$0x1E480] =	vst v63  }
0x44e: {  	v2 =	vld [tilespmem:$0x390];
	_ =	sdelay $0x4  }
0x44f: {  	v63 =	vshrl.u32 v2, $0x3  }
0x450: {  	v63 =	vmul.u32 $0x30, v63  }
0x451: {  	v2 =	vand.u32 $0x7, v2  }
0x452: {  	v2 =	vor.u32 v2, v63  }
0x453: {  	v63 =	vperm.xlane v2, v30;
	_ =	sdelay $0x1  }
0x454: {  	v63 =	vadd.s32 v31, v63;
	_ =	sdelay $0x3  }
0x455: {  	v2 =	vperm.xlane v2, v32  }
0x456: {  	[tilespmem:s0], [sflag:$0x1] =	stream.indirect_vreg.gather [hbm4b:s2+s3], $0x80, v63, vm0, $0xb8;
	[tilespmem:$0x1E480] =	vst v63  }
0x457: {  	s17 =	simm.s32 $0x3C80;
	v2 =	vadd.s32 v31, v2  }
0x458: {  	[tilespmem:s17], [sflag:$0x1] =	stream.indirect_vreg.gather [hbm4b:s5+s3], $0x80, v63, vm0, $0xb8;
	[tilespmem:$0x1E480] =	vst v63  }
0x459: {  	s25 =	simm.s32 $0x4480  }
0x45a: {  	[tilespmem:s25], [sflag:$0x1] =	stream.indirect_vreg.gather [hbm4b:s6+s3], $0x80, v63, vm0, $0xb8;
	[tilespmem:$0x1E480] =	vst v63  }
0x45b: {  	s22 =	simm.s32 $0x4C80  }
0x45c: {  	[tilespmem:s22], [sflag:$0x1] =	stream.indirect_vreg.gather [hbm4b:s2+s3], $0x80, v2, vm0, $0xb8;
	[tilespmem:$0x1E480] =	vst v63  }
0x45d: {  	s26 =	simm.s32 $0x5480  }
0x45e: {  	[tilespmem:s26], [sflag:$0x1] =	stream.indirect_vreg.gather [hbm4b:s5+s3], $0x80, v2, vm0, $0xb8;
	[tilespmem:$0x1E480] =	vst v63  }
0x45f: {  	s4 =	simm.s32 $0x5C80  }
0x460: {  	[tilespmem:s4], [sflag:$0x1] =	stream.indirect_vreg.gather [hbm4b:s6+s3], $0x80, v2, vm0, $0xb8;
	[tilespmem:$0x1E480] =	vst v63  }
0x461: {  	_ =	swait.ge [sflag:s13], $0x6000  }
0x462: {  	s17 =	sld [smem:$0x7EB]  }
0x463: {  	[sflag:s13] =	ssyncset.done $0x0  }
0x464: {  	s29 =	simm.s32 $0x6480;
	s22 =	sld [smem:$0x7EC];
	[sflag:s13] =	ssyncadd.s32 $0xFFFFA000  }
0x465: {  	[hbm4b:s17+s3] =	stream.linear.scatter [tilespmem:s29], [sflag:$0x7], $0x3000, $0x38;
	[tilespmem:$0x1E480] =	vst v63  }
0x466: {  	s0 =	simm.s32 $0x9480  }
0x467: {  	[hbm4b:s22+s3] =	stream.linear.scatter [tilespmem:s0], [sflag:$0x7], $0x3000, $0x38;
	[tilespmem:$0x1E480] =	vst v63  }
0x468: {  	_ =	swait.ge [sflag:s12], $0x3000  }
0x469: {  	[sflag:s12] =	ssyncset.done $0x0  }
0x46a: {  	[sflag:s12] =	ssyncadd.s32 $0xFFFFD000  }
0x46b: {  	_ =	swait.ge [sflag:s12], $0x3000  }
0x46c: {  	[sflag:s12] =	ssyncset.done $0x0  }
0x46d: {  	[sflag:s12] =	ssyncadd.s32 $0xFFFFD000  }
0x46e: {  	v2 =	vld [tilespmem:$0x3A0];
	_ =	sdelay $0x4  }
0x46f: {  	v63 =	vshrl.u32 v2, $0x3  }
0x470: {  	v63 =	vmul.u32 $0x30, v63  }
0x471: {  	v2 =	vand.u32 $0x7, v2  }
0x472: {  	v2 =	vor.u32 v2, v63  }
0x473: {  	v63 =	vperm.xlane v2, v30;
	_ =	sdelay $0x1  }
0x474: {  	v63 =	vadd.s32 v31, v63;
	_ =	sdelay $0x3  }
0x475: {  	v2 =	vperm.xlane v2, v32  }
0x476: {  	[tilespmem:s29], [sflag:$0x2] =	stream.indirect_vreg.gather [hbm4b:s2+s3], $0x80, v63, vm0, $0xb8;
	[tilespmem:$0x1E480] =	vst v63  }
0x477: {  	s25 =	simm.s32 $0x6C80;
	v2 =	vadd.s32 v31, v2  }
0x478: {  	[tilespmem:s25], [sflag:$0x2] =	stream.indirect_vreg.gather [hbm4b:s5+s3], $0x80, v63, vm0, $0xb8;
	[tilespmem:$0x1E480] =	vst v63  }
0x479: {  	s26 =	simm.s32 $0x7480  }
0x47a: {  	[tilespmem:s26], [sflag:$0x2] =	stream.indirect_vreg.gather [hbm4b:s6+s3], $0x80, v63, vm0, $0xb8;
	[tilespmem:$0x1E480] =	vst v63  }
0x47b: {  	s17 =	simm.s32 $0x7C80  }
0x47c: {  	[tilespmem:s17], [sflag:$0x2] =	stream.indirect_vreg.gather [hbm4b:s2+s3], $0x80, v2, vm0, $0xb8;
	[tilespmem:$0x1E480] =	vst v63  }
0x47d: {  	s22 =	simm.s32 $0x8480  }
0x47e: {  	[tilespmem:s22], [sflag:$0x2] =	stream.indirect_vreg.gather [hbm4b:s5+s3], $0x80, v2, vm0, $0xb8;
	[tilespmem:$0x1E480] =	vst v63  }
0x47f: {  	s25 =	simm.s32 $0x8C80  }
0x480: {  	[tilespmem:s25], [sflag:$0x2] =	stream.indirect_vreg.gather [hbm4b:s6+s3], $0x80, v2, vm0, $0xb8;
	[tilespmem:$0x1E480] =	vst v63  }
0x481: {  	v2 =	vld [tilespmem:$0x3B0];
	_ =	sdelay $0x4  }
0x482: {  	v63 =	vshrl.u32 v2, $0x3  }
0x483: {  	v63 =	vmul.u32 $0x30, v63  }
0x484: {  	v2 =	vand.u32 $0x7, v2  }
0x485: {  	v2 =	vor.u32 v2, v63  }
0x486: {  	v63 =	vperm.xlane v2, v30;
	_ =	sdelay $0x1  }
0x487: {  	v63 =	vadd.s32 v31, v63;
	_ =	sdelay $0x3  }
0x488: {  	v2 =	vperm.xlane v2, v32  }
0x489: {  	[tilespmem:s0], [sflag:$0x2] =	stream.indirect_vreg.gather [hbm4b:s2+s3], $0x80, v63, vm0, $0xb8;
	[tilespmem:$0x1E480] =	vst v63  }
0x48a: {  	s26 =	simm.s32 $0x9C80;
	v2 =	vadd.s32 v31, v2  }
0x48b: {  	[tilespmem:s26], [sflag:$0x2] =	stream.indirect_vreg.gather [hbm4b:s5+s3], $0x80, v63, vm0, $0xb8;
	[tilespmem:$0x1E480] =	vst v63  }
0x48c: {  	s17 =	simm.s32 $0xA480  }
0x48d: {  	[tilespmem:s17], [sflag:$0x2] =	stream.indirect_vreg.gather [hbm4b:s6+s3], $0x80, v63, vm0, $0xb8;
	[tilespmem:$0x1E480] =	vst v63  }
0x48e: {  	s22 =	simm.s32 $0xAC80  }
0x48f: {  	[tilespmem:s22], [sflag:$0x2] =	stream.indirect_vreg.gather [hbm4b:s2+s3], $0x80, v2, vm0, $0xb8;
	[tilespmem:$0x1E480] =	vst v63  }
0x490: {  	s25 =	simm.s32 $0xB480  }
0x491: {  	[tilespmem:s25], [sflag:$0x2] =	stream.indirect_vreg.gather [hbm4b:s5+s3], $0x80, v2, vm0, $0xb8;
	[tilespmem:$0x1E480] =	vst v63  }
0x492: {  	s26 =	simm.s32 $0xBC80  }
0x493: {  	[tilespmem:s26], [sflag:$0x2] =	stream.indirect_vreg.gather [hbm4b:s6+s3], $0x80, v2, vm0, $0xb8;
	[tilespmem:$0x1E480] =	vst v63  }
0x494: {  	_ =	swait.ge [sflag:s18], $0x6000  }
0x495: {  	s17 =	sld [smem:$0x7ED]  }
0x496: {  	[sflag:s18] =	ssyncset.done $0x0  }
0x497: {  	s23 =	simm.s32 $0xC480;
	s22 =	sld [smem:$0x7EE];
	[sflag:s18] =	ssyncadd.s32 $0xFFFFA000  }
0x498: {  	[hbm4b:s17+s3] =	stream.linear.scatter [tilespmem:s23], [sflag:$0x8], $0x3000, $0x38;
	[tilespmem:$0x1E480] =	vst v63  }
0x499: {  	s17 =	simm.s32 $0xF480  }
0x49a: {  	[hbm4b:s22+s3] =	stream.linear.scatter [tilespmem:s17], [sflag:$0x8], $0x3000, $0x38;
	[tilespmem:$0x1E480] =	vst v63  }
0x49b: {  	_ =	swait.ge [sflag:s15], $0x3000  }
0x49c: {  	[sflag:s15] =	ssyncset.done $0x0  }
0x49d: {  	[sflag:s15] =	ssyncadd.s32 $0xFFFFD000  }
0x49e: {  	_ =	swait.ge [sflag:s15], $0x3000  }
0x49f: {  	[sflag:s15] =	ssyncset.done $0x0  }
0x4a0: {  	[sflag:s15] =	ssyncadd.s32 $0xFFFFD000  }
0x4a1: {  	v2 =	vld [tilespmem:$0x3C0];
	_ =	sdelay $0x4  }
0x4a2: {  	v63 =	vshrl.u32 v2, $0x3  }
0x4a3: {  	v63 =	vmul.u32 $0x30, v63  }
0x4a4: {  	v2 =	vand.u32 $0x7, v2  }
0x4a5: {  	v2 =	vor.u32 v2, v63  }
0x4a6: {  	v63 =	vperm.xlane v2, v30;
	_ =	sdelay $0x1  }
0x4a7: {  	v63 =	vadd.s32 v31, v63;
	_ =	sdelay $0x3  }
0x4a8: {  	v2 =	vperm.xlane v2, v32  }
0x4a9: {  	[tilespmem:s23], [sflag:$0x3] =	stream.indirect_vreg.gather [hbm4b:s2+s3], $0x80, v63, vm0, $0xb8;
	[tilespmem:$0x1E480] =	vst v63  }
0x4aa: {  	s25 =	simm.s32 $0xCC80;
	v2 =	vadd.s32 v31, v2  }
0x4ab: {  	[tilespmem:s25], [sflag:$0x3] =	stream.indirect_vreg.gather [hbm4b:s5+s3], $0x80, v63, vm0, $0xb8;
	[tilespmem:$0x1E480] =	vst v63  }
0x4ac: {  	s26 =	simm.s32 $0xD480  }
0x4ad: {  	[tilespmem:s26], [sflag:$0x3] =	stream.indirect_vreg.gather [hbm4b:s6+s3], $0x80, v63, vm0, $0xb8;
	[tilespmem:$0x1E480] =	vst v63  }
0x4ae: {  	s22 =	simm.s32 $0xDC80  }
0x4af: {  	[tilespmem:s22], [sflag:$0x3] =	stream.indirect_vreg.gather [hbm4b:s2+s3], $0x80, v2, vm0, $0xb8;
	[tilespmem:$0x1E480] =	vst v63  }
0x4b0: {  	s25 =	simm.s32 $0xE480  }
0x4b1: {  	[tilespmem:s25], [sflag:$0x3] =	stream.indirect_vreg.gather [hbm4b:s5+s3], $0x80, v2, vm0, $0xb8;
	[tilespmem:$0x1E480] =	vst v63  }
0x4b2: {  	s26 =	simm.s32 $0xEC80  }
0x4b3: {  	[tilespmem:s26], [sflag:$0x3] =	stream.indirect_vreg.gather [hbm4b:s6+s3], $0x80, v2, vm0, $0xb8;
	[tilespmem:$0x1E480] =	vst v63  }
0x4b4: {  	v2 =	vld [tilespmem:$0x3D0];
	_ =	sdelay $0x4  }
0x4b5: {  	v63 =	vshrl.u32 v2, $0x3  }
0x4b6: {  	v63 =	vmul.u32 $0x30, v63  }
0x4b7: {  	v2 =	vand.u32 $0x7, v2  }
0x4b8: {  	v2 =	vor.u32 v2, v63  }
0x4b9: {  	v63 =	vperm.xlane v2, v30;
	_ =	sdelay $0x1  }
0x4ba: {  	v63 =	vadd.s32 v31, v63;
	_ =	sdelay $0x3  }
0x4bb: {  	v2 =	vperm.xlane v2, v32  }
0x4bc: {  	[tilespmem:s17], [sflag:$0x3] =	stream.indirect_vreg.gather [hbm4b:s2+s3], $0x80, v63, vm0, $0xb8;
	[tilespmem:$0x1E480] =	vst v63  }
0x4bd: {  	s22 =	simm.s32 $0xFC80;
	v2 =	vadd.s32 v31, v2  }
0x4be: {  	[tilespmem:s22], [sflag:$0x3] =	stream.indirect_vreg.gather [hbm4b:s5+s3], $0x80, v63, vm0, $0xb8;
	[tilespmem:$0x1E480] =	vst v63  }
0x4bf: {  	s25 =	simm.s32 $0x10480  }
0x4c0: {  	[tilespmem:s25], [sflag:$0x3] =	stream.indirect_vreg.gather [hbm4b:s6+s3], $0x80, v63, vm0, $0xb8;
	[tilespmem:$0x1E480] =	vst v63  }
0x4c1: {  	s26 =	simm.s32 $0x10C80  }
0x4c2: {  	[tilespmem:s26], [sflag:$0x3] =	stream.indirect_vreg.gather [hbm4b:s2+s3], $0x80, v2, vm0, $0xb8;
	[tilespmem:$0x1E480] =	vst v63  }
0x4c3: {  	s22 =	simm.s32 $0x11480  }
0x4c4: {  	[tilespmem:s22], [sflag:$0x3] =	stream.indirect_vreg.gather [hbm4b:s5+s3], $0x80, v2, vm0, $0xb8;
	[tilespmem:$0x1E480] =	vst v63  }
0x4c5: {  	s25 =	simm.s32 $0x11C80  }
0x4c6: {  	[tilespmem:s25], [sflag:$0x3] =	stream.indirect_vreg.gather [hbm4b:s6+s3], $0x80, v2, vm0, $0xb8;
	[tilespmem:$0x1E480] =	vst v63  }
0x4c7: {  	_ =	swait.ge [sflag:s20], $0x6000  }
0x4c8: {  	s26 =	sld [smem:$0x7EF]  }
0x4c9: {  	[sflag:s20] =	ssyncset.done $0x0  }
0x4ca: {  	s16 =	simm.s32 $0x12480;
	s4 =	sld [smem:$0x7F0];
	[sflag:s20] =	ssyncadd.s32 $0xFFFFA000  }
0x4cb: {  	[hbm4b:s26+s3] =	stream.linear.scatter [tilespmem:s16], [sflag:$0x9], $0x3000, $0x38;
	[tilespmem:$0x1E480] =	vst v63  }
0x4cc: {  	s22 =	simm.s32 $0x15480  }
0x4cd: {  	[hbm4b:s4+s3] =	stream.linear.scatter [tilespmem:s22], [sflag:$0x9], $0x3000, $0x38;
	[tilespmem:$0x1E480] =	vst v63  }
0x4ce: {  	_ =	swait.ge [sflag:s19], $0x3000  }
0x4cf: {  	[sflag:s19] =	ssyncset.done $0x0  }
0x4d0: {  	[sflag:s19] =	ssyncadd.s32 $0xFFFFD000  }
0x4d1: {  	_ =	swait.ge [sflag:s19], $0x3000  }
0x4d2: {  	[sflag:s19] =	ssyncset.done $0x0  }
0x4d3: {  	[sflag:s19] =	ssyncadd.s32 $0xFFFFD000  }
0x4d4: {  	v2 =	vld [tilespmem:$0x3E0];
	_ =	sdelay $0x4  }
0x4d5: {  	v63 =	vshrl.u32 v2, $0x3  }
0x4d6: {  	v63 =	vmul.u32 $0x30, v63  }
0x4d7: {  	v2 =	vand.u32 $0x7, v2  }
0x4d8: {  	v2 =	vor.u32 v2, v63  }
0x4d9: {  	v63 =	vperm.xlane v2, v30;
	_ =	sdelay $0x1  }
0x4da: {  	v63 =	vadd.s32 v31, v63;
	_ =	sdelay $0x3  }
0x4db: {  	v2 =	vperm.xlane v2, v32  }
0x4dc: {  	[tilespmem:s16], [sflag:$0x4] =	stream.indirect_vreg.gather [hbm4b:s2+s3], $0x80, v63, vm0, $0xb8;
	[tilespmem:$0x1E480] =	vst v63  }
0x4dd: {  	s26 =	simm.s32 $0x12C80;
	v2 =	vadd.s32 v31, v2  }
0x4de: {  	[tilespmem:s26], [sflag:$0x4] =	stream.indirect_vreg.gather [hbm4b:s5+s3], $0x80, v63, vm0, $0xb8;
	[tilespmem:$0x1E480] =	vst v63  }
0x4df: {  	s25 =	simm.s32 $0x13480  }
0x4e0: {  	[tilespmem:s25], [sflag:$0x4] =	stream.indirect_vreg.gather [hbm4b:s6+s3], $0x80, v63, vm0, $0xb8;
	[tilespmem:$0x1E480] =	vst v63  }
0x4e1: {  	s26 =	simm.s32 $0x13C80  }
0x4e2: {  	[tilespmem:s26], [sflag:$0x4] =	stream.indirect_vreg.gather [hbm4b:s2+s3], $0x80, v2, vm0, $0xb8;
	[tilespmem:$0x1E480] =	vst v63  }
0x4e3: {  	s25 =	simm.s32 $0x14480  }
0x4e4: {  	[tilespmem:s25], [sflag:$0x4] =	stream.indirect_vreg.gather [hbm4b:s5+s3], $0x80, v2, vm0, $0xb8;
	[tilespmem:$0x1E480] =	vst v63  }
0x4e5: {  	s26 =	simm.s32 $0x14C80  }
0x4e6: {  	[tilespmem:s26], [sflag:$0x4] =	stream.indirect_vreg.gather [hbm4b:s6+s3], $0x80, v2, vm0, $0xb8;
	[tilespmem:$0x1E480] =	vst v63  }
0x4e7: {  	v2 =	vld [tilespmem:$0x3F0];
	_ =	sdelay $0x4  }
0x4e8: {  	v63 =	vshrl.u32 v2, $0x3  }
0x4e9: {  	v63 =	vmul.u32 $0x30, v63  }
0x4ea: {  	v2 =	vand.u32 $0x7, v2  }
0x4eb: {  	v2 =	vor.u32 v2, v63  }
0x4ec: {  	v63 =	vperm.xlane v2, v30;
	_ =	sdelay $0x1  }
0x4ed: {  	v63 =	vadd.s32 v31, v63;
	_ =	sdelay $0x3  }
0x4ee: {  	v2 =	vperm.xlane v2, v32  }
0x4ef: {  	[tilespmem:s22], [sflag:$0x4] =	stream.indirect_vreg.gather [hbm4b:s2+s3], $0x80, v63, vm0, $0xb8;
	[tilespmem:$0x1E480] =	vst v63  }
0x4f0: {  	s25 =	simm.s32 $0x15C80;
	v2 =	vadd.s32 v31, v2  }
0x4f1: {  	[tilespmem:s25], [sflag:$0x4] =	stream.indirect_vreg.gather [hbm4b:s5+s3], $0x80, v63, vm0, $0xb8;
	[tilespmem:$0x1E480] =	vst v63  }
0x4f2: {  	s26 =	simm.s32 $0x16480  }
0x4f3: {  	[tilespmem:s26], [sflag:$0x4] =	stream.indirect_vreg.gather [hbm4b:s6+s3], $0x80, v63, vm0, $0xb8;
	[tilespmem:$0x1E480] =	vst v63  }
0x4f4: {  	s25 =	simm.s32 $0x16C80  }
0x4f5: {  	[tilespmem:s25], [sflag:$0x4] =	stream.indirect_vreg.gather [hbm4b:s2+s3], $0x80, v2, vm0, $0xb8;
	[tilespmem:$0x1E480] =	vst v63  }
0x4f6: {  	s26 =	simm.s32 $0x17480  }
0x4f7: {  	[tilespmem:s26], [sflag:$0x4] =	stream.indirect_vreg.gather [hbm4b:s5+s3], $0x80, v2, vm0, $0xb8;
	[tilespmem:$0x1E480] =	vst v63  }
0x4f8: {  	s25 =	simm.s32 $0x17C80  }
0x4f9: {  	[tilespmem:s25], [sflag:$0x4] =	stream.indirect_vreg.gather [hbm4b:s6+s3], $0x80, v2, vm0, $0xb8;
	[tilespmem:$0x1E480] =	vst v63  }
0x4fa: {  	_ =	swait.ge [sflag:s10], $0x6000  }
0x4fb: {  	s26 =	sld [smem:$0x7F1]  }
0x4fc: {  	[sflag:s10] =	ssyncset.done $0x0  }
0x4fd: {  	s7 =	simm.s32 $0x18480;
	s4 =	sld [smem:$0x7F2];
	[sflag:s10] =	ssyncadd.s32 $0xFFFFA000  }
0x4fe: {  	[hbm4b:s26+s3] =	stream.linear.scatter [tilespmem:s7], [sflag:$0xA], $0x3000, $0x38;
	[tilespmem:$0x1E480] =	vst v63  }
0x4ff: {  	s25 =	simm.s32 $0x1B480  }
0x500: {  	[hbm4b:s4+s3] =	stream.linear.scatter [tilespmem:s25], [sflag:$0xA], $0x3000, $0x38;
	[tilespmem:$0x1E480] =	vst v63  }
0x501: {  	_ =	swait.ge [sflag:s21], $0x3000  }
0x502: {  	[sflag:s21] =	ssyncset.done $0x0  }
0x503: {  	[sflag:s21] =	ssyncadd.s32 $0xFFFFD000  }
0x504: {  	_ =	swait.ge [sflag:s21], $0x3000  }
0x505: {  	[sflag:s21] =	ssyncset.done $0x0  }
0x506: {  	[sflag:s21] =	ssyncadd.s32 $0xFFFFD000  }
0x507: {  	v2 =	vld [tilespmem:$0x400];
	_ =	sdelay $0x4  }
0x508: {  	v63 =	vshrl.u32 v2, $0x3  }
0x509: {  	v63 =	vmul.u32 $0x30, v63  }
0x50a: {  	v2 =	vand.u32 $0x7, v2  }
0x50b: {  	v2 =	vor.u32 v2, v63  }
0x50c: {  	v63 =	vperm.xlane v2, v30;
	_ =	sdelay $0x1  }
0x50d: {  	v63 =	vadd.s32 v31, v63;
	_ =	sdelay $0x3  }
0x50e: {  	v2 =	vperm.xlane v2, v32  }
0x50f: {  	[tilespmem:s7], [sflag:$0x5] =	stream.indirect_vreg.gather [hbm4b:s2+s3], $0x80, v63, vm0, $0xb8;
	[tilespmem:$0x1E480] =	vst v63  }
0x510: {  	s26 =	simm.s32 $0x18C80;
	v2 =	vadd.s32 v31, v2  }
0x511: {  	[tilespmem:s26], [sflag:$0x5] =	stream.indirect_vreg.gather [hbm4b:s5+s3], $0x80, v63, vm0, $0xb8;
	[tilespmem:$0x1E480] =	vst v63  }
0x512: {  	s26 =	simm.s32 $0x19480  }
0x513: {  	[tilespmem:s26], [sflag:$0x5] =	stream.indirect_vreg.gather [hbm4b:s6+s3], $0x80, v63, vm0, $0xb8;
	[tilespmem:$0x1E480] =	vst v63  }
0x514: {  	s26 =	simm.s32 $0x19C80  }
0x515: {  	[tilespmem:s26], [sflag:$0x5] =	stream.indirect_vreg.gather [hbm4b:s2+s3], $0x80, v2, vm0, $0xb8;
	[tilespmem:$0x1E480] =	vst v63  }
0x516: {  	s24 =	simm.s32 $0x1A480  }
0x517: {  	[tilespmem:s24], [sflag:$0x5] =	stream.indirect_vreg.gather [hbm4b:s5+s3], $0x80, v2, vm0, $0xb8;
	[tilespmem:$0x1E480] =	vst v63  }
0x518: {  	_ = 	snop  }
0x519: {  	[tilespmem:s14], [sflag:$0x5] =	stream.indirect_vreg.gather [hbm4b:s6+s3], $0x80, v2, vm0, $0xb8;
	[tilespmem:$0x1E480] =	vst v63  }
0x51a: {  	v2 =	vld [tilespmem:$0x410];
	_ =	sdelay $0x4  }
0x51b: {  	v63 =	vshrl.u32 v2, $0x3  }
0x51c: {  	v63 =	vmul.u32 $0x30, v63  }
0x51d: {  	v2 =	vand.u32 $0x7, v2  }
0x51e: {  	v2 =	vor.u32 v2, v63  }
0x51f: {  	v63 =	vperm.xlane v2, v30;
	_ =	sdelay $0x1  }
0x520: {  	v63 =	vadd.s32 v31, v63;
	_ =	sdelay $0x3  }
0x521: {  	v2 =	vperm.xlane v2, v32  }
0x522: {  	[tilespmem:s25], [sflag:$0x5] =	stream.indirect_vreg.gather [hbm4b:s2+s3], $0x80, v63, vm0, $0xb8;
	[tilespmem:$0x1E480] =	vst v63  }
0x523: {  	s24 =	simm.s32 $0x1BC80;
	v2 =	vadd.s32 v31, v2  }
0x524: {  	[tilespmem:s24], [sflag:$0x5] =	stream.indirect_vreg.gather [hbm4b:s5+s3], $0x80, v63, vm0, $0xb8;
	[tilespmem:$0x1E480] =	vst v63  }
0x525: {  	s25 =	simm.s32 $0x1C480  }
0x526: {  	[tilespmem:s25], [sflag:$0x5] =	stream.indirect_vreg.gather [hbm4b:s6+s3], $0x80, v63, vm0, $0xb8;
	[tilespmem:$0x1E480] =	vst v63  }
0x527: {  	s26 =	simm.s32 $0x1CC80  }
0x528: {  	[tilespmem:s26], [sflag:$0x5] =	stream.indirect_vreg.gather [hbm4b:s2+s3], $0x80, v2, vm0, $0xb8;
	[tilespmem:$0x1E480] =	vst v63  }
0x529: {  	s28 =	simm.s32 $0x1D480  }
0x52a: {  	[tilespmem:s28], [sflag:$0x5] =	stream.indirect_vreg.gather [hbm4b:s5+s3], $0x80, v2, vm0, $0xb8;
	[tilespmem:$0x1E480] =	vst v63  }
0x52b: {  	s30 =	simm.s32 $0x1DC80  }
0x52c: {  	[tilespmem:s30], [sflag:$0x5] =	stream.indirect_vreg.gather [hbm4b:s6+s3], $0x80, v2, vm0, $0xb8;
	[tilespmem:$0x1E480] =	vst v63  }
0x52d: {  	_ =	swait.ge [sflag:s11], $0x6000  }
0x52e: {  	s28 =	sld [smem:$0x7F3]  }
0x52f: {  	[sflag:s11] =	ssyncset.done $0x0  }
0x530: {  	s31 =	simm.s32 $0x480;
	s30 =	sld [smem:$0x7F4];
	[sflag:s11] =	ssyncadd.s32 $0xFFFFA000  }
0x531: {  	[hbm4b:s28+s3] =	stream.linear.scatter [tilespmem:s31], [sflag:$0x6], $0x3000, $0x38;
	[tilespmem:$0x1E480] =	vst v63  }
0x532: {  	s1 =	simm.s32 $0x3480  }
0x533: {  	[hbm4b:s30+s3] =	stream.linear.scatter [tilespmem:s1], [sflag:$0x6], $0x3000, $0x38;
	[tilespmem:$0x1E480] =	vst v63  }
0x534: {  	_ =	swait.ge [sflag:s13], $0x6000  }
0x535: {  	s1 =	sld [smem:$0x7F5]  }
0x536: {  	[sflag:s13] =	ssyncset.done $0x0  }
0x537: {  	[sflag:s13] =	ssyncadd.s32 $0xFFFFA000;
	s13 =	sld [smem:$0x7F6]  }
0x538: {  	[hbm4b:s1+s3] =	stream.linear.scatter [tilespmem:s29], [sflag:$0x7], $0x3000, $0x38;
	[tilespmem:$0x1E480] =	vst v63  }
0x539: {  	s0 =	simm.s32 $0x9480  }
0x53a: {  	[hbm4b:s13+s3] =	stream.linear.scatter [tilespmem:s0], [sflag:$0x7], $0x3000, $0x38;
	[tilespmem:$0x1E480] =	vst v63  }
0x53b: {  	_ =	swait.ge [sflag:s18], $0x6000  }
0x53c: {  	s14 =	sld [smem:$0x7F7]  }
0x53d: {  	[sflag:s18] =	ssyncset.done $0x0  }
0x53e: {  	s24 =	sld [smem:$0x7F8];
	[sflag:s18] =	ssyncadd.s32 $0xFFFFA000  }
0x53f: {  	[hbm4b:s14+s3] =	stream.linear.scatter [tilespmem:s23], [sflag:$0x8], $0x3000, $0x38;
	[tilespmem:$0x1E480] =	vst v63  }
0x540: {  	s17 =	simm.s32 $0xF480  }
0x541: {  	[hbm4b:s24+s3] =	stream.linear.scatter [tilespmem:s17], [sflag:$0x8], $0x3000, $0x38;
	[tilespmem:$0x1E480] =	vst v63  }
0x542: {  	_ =	swait.ge [sflag:s20], $0x6000  }
0x543: {  	s26 =	sld [smem:$0x7F9]  }
0x544: {  	[sflag:s20] =	ssyncset.done $0x0  }
0x545: {  	s28 =	sld [smem:$0x7FA];
	[sflag:s20] =	ssyncadd.s32 $0xFFFFA000  }
0x546: {  	[hbm4b:s26+s3] =	stream.linear.scatter [tilespmem:s16], [sflag:$0x9], $0x3000, $0x38;
	[tilespmem:$0x1E480] =	vst v63  }
0x547: {  	s22 =	simm.s32 $0x15480  }
0x548: {  	[hbm4b:s28+s3] =	stream.linear.scatter [tilespmem:s22], [sflag:$0x9], $0x3000, $0x38;
	[tilespmem:$0x1E480] =	vst v63  }
0x549: {  	s29 =	sld [smem:$0x7E6];
	_ =	swait.ge [sflag:s10], $0x6000  }
0x54a: {  	s30 =	sld [smem:$0x7FB]  }
0x54b: {  	[sflag:s10] =	ssyncset.done $0x0  }
0x54c: {  	s31 =	sld [smem:$0x7FD];
	[sflag:s10] =	ssyncadd.s32 $0xFFFFA000  }
0x54d: {  	[hbm4b:s30+s3] =	stream.linear.scatter [tilespmem:s7], [sflag:$0xA], $0x3000, $0x38;
	[tilespmem:$0x1E480] =	vst v63  }
0x54e: {  	s4 =	simm.s32 $0x1B480  }
0x54f: {  	[hbm4b:s31+s3] =	stream.linear.scatter [tilespmem:s4], [sflag:$0xA], $0x3000, $0x38;
	[tilespmem:$0x1E480] =	vst v63  }
0x550: {  	_ =	swait.ge [sflag:s8], $0x3000  }
0x551: {  	[sflag:s8] =	ssyncset.done $0x0  }
0x552: {  	[sflag:s8] =	ssyncadd.s32 $0xFFFFD000  }
0x553: {  	_ =	swait.ge [sflag:s8], $0x3000  }
0x554: {  	[sflag:s8] =	ssyncset.done $0x0  }
0x555: {  	[sflag:s8] =	ssyncadd.s32 $0xFFFFD000  }
0x556: {  	_ =	swait.ge [sflag:s12], $0x3000  }
0x557: {  	[sflag:s12] =	ssyncset.done $0x0  }
0x558: {  	[sflag:s12] =	ssyncadd.s32 $0xFFFFD000  }
0x559: {  	_ =	swait.ge [sflag:s12], $0x3000  }
0x55a: {  	[sflag:s12] =	ssyncset.done $0x0  }
0x55b: {  	[sflag:s12] =	ssyncadd.s32 $0xFFFFD000  }
0x55c: {  	_ =	swait.ge [sflag:s15], $0x3000  }
0x55d: {  	[sflag:s15] =	ssyncset.done $0x0  }
0x55e: {  	[sflag:s15] =	ssyncadd.s32 $0xFFFFD000  }
0x55f: {  	_ =	swait.ge [sflag:s15], $0x3000  }
0x560: {  	[sflag:s15] =	ssyncset.done $0x0  }
0x561: {  	[sflag:s15] =	ssyncadd.s32 $0xFFFFD000  }
0x562: {  	_ =	swait.ge [sflag:s19], $0x3000  }
0x563: {  	[sflag:s19] =	ssyncset.done $0x0  }
0x564: {  	[sflag:s19] =	ssyncadd.s32 $0xFFFFD000  }
0x565: {  	_ =	swait.ge [sflag:s19], $0x3000  }
0x566: {  	[sflag:s19] =	ssyncset.done $0x0  }
0x567: {  	[sflag:s19] =	ssyncadd.s32 $0xFFFFD000  }
0x568: {  	p0 =	sne.s32 s29, $0x1;
	_ =	swait.ge [sflag:s21], $0x3000  }
.Ltmp0:
0x569: {  	[sflag:s21] =	ssyncset.done $0x0;
	(pc) =	sbr.rel @p0 .LBB2_1-.Ltmp0, $4  }
0x56a: {  	[sflag:s21] =	ssyncadd.s32 $0xFFFFD000  }
0x56b: {  	_ =	swait.ge [sflag:s21], $0x3000  }
0x56c: {  	[sflag:s21] =	ssyncset.done $0x0  }
0x56d: {  	s1 =	sadd.s32 $0xFFFFFFFF, s29;
	[sflag:s21] =	ssyncadd.s32 $0xFFFFD000  }
0x56e: {  	_ =	sfence.sel $0x180000  }
0x56f: {  	[bflag:$0x0] =	sbarrier.arrive $0xFFFF  }
0x570: {  	_ =	strace $0x90000047  }
0x571: {  	s0 =	stileid.u32;
	[bflag:$0x2] =	sbarrier.arrive $0xFFFF  }
0x572: {  	p0 =	sne.s32 s0, $0x0;
	s0 =	rddreg [dreg:$0x3]  }
0x573: {  	s0 =	sadd.s32 @!p0 $0x100000, s0  }
0x574: {  	[sflag:s0] =	ssyncadd.tile.s32 @!p0 $0x1;
	_ =	shalt  }
.Lfunc_end2:
_tile_overlayer_lowered:
.L_overlay_start_2:
0x575: {  	(tag) =	ssettag $0x2  }
0x576: {  	s0 =	rddreg [dreg:$0x0];
	s2 =	stileid.u32  }
0x577: {  	s1 =	rddreg [dreg:$0x1];
	p0 =	sne.s32 s2, $0x0  }
0x578: {  	s3 =	rddreg [dreg:$0x2];
	[bflag:$0x3] =	sbarrier.arrive $0xFFFF;
	s2 =	simm.s32 @!p0 $0x1C0B  }
0x579: {  	[timem:s3], [sflag:s2] =	dma.local @!p0 [hbm:s0], s1  }
0x57a: {  	s0 =	simm.s32 @!p0 $0xB  }
0x57b: {  	_ =	swait.ge @!p0 [sflag:s0], s1  }
0x57c: {  	s1 =	ssub.s32 @!p0 $0x0, s1;
	[sflag:s0] =	ssyncset.done @!p0 $0x0  }
0x57d: {  	[sflag:s0] =	ssyncadd.s32 @!p0 s1  }
0x57e: {  	[bflag:$0x3] =	sbarrier.arrive $0xFFFF  }
0x57f: {  	_ =	shalt  }

</sc_bundles>
